<compile_context>
chip_gen: v7x
topology: tpu7x:2x2x1
jax: 0.10.2.dev20260603
libtpu: 0.0.44.dev20260713+nightly
codegen_flags: <defaults>
</compile_context>

<pallas_src>
import functools
import jax
import jax.numpy as jnp
from jax import lax
from jax.experimental import pallas as pl
from jax.experimental.pallas import tpu as pltpu
from jax.experimental.pallas import tpu_sc as plsc

_KEEP_RATIO = 0.5
_B = 8
_N = 512 * 512
_LANES = 128
_ROWS = _N // _LANES
_S = 8
_CR = _ROWS // _S
_K_ALL = max(1, int(_N * _KEEP_RATIO))

_NT = 4
_PER_TILE = _N // _NT
_CHUNK = 32768
_NCH = _PER_TILE // _CHUNK
_NB1 = 2048
_NB2 = 1024
_NB3 = 1024


def _tc_body(x_ref, z_ref, m_ref, nb_ref, acc_ref, a_ref):
    b = pl.program_id(0)
    s = pl.program_id(1)

    x = x_ref[0]
    z = z_ref[0]
    m = m_ref[0]

    bce = jnp.maximum(x, 0.0) - x * z + jnp.log1p(jnp.exp(-jnp.abs(x)))
    loss = bce * m
    posf = z * m
    negf = (1.0 - z) * m

    nb_ref[0] = jnp.where(negf > 0.0,
                          lax.bitcast_convert_type(loss, jnp.int32),
                          jnp.int32(-1))

    n_pos_p = jnp.sum(posf)
    s_pos_p = jnp.sum(loss * posf)
    n_neg_p = jnp.sum(negf)

    @pl.when(s == 0)
    def _init_acc():
        a_ref[0] = n_pos_p
        a_ref[1] = s_pos_p
        a_ref[2] = n_neg_p

    @pl.when(s != 0)
    def _accum():
        a_ref[0] += n_pos_p
        a_ref[1] += s_pos_p
        a_ref[2] += n_neg_p

    @pl.when(s == _S - 1)
    def _emit():
        acc_ref[b, 0] = a_ref[0]
        acc_ref[b, 1] = a_ref[1]
        acc_ref[b, 2] = a_ref[2]


_IOTA = lambda: lax.iota(jnp.int32, 16)


def _sc_body(nb_hbm, accs_hbm, out_hbm,
             hcnt, dbuf, pcnt, sbi, sbf,
             pub_cnt, pub_scal, pub_fin_f, sems):
    c = lax.axis_index("c")
    s = lax.axis_index("s")
    li = s // _NT
    p = s % _NT
    b = c * 4 + li
    base = b * _N + p * _PER_TILE
    is_leader = p == 0

    zi = jnp.zeros((16,), jnp.int32)
    zf = jnp.zeros((16,), jnp.float32)
    onesi = jnp.ones((16,), jnp.int32)
    lofs1 = _IOTA() * _NB1
    lofs2 = _IOTA() * _NB2
    lofs3 = _IOTA() * _NB3

    _DN = lax.GatherDimensionNumbers(offset_dims=(), collapsed_slice_dims=(0,),
                                     start_index_map=(0,))

    def take_i(x, idx):
        return lax.gather(x, idx[:, None], _DN, (1,),
                          mode=lax.GatherScatterMode.PROMISE_IN_BOUNDS)

    take_f = take_i

    def suffix_i(x):
        for off in (1, 2, 4, 8):
            sh = take_i(x, jnp.minimum(_IOTA() + off, 15))
            x = x + jnp.where(_IOTA() + off <= 15, sh, 0)
        return x

    def suffix_f(x):
        for off in (1, 2, 4, 8):
            sh = take_f(x, jnp.minimum(_IOTA() + off, 15))
            x = x + jnp.where(_IOTA() + off <= 15, sh, 0.0)
        return x

    def zero_hists(nwords):
        def zbody(i, carry):
            for u in range(8):
                hcnt[pl.ds(i * 128 + u * 16, 16)] = zi
            return carry
        lax.fori_loop(0, nwords // 128, zbody, jnp.int32(0))

    def fetch_chunk(ch, slot):
        return pltpu.async_copy(
            nb_hbm.at[pl.ds(base + ch * _CHUNK, _CHUNK)],
            dbuf.at[slot], sems.at[slot])

    def data_pass(level, mval):
        copies = [fetch_chunk(ch, ch % 2) for ch in range(_NCH)]
        acc = zf

        for ch in range(_NCH):
            copies[ch].wait()

            def vbody(i, af):
                for u in range(8):
                    off = i * 128 + u * 16
                    bits = dbuf[ch % 2, pl.ds(off, 16)]
                    if level == 1:
                        mask = bits >= 0
                        bucket = lax.shift_right_arithmetic(bits, 20) & (_NB1 - 1)
                        idx = lofs1 + bucket
                    elif level == 2:
                        mask = lax.shift_right_arithmetic(bits, 20) == mval
                        bucket = lax.shift_right_arithmetic(bits, 10) & (_NB2 - 1)
                        idx = lofs2 + bucket
                    else:
                        mask = lax.shift_right_arithmetic(bits, 10) == mval
                        bucket = bits & (_NB3 - 1)
                        idx = lofs3 + bucket
                        above = bits >= ((mval + 1) << 10)
                        af = af + jnp.where(
                            above,
                            lax.bitcast_convert_type(bits, jnp.float32), 0.0)
                    plsc.addupdate_scatter(hcnt, [idx], onesi, mask=mask)
                return af
            acc = lax.fori_loop(0, _CHUNK // 128, vbody, acc)
        return acc

    def merge_publish(nb):
        def mbody(i, carry):
            off = i * 16
            acc_c = hcnt[pl.ds(off, 16)]
            for l in range(1, 16):
                acc_c = acc_c + hcnt[pl.ds(l * nb + off, 16)]
            hcnt[pl.ds(off, 16)] = acc_c
            return carry
        lax.fori_loop(0, nb // 16, mbody, jnp.int32(0))
        pltpu.sync_copy(hcnt.at[pl.ds(0, nb)], pub_cnt.at[li, p, pl.ds(0, nb)])

    def leader_fetch(nb):
        for q in range(_NT):
            pltpu.sync_copy(pub_cnt.at[li, q, pl.ds(0, nb)],
                            pcnt.at[pl.ds(q * nb, nb)])

    def scan_level(nb, k_i, val_base=None):
        nv = nb // 16

        def sbody(i, carry):
            bL, cnt_ab, sum_ab, cum, cums = carry
            j0 = (nv - 1 - i) * 16
            cnt_v = pcnt[pl.ds(j0, 16)]
            for q in range(1, _NT):
                cnt_v = cnt_v + pcnt[pl.ds(q * nb + j0, 16)]
            suf_c = suffix_i(cnt_v)
            vtot = take_i(suf_c, zi)
            s_incl = cum + suf_c
            crossed = s_incl >= k_i
            nc = plsc.all_reduce_population_count(crossed)
            m = jnp.maximum(nc - 1, 0)
            hit = jnp.logical_and(cum < k_i, cum + vtot >= k_i)
            cnt_ab_new = take_i(s_incl, m) - take_i(cnt_v, m)
            bL = jnp.where(hit, j0 + m, bL)
            cnt_ab = jnp.where(hit, cnt_ab_new, cnt_ab)
            if val_base is not None:
                binvals = lax.bitcast_convert_type(
                    (val_base << 10) | (j0 + _IOTA()), jnp.float32)
                sum_v = cnt_v.astype(jnp.float32) * binvals
                suf_s = suffix_f(sum_v)
                stot = take_f(suf_s, zi)
                sum_ab_new = cums + take_f(suf_s, m) - take_f(sum_v, m)
                sum_ab = jnp.where(hit, sum_ab_new, sum_ab)
                cums = cums + stot
            return bL, cnt_ab, sum_ab, cum + vtot, cums

        init = (zi, zi, zf, zi, zf)
        bL, cnt_ab, sum_ab, _, _ = lax.fori_loop(0, nv, sbody, init)
        return bL, cnt_ab, sum_ab

    def publish_splat(val):
        sbi[...] = val
        pltpu.sync_copy(sbi, pub_scal.at[li])

    def read_splat():
        pltpu.sync_copy(pub_scal.at[li], sbi)
        return take_i(sbi[...], zi)

    pltpu.sync_copy(accs_hbm.at[b], sbf)
    av = sbf[...]
    n_pos = take_f(av, zi)
    sum_pos = take_f(av, zi + 1)
    num_neg = take_f(av, zi + 2)
    n_remain = jnp.maximum(0.0, jnp.float32(_K_ALL) - n_pos)
    k_f = jnp.minimum(n_remain, num_neg)
    k_i = k_f.astype(jnp.int32)

    zero_hists(16 * _NB1)
    data_pass(1, jnp.int32(0))
    merge_publish(_NB1)
    plsc.subcore_barrier()

    @pl.when(is_leader)
    def _scan1():
        leader_fetch(_NB1)
    b1, cnt1, _ = scan_level(_NB1, k_i)

    @pl.when(is_leader)
    def _pub1():
        publish_splat(b1)
    plsc.subcore_barrier()
    m1 = read_splat()

    zero_hists(16 * _NB2)
    data_pass(2, m1)
    merge_publish(_NB2)
    plsc.subcore_barrier()

    @pl.when(is_leader)
    def _scan2():
        leader_fetch(_NB2)
    k2_i = k_i - cnt1
    b2, cnt2, _ = scan_level(_NB2, k2_i)

    @pl.when(is_leader)
    def _pub2():
        publish_splat((m1 << 10) | b2)
    plsc.subcore_barrier()
    m2 = read_splat()

    zero_hists(16 * _NB3)
    af = data_pass(3, m2)
    merge_publish(_NB3)
    sbf[...] = af
    pltpu.sync_copy(sbf, pub_fin_f.at[li, p])
    plsc.subcore_barrier()

    @pl.when(is_leader)
    def _scan3():
        leader_fetch(_NB3)
    k3_i = k2_i - cnt2
    b3, cnt3, sum3 = scan_level(_NB3, k3_i, val_base=m2)

    @pl.when(is_leader)
    def _finish():
        vf = zf
        for q in range(_NT):
            pltpu.sync_copy(pub_fin_f.at[li, q], sbf)
            vf = vf + sbf[...]
        s_gt = take_f(suffix_f(vf), zi) + sum3
        n_gt = (cnt1 + cnt2 + cnt3).astype(jnp.float32)
        t_bits = (m2 << 10) | b3
        t_val = lax.bitcast_convert_type(t_bits, jnp.float32)
        sum_topk = jnp.where(k_i > 0, s_gt + (k_f - n_gt) * t_val, 0.0)
        cntk = n_pos + k_f
        img_loss = jnp.where(cntk > 0.0,
                             (sum_pos + sum_topk) / jnp.maximum(cntk, 1.0),
                             0.0)
        sbf[...] = img_loss
        pltpu.sync_copy(sbf, out_hbm.at[b])


def kernel(logits, targets, tissue_mask):
    xs = logits.reshape(_B, _ROWS, _LANES)
    zs = targets.reshape(_B, _ROWS, _LANES)
    ms = tissue_mask.reshape(_B, _ROWS, _LANES)

    in_spec = pl.BlockSpec((1, _CR, _LANES), lambda b, s: (b, s, 0))
    negbits, accs = pl.pallas_call(
        _tc_body,
        grid=(_B, _S),
        in_specs=[in_spec, in_spec, in_spec],
        out_specs=[pl.BlockSpec((1, _CR, _LANES), lambda b, s: (b, s, 0)),
                   pl.BlockSpec(memory_space=pltpu.SMEM)],
        out_shape=[jax.ShapeDtypeStruct((_B, _ROWS, _LANES), jnp.int32),
                   jax.ShapeDtypeStruct((_B, 16), jnp.float32)],
        scratch_shapes=[pltpu.SMEM((3,), jnp.float32)],
    )(xs, zs, ms)

    negflat = negbits.reshape(_B * _N)

    mesh = plsc.VectorSubcoreMesh(core_axis_name="c", subcore_axis_name="s")
    sc = functools.partial(
        pl.kernel,
        mesh=mesh,
        compiler_params=pltpu.CompilerParams(needs_layout_passes=False,
                                             use_tc_tiling_on_sc=False),
        out_type=jax.ShapeDtypeStruct((_B, 16), jnp.float32),
        scratch_types=[
            pltpu.VMEM((16 * _NB1,), jnp.int32),
            pltpu.VMEM((2, _CHUNK), jnp.int32),
            pltpu.VMEM((_NT * _NB1,), jnp.int32),
            pltpu.VMEM((16,), jnp.int32),
            pltpu.VMEM((16,), jnp.float32),
            pltpu.VMEM_SHARED((4, _NT, _NB1), jnp.int32),
            pltpu.VMEM_SHARED((4, 16), jnp.int32),
            pltpu.VMEM_SHARED((4, _NT, 16), jnp.float32),
            pltpu.SemaphoreType.DMA((2,)),
        ],
    )(_sc_body)
    per_img = sc(negflat, accs)
    return jnp.sum(per_img[:, 0]) / jnp.float32(_B)

# --- scband reference (transcript-rebuilt; emitter-appended) ---
"""Pipeline reference for scband-ohemloss-41446434406852 (READ-ONLY COPY).

The authoritative reference and input builder live on the scoring server;
editing this copy changes nothing except your own understanding.
"""

import jax, jax.numpy as jnp
import numpy as np

KEEP_RATIO = 0.5
EPS = 1e-06


def setup_inputs(seed: int = 0) -> dict:
    key = jax.random.key(seed)
    k1, k2, k3 = jax.random.split(key, 3)
    B, C, H, W = 8, 1, 512, 512
    logits = jax.random.normal(k1, (B, C, H, W), dtype=jnp.float32)
    targets = jax.random.randint(k2, (B, C, H, W), 0, 2).astype(jnp.float32)
    tissue_mask = jax.random.randint(k3, (B, C, H, W), 0, 2).astype(jnp.float32)
    return {"logits": logits, "targets": targets, "tissue_mask": tissue_mask}


def _bce_with_logits(x, z):
    # numerically-stable binary_cross_entropy_with_logits, reduction='none'
    return jnp.maximum(x, 0.0) - x * z + jnp.log1p(jnp.exp(-jnp.abs(x)))


def reference(logits, targets, tissue_mask):
    bce_map = _bce_with_logits(logits, targets) * tissue_mask
    B = logits.shape[0]
    total_pixels = logits.shape[1] * logits.shape[2] * logits.shape[3]
    k_all = max(1, int(total_pixels * KEEP_RATIO))
    flat_loss = bce_map.reshape(B, -1)
    flat_tgt = targets.reshape(B, -1)
    flat_tis = tissue_mask.reshape(B, -1)
    losses = []
    for i in range(B):
        loss_i = flat_loss[i]
        tgt_i = flat_tgt[i]
        tis_i = flat_tis[i]
        # keep all positives inside tissue
        pos_mask = (tgt_i * tis_i) > 0
        n_pos = jnp.sum(pos_mask)
        n_remain = jnp.maximum(0, k_all - n_pos)
        # hard negatives: top n_remain losses among (tgt==0 & tissue==1)
        neg_mask = (tgt_i == 0) & (tis_i == 1)
        masked = jnp.where(neg_mask, loss_i, -jnp.inf)
        # rank of each element under descending loss; non-negatives rank last
        ranks = jnp.argsort(jnp.argsort(-masked))
        keep_neg = neg_mask & (ranks < n_remain)  # auto-clamped to num_neg
        keep = pos_mask | keep_neg
        cnt = jnp.sum(keep)
        mean_kept = jnp.sum(jnp.where(keep, loss_i, 0.0)) / jnp.maximum(cnt, 1).astype(loss_i.dtype)
        # fallback: hardest pixel inside tissue, else pixel 0
        tis_any = jnp.sum(tis_i == 1) > 0
        fb_idx = jnp.argmax(jnp.where(tis_i == 1, loss_i, -jnp.inf))
        fb_val = jnp.where(tis_any, loss_i[fb_idx], loss_i[0])
        losses.append(jnp.where(cnt > 0, mean_kept, fb_val))
    return jnp.mean(jnp.stack(losses))

if __name__ == "__main__":
    import jax
    _d = setup_inputs()
    print(jax.jit(kernel)(*tuple(_d.values())))

</pallas_src>

<mosaic_0001>
#map = affine_map<(d0, d1) -> (0)>
#map1 = affine_map<(d0, d1) -> (0, 0)>
module attributes {stable_mosaic.version = 14 : i64} {
  func.func @_sc_body(%arg0: i32, %arg1: i32, %arg2: memref<2097152xi32, #tpu.memory_space<hbm>>, %arg3: memref<8x16xf32, #tpu.memory_space<hbm>>, %arg4: memref<8x16xf32, #tpu.memory_space<hbm>>, %arg5: memref<32768xi32, #tpu.memory_space<vmem>>, %arg6: memref<2x32768xi32, #tpu.memory_space<vmem>>, %arg7: memref<8192xi32, #tpu.memory_space<vmem>>, %arg8: memref<16xi32, #tpu.memory_space<vmem>>, %arg9: memref<16xf32, #tpu.memory_space<vmem>>, %arg10: memref<4x4x2048xi32, #tpu.memory_space<vmem_shared>>, %arg11: memref<4x16xi32, #tpu.memory_space<vmem_shared>>, %arg12: memref<4x4x16xf32, #tpu.memory_space<vmem_shared>>, %arg13: memref<2x!tpu.dma_semaphore, #tpu.memory_space<semaphore_mem>>) attributes {dimension_semantics = [#tpu.dimension_semantics<core_parallel>, #tpu.dimension_semantics<subcore_parallel>], iteration_bounds = array<i64: 2, 16>, scalar_prefetch = 0 : i64, scratch_operands = 9 : i64, tpu.core_type = #tpu.core_type<sc_vector_subcore>, window_params = [{transform_indices = #map}, {transform_indices = #map1}, {transform_indices = #map1}]} {
    %jit3A = arith.constant 4 : i32
    %div3A = arith.divsi %arg1, %jit3A : i32
    %sign3A = arith.constant 0 : i32
    %sign3A_0 = arith.cmpi sgt, %arg1, %sign3A : i32
    %sign3A_1 = arith.extui %sign3A_0 : i1 to i32
    %sign3A_2 = arith.constant 0 : i32
    %sign3A_3 = arith.cmpi slt, %arg1, %sign3A_2 : i32
    %sign3A_4 = arith.extui %sign3A_3 : i1 to i32
    %sign3A_5 = arith.subi %sign3A_1, %sign3A_4 : i32
    %sign3A_6 = arith.constant 0 : i32
    %sign3A_7 = arith.cmpi sgt, %jit3A, %sign3A_6 : i32
    %sign3A_8 = arith.extui %sign3A_7 : i1 to i32
    %sign3A_9 = arith.constant 0 : i32
    %sign3A_10 = arith.cmpi slt, %jit3A, %sign3A_9 : i32
    %sign3A_11 = arith.extui %sign3A_10 : i1 to i32
    %sign3A_12 = arith.subi %sign3A_8, %sign3A_11 : i32
    %ne3A = arith.cmpi ne, %sign3A_5, %sign3A_12 : i32
    %rem3A = arith.remsi %arg1, %jit3A : i32
    %ne3A_13 = arith.constant 0 : i32
    %ne3A_14 = arith.cmpi ne, %rem3A, %ne3A_13 : i32
    %and3A = arith.andi %ne3A, %ne3A_14 : i1
    %sub3A = arith.constant 1 : i32
    %sub3A_15 = arith.subi %div3A, %sub3A : i32
    %select_n3A = arith.select %and3A, %sub3A_15, %div3A : i32
    %jit3A_16 = arith.constant 4 : i32
    %eq3A = arith.constant 0 : i32
    %eq3A_17 = arith.cmpi eq, %jit3A_16, %eq3A : i32
    %jit3A_18 = arith.constant 1 : i32
    %select_n3A_19 = arith.select %eq3A_17, %jit3A_18, %jit3A_16 : i32
    %rem3A_20 = arith.remsi %arg1, %select_n3A_19 : i32
    %ne3A_21 = arith.constant 0 : i32
    %ne3A_22 = arith.cmpi ne, %rem3A_20, %ne3A_21 : i32
    %lt3A = arith.constant 0 : i32
    %lt3A_23 = arith.cmpi slt, %rem3A_20, %lt3A : i32
    %lt3A_24 = arith.constant 0 : i32
    %lt3A_25 = arith.cmpi slt, %select_n3A_19, %lt3A_24 : i32
    %ne3A_26 = arith.xori %lt3A_23, %lt3A_25 : i1
    %and3A_27 = arith.andi %ne3A_26, %ne3A_22 : i1
    %add3A = arith.addi %rem3A_20, %select_n3A_19 : i32
    %select_n3A_28 = arith.select %and3A_27, %add3A, %rem3A_20 : i32
    %mul3A = arith.constant 4 : i32
    %mul3A_29 = arith.muli %arg0, %mul3A : i32
    %add3A_30 = arith.addi %mul3A_29, %select_n3A : i32
    %mul3A_31 = arith.constant 262144 : i32
    %mul3A_32 = arith.muli %add3A_30, %mul3A_31 : i32
    %mul3A_33 = arith.constant 65536 : i32
    %mul3A_34 = arith.muli %select_n3A_28, %mul3A_33 : i32
    %add3A_35 = arith.addi %mul3A_32, %mul3A_34 : i32
    %eq3A_36 = arith.constant 0 : i32
    %eq3A_37 = arith.cmpi eq, %select_n3A_28, %eq3A_36 : i32
    %broadcast_in_dim3A = arith.constant 0 : i32
    %broadcast_in_dim3A_38 = vector.broadcast %broadcast_in_dim3A : i32 to vector<16xi32>
    %broadcast_in_dim3A_39 = arith.constant 0.000000e+00 : f32
    %broadcast_in_dim3A_40 = vector.broadcast %broadcast_in_dim3A_39 : f32 to vector<16xf32>
    %broadcast_in_dim3A_41 = arith.constant 1 : i32
    %broadcast_in_dim3A_42 = vector.broadcast %broadcast_in_dim3A_41 : i32 to vector<16xi32>
    %iota3A = tpu.iota {dimensions = array<i32: 0>} : vector<16xi32>
    %mul3A_43 = arith.constant 2048 : i32
    %mul3A_44 = vector.broadcast %mul3A_43 : i32 to vector<16xi32>
    %mul3A_45 = arith.muli %iota3A, %mul3A_44 : vector<16xi32>
    %iota3A_46 = tpu.iota {dimensions = array<i32: 0>} : vector<16xi32>
    %mul3A_47 = arith.constant 1024 : i32
    %mul3A_48 = vector.broadcast %mul3A_47 : i32 to vector<16xi32>
    %mul3A_49 = arith.muli %iota3A_46, %mul3A_48 : vector<16xi32>
    %iota3A_50 = tpu.iota {dimensions = array<i32: 0>} : vector<16xi32>
    %mul3A_51 = arith.constant 1024 : i32
    %mul3A_52 = vector.broadcast %mul3A_51 : i32 to vector<16xi32>
    %mul3A_53 = arith.muli %iota3A_50, %mul3A_52 : vector<16xi32>
    "tpu.region"() ({
      %run_scoped3A = tpu.sem_alloc : memref<!tpu.dma_semaphore, #tpu.memory_space<semaphore_mem>>
      %dma_start3A_347 = arith.constant 0 : i32
      %dma_start3A_348 = tpu.memref_slice %arg3[%add3A_30, %dma_start3A_347] : memref<8x16xf32, #tpu.memory_space<hbm>> -> memref<1x16xf32, #tpu.memory_space<hbm>>
      %dma_start3A_349 = tpu.memref_squeeze %dma_start3A_348 : memref<1x16xf32, #tpu.memory_space<hbm>> -> memref<16xf32, #tpu.memory_space<hbm>>
      %dma_start3A_350 = arith.constant 0 : i32
      %dma_start3A_351 = tpu.memref_slice %arg3[%add3A_30, %dma_start3A_350] : memref<8x16xf32, #tpu.memory_space<hbm>> -> memref<1x16xf32, #tpu.memory_space<hbm>>
      %dma_start3A_352 = tpu.memref_squeeze %dma_start3A_351 : memref<1x16xf32, #tpu.memory_space<hbm>> -> memref<16xf32, #tpu.memory_space<hbm>>
      tpu.enqueue_dma source(%dma_start3A_352 : memref<16xf32, #tpu.memory_space<hbm>>) target(%arg9 : memref<16xf32, #tpu.memory_space<vmem>>) target_semaphore(%run_scoped3A : memref<!tpu.dma_semaphore, #tpu.memory_space<semaphore_mem>>)
      %dma_wait3A_353 = arith.constant 0 : i32
      %dma_wait3A_354 = tpu.memref_slice %arg3[%add3A_30, %dma_wait3A_353] : memref<8x16xf32, #tpu.memory_space<hbm>> -> memref<1x16xf32, #tpu.memory_space<hbm>>
      %dma_wait3A_355 = tpu.memref_squeeze %dma_wait3A_354 : memref<1x16xf32, #tpu.memory_space<hbm>> -> memref<16xf32, #tpu.memory_space<hbm>>
      %dma_wait3A_356 = arith.constant 0 : i32
      %dma_wait3A_357 = tpu.memref_slice %arg3[%add3A_30, %dma_wait3A_356] : memref<8x16xf32, #tpu.memory_space<hbm>> -> memref<1x16xf32, #tpu.memory_space<hbm>>
      %dma_wait3A_358 = tpu.memref_squeeze %dma_wait3A_357 : memref<1x16xf32, #tpu.memory_space<hbm>> -> memref<16xf32, #tpu.memory_space<hbm>>
      tpu.wait_dma2 semaphore(%run_scoped3A : memref<!tpu.dma_semaphore, #tpu.memory_space<semaphore_mem>>) src(%dma_wait3A_358 : memref<16xf32, #tpu.memory_space<hbm>>) dst(%arg9 : memref<16xf32, #tpu.memory_space<vmem>>)
      tpu.yield
    }) : () -> ()
    %get3A = arith.constant 0 : index
    %get3A_54 = tpu.vector_load %arg9[%get3A] {strides = array<i32>} : memref<16xf32, #tpu.memory_space<vmem>>, vector<16xf32>,
    %broadcast_in_dim3A_55 = vector.shape_cast %broadcast_in_dim3A_38 : vector<16xi32> to vector<16x1xi32>
    %gather3A = vector.shape_cast %broadcast_in_dim3A_55 : vector<16x1xi32> to vector<16xi32>
    %gather3A_56 = tpu.dynamic_gather %get3A_54[%gather3A] in [0] : vector<16xf32>, vector<16xi32> -> vector<16xf32>
    %add3A_57 = arith.constant 1 : i32
    %add3A_58 = vector.broadcast %add3A_57 : i32 to vector<16xi32>
    %add3A_59 = arith.addi %broadcast_in_dim3A_38, %add3A_58 : vector<16xi32>
    %broadcast_in_dim3A_60 = vector.shape_cast %add3A_59 : vector<16xi32> to vector<16x1xi32>
    %gather3A_61 = vector.shape_cast %broadcast_in_dim3A_60 : vector<16x1xi32> to vector<16xi32>
    %gather3A_62 = tpu.dynamic_gather %get3A_54[%gather3A_61] in [0] : vector<16xf32>, vector<16xi32> -> vector<16xf32>
    %add3A_63 = arith.constant 2 : i32
    %add3A_64 = vector.broadcast %add3A_63 : i32 to vector<16xi32>
    %add3A_65 = arith.addi %broadcast_in_dim3A_38, %add3A_64 : vector<16xi32>
    %broadcast_in_dim3A_66 = vector.shape_cast %add3A_65 : vector<16xi32> to vector<16x1xi32>
    %gather3A_67 = vector.shape_cast %broadcast_in_dim3A_66 : vector<16x1xi32> to vector<16xi32>
    %gather3A_68 = tpu.dynamic_gather %get3A_54[%gather3A_67] in [0] : vector<16xf32>, vector<16xi32> -> vector<16xf32>
    %sub3A_69 = arith.constant 1.310720e+05 : f32
    %sub3A_70 = vector.broadcast %sub3A_69 : f32 to vector<16xf32>
    %sub3A_71 = arith.subf %sub3A_70, %gather3A_56 : vector<16xf32>
    %max3A = arith.constant 0.000000e+00 : f32
    %max3A_72 = vector.broadcast %max3A : f32 to vector<16xf32>
    %max3A_73 = arith.maximumf %max3A_72, %sub3A_71 : vector<16xf32>
    %min3A = arith.minimumf %max3A_73, %gather3A_68 : vector<16xf32>
    %convert_element_type3A = arith.fptosi %min3A : vector<16xf32> to vector<16xi32>
    %scan3A = arith.constant 0 : i32
    %scan3A_74 = arith.constant 0 : i32
    %scan3A_75 = arith.constant 256 : i32
    %scan3A_76 = arith.addi %scan3A_74, %scan3A_75 : i32
    %scan3A_77 = arith.constant 1 : i32
    scf.for %scan3A_347 = %scan3A_74 to %scan3A_76 step %scan3A_77  : i32 {
      %mul3A_348 = arith.constant 128 : i32
      %mul3A_349 = arith.muli %scan3A_347, %mul3A_348 : i32
      %add3A_350 = arith.constant 0 : i32
      %add3A_351 = arith.addi %mul3A_349, %add3A_350 : i32
      %swap3A_352 = arith.index_cast %add3A_351 : i32 to index
      %swap3A_353 = tpu.vector_load %arg5[%swap3A_352] {strides = array<i32>} : memref<32768xi32, #tpu.memory_space<vmem>>, vector<16xi32>,
      tpu.vector_store %arg5[%swap3A_352], %broadcast_in_dim3A_38 {strides = array<i32>} : memref<32768xi32, #tpu.memory_space<vmem>>, vector<16xi32>,
      %mul3A_354 = arith.constant 128 : i32
      %mul3A_355 = arith.muli %scan3A_347, %mul3A_354 : i32
      %add3A_356 = arith.constant 16 : i32
      %add3A_357 = arith.addi %mul3A_355, %add3A_356 : i32
      %swap3A_358 = arith.index_cast %add3A_357 : i32 to index
      %swap3A_359 = tpu.vector_load %arg5[%swap3A_358] {strides = array<i32>} : memref<32768xi32, #tpu.memory_space<vmem>>, vector<16xi32>,
      tpu.vector_store %arg5[%swap3A_358], %broadcast_in_dim3A_38 {strides = array<i32>} : memref<32768xi32, #tpu.memory_space<vmem>>, vector<16xi32>,
      %mul3A_360 = arith.constant 128 : i32
      %mul3A_361 = arith.muli %scan3A_347, %mul3A_360 : i32
      %add3A_362 = arith.constant 32 : i32
      %add3A_363 = arith.addi %mul3A_361, %add3A_362 : i32
      %swap3A_364 = arith.index_cast %add3A_363 : i32 to index
      %swap3A_365 = tpu.vector_load %arg5[%swap3A_364] {strides = array<i32>} : memref<32768xi32, #tpu.memory_space<vmem>>, vector<16xi32>,
      tpu.vector_store %arg5[%swap3A_364], %broadcast_in_dim3A_38 {strides = array<i32>} : memref<32768xi32, #tpu.memory_space<vmem>>, vector<16xi32>,
      %mul3A_366 = arith.constant 128 : i32
      %mul3A_367 = arith.muli %scan3A_347, %mul3A_366 : i32
      %add3A_368 = arith.constant 48 : i32
      %add3A_369 = arith.addi %mul3A_367, %add3A_368 : i32
      %swap3A_370 = arith.index_cast %add3A_369 : i32 to index
      %swap3A_371 = tpu.vector_load %arg5[%swap3A_370] {strides = array<i32>} : memref<32768xi32, #tpu.memory_space<vmem>>, vector<16xi32>,
      tpu.vector_store %arg5[%swap3A_370], %broadcast_in_dim3A_38 {strides = array<i32>} : memref<32768xi32, #tpu.memory_space<vmem>>, vector<16xi32>,
      %mul3A_372 = arith.constant 128 : i32
      %mul3A_373 = arith.muli %scan3A_347, %mul3A_372 : i32
      %add3A_374 = arith.constant 64 : i32
      %add3A_375 = arith.addi %mul3A_373, %add3A_374 : i32
      %swap3A_376 = arith.index_cast %add3A_375 : i32 to index
      %swap3A_377 = tpu.vector_load %arg5[%swap3A_376] {strides = array<i32>} : memref<32768xi32, #tpu.memory_space<vmem>>, vector<16xi32>,
      tpu.vector_store %arg5[%swap3A_376], %broadcast_in_dim3A_38 {strides = array<i32>} : memref<32768xi32, #tpu.memory_space<vmem>>, vector<16xi32>,
      %mul3A_378 = arith.constant 128 : i32
      %mul3A_379 = arith.muli %scan3A_347, %mul3A_378 : i32
      %add3A_380 = arith.constant 80 : i32
      %add3A_381 = arith.addi %mul3A_379, %add3A_380 : i32
      %swap3A_382 = arith.index_cast %add3A_381 : i32 to index
      %swap3A_383 = tpu.vector_load %arg5[%swap3A_382] {strides = array<i32>} : memref<32768xi32, #tpu.memory_space<vmem>>, vector<16xi32>,
      tpu.vector_store %arg5[%swap3A_382], %broadcast_in_dim3A_38 {strides = array<i32>} : memref<32768xi32, #tpu.memory_space<vmem>>, vector<16xi32>,
      %mul3A_384 = arith.constant 128 : i32
      %mul3A_385 = arith.muli %scan3A_347, %mul3A_384 : i32
      %add3A_386 = arith.constant 96 : i32
      %add3A_387 = arith.addi %mul3A_385, %add3A_386 : i32
      %swap3A_388 = arith.index_cast %add3A_387 : i32 to index
      %swap3A_389 = tpu.vector_load %arg5[%swap3A_388] {strides = array<i32>} : memref<32768xi32, #tpu.memory_space<vmem>>, vector<16xi32>,
      tpu.vector_store %arg5[%swap3A_388], %broadcast_in_dim3A_38 {strides = array<i32>} : memref<32768xi32, #tpu.memory_space<vmem>>, vector<16xi32>,
      %mul3A_390 = arith.constant 128 : i32
      %mul3A_391 = arith.muli %scan3A_347, %mul3A_390 : i32
      %add3A_392 = arith.constant 112 : i32
      %add3A_393 = arith.addi %mul3A_391, %add3A_392 : i32
      %swap3A_394 = arith.index_cast %add3A_393 : i32 to index
      %swap3A_395 = tpu.vector_load %arg5[%swap3A_394] {strides = array<i32>} : memref<32768xi32, #tpu.memory_space<vmem>>, vector<16xi32>,
      tpu.vector_store %arg5[%swap3A_394], %broadcast_in_dim3A_38 {strides = array<i32>} : memref<32768xi32, #tpu.memory_space<vmem>>, vector<16xi32>,
    }
    %scan3A_78 = arith.constant 256 : i32
    %add3A_79 = arith.constant 0 : i32
    %add3A_80 = arith.addi %add3A_35, %add3A_79 : i32
    %dma_start3A = arith.constant 0 : i32
    %dma_start3A_81 = arith.constant 0 : i32
    %dma_start3A_82 = arith.constant 0 : i32
    %dma_start3A_83 = tpu.memref_slice %arg6[%dma_start3A, %dma_start3A_82] : memref<2x32768xi32, #tpu.memory_space<vmem>> -> memref<1x32768xi32, #tpu.memory_space<vmem>>
    %dma_start3A_84 = tpu.memref_squeeze %dma_start3A_83 : memref<1x32768xi32, #tpu.memory_space<vmem>> -> memref<32768xi32, #tpu.memory_space<vmem>>
    %dma_start3A_85 = tpu.memref_slice %arg2[%add3A_80] : memref<2097152xi32, #tpu.memory_space<hbm>> -> memref<32768xi32, #tpu.memory_space<hbm>>
    %dma_start3A_86 = tpu.memref_slice %arg13[%dma_start3A_81] : memref<2x!tpu.dma_semaphore, #tpu.memory_space<semaphore_mem>> -> memref<1x!tpu.dma_semaphore, #tpu.memory_space<semaphore_mem>>
    %dma_start3A_87 = tpu.memref_squeeze %dma_start3A_86 : memref<1x!tpu.dma_semaphore, #tpu.memory_space<semaphore_mem>> -> memref<!tpu.dma_semaphore, #tpu.memory_space<semaphore_mem>>
    %dma_start3A_88 = arith.constant 0 : i32
    %dma_start3A_89 = tpu.memref_slice %arg6[%dma_start3A, %dma_start3A_88] : memref<2x32768xi32, #tpu.memory_space<vmem>> -> memref<1x32768xi32, #tpu.memory_space<vmem>>
    %dma_start3A_90 = tpu.memref_squeeze %dma_start3A_89 : memref<1x32768xi32, #tpu.memory_space<vmem>> -> memref<32768xi32, #tpu.memory_space<vmem>>
    %dma_start3A_91 = tpu.memref_slice %arg2[%add3A_80] : memref<2097152xi32, #tpu.memory_space<hbm>> -> memref<32768xi32, #tpu.memory_space<hbm>>
    tpu.enqueue_dma source(%dma_start3A_91 : memref<32768xi32, #tpu.memory_space<hbm>>) target(%dma_start3A_90 : memref<32768xi32, #tpu.memory_space<vmem>>) target_semaphore(%dma_start3A_87 : memref<!tpu.dma_semaphore, #tpu.memory_space<semaphore_mem>>)
    %add3A_92 = arith.constant 32768 : i32
    %add3A_93 = arith.addi %add3A_35, %add3A_92 : i32
    %dma_start3A_94 = arith.constant 1 : i32
    %dma_start3A_95 = arith.constant 1 : i32
    %dma_start3A_96 = arith.constant 0 : i32
    %dma_start3A_97 = tpu.memref_slice %arg6[%dma_start3A_94, %dma_start3A_96] : memref<2x32768xi32, #tpu.memory_space<vmem>> -> memref<1x32768xi32, #tpu.memory_space<vmem>>
    %dma_start3A_98 = tpu.memref_squeeze %dma_start3A_97 : memref<1x32768xi32, #tpu.memory_space<vmem>> -> memref<32768xi32, #tpu.memory_space<vmem>>
    %dma_start3A_99 = tpu.memref_slice %arg2[%add3A_93] : memref<2097152xi32, #tpu.memory_space<hbm>> -> memref<32768xi32, #tpu.memory_space<hbm>>
    %dma_start3A_100 = tpu.memref_slice %arg13[%dma_start3A_95] : memref<2x!tpu.dma_semaphore, #tpu.memory_space<semaphore_mem>> -> memref<1x!tpu.dma_semaphore, #tpu.memory_space<semaphore_mem>>
    %dma_start3A_101 = tpu.memref_squeeze %dma_start3A_100 : memref<1x!tpu.dma_semaphore, #tpu.memory_space<semaphore_mem>> -> memref<!tpu.dma_semaphore, #tpu.memory_space<semaphore_mem>>
    %dma_start3A_102 = arith.constant 0 : i32
    %dma_start3A_103 = tpu.memref_slice %arg6[%dma_start3A_94, %dma_start3A_102] : memref<2x32768xi32, #tpu.memory_space<vmem>> -> memref<1x32768xi32, #tpu.memory_space<vmem>>
    %dma_start3A_104 = tpu.memref_squeeze %dma_start3A_103 : memref<1x32768xi32, #tpu.memory_space<vmem>> -> memref<32768xi32, #tpu.memory_space<vmem>>
    %dma_start3A_105 = tpu.memref_slice %arg2[%add3A_93] : memref<2097152xi32, #tpu.memory_space<hbm>> -> memref<32768xi32, #tpu.memory_space<hbm>>
    tpu.enqueue_dma source(%dma_start3A_105 : memref<32768xi32, #tpu.memory_space<hbm>>) target(%dma_start3A_104 : memref<32768xi32, #tpu.memory_space<vmem>>) target_semaphore(%dma_start3A_101 : memref<!tpu.dma_semaphore, #tpu.memory_space<semaphore_mem>>)
    %dma_wait3A = arith.constant 0 : i32
    %dma_wait3A_106 = arith.constant 0 : i32
    %dma_wait3A_107 = arith.constant 0 : i32
    %dma_wait3A_108 = tpu.memref_slice %arg6[%dma_wait3A, %dma_wait3A_107] : memref<2x32768xi32, #tpu.memory_space<vmem>> -> memref<1x32768xi32, #tpu.memory_space<vmem>>
    %dma_wait3A_109 = tpu.memref_squeeze %dma_wait3A_108 : memref<1x32768xi32, #tpu.memory_space<vmem>> -> memref<32768xi32, #tpu.memory_space<vmem>>
    %dma_wait3A_110 = tpu.memref_slice %arg2[%add3A_80] : memref<2097152xi32, #tpu.memory_space<hbm>> -> memref<32768xi32, #tpu.memory_space<hbm>>
    %dma_wait3A_111 = tpu.memref_slice %arg13[%dma_wait3A_106] : memref<2x!tpu.dma_semaphore, #tpu.memory_space<semaphore_mem>> -> memref<1x!tpu.dma_semaphore, #tpu.memory_space<semaphore_mem>>
    %dma_wait3A_112 = tpu.memref_squeeze %dma_wait3A_111 : memref<1x!tpu.dma_semaphore, #tpu.memory_space<semaphore_mem>> -> memref<!tpu.dma_semaphore, #tpu.memory_space<semaphore_mem>>
    %dma_wait3A_113 = arith.constant 0 : i32
    %dma_wait3A_114 = tpu.memref_slice %arg6[%dma_wait3A, %dma_wait3A_113] : memref<2x32768xi32, #tpu.memory_space<vmem>> -> memref<1x32768xi32, #tpu.memory_space<vmem>>
    %dma_wait3A_115 = tpu.memref_squeeze %dma_wait3A_114 : memref<1x32768xi32, #tpu.memory_space<vmem>> -> memref<32768xi32, #tpu.memory_space<vmem>>
    %dma_wait3A_116 = tpu.memref_slice %arg2[%add3A_80] : memref<2097152xi32, #tpu.memory_space<hbm>> -> memref<32768xi32, #tpu.memory_space<hbm>>
    tpu.wait_dma2 semaphore(%dma_wait3A_112 : memref<!tpu.dma_semaphore, #tpu.memory_space<semaphore_mem>>) src(%dma_wait3A_116 : memref<32768xi32, #tpu.memory_space<hbm>>) dst(%dma_wait3A_115 : memref<32768xi32, #tpu.memory_space<vmem>>)
    %scan3A_117 = arith.constant 0 : i32
    %scan3A_118 = arith.constant 256 : i32
    %scan3A_119 = arith.addi %scan3A_117, %scan3A_118 : i32
    %scan3A_120 = arith.constant 1 : i32
    scf.for %scan3A_347 = %scan3A_117 to %scan3A_119 step %scan3A_120  : i32 {
      %mul3A_348 = arith.constant 128 : i32
      %mul3A_349 = arith.muli %scan3A_347, %mul3A_348 : i32
      %add3A_350 = arith.constant 0 : i32
      %add3A_351 = arith.addi %mul3A_349, %add3A_350 : i32
      %get3A_352 = arith.constant 0 : i32
      %get3A_353 = arith.index_cast %get3A_352 : i32 to index
      %get3A_354 = arith.index_cast %add3A_351 : i32 to index
      %get3A_355 = tpu.vector_load %arg6[%get3A_353, %get3A_354] {strides = array<i32>} : memref<2x32768xi32, #tpu.memory_space<vmem>>, vector<16xi32>,
      %ge3A = arith.constant 0 : i32
      %ge3A_356 = vector.broadcast %ge3A : i32 to vector<16xi32>
      %ge3A_357 = arith.cmpi sge, %get3A_355, %ge3A_356 : vector<16xi32>
      %shift_right_arithmetic3A = arith.constant 20 : i32
      %shift_right_arithmetic3A_358 = vector.broadcast %shift_right_arithmetic3A : i32 to vector<16xi32>
      %shift_right_arithmetic3A_359 = arith.shrsi %get3A_355, %shift_right_arithmetic3A_358 : vector<16xi32>
      %and3A_360 = arith.constant 2047 : i32
      %and3A_361 = vector.broadcast %and3A_360 : i32 to vector<16xi32>
      %and3A_362 = arith.andi %shift_right_arithmetic3A_359, %and3A_361 : vector<16xi32>
      %add3A_363 = arith.addi %mul3A_45, %and3A_362 : vector<16xi32>
      tpu.vector_store_idx %arg5[%add3A_363], %broadcast_in_dim3A_42 masked %ge3A_357 {add = true} : memref<32768xi32, #tpu.memory_space<vmem>>[vector<16xi32>], vector<16xi32>, vector<16xi1>
      %mul3A_364 = arith.constant 128 : i32
      %mul3A_365 = arith.muli %scan3A_347, %mul3A_364 : i32
      %add3A_366 = arith.constant 16 : i32
      %add3A_367 = arith.addi %mul3A_365, %add3A_366 : i32
      %get3A_368 = arith.constant 0 : i32
      %get3A_369 = arith.index_cast %get3A_368 : i32 to index
      %get3A_370 = arith.index_cast %add3A_367 : i32 to index
      %get3A_371 = tpu.vector_load %arg6[%get3A_369, %get3A_370] {strides = array<i32>} : memref<2x32768xi32, #tpu.memory_space<vmem>>, vector<16xi32>,
      %ge3A_372 = arith.constant 0 : i32
      %ge3A_373 = vector.broadcast %ge3A_372 : i32 to vector<16xi32>
      %ge3A_374 = arith.cmpi sge, %get3A_371, %ge3A_373 : vector<16xi32>
      %shift_right_arithmetic3A_375 = arith.constant 20 : i32
      %shift_right_arithmetic3A_376 = vector.broadcast %shift_right_arithmetic3A_375 : i32 to vector<16xi32>
      %shift_right_arithmetic3A_377 = arith.shrsi %get3A_371, %shift_right_arithmetic3A_376 : vector<16xi32>
      %and3A_378 = arith.constant 2047 : i32
      %and3A_379 = vector.broadcast %and3A_378 : i32 to vector<16xi32>
      %and3A_380 = arith.andi %shift_right_arithmetic3A_377, %and3A_379 : vector<16xi32>
      %add3A_381 = arith.addi %mul3A_45, %and3A_380 : vector<16xi32>
      tpu.vector_store_idx %arg5[%add3A_381], %broadcast_in_dim3A_42 masked %ge3A_374 {add = true} : memref<32768xi32, #tpu.memory_space<vmem>>[vector<16xi32>], vector<16xi32>, vector<16xi1>
      %mul3A_382 = arith.constant 128 : i32
      %mul3A_383 = arith.muli %scan3A_347, %mul3A_382 : i32
      %add3A_384 = arith.constant 32 : i32
      %add3A_385 = arith.addi %mul3A_383, %add3A_384 : i32
      %get3A_386 = arith.constant 0 : i32
      %get3A_387 = arith.index_cast %get3A_386 : i32 to index
      %get3A_388 = arith.index_cast %add3A_385 : i32 to index
      %get3A_389 = tpu.vector_load %arg6[%get3A_387, %get3A_388] {strides = array<i32>} : memref<2x32768xi32, #tpu.memory_space<vmem>>, vector<16xi32>,
      %ge3A_390 = arith.constant 0 : i32
      %ge3A_391 = vector.broadcast %ge3A_390 : i32 to vector<16xi32>
      %ge3A_392 = arith.cmpi sge, %get3A_389, %ge3A_391 : vector<16xi32>
      %shift_right_arithmetic3A_393 = arith.constant 20 : i32
      %shift_right_arithmetic3A_394 = vector.broadcast %shift_right_arithmetic3A_393 : i32 to vector<16xi32>
      %shift_right_arithmetic3A_395 = arith.shrsi %get3A_389, %shift_right_arithmetic3A_394 : vector<16xi32>
      %and3A_396 = arith.constant 2047 : i32
      %and3A_397 = vector.broadcast %and3A_396 : i32 to vector<16xi32>
      %and3A_398 = arith.andi %shift_right_arithmetic3A_395, %and3A_397 : vector<16xi32>
      %add3A_399 = arith.addi %mul3A_45, %and3A_398 : vector<16xi32>
      tpu.vector_store_idx %arg5[%add3A_399], %broadcast_in_dim3A_42 masked %ge3A_392 {add = true} : memref<32768xi32, #tpu.memory_space<vmem>>[vector<16xi32>], vector<16xi32>, vector<16xi1>
      %mul3A_400 = arith.constant 128 : i32
      %mul3A_401 = arith.muli %scan3A_347, %mul3A_400 : i32
      %add3A_402 = arith.constant 48 : i32
      %add3A_403 = arith.addi %mul3A_401, %add3A_402 : i32
      %get3A_404 = arith.constant 0 : i32
      %get3A_405 = arith.index_cast %get3A_404 : i32 to index
      %get3A_406 = arith.index_cast %add3A_403 : i32 to index
      %get3A_407 = tpu.vector_load %arg6[%get3A_405, %get3A_406] {strides = array<i32>} : memref<2x32768xi32, #tpu.memory_space<vmem>>, vector<16xi32>,
      %ge3A_408 = arith.constant 0 : i32
      %ge3A_409 = vector.broadcast %ge3A_408 : i32 to vector<16xi32>
      %ge3A_410 = arith.cmpi sge, %get3A_407, %ge3A_409 : vector<16xi32>
      %shift_right_arithmetic3A_411 = arith.constant 20 : i32
      %shift_right_arithmetic3A_412 = vector.broadcast %shift_right_arithmetic3A_411 : i32 to vector<16xi32>
      %shift_right_arithmetic3A_413 = arith.shrsi %get3A_407, %shift_right_arithmetic3A_412 : vector<16xi32>
      %and3A_414 = arith.constant 2047 : i32
      %and3A_415 = vector.broadcast %and3A_414 : i32 to vector<16xi32>
      %and3A_416 = arith.andi %shift_right_arithmetic3A_413, %and3A_415 : vector<16xi32>
      %add3A_417 = arith.addi %mul3A_45, %and3A_416 : vector<16xi32>
      tpu.vector_store_idx %arg5[%add3A_417], %broadcast_in_dim3A_42 masked %ge3A_410 {add = true} : memref<32768xi32, #tpu.memory_space<vmem>>[vector<16xi32>], vector<16xi32>, vector<16xi1>
      %mul3A_418 = arith.constant 128 : i32
      %mul3A_419 = arith.muli %scan3A_347, %mul3A_418 : i32
      %add3A_420 = arith.constant 64 : i32
      %add3A_421 = arith.addi %mul3A_419, %add3A_420 : i32
      %get3A_422 = arith.constant 0 : i32
      %get3A_423 = arith.index_cast %get3A_422 : i32 to index
      %get3A_424 = arith.index_cast %add3A_421 : i32 to index
      %get3A_425 = tpu.vector_load %arg6[%get3A_423, %get3A_424] {strides = array<i32>} : memref<2x32768xi32, #tpu.memory_space<vmem>>, vector<16xi32>,
      %ge3A_426 = arith.constant 0 : i32
      %ge3A_427 = vector.broadcast %ge3A_426 : i32 to vector<16xi32>
      %ge3A_428 = arith.cmpi sge, %get3A_425, %ge3A_427 : vector<16xi32>
      %shift_right_arithmetic3A_429 = arith.constant 20 : i32
      %shift_right_arithmetic3A_430 = vector.broadcast %shift_right_arithmetic3A_429 : i32 to vector<16xi32>
      %shift_right_arithmetic3A_431 = arith.shrsi %get3A_425, %shift_right_arithmetic3A_430 : vector<16xi32>
      %and3A_432 = arith.constant 2047 : i32
      %and3A_433 = vector.broadcast %and3A_432 : i32 to vector<16xi32>
      %and3A_434 = arith.andi %shift_right_arithmetic3A_431, %and3A_433 : vector<16xi32>
      %add3A_435 = arith.addi %mul3A_45, %and3A_434 : vector<16xi32>
      tpu.vector_store_idx %arg5[%add3A_435], %broadcast_in_dim3A_42 masked %ge3A_428 {add = true} : memref<32768xi32, #tpu.memory_space<vmem>>[vector<16xi32>], vector<16xi32>, vector<16xi1>
      %mul3A_436 = arith.constant 128 : i32
      %mul3A_437 = arith.muli %scan3A_347, %mul3A_436 : i32
      %add3A_438 = arith.constant 80 : i32
      %add3A_439 = arith.addi %mul3A_437, %add3A_438 : i32
      %get3A_440 = arith.constant 0 : i32
      %get3A_441 = arith.index_cast %get3A_440 : i32 to index
      %get3A_442 = arith.index_cast %add3A_439 : i32 to index
      %get3A_443 = tpu.vector_load %arg6[%get3A_441, %get3A_442] {strides = array<i32>} : memref<2x32768xi32, #tpu.memory_space<vmem>>, vector<16xi32>,
      %ge3A_444 = arith.constant 0 : i32
      %ge3A_445 = vector.broadcast %ge3A_444 : i32 to vector<16xi32>
      %ge3A_446 = arith.cmpi sge, %get3A_443, %ge3A_445 : vector<16xi32>
      %shift_right_arithmetic3A_447 = arith.constant 20 : i32
      %shift_right_arithmetic3A_448 = vector.broadcast %shift_right_arithmetic3A_447 : i32 to vector<16xi32>
      %shift_right_arithmetic3A_449 = arith.shrsi %get3A_443, %shift_right_arithmetic3A_448 : vector<16xi32>
      %and3A_450 = arith.constant 2047 : i32
      %and3A_451 = vector.broadcast %and3A_450 : i32 to vector<16xi32>
      %and3A_452 = arith.andi %shift_right_arithmetic3A_449, %and3A_451 : vector<16xi32>
      %add3A_453 = arith.addi %mul3A_45, %and3A_452 : vector<16xi32>
      tpu.vector_store_idx %arg5[%add3A_453], %broadcast_in_dim3A_42 masked %ge3A_446 {add = true} : memref<32768xi32, #tpu.memory_space<vmem>>[vector<16xi32>], vector<16xi32>, vector<16xi1>
      %mul3A_454 = arith.constant 128 : i32
      %mul3A_455 = arith.muli %scan3A_347, %mul3A_454 : i32
      %add3A_456 = arith.constant 96 : i32
      %add3A_457 = arith.addi %mul3A_455, %add3A_456 : i32
      %get3A_458 = arith.constant 0 : i32
      %get3A_459 = arith.index_cast %get3A_458 : i32 to index
      %get3A_460 = arith.index_cast %add3A_457 : i32 to index
      %get3A_461 = tpu.vector_load %arg6[%get3A_459, %get3A_460] {strides = array<i32>} : memref<2x32768xi32, #tpu.memory_space<vmem>>, vector<16xi32>,
      %ge3A_462 = arith.constant 0 : i32
      %ge3A_463 = vector.broadcast %ge3A_462 : i32 to vector<16xi32>
      %ge3A_464 = arith.cmpi sge, %get3A_461, %ge3A_463 : vector<16xi32>
      %shift_right_arithmetic3A_465 = arith.constant 20 : i32
      %shift_right_arithmetic3A_466 = vector.broadcast %shift_right_arithmetic3A_465 : i32 to vector<16xi32>
      %shift_right_arithmetic3A_467 = arith.shrsi %get3A_461, %shift_right_arithmetic3A_466 : vector<16xi32>
      %and3A_468 = arith.constant 2047 : i32
      %and3A_469 = vector.broadcast %and3A_468 : i32 to vector<16xi32>
      %and3A_470 = arith.andi %shift_right_arithmetic3A_467, %and3A_469 : vector<16xi32>
      %add3A_471 = arith.addi %mul3A_45, %and3A_470 : vector<16xi32>
      tpu.vector_store_idx %arg5[%add3A_471], %broadcast_in_dim3A_42 masked %ge3A_464 {add = true} : memref<32768xi32, #tpu.memory_space<vmem>>[vector<16xi32>], vector<16xi32>, vector<16xi1>
      %mul3A_472 = arith.constant 128 : i32
      %mul3A_473 = arith.muli %scan3A_347, %mul3A_472 : i32
      %add3A_474 = arith.constant 112 : i32
      %add3A_475 = arith.addi %mul3A_473, %add3A_474 : i32
      %get3A_476 = arith.constant 0 : i32
      %get3A_477 = arith.index_cast %get3A_476 : i32 to index
      %get3A_478 = arith.index_cast %add3A_475 : i32 to index
      %get3A_479 = tpu.vector_load %arg6[%get3A_477, %get3A_478] {strides = array<i32>} : memref<2x32768xi32, #tpu.memory_space<vmem>>, vector<16xi32>,
      %ge3A_480 = arith.constant 0 : i32
      %ge3A_481 = vector.broadcast %ge3A_480 : i32 to vector<16xi32>
      %ge3A_482 = arith.cmpi sge, %get3A_479, %ge3A_481 : vector<16xi32>
      %shift_right_arithmetic3A_483 = arith.constant 20 : i32
      %shift_right_arithmetic3A_484 = vector.broadcast %shift_right_arithmetic3A_483 : i32 to vector<16xi32>
      %shift_right_arithmetic3A_485 = arith.shrsi %get3A_479, %shift_right_arithmetic3A_484 : vector<16xi32>
      %and3A_486 = arith.constant 2047 : i32
      %and3A_487 = vector.broadcast %and3A_486 : i32 to vector<16xi32>
      %and3A_488 = arith.andi %shift_right_arithmetic3A_485, %and3A_487 : vector<16xi32>
      %add3A_489 = arith.addi %mul3A_45, %and3A_488 : vector<16xi32>
      tpu.vector_store_idx %arg5[%add3A_489], %broadcast_in_dim3A_42 masked %ge3A_482 {add = true} : memref<32768xi32, #tpu.memory_space<vmem>>[vector<16xi32>], vector<16xi32>, vector<16xi1>
    }
    %scan3A_121 = arith.constant 256 : i32
    %dma_wait3A_122 = arith.constant 1 : i32
    %dma_wait3A_123 = arith.constant 1 : i32
    %dma_wait3A_124 = arith.constant 0 : i32
    %dma_wait3A_125 = tpu.memref_slice %arg6[%dma_wait3A_122, %dma_wait3A_124] : memref<2x32768xi32, #tpu.memory_space<vmem>> -> memref<1x32768xi32, #tpu.memory_space<vmem>>
    %dma_wait3A_126 = tpu.memref_squeeze %dma_wait3A_125 : memref<1x32768xi32, #tpu.memory_space<vmem>> -> memref<32768xi32, #tpu.memory_space<vmem>>
    %dma_wait3A_127 = tpu.memref_slice %arg2[%add3A_93] : memref<2097152xi32, #tpu.memory_space<hbm>> -> memref<32768xi32, #tpu.memory_space<hbm>>
    %dma_wait3A_128 = tpu.memref_slice %arg13[%dma_wait3A_123] : memref<2x!tpu.dma_semaphore, #tpu.memory_space<semaphore_mem>> -> memref<1x!tpu.dma_semaphore, #tpu.memory_space<semaphore_mem>>
    %dma_wait3A_129 = tpu.memref_squeeze %dma_wait3A_128 : memref<1x!tpu.dma_semaphore, #tpu.memory_space<semaphore_mem>> -> memref<!tpu.dma_semaphore, #tpu.memory_space<semaphore_mem>>
    %dma_wait3A_130 = arith.constant 0 : i32
    %dma_wait3A_131 = tpu.memref_slice %arg6[%dma_wait3A_122, %dma_wait3A_130] : memref<2x32768xi32, #tpu.memory_space<vmem>> -> memref<1x32768xi32, #tpu.memory_space<vmem>>
    %dma_wait3A_132 = tpu.memref_squeeze %dma_wait3A_131 : memref<1x32768xi32, #tpu.memory_space<vmem>> -> memref<32768xi32, #tpu.memory_space<vmem>>
    %dma_wait3A_133 = tpu.memref_slice %arg2[%add3A_93] : memref<2097152xi32, #tpu.memory_space<hbm>> -> memref<32768xi32, #tpu.memory_space<hbm>>
    tpu.wait_dma2 semaphore(%dma_wait3A_129 : memref<!tpu.dma_semaphore, #tpu.memory_space<semaphore_mem>>) src(%dma_wait3A_133 : memref<32768xi32, #tpu.memory_space<hbm>>) dst(%dma_wait3A_132 : memref<32768xi32, #tpu.memory_space<vmem>>)
    %scan3A_134 = arith.constant 0 : i32
    %scan3A_135 = arith.constant 256 : i32
    %scan3A_136 = arith.addi %scan3A_134, %scan3A_135 : i32
    %scan3A_137 = arith.constant 1 : i32
    scf.for %scan3A_347 = %scan3A_134 to %scan3A_136 step %scan3A_137  : i32 {
      %mul3A_348 = arith.constant 128 : i32
      %mul3A_349 = arith.muli %scan3A_347, %mul3A_348 : i32
      %add3A_350 = arith.constant 0 : i32
      %add3A_351 = arith.addi %mul3A_349, %add3A_350 : i32
      %get3A_352 = arith.constant 1 : i32
      %get3A_353 = arith.index_cast %get3A_352 : i32 to index
      %get3A_354 = arith.index_cast %add3A_351 : i32 to index
      %get3A_355 = tpu.vector_load %arg6[%get3A_353, %get3A_354] {strides = array<i32>} : memref<2x32768xi32, #tpu.memory_space<vmem>>, vector<16xi32>,
      %ge3A = arith.constant 0 : i32
      %ge3A_356 = vector.broadcast %ge3A : i32 to vector<16xi32>
      %ge3A_357 = arith.cmpi sge, %get3A_355, %ge3A_356 : vector<16xi32>
      %shift_right_arithmetic3A = arith.constant 20 : i32
      %shift_right_arithmetic3A_358 = vector.broadcast %shift_right_arithmetic3A : i32 to vector<16xi32>
      %shift_right_arithmetic3A_359 = arith.shrsi %get3A_355, %shift_right_arithmetic3A_358 : vector<16xi32>
      %and3A_360 = arith.constant 2047 : i32
      %and3A_361 = vector.broadcast %and3A_360 : i32 to vector<16xi32>
      %and3A_362 = arith.andi %shift_right_arithmetic3A_359, %and3A_361 : vector<16xi32>
      %add3A_363 = arith.addi %mul3A_45, %and3A_362 : vector<16xi32>
      tpu.vector_store_idx %arg5[%add3A_363], %broadcast_in_dim3A_42 masked %ge3A_357 {add = true} : memref<32768xi32, #tpu.memory_space<vmem>>[vector<16xi32>], vector<16xi32>, vector<16xi1>
      %mul3A_364 = arith.constant 128 : i32
      %mul3A_365 = arith.muli %scan3A_347, %mul3A_364 : i32
      %add3A_366 = arith.constant 16 : i32
      %add3A_367 = arith.addi %mul3A_365, %add3A_366 : i32
      %get3A_368 = arith.constant 1 : i32
      %get3A_369 = arith.index_cast %get3A_368 : i32 to index
      %get3A_370 = arith.index_cast %add3A_367 : i32 to index
      %get3A_371 = tpu.vector_load %arg6[%get3A_369, %get3A_370] {strides = array<i32>} : memref<2x32768xi32, #tpu.memory_space<vmem>>, vector<16xi32>,
      %ge3A_372 = arith.constant 0 : i32
      %ge3A_373 = vector.broadcast %ge3A_372 : i32 to vector<16xi32>
      %ge3A_374 = arith.cmpi sge, %get3A_371, %ge3A_373 : vector<16xi32>
      %shift_right_arithmetic3A_375 = arith.constant 20 : i32
      %shift_right_arithmetic3A_376 = vector.broadcast %shift_right_arithmetic3A_375 : i32 to vector<16xi32>
      %shift_right_arithmetic3A_377 = arith.shrsi %get3A_371, %shift_right_arithmetic3A_376 : vector<16xi32>
      %and3A_378 = arith.constant 2047 : i32
      %and3A_379 = vector.broadcast %and3A_378 : i32 to vector<16xi32>
      %and3A_380 = arith.andi %shift_right_arithmetic3A_377, %and3A_379 : vector<16xi32>
      %add3A_381 = arith.addi %mul3A_45, %and3A_380 : vector<16xi32>
      tpu.vector_store_idx %arg5[%add3A_381], %broadcast_in_dim3A_42 masked %ge3A_374 {add = true} : memref<32768xi32, #tpu.memory_space<vmem>>[vector<16xi32>], vector<16xi32>, vector<16xi1>
      %mul3A_382 = arith.constant 128 : i32
      %mul3A_383 = arith.muli %scan3A_347, %mul3A_382 : i32
      %add3A_384 = arith.constant 32 : i32
      %add3A_385 = arith.addi %mul3A_383, %add3A_384 : i32
      %get3A_386 = arith.constant 1 : i32
      %get3A_387 = arith.index_cast %get3A_386 : i32 to index
      %get3A_388 = arith.index_cast %add3A_385 : i32 to index
      %get3A_389 = tpu.vector_load %arg6[%get3A_387, %get3A_388] {strides = array<i32>} : memref<2x32768xi32, #tpu.memory_space<vmem>>, vector<16xi32>,
      %ge3A_390 = arith.constant 0 : i32
      %ge3A_391 = vector.broadcast %ge3A_390 : i32 to vector<16xi32>
      %ge3A_392 = arith.cmpi sge, %get3A_389, %ge3A_391 : vector<16xi32>
      %shift_right_arithmetic3A_393 = arith.constant 20 : i32
      %shift_right_arithmetic3A_394 = vector.broadcast %shift_right_arithmetic3A_393 : i32 to vector<16xi32>
      %shift_right_arithmetic3A_395 = arith.shrsi %get3A_389, %shift_right_arithmetic3A_394 : vector<16xi32>
      %and3A_396 = arith.constant 2047 : i32
      %and3A_397 = vector.broadcast %and3A_396 : i32 to vector<16xi32>
      %and3A_398 = arith.andi %shift_right_arithmetic3A_395, %and3A_397 : vector<16xi32>
      %add3A_399 = arith.addi %mul3A_45, %and3A_398 : vector<16xi32>
      tpu.vector_store_idx %arg5[%add3A_399], %broadcast_in_dim3A_42 masked %ge3A_392 {add = true} : memref<32768xi32, #tpu.memory_space<vmem>>[vector<16xi32>], vector<16xi32>, vector<16xi1>
      %mul3A_400 = arith.constant 128 : i32
      %mul3A_401 = arith.muli %scan3A_347, %mul3A_400 : i32
      %add3A_402 = arith.constant 48 : i32
      %add3A_403 = arith.addi %mul3A_401, %add3A_402 : i32
      %get3A_404 = arith.constant 1 : i32
      %get3A_405 = arith.index_cast %get3A_404 : i32 to index
      %get3A_406 = arith.index_cast %add3A_403 : i32 to index
      %get3A_407 = tpu.vector_load %arg6[%get3A_405, %get3A_406] {strides = array<i32>} : memref<2x32768xi32, #tpu.memory_space<vmem>>, vector<16xi32>,
      %ge3A_408 = arith.constant 0 : i32
      %ge3A_409 = vector.broadcast %ge3A_408 : i32 to vector<16xi32>
      %ge3A_410 = arith.cmpi sge, %get3A_407, %ge3A_409 : vector<16xi32>
      %shift_right_arithmetic3A_411 = arith.constant 20 : i32
      %shift_right_arithmetic3A_412 = vector.broadcast %shift_right_arithmetic3A_411 : i32 to vector<16xi32>
      %shift_right_arithmetic3A_413 = arith.shrsi %get3A_407, %shift_right_arithmetic3A_412 : vector<16xi32>
      %and3A_414 = arith.constant 2047 : i32
      %and3A_415 = vector.broadcast %and3A_414 : i32 to vector<16xi32>
      %and3A_416 = arith.andi %shift_right_arithmetic3A_413, %and3A_415 : vector<16xi32>
      %add3A_417 = arith.addi %mul3A_45, %and3A_416 : vector<16xi32>
      tpu.vector_store_idx %arg5[%add3A_417], %broadcast_in_dim3A_42 masked %ge3A_410 {add = true} : memref<32768xi32, #tpu.memory_space<vmem>>[vector<16xi32>], vector<16xi32>, vector<16xi1>
      %mul3A_418 = arith.constant 128 : i32
      %mul3A_419 = arith.muli %scan3A_347, %mul3A_418 : i32
      %add3A_420 = arith.constant 64 : i32
      %add3A_421 = arith.addi %mul3A_419, %add3A_420 : i32
      %get3A_422 = arith.constant 1 : i32
      %get3A_423 = arith.index_cast %get3A_422 : i32 to index
      %get3A_424 = arith.index_cast %add3A_421 : i32 to index
      %get3A_425 = tpu.vector_load %arg6[%get3A_423, %get3A_424] {strides = array<i32>} : memref<2x32768xi32, #tpu.memory_space<vmem>>, vector<16xi32>,
      %ge3A_426 = arith.constant 0 : i32
      %ge3A_427 = vector.broadcast %ge3A_426 : i32 to vector<16xi32>
      %ge3A_428 = arith.cmpi sge, %get3A_425, %ge3A_427 : vector<16xi32>
      %shift_right_arithmetic3A_429 = arith.constant 20 : i32
      %shift_right_arithmetic3A_430 = vector.broadcast %shift_right_arithmetic3A_429 : i32 to vector<16xi32>
      %shift_right_arithmetic3A_431 = arith.shrsi %get3A_425, %shift_right_arithmetic3A_430 : vector<16xi32>
      %and3A_432 = arith.constant 2047 : i32
      %and3A_433 = vector.broadcast %and3A_432 : i32 to vector<16xi32>
      %and3A_434 = arith.andi %shift_right_arithmetic3A_431, %and3A_433 : vector<16xi32>
      %add3A_435 = arith.addi %mul3A_45, %and3A_434 : vector<16xi32>
      tpu.vector_store_idx %arg5[%add3A_435], %broadcast_in_dim3A_42 masked %ge3A_428 {add = true} : memref<32768xi32, #tpu.memory_space<vmem>>[vector<16xi32>], vector<16xi32>, vector<16xi1>
      %mul3A_436 = arith.constant 128 : i32
      %mul3A_437 = arith.muli %scan3A_347, %mul3A_436 : i32
      %add3A_438 = arith.constant 80 : i32
      %add3A_439 = arith.addi %mul3A_437, %add3A_438 : i32
      %get3A_440 = arith.constant 1 : i32
      %get3A_441 = arith.index_cast %get3A_440 : i32 to index
      %get3A_442 = arith.index_cast %add3A_439 : i32 to index
      %get3A_443 = tpu.vector_load %arg6[%get3A_441, %get3A_442] {strides = array<i32>} : memref<2x32768xi32, #tpu.memory_space<vmem>>, vector<16xi32>,
      %ge3A_444 = arith.constant 0 : i32
      %ge3A_445 = vector.broadcast %ge3A_444 : i32 to vector<16xi32>
      %ge3A_446 = arith.cmpi sge, %get3A_443, %ge3A_445 : vector<16xi32>
      %shift_right_arithmetic3A_447 = arith.constant 20 : i32
      %shift_right_arithmetic3A_448 = vector.broadcast %shift_right_arithmetic3A_447 : i32 to vector<16xi32>
      %shift_right_arithmetic3A_449 = arith.shrsi %get3A_443, %shift_right_arithmetic3A_448 : vector<16xi32>
      %and3A_450 = arith.constant 2047 : i32
      %and3A_451 = vector.broadcast %and3A_450 : i32 to vector<16xi32>
      %and3A_452 = arith.andi %shift_right_arithmetic3A_449, %and3A_451 : vector<16xi32>
      %add3A_453 = arith.addi %mul3A_45, %and3A_452 : vector<16xi32>
      tpu.vector_store_idx %arg5[%add3A_453], %broadcast_in_dim3A_42 masked %ge3A_446 {add = true} : memref<32768xi32, #tpu.memory_space<vmem>>[vector<16xi32>], vector<16xi32>, vector<16xi1>
      %mul3A_454 = arith.constant 128 : i32
      %mul3A_455 = arith.muli %scan3A_347, %mul3A_454 : i32
      %add3A_456 = arith.constant 96 : i32
      %add3A_457 = arith.addi %mul3A_455, %add3A_456 : i32
      %get3A_458 = arith.constant 1 : i32
      %get3A_459 = arith.index_cast %get3A_458 : i32 to index
      %get3A_460 = arith.index_cast %add3A_457 : i32 to index
      %get3A_461 = tpu.vector_load %arg6[%get3A_459, %get3A_460] {strides = array<i32>} : memref<2x32768xi32, #tpu.memory_space<vmem>>, vector<16xi32>,
      %ge3A_462 = arith.constant 0 : i32
      %ge3A_463 = vector.broadcast %ge3A_462 : i32 to vector<16xi32>
      %ge3A_464 = arith.cmpi sge, %get3A_461, %ge3A_463 : vector<16xi32>
      %shift_right_arithmetic3A_465 = arith.constant 20 : i32
      %shift_right_arithmetic3A_466 = vector.broadcast %shift_right_arithmetic3A_465 : i32 to vector<16xi32>
      %shift_right_arithmetic3A_467 = arith.shrsi %get3A_461, %shift_right_arithmetic3A_466 : vector<16xi32>
      %and3A_468 = arith.constant 2047 : i32
      %and3A_469 = vector.broadcast %and3A_468 : i32 to vector<16xi32>
      %and3A_470 = arith.andi %shift_right_arithmetic3A_467, %and3A_469 : vector<16xi32>
      %add3A_471 = arith.addi %mul3A_45, %and3A_470 : vector<16xi32>
      tpu.vector_store_idx %arg5[%add3A_471], %broadcast_in_dim3A_42 masked %ge3A_464 {add = true} : memref<32768xi32, #tpu.memory_space<vmem>>[vector<16xi32>], vector<16xi32>, vector<16xi1>
      %mul3A_472 = arith.constant 128 : i32
      %mul3A_473 = arith.muli %scan3A_347, %mul3A_472 : i32
      %add3A_474 = arith.constant 112 : i32
      %add3A_475 = arith.addi %mul3A_473, %add3A_474 : i32
      %get3A_476 = arith.constant 1 : i32
      %get3A_477 = arith.index_cast %get3A_476 : i32 to index
      %get3A_478 = arith.index_cast %add3A_475 : i32 to index
      %get3A_479 = tpu.vector_load %arg6[%get3A_477, %get3A_478] {strides = array<i32>} : memref<2x32768xi32, #tpu.memory_space<vmem>>, vector<16xi32>,
      %ge3A_480 = arith.constant 0 : i32
      %ge3A_481 = vector.broadcast %ge3A_480 : i32 to vector<16xi32>
      %ge3A_482 = arith.cmpi sge, %get3A_479, %ge3A_481 : vector<16xi32>
      %shift_right_arithmetic3A_483 = arith.constant 20 : i32
      %shift_right_arithmetic3A_484 = vector.broadcast %shift_right_arithmetic3A_483 : i32 to vector<16xi32>
      %shift_right_arithmetic3A_485 = arith.shrsi %get3A_479, %shift_right_arithmetic3A_484 : vector<16xi32>
      %and3A_486 = arith.constant 2047 : i32
      %and3A_487 = vector.broadcast %and3A_486 : i32 to vector<16xi32>
      %and3A_488 = arith.andi %shift_right_arithmetic3A_485, %and3A_487 : vector<16xi32>
      %add3A_489 = arith.addi %mul3A_45, %and3A_488 : vector<16xi32>
      tpu.vector_store_idx %arg5[%add3A_489], %broadcast_in_dim3A_42 masked %ge3A_482 {add = true} : memref<32768xi32, #tpu.memory_space<vmem>>[vector<16xi32>], vector<16xi32>, vector<16xi1>
    }
    %scan3A_138 = arith.constant 256 : i32
    %scan3A_139 = arith.constant 0 : i32
    %scan3A_140 = arith.constant 0 : i32
    %scan3A_141 = arith.constant 128 : i32
    %scan3A_142 = arith.addi %scan3A_140, %scan3A_141 : i32
    %scan3A_143 = arith.constant 1 : i32
    scf.for %scan3A_347 = %scan3A_140 to %scan3A_142 step %scan3A_143  : i32 {
      %mul3A_348 = arith.constant 16 : i32
      %mul3A_349 = arith.muli %scan3A_347, %mul3A_348 : i32
      %get3A_350 = arith.index_cast %mul3A_349 : i32 to index
      %get3A_351 = tpu.vector_load %arg5[%get3A_350] {strides = array<i32>} : memref<32768xi32, #tpu.memory_space<vmem>>, vector<16xi32>,
      %add3A_352 = arith.constant 2048 : i32
      %add3A_353 = arith.addi %add3A_352, %mul3A_349 : i32
      %get3A_354 = arith.index_cast %add3A_353 : i32 to index
      %get3A_355 = tpu.vector_load %arg5[%get3A_354] {strides = array<i32>} : memref<32768xi32, #tpu.memory_space<vmem>>, vector<16xi32>,
      %add3A_356 = arith.addi %get3A_351, %get3A_355 : vector<16xi32>
      %add3A_357 = arith.constant 4096 : i32
      %add3A_358 = arith.addi %add3A_357, %mul3A_349 : i32
      %get3A_359 = arith.index_cast %add3A_358 : i32 to index
      %get3A_360 = tpu.vector_load %arg5[%get3A_359] {strides = array<i32>} : memref<32768xi32, #tpu.memory_space<vmem>>, vector<16xi32>,
      %add3A_361 = arith.addi %add3A_356, %get3A_360 : vector<16xi32>
      %add3A_362 = arith.constant 6144 : i32
      %add3A_363 = arith.addi %add3A_362, %mul3A_349 : i32
      %get3A_364 = arith.index_cast %add3A_363 : i32 to index
      %get3A_365 = tpu.vector_load %arg5[%get3A_364] {strides = array<i32>} : memref<32768xi32, #tpu.memory_space<vmem>>, vector<16xi32>,
      %add3A_366 = arith.addi %add3A_361, %get3A_365 : vector<16xi32>
      %add3A_367 = arith.constant 8192 : i32
      %add3A_368 = arith.addi %add3A_367, %mul3A_349 : i32
      %get3A_369 = arith.index_cast %add3A_368 : i32 to index
      %get3A_370 = tpu.vector_load %arg5[%get3A_369] {strides = array<i32>} : memref<32768xi32, #tpu.memory_space<vmem>>, vector<16xi32>,
      %add3A_371 = arith.addi %add3A_366, %get3A_370 : vector<16xi32>
      %add3A_372 = arith.constant 10240 : i32
      %add3A_373 = arith.addi %add3A_372, %mul3A_349 : i32
      %get3A_374 = arith.index_cast %add3A_373 : i32 to index
      %get3A_375 = tpu.vector_load %arg5[%get3A_374] {strides = array<i32>} : memref<32768xi32, #tpu.memory_space<vmem>>, vector<16xi32>,
      %add3A_376 = arith.addi %add3A_371, %get3A_375 : vector<16xi32>
      %add3A_377 = arith.constant 12288 : i32
      %add3A_378 = arith.addi %add3A_377, %mul3A_349 : i32
      %get3A_379 = arith.index_cast %add3A_378 : i32 to index
      %get3A_380 = tpu.vector_load %arg5[%get3A_379] {strides = array<i32>} : memref<32768xi32, #tpu.memory_space<vmem>>, vector<16xi32>,
      %add3A_381 = arith.addi %add3A_376, %get3A_380 : vector<16xi32>
      %add3A_382 = arith.constant 14336 : i32
      %add3A_383 = arith.addi %add3A_382, %mul3A_349 : i32
      %get3A_384 = arith.index_cast %add3A_383 : i32 to index
      %get3A_385 = tpu.vector_load %arg5[%get3A_384] {strides = array<i32>} : memref<32768xi32, #tpu.memory_space<vmem>>, vector<16xi32>,
      %add3A_386 = arith.addi %add3A_381, %get3A_385 : vector<16xi32>
      %add3A_387 = arith.constant 16384 : i32
      %add3A_388 = arith.addi %add3A_387, %mul3A_349 : i32
      %get3A_389 = arith.index_cast %add3A_388 : i32 to index
      %get3A_390 = tpu.vector_load %arg5[%get3A_389] {strides = array<i32>} : memref<32768xi32, #tpu.memory_space<vmem>>, vector<16xi32>,
      %add3A_391 = arith.addi %add3A_386, %get3A_390 : vector<16xi32>
      %add3A_392 = arith.constant 18432 : i32
      %add3A_393 = arith.addi %add3A_392, %mul3A_349 : i32
      %get3A_394 = arith.index_cast %add3A_393 : i32 to index
      %get3A_395 = tpu.vector_load %arg5[%get3A_394] {strides = array<i32>} : memref<32768xi32, #tpu.memory_space<vmem>>, vector<16xi32>,
      %add3A_396 = arith.addi %add3A_391, %get3A_395 : vector<16xi32>
      %add3A_397 = arith.constant 20480 : i32
      %add3A_398 = arith.addi %add3A_397, %mul3A_349 : i32
      %get3A_399 = arith.index_cast %add3A_398 : i32 to index
      %get3A_400 = tpu.vector_load %arg5[%get3A_399] {strides = array<i32>} : memref<32768xi32, #tpu.memory_space<vmem>>, vector<16xi32>,
      %add3A_401 = arith.addi %add3A_396, %get3A_400 : vector<16xi32>
      %add3A_402 = arith.constant 22528 : i32
      %add3A_403 = arith.addi %add3A_402, %mul3A_349 : i32
      %get3A_404 = arith.index_cast %add3A_403 : i32 to index
      %get3A_405 = tpu.vector_load %arg5[%get3A_404] {strides = array<i32>} : memref<32768xi32, #tpu.memory_space<vmem>>, vector<16xi32>,
      %add3A_406 = arith.addi %add3A_401, %get3A_405 : vector<16xi32>
      %add3A_407 = arith.constant 24576 : i32
      %add3A_408 = arith.addi %add3A_407, %mul3A_349 : i32
      %get3A_409 = arith.index_cast %add3A_408 : i32 to index
      %get3A_410 = tpu.vector_load %arg5[%get3A_409] {strides = array<i32>} : memref<32768xi32, #tpu.memory_space<vmem>>, vector<16xi32>,
      %add3A_411 = arith.addi %add3A_406, %get3A_410 : vector<16xi32>
      %add3A_412 = arith.constant 26624 : i32
      %add3A_413 = arith.addi %add3A_412, %mul3A_349 : i32
      %get3A_414 = arith.index_cast %add3A_413 : i32 to index
      %get3A_415 = tpu.vector_load %arg5[%get3A_414] {strides = array<i32>} : memref<32768xi32, #tpu.memory_space<vmem>>, vector<16xi32>,
      %add3A_416 = arith.addi %add3A_411, %get3A_415 : vector<16xi32>
      %add3A_417 = arith.constant 28672 : i32
      %add3A_418 = arith.addi %add3A_417, %mul3A_349 : i32
      %get3A_419 = arith.index_cast %add3A_418 : i32 to index
      %get3A_420 = tpu.vector_load %arg5[%get3A_419] {strides = array<i32>} : memref<32768xi32, #tpu.memory_space<vmem>>, vector<16xi32>,
      %add3A_421 = arith.addi %add3A_416, %get3A_420 : vector<16xi32>
      %add3A_422 = arith.constant 30720 : i32
      %add3A_423 = arith.addi %add3A_422, %mul3A_349 : i32
      %get3A_424 = arith.index_cast %add3A_423 : i32 to index
      %get3A_425 = tpu.vector_load %arg5[%get3A_424] {strides = array<i32>} : memref<32768xi32, #tpu.memory_space<vmem>>, vector<16xi32>,
      %add3A_426 = arith.addi %add3A_421, %get3A_425 : vector<16xi32>
      %swap3A_427 = arith.index_cast %mul3A_349 : i32 to index
      %swap3A_428 = tpu.vector_load %arg5[%swap3A_427] {strides = array<i32>} : memref<32768xi32, #tpu.memory_space<vmem>>, vector<16xi32>,
      tpu.vector_store %arg5[%swap3A_427], %add3A_426 {strides = array<i32>} : memref<32768xi32, #tpu.memory_space<vmem>>, vector<16xi32>,
    }
    %scan3A_144 = arith.constant 128 : i32
    "tpu.region"() ({
      %run_scoped3A = tpu.sem_alloc : memref<!tpu.dma_semaphore, #tpu.memory_space<semaphore_mem>>
      %dma_start3A_347 = arith.constant 0 : i32
      %dma_start3A_348 = tpu.memref_slice %arg5[%dma_start3A_347] : memref<32768xi32, #tpu.memory_space<vmem>> -> memref<2048xi32, #tpu.memory_space<vmem>>
      %dma_start3A_349 = arith.constant 0 : i32
      %dma_start3A_350 = tpu.memref_slice %arg10[%select_n3A, %select_n3A_28, %dma_start3A_349] : memref<4x4x2048xi32, #tpu.memory_space<vmem_shared>> -> memref<1x1x2048xi32, #tpu.memory_space<vmem_shared>>
      %dma_start3A_351 = tpu.memref_squeeze %dma_start3A_350 : memref<1x1x2048xi32, #tpu.memory_space<vmem_shared>> -> memref<2048xi32, #tpu.memory_space<vmem_shared>>
      %dma_start3A_352 = arith.constant 0 : i32
      %dma_start3A_353 = tpu.memref_slice %arg10[%select_n3A, %select_n3A_28, %dma_start3A_352] : memref<4x4x2048xi32, #tpu.memory_space<vmem_shared>> -> memref<1x1x2048xi32, #tpu.memory_space<vmem_shared>>
      %dma_start3A_354 = tpu.memref_squeeze %dma_start3A_353 : memref<1x1x2048xi32, #tpu.memory_space<vmem_shared>> -> memref<2048xi32, #tpu.memory_space<vmem_shared>>
      %dma_start3A_355 = arith.constant 0 : i32
      %dma_start3A_356 = tpu.memref_slice %arg5[%dma_start3A_355] : memref<32768xi32, #tpu.memory_space<vmem>> -> memref<2048xi32, #tpu.memory_space<vmem>>
      tpu.enqueue_dma source(%dma_start3A_356 : memref<2048xi32, #tpu.memory_space<vmem>>) target(%dma_start3A_354 : memref<2048xi32, #tpu.memory_space<vmem_shared>>) target_semaphore(%run_scoped3A : memref<!tpu.dma_semaphore, #tpu.memory_space<semaphore_mem>>)
      %dma_wait3A_357 = arith.constant 0 : i32
      %dma_wait3A_358 = tpu.memref_slice %arg5[%dma_wait3A_357] : memref<32768xi32, #tpu.memory_space<vmem>> -> memref<2048xi32, #tpu.memory_space<vmem>>
      %dma_wait3A_359 = arith.constant 0 : i32
      %dma_wait3A_360 = tpu.memref_slice %arg10[%select_n3A, %select_n3A_28, %dma_wait3A_359] : memref<4x4x2048xi32, #tpu.memory_space<vmem_shared>> -> memref<1x1x2048xi32, #tpu.memory_space<vmem_shared>>
      %dma_wait3A_361 = tpu.memref_squeeze %dma_wait3A_360 : memref<1x1x2048xi32, #tpu.memory_space<vmem_shared>> -> memref<2048xi32, #tpu.memory_space<vmem_shared>>
      %dma_wait3A_362 = arith.constant 0 : i32
      %dma_wait3A_363 = tpu.memref_slice %arg10[%select_n3A, %select_n3A_28, %dma_wait3A_362] : memref<4x4x2048xi32, #tpu.memory_space<vmem_shared>> -> memref<1x1x2048xi32, #tpu.memory_space<vmem_shared>>
      %dma_wait3A_364 = tpu.memref_squeeze %dma_wait3A_363 : memref<1x1x2048xi32, #tpu.memory_space<vmem_shared>> -> memref<2048xi32, #tpu.memory_space<vmem_shared>>
      %dma_wait3A_365 = arith.constant 0 : i32
      %dma_wait3A_366 = tpu.memref_slice %arg5[%dma_wait3A_365] : memref<32768xi32, #tpu.memory_space<vmem>> -> memref<2048xi32, #tpu.memory_space<vmem>>
      tpu.wait_dma2 semaphore(%run_scoped3A : memref<!tpu.dma_semaphore, #tpu.memory_space<semaphore_mem>>) src(%dma_wait3A_366 : memref<2048xi32, #tpu.memory_space<vmem>>) dst(%dma_wait3A_364 : memref<2048xi32, #tpu.memory_space<vmem_shared>>)
      tpu.yield
    }) : () -> ()
    %barrier3A = arith.constant 0 : index
    tpu.barrier barrier_id(%barrier3A)
    %convert_element_type3A_145 = arith.extui %eq3A_37 : i1 to i32
    %cond3A = arith.constant 0 : i32
    %cond3A_146 = arith.cmpi ne, %convert_element_type3A_145, %cond3A : i32
    scf.if %cond3A_146 {
      %run_scoped3A = arith.constant 0 : i32
      "tpu.region"() ({
        %run_scoped3A_350 = tpu.sem_alloc : memref<!tpu.dma_semaphore, #tpu.memory_space<semaphore_mem>>
        %dma_start3A_351 = arith.constant 0 : i32
        %dma_start3A_352 = tpu.memref_slice %arg7[%dma_start3A_351] : memref<8192xi32, #tpu.memory_space<vmem>> -> memref<2048xi32, #tpu.memory_space<vmem>>
        %dma_start3A_353 = arith.constant 0 : i32
        %dma_start3A_354 = tpu.memref_slice %arg10[%select_n3A, %run_scoped3A, %dma_start3A_353] : memref<4x4x2048xi32, #tpu.memory_space<vmem_shared>> -> memref<1x1x2048xi32, #tpu.memory_space<vmem_shared>>
        %dma_start3A_355 = tpu.memref_squeeze %dma_start3A_354 : memref<1x1x2048xi32, #tpu.memory_space<vmem_shared>> -> memref<2048xi32, #tpu.memory_space<vmem_shared>>
        %dma_start3A_356 = arith.constant 0 : i32
        %dma_start3A_357 = tpu.memref_slice %arg7[%dma_start3A_356] : memref<8192xi32, #tpu.memory_space<vmem>> -> memref<2048xi32, #tpu.memory_space<vmem>>
        %dma_start3A_358 = arith.constant 0 : i32
        %dma_start3A_359 = tpu.memref_slice %arg10[%select_n3A, %run_scoped3A, %dma_start3A_358] : memref<4x4x2048xi32, #tpu.memory_space<vmem_shared>> -> memref<1x1x2048xi32, #tpu.memory_space<vmem_shared>>
        %dma_start3A_360 = tpu.memref_squeeze %dma_start3A_359 : memref<1x1x2048xi32, #tpu.memory_space<vmem_shared>> -> memref<2048xi32, #tpu.memory_space<vmem_shared>>
        tpu.enqueue_dma source(%dma_start3A_360 : memref<2048xi32, #tpu.memory_space<vmem_shared>>) target(%dma_start3A_357 : memref<2048xi32, #tpu.memory_space<vmem>>) target_semaphore(%run_scoped3A_350 : memref<!tpu.dma_semaphore, #tpu.memory_space<semaphore_mem>>)
        %dma_wait3A_361 = arith.constant 0 : i32
        %dma_wait3A_362 = tpu.memref_slice %arg7[%dma_wait3A_361] : memref<8192xi32, #tpu.memory_space<vmem>> -> memref<2048xi32, #tpu.memory_space<vmem>>
        %dma_wait3A_363 = arith.constant 0 : i32
        %dma_wait3A_364 = tpu.memref_slice %arg10[%select_n3A, %run_scoped3A, %dma_wait3A_363] : memref<4x4x2048xi32, #tpu.memory_space<vmem_shared>> -> memref<1x1x2048xi32, #tpu.memory_space<vmem_shared>>
        %dma_wait3A_365 = tpu.memref_squeeze %dma_wait3A_364 : memref<1x1x2048xi32, #tpu.memory_space<vmem_shared>> -> memref<2048xi32, #tpu.memory_space<vmem_shared>>
        %dma_wait3A_366 = arith.constant 0 : i32
        %dma_wait3A_367 = tpu.memref_slice %arg7[%dma_wait3A_366] : memref<8192xi32, #tpu.memory_space<vmem>> -> memref<2048xi32, #tpu.memory_space<vmem>>
        %dma_wait3A_368 = arith.constant 0 : i32
        %dma_wait3A_369 = tpu.memref_slice %arg10[%select_n3A, %run_scoped3A, %dma_wait3A_368] : memref<4x4x2048xi32, #tpu.memory_space<vmem_shared>> -> memref<1x1x2048xi32, #tpu.memory_space<vmem_shared>>
        %dma_wait3A_370 = tpu.memref_squeeze %dma_wait3A_369 : memref<1x1x2048xi32, #tpu.memory_space<vmem_shared>> -> memref<2048xi32, #tpu.memory_space<vmem_shared>>
        tpu.wait_dma2 semaphore(%run_scoped3A_350 : memref<!tpu.dma_semaphore, #tpu.memory_space<semaphore_mem>>) src(%dma_wait3A_370 : memref<2048xi32, #tpu.memory_space<vmem_shared>>) dst(%dma_wait3A_367 : memref<2048xi32, #tpu.memory_space<vmem>>)
        tpu.yield
      }) : () -> ()
      %run_scoped3A_347 = arith.constant 1 : i32
      "tpu.region"() ({
        %run_scoped3A_350 = tpu.sem_alloc : memref<!tpu.dma_semaphore, #tpu.memory_space<semaphore_mem>>
        %dma_start3A_351 = arith.constant 2048 : i32
        %dma_start3A_352 = tpu.memref_slice %arg7[%dma_start3A_351] : memref<8192xi32, #tpu.memory_space<vmem>> -> memref<2048xi32, #tpu.memory_space<vmem>>
        %dma_start3A_353 = arith.constant 0 : i32
        %dma_start3A_354 = tpu.memref_slice %arg10[%select_n3A, %run_scoped3A_347, %dma_start3A_353] : memref<4x4x2048xi32, #tpu.memory_space<vmem_shared>> -> memref<1x1x2048xi32, #tpu.memory_space<vmem_shared>>
        %dma_start3A_355 = tpu.memref_squeeze %dma_start3A_354 : memref<1x1x2048xi32, #tpu.memory_space<vmem_shared>> -> memref<2048xi32, #tpu.memory_space<vmem_shared>>
        %dma_start3A_356 = arith.constant 2048 : i32
        %dma_start3A_357 = tpu.memref_slice %arg7[%dma_start3A_356] : memref<8192xi32, #tpu.memory_space<vmem>> -> memref<2048xi32, #tpu.memory_space<vmem>>
        %dma_start3A_358 = arith.constant 0 : i32
        %dma_start3A_359 = tpu.memref_slice %arg10[%select_n3A, %run_scoped3A_347, %dma_start3A_358] : memref<4x4x2048xi32, #tpu.memory_space<vmem_shared>> -> memref<1x1x2048xi32, #tpu.memory_space<vmem_shared>>
        %dma_start3A_360 = tpu.memref_squeeze %dma_start3A_359 : memref<1x1x2048xi32, #tpu.memory_space<vmem_shared>> -> memref<2048xi32, #tpu.memory_space<vmem_shared>>
        tpu.enqueue_dma source(%dma_start3A_360 : memref<2048xi32, #tpu.memory_space<vmem_shared>>) target(%dma_start3A_357 : memref<2048xi32, #tpu.memory_space<vmem>>) target_semaphore(%run_scoped3A_350 : memref<!tpu.dma_semaphore, #tpu.memory_space<semaphore_mem>>)
        %dma_wait3A_361 = arith.constant 2048 : i32
        %dma_wait3A_362 = tpu.memref_slice %arg7[%dma_wait3A_361] : memref<8192xi32, #tpu.memory_space<vmem>> -> memref<2048xi32, #tpu.memory_space<vmem>>
        %dma_wait3A_363 = arith.constant 0 : i32
        %dma_wait3A_364 = tpu.memref_slice %arg10[%select_n3A, %run_scoped3A_347, %dma_wait3A_363] : memref<4x4x2048xi32, #tpu.memory_space<vmem_shared>> -> memref<1x1x2048xi32, #tpu.memory_space<vmem_shared>>
        %dma_wait3A_365 = tpu.memref_squeeze %dma_wait3A_364 : memref<1x1x2048xi32, #tpu.memory_space<vmem_shared>> -> memref<2048xi32, #tpu.memory_space<vmem_shared>>
        %dma_wait3A_366 = arith.constant 2048 : i32
        %dma_wait3A_367 = tpu.memref_slice %arg7[%dma_wait3A_366] : memref<8192xi32, #tpu.memory_space<vmem>> -> memref<2048xi32, #tpu.memory_space<vmem>>
        %dma_wait3A_368 = arith.constant 0 : i32
        %dma_wait3A_369 = tpu.memref_slice %arg10[%select_n3A, %run_scoped3A_347, %dma_wait3A_368] : memref<4x4x2048xi32, #tpu.memory_space<vmem_shared>> -> memref<1x1x2048xi32, #tpu.memory_space<vmem_shared>>
        %dma_wait3A_370 = tpu.memref_squeeze %dma_wait3A_369 : memref<1x1x2048xi32, #tpu.memory_space<vmem_shared>> -> memref<2048xi32, #tpu.memory_space<vmem_shared>>
        tpu.wait_dma2 semaphore(%run_scoped3A_350 : memref<!tpu.dma_semaphore, #tpu.memory_space<semaphore_mem>>) src(%dma_wait3A_370 : memref<2048xi32, #tpu.memory_space<vmem_shared>>) dst(%dma_wait3A_367 : memref<2048xi32, #tpu.memory_space<vmem>>)
        tpu.yield
      }) : () -> ()
      %run_scoped3A_348 = arith.constant 2 : i32
      "tpu.region"() ({
        %run_scoped3A_350 = tpu.sem_alloc : memref<!tpu.dma_semaphore, #tpu.memory_space<semaphore_mem>>
        %dma_start3A_351 = arith.constant 4096 : i32
        %dma_start3A_352 = tpu.memref_slice %arg7[%dma_start3A_351] : memref<8192xi32, #tpu.memory_space<vmem>> -> memref<2048xi32, #tpu.memory_space<vmem>>
        %dma_start3A_353 = arith.constant 0 : i32
        %dma_start3A_354 = tpu.memref_slice %arg10[%select_n3A, %run_scoped3A_348, %dma_start3A_353] : memref<4x4x2048xi32, #tpu.memory_space<vmem_shared>> -> memref<1x1x2048xi32, #tpu.memory_space<vmem_shared>>
        %dma_start3A_355 = tpu.memref_squeeze %dma_start3A_354 : memref<1x1x2048xi32, #tpu.memory_space<vmem_shared>> -> memref<2048xi32, #tpu.memory_space<vmem_shared>>
        %dma_start3A_356 = arith.constant 4096 : i32
        %dma_start3A_357 = tpu.memref_slice %arg7[%dma_start3A_356] : memref<8192xi32, #tpu.memory_space<vmem>> -> memref<2048xi32, #tpu.memory_space<vmem>>
        %dma_start3A_358 = arith.constant 0 : i32
        %dma_start3A_359 = tpu.memref_slice %arg10[%select_n3A, %run_scoped3A_348, %dma_start3A_358] : memref<4x4x2048xi32, #tpu.memory_space<vmem_shared>> -> memref<1x1x2048xi32, #tpu.memory_space<vmem_shared>>
        %dma_start3A_360 = tpu.memref_squeeze %dma_start3A_359 : memref<1x1x2048xi32, #tpu.memory_space<vmem_shared>> -> memref<2048xi32, #tpu.memory_space<vmem_shared>>
        tpu.enqueue_dma source(%dma_start3A_360 : memref<2048xi32, #tpu.memory_space<vmem_shared>>) target(%dma_start3A_357 : memref<2048xi32, #tpu.memory_space<vmem>>) target_semaphore(%run_scoped3A_350 : memref<!tpu.dma_semaphore, #tpu.memory_space<semaphore_mem>>)
        %dma_wait3A_361 = arith.constant 4096 : i32
        %dma_wait3A_362 = tpu.memref_slice %arg7[%dma_wait3A_361] : memref<8192xi32, #tpu.memory_space<vmem>> -> memref<2048xi32, #tpu.memory_space<vmem>>
        %dma_wait3A_363 = arith.constant 0 : i32
        %dma_wait3A_364 = tpu.memref_slice %arg10[%select_n3A, %run_scoped3A_348, %dma_wait3A_363] : memref<4x4x2048xi32, #tpu.memory_space<vmem_shared>> -> memref<1x1x2048xi32, #tpu.memory_space<vmem_shared>>
        %dma_wait3A_365 = tpu.memref_squeeze %dma_wait3A_364 : memref<1x1x2048xi32, #tpu.memory_space<vmem_shared>> -> memref<2048xi32, #tpu.memory_space<vmem_shared>>
        %dma_wait3A_366 = arith.constant 4096 : i32
        %dma_wait3A_367 = tpu.memref_slice %arg7[%dma_wait3A_366] : memref<8192xi32, #tpu.memory_space<vmem>> -> memref<2048xi32, #tpu.memory_space<vmem>>
        %dma_wait3A_368 = arith.constant 0 : i32
        %dma_wait3A_369 = tpu.memref_slice %arg10[%select_n3A, %run_scoped3A_348, %dma_wait3A_368] : memref<4x4x2048xi32, #tpu.memory_space<vmem_shared>> -> memref<1x1x2048xi32, #tpu.memory_space<vmem_shared>>
        %dma_wait3A_370 = tpu.memref_squeeze %dma_wait3A_369 : memref<1x1x2048xi32, #tpu.memory_space<vmem_shared>> -> memref<2048xi32, #tpu.memory_space<vmem_shared>>
        tpu.wait_dma2 semaphore(%run_scoped3A_350 : memref<!tpu.dma_semaphore, #tpu.memory_space<semaphore_mem>>) src(%dma_wait3A_370 : memref<2048xi32, #tpu.memory_space<vmem_shared>>) dst(%dma_wait3A_367 : memref<2048xi32, #tpu.memory_space<vmem>>)
        tpu.yield
      }) : () -> ()
      %run_scoped3A_349 = arith.constant 3 : i32
      "tpu.region"() ({
        %run_scoped3A_350 = tpu.sem_alloc : memref<!tpu.dma_semaphore, #tpu.memory_space<semaphore_mem>>
        %dma_start3A_351 = arith.constant 6144 : i32
        %dma_start3A_352 = tpu.memref_slice %arg7[%dma_start3A_351] : memref<8192xi32, #tpu.memory_space<vmem>> -> memref<2048xi32, #tpu.memory_space<vmem>>
        %dma_start3A_353 = arith.constant 0 : i32
        %dma_start3A_354 = tpu.memref_slice %arg10[%select_n3A, %run_scoped3A_349, %dma_start3A_353] : memref<4x4x2048xi32, #tpu.memory_space<vmem_shared>> -> memref<1x1x2048xi32, #tpu.memory_space<vmem_shared>>
        %dma_start3A_355 = tpu.memref_squeeze %dma_start3A_354 : memref<1x1x2048xi32, #tpu.memory_space<vmem_shared>> -> memref<2048xi32, #tpu.memory_space<vmem_shared>>
        %dma_start3A_356 = arith.constant 6144 : i32
        %dma_start3A_357 = tpu.memref_slice %arg7[%dma_start3A_356] : memref<8192xi32, #tpu.memory_space<vmem>> -> memref<2048xi32, #tpu.memory_space<vmem>>
        %dma_start3A_358 = arith.constant 0 : i32
        %dma_start3A_359 = tpu.memref_slice %arg10[%select_n3A, %run_scoped3A_349, %dma_start3A_358] : memref<4x4x2048xi32, #tpu.memory_space<vmem_shared>> -> memref<1x1x2048xi32, #tpu.memory_space<vmem_shared>>
        %dma_start3A_360 = tpu.memref_squeeze %dma_start3A_359 : memref<1x1x2048xi32, #tpu.memory_space<vmem_shared>> -> memref<2048xi32, #tpu.memory_space<vmem_shared>>
        tpu.enqueue_dma source(%dma_start3A_360 : memref<2048xi32, #tpu.memory_space<vmem_shared>>) target(%dma_start3A_357 : memref<2048xi32, #tpu.memory_space<vmem>>) target_semaphore(%run_scoped3A_350 : memref<!tpu.dma_semaphore, #tpu.memory_space<semaphore_mem>>)
        %dma_wait3A_361 = arith.constant 6144 : i32
        %dma_wait3A_362 = tpu.memref_slice %arg7[%dma_wait3A_361] : memref<8192xi32, #tpu.memory_space<vmem>> -> memref<2048xi32, #tpu.memory_space<vmem>>
        %dma_wait3A_363 = arith.constant 0 : i32
        %dma_wait3A_364 = tpu.memref_slice %arg10[%select_n3A, %run_scoped3A_349, %dma_wait3A_363] : memref<4x4x2048xi32, #tpu.memory_space<vmem_shared>> -> memref<1x1x2048xi32, #tpu.memory_space<vmem_shared>>
        %dma_wait3A_365 = tpu.memref_squeeze %dma_wait3A_364 : memref<1x1x2048xi32, #tpu.memory_space<vmem_shared>> -> memref<2048xi32, #tpu.memory_space<vmem_shared>>
        %dma_wait3A_366 = arith.constant 6144 : i32
        %dma_wait3A_367 = tpu.memref_slice %arg7[%dma_wait3A_366] : memref<8192xi32, #tpu.memory_space<vmem>> -> memref<2048xi32, #tpu.memory_space<vmem>>
        %dma_wait3A_368 = arith.constant 0 : i32
        %dma_wait3A_369 = tpu.memref_slice %arg10[%select_n3A, %run_scoped3A_349, %dma_wait3A_368] : memref<4x4x2048xi32, #tpu.memory_space<vmem_shared>> -> memref<1x1x2048xi32, #tpu.memory_space<vmem_shared>>
        %dma_wait3A_370 = tpu.memref_squeeze %dma_wait3A_369 : memref<1x1x2048xi32, #tpu.memory_space<vmem_shared>> -> memref<2048xi32, #tpu.memory_space<vmem_shared>>
        tpu.wait_dma2 semaphore(%run_scoped3A_350 : memref<!tpu.dma_semaphore, #tpu.memory_space<semaphore_mem>>) src(%dma_wait3A_370 : memref<2048xi32, #tpu.memory_space<vmem_shared>>) dst(%dma_wait3A_367 : memref<2048xi32, #tpu.memory_space<vmem>>)
        tpu.yield
      }) : () -> ()
    } else {
    }
    %scan3A_147 = arith.constant 0 : i32
    %scan3A_148 = arith.constant 128 : i32
    %scan3A_149 = arith.addi %scan3A_147, %scan3A_148 : i32
    %scan3A_150 = arith.constant 1 : i32
    %scan3A_151:3 = scf.for %scan3A_347 = %scan3A_147 to %scan3A_149 step %scan3A_150 iter_args(%scan3A_348 = %broadcast_in_dim3A_38, %scan3A_349 = %broadcast_in_dim3A_38, %scan3A_350 = %broadcast_in_dim3A_38) -> (vector<16xi32>, vector<16xi32>, vector<16xi32>)  : i32 {
      %sub3A_351 = arith.constant 127 : i32
      %sub3A_352 = arith.subi %sub3A_351, %scan3A_347 : i32
      %mul3A_353 = arith.constant 16 : i32
      %mul3A_354 = arith.muli %sub3A_352, %mul3A_353 : i32
      %get3A_355 = arith.index_cast %mul3A_354 : i32 to index
      %get3A_356 = tpu.vector_load %arg7[%get3A_355] {strides = array<i32>} : memref<8192xi32, #tpu.memory_space<vmem>>, vector<16xi32>,
      %add3A_357 = arith.constant 2048 : i32
      %add3A_358 = arith.addi %add3A_357, %mul3A_354 : i32
      %get3A_359 = arith.index_cast %add3A_358 : i32 to index
      %get3A_360 = tpu.vector_load %arg7[%get3A_359] {strides = array<i32>} : memref<8192xi32, #tpu.memory_space<vmem>>, vector<16xi32>,
      %add3A_361 = arith.addi %get3A_356, %get3A_360 : vector<16xi32>
      %add3A_362 = arith.constant 4096 : i32
      %add3A_363 = arith.addi %add3A_362, %mul3A_354 : i32
      %get3A_364 = arith.index_cast %add3A_363 : i32 to index
      %get3A_365 = tpu.vector_load %arg7[%get3A_364] {strides = array<i32>} : memref<8192xi32, #tpu.memory_space<vmem>>, vector<16xi32>,
      %add3A_366 = arith.addi %add3A_361, %get3A_365 : vector<16xi32>
      %add3A_367 = arith.constant 6144 : i32
      %add3A_368 = arith.addi %add3A_367, %mul3A_354 : i32
      %get3A_369 = arith.index_cast %add3A_368 : i32 to index
      %get3A_370 = tpu.vector_load %arg7[%get3A_369] {strides = array<i32>} : memref<8192xi32, #tpu.memory_space<vmem>>, vector<16xi32>,
      %add3A_371 = arith.addi %add3A_366, %get3A_370 : vector<16xi32>
      %iota3A_372 = tpu.iota {dimensions = array<i32: 0>} : vector<16xi32>
      %add3A_373 = arith.constant 1 : i32
      %add3A_374 = vector.broadcast %add3A_373 : i32 to vector<16xi32>
      %add3A_375 = arith.addi %iota3A_372, %add3A_374 : vector<16xi32>
      %min3A_376 = arith.constant 15 : i32
      %min3A_377 = vector.broadcast %min3A_376 : i32 to vector<16xi32>
      %min3A_378 = arith.minsi %add3A_375, %min3A_377 : vector<16xi32>
      %broadcast_in_dim3A_379 = vector.shape_cast %min3A_378 : vector<16xi32> to vector<16x1xi32>
      %gather3A_380 = vector.shape_cast %broadcast_in_dim3A_379 : vector<16x1xi32> to vector<16xi32>
      %gather3A_381 = tpu.dynamic_gather %add3A_371[%gather3A_380] in [0] : vector<16xi32>, vector<16xi32> -> vector<16xi32>
      %iota3A_382 = tpu.iota {dimensions = array<i32: 0>} : vector<16xi32>
      %add3A_383 = arith.constant 1 : i32
      %add3A_384 = vector.broadcast %add3A_383 : i32 to vector<16xi32>
      %add3A_385 = arith.addi %iota3A_382, %add3A_384 : vector<16xi32>
      %le3A = arith.constant 15 : i32
      %le3A_386 = vector.broadcast %le3A : i32 to vector<16xi32>
      %le3A_387 = arith.cmpi sle, %add3A_385, %le3A_386 : vector<16xi32>
      %jit3A_388 = arith.constant 0 : i32
      %broadcast_in_dim3A_389 = vector.broadcast %jit3A_388 : i32 to vector<16xi32>
      %select_n3A_390 = arith.select %le3A_387, %gather3A_381, %broadcast_in_dim3A_389 : vector<16xi1>, vector<16xi32>
      %add3A_391 = arith.addi %add3A_371, %select_n3A_390 : vector<16xi32>
      %iota3A_392 = tpu.iota {dimensions = array<i32: 0>} : vector<16xi32>
      %add3A_393 = arith.constant 2 : i32
      %add3A_394 = vector.broadcast %add3A_393 : i32 to vector<16xi32>
      %add3A_395 = arith.addi %iota3A_392, %add3A_394 : vector<16xi32>
      %min3A_396 = arith.constant 15 : i32
      %min3A_397 = vector.broadcast %min3A_396 : i32 to vector<16xi32>
      %min3A_398 = arith.minsi %add3A_395, %min3A_397 : vector<16xi32>
      %broadcast_in_dim3A_399 = vector.shape_cast %min3A_398 : vector<16xi32> to vector<16x1xi32>
      %gather3A_400 = vector.shape_cast %broadcast_in_dim3A_399 : vector<16x1xi32> to vector<16xi32>
      %gather3A_401 = tpu.dynamic_gather %add3A_391[%gather3A_400] in [0] : vector<16xi32>, vector<16xi32> -> vector<16xi32>
      %iota3A_402 = tpu.iota {dimensions = array<i32: 0>} : vector<16xi32>
      %add3A_403 = arith.constant 2 : i32
      %add3A_404 = vector.broadcast %add3A_403 : i32 to vector<16xi32>
      %add3A_405 = arith.addi %iota3A_402, %add3A_404 : vector<16xi32>
      %le3A_406 = arith.constant 15 : i32
      %le3A_407 = vector.broadcast %le3A_406 : i32 to vector<16xi32>
      %le3A_408 = arith.cmpi sle, %add3A_405, %le3A_407 : vector<16xi32>
      %jit3A_409 = arith.constant 0 : i32
      %broadcast_in_dim3A_410 = vector.broadcast %jit3A_409 : i32 to vector<16xi32>
      %select_n3A_411 = arith.select %le3A_408, %gather3A_401, %broadcast_in_dim3A_410 : vector<16xi1>, vector<16xi32>
      %add3A_412 = arith.addi %add3A_391, %select_n3A_411 : vector<16xi32>
      %iota3A_413 = tpu.iota {dimensions = array<i32: 0>} : vector<16xi32>
      %add3A_414 = arith.constant 4 : i32
      %add3A_415 = vector.broadcast %add3A_414 : i32 to vector<16xi32>
      %add3A_416 = arith.addi %iota3A_413, %add3A_415 : vector<16xi32>
      %min3A_417 = arith.constant 15 : i32
      %min3A_418 = vector.broadcast %min3A_417 : i32 to vector<16xi32>
      %min3A_419 = arith.minsi %add3A_416, %min3A_418 : vector<16xi32>
      %broadcast_in_dim3A_420 = vector.shape_cast %min3A_419 : vector<16xi32> to vector<16x1xi32>
      %gather3A_421 = vector.shape_cast %broadcast_in_dim3A_420 : vector<16x1xi32> to vector<16xi32>
      %gather3A_422 = tpu.dynamic_gather %add3A_412[%gather3A_421] in [0] : vector<16xi32>, vector<16xi32> -> vector<16xi32>
      %iota3A_423 = tpu.iota {dimensions = array<i32: 0>} : vector<16xi32>
      %add3A_424 = arith.constant 4 : i32
      %add3A_425 = vector.broadcast %add3A_424 : i32 to vector<16xi32>
      %add3A_426 = arith.addi %iota3A_423, %add3A_425 : vector<16xi32>
      %le3A_427 = arith.constant 15 : i32
      %le3A_428 = vector.broadcast %le3A_427 : i32 to vector<16xi32>
      %le3A_429 = arith.cmpi sle, %add3A_426, %le3A_428 : vector<16xi32>
      %jit3A_430 = arith.constant 0 : i32
      %broadcast_in_dim3A_431 = vector.broadcast %jit3A_430 : i32 to vector<16xi32>
      %select_n3A_432 = arith.select %le3A_429, %gather3A_422, %broadcast_in_dim3A_431 : vector<16xi1>, vector<16xi32>
      %add3A_433 = arith.addi %add3A_412, %select_n3A_432 : vector<16xi32>
      %iota3A_434 = tpu.iota {dimensions = array<i32: 0>} : vector<16xi32>
      %add3A_435 = arith.constant 8 : i32
      %add3A_436 = vector.broadcast %add3A_435 : i32 to vector<16xi32>
      %add3A_437 = arith.addi %iota3A_434, %add3A_436 : vector<16xi32>
      %min3A_438 = arith.constant 15 : i32
      %min3A_439 = vector.broadcast %min3A_438 : i32 to vector<16xi32>
      %min3A_440 = arith.minsi %add3A_437, %min3A_439 : vector<16xi32>
      %broadcast_in_dim3A_441 = vector.shape_cast %min3A_440 : vector<16xi32> to vector<16x1xi32>
      %gather3A_442 = vector.shape_cast %broadcast_in_dim3A_441 : vector<16x1xi32> to vector<16xi32>
      %gather3A_443 = tpu.dynamic_gather %add3A_433[%gather3A_442] in [0] : vector<16xi32>, vector<16xi32> -> vector<16xi32>
      %iota3A_444 = tpu.iota {dimensions = array<i32: 0>} : vector<16xi32>
      %add3A_445 = arith.constant 8 : i32
      %add3A_446 = vector.broadcast %add3A_445 : i32 to vector<16xi32>
      %add3A_447 = arith.addi %iota3A_444, %add3A_446 : vector<16xi32>
      %le3A_448 = arith.constant 15 : i32
      %le3A_449 = vector.broadcast %le3A_448 : i32 to vector<16xi32>
      %le3A_450 = arith.cmpi sle, %add3A_447, %le3A_449 : vector<16xi32>
      %jit3A_451 = arith.constant 0 : i32
      %broadcast_in_dim3A_452 = vector.broadcast %jit3A_451 : i32 to vector<16xi32>
      %select_n3A_453 = arith.select %le3A_450, %gather3A_443, %broadcast_in_dim3A_452 : vector<16xi1>, vector<16xi32>
      %add3A_454 = arith.addi %add3A_433, %select_n3A_453 : vector<16xi32>
      %broadcast_in_dim3A_455 = vector.shape_cast %broadcast_in_dim3A_38 : vector<16xi32> to vector<16x1xi32>
      %gather3A_456 = vector.shape_cast %broadcast_in_dim3A_455 : vector<16x1xi32> to vector<16xi32>
      %gather3A_457 = tpu.dynamic_gather %add3A_454[%gather3A_456] in [0] : vector<16xi32>, vector<16xi32> -> vector<16xi32>
      %add3A_458 = arith.addi %scan3A_350, %add3A_454 : vector<16xi32>
      %ge3A = arith.cmpi sge, %add3A_458, %convert_element_type3A : vector<16xi32>
      %all_reduce_population_count3A = tpu.all_reduce %ge3A {dim = 0 : i64, kind = #tpu.reduction_kind<sum>} : vector<16xi1> -> vector<16xi32>
      %sub3A_459 = arith.constant 1 : i32
      %sub3A_460 = vector.broadcast %sub3A_459 : i32 to vector<16xi32>
      %sub3A_461 = arith.subi %all_reduce_population_count3A, %sub3A_460 : vector<16xi32>
      %max3A_462 = arith.constant 0 : i32
      %max3A_463 = vector.broadcast %max3A_462 : i32 to vector<16xi32>
      %max3A_464 = arith.maxsi %sub3A_461, %max3A_463 : vector<16xi32>
      %lt3A_465 = arith.cmpi slt, %scan3A_350, %convert_element_type3A : vector<16xi32>
      %add3A_466 = arith.addi %scan3A_350, %gather3A_457 : vector<16xi32>
      %ge3A_467 = arith.cmpi sge, %add3A_466, %convert_element_type3A : vector<16xi32>
      %and3A_468 = arith.andi %lt3A_465, %ge3A_467 : vector<16xi1>
      %broadcast_in_dim3A_469 = vector.shape_cast %max3A_464 : vector<16xi32> to vector<16x1xi32>
      %gather3A_470 = vector.shape_cast %broadcast_in_dim3A_469 : vector<16x1xi32> to vector<16xi32>
      %gather3A_471 = tpu.dynamic_gather %add3A_458[%gather3A_470] in [0] : vector<16xi32>, vector<16xi32> -> vector<16xi32>
      %broadcast_in_dim3A_472 = vector.shape_cast %max3A_464 : vector<16xi32> to vector<16x1xi32>
      %gather3A_473 = vector.shape_cast %broadcast_in_dim3A_472 : vector<16x1xi32> to vector<16xi32>
      %gather3A_474 = tpu.dynamic_gather %add3A_371[%gather3A_473] in [0] : vector<16xi32>, vector<16xi32> -> vector<16xi32>
      %sub3A_475 = arith.subi %gather3A_471, %gather3A_474 : vector<16xi32>
      %add3A_476 = vector.broadcast %mul3A_354 : i32 to vector<16xi32>
      %add3A_477 = arith.addi %add3A_476, %max3A_464 : vector<16xi32>
      %select_n3A_478 = arith.select %and3A_468, %add3A_477, %scan3A_348 : vector<16xi1>, vector<16xi32>
      %select_n3A_479 = arith.select %and3A_468, %sub3A_475, %scan3A_349 : vector<16xi1>, vector<16xi32>
      %add3A_480 = arith.addi %scan3A_350, %gather3A_457 : vector<16xi32>
      scf.yield %select_n3A_478, %select_n3A_479, %add3A_480 : vector<16xi32>, vector<16xi32>, vector<16xi32>
    }
    %scan3A_152 = arith.constant 128 : i32
    %convert_element_type3A_153 = arith.extui %eq3A_37 : i1 to i32
    %cond3A_154 = arith.constant 0 : i32
    %cond3A_155 = arith.cmpi ne, %convert_element_type3A_153, %cond3A_154 : i32
    scf.if %cond3A_155 {
      %swap3A_347 = arith.constant 0 : index
      %swap3A_348 = tpu.vector_load %arg8[%swap3A_347] {strides = array<i32>} : memref<16xi32, #tpu.memory_space<vmem>>, vector<16xi32>,
      tpu.vector_store %arg8[%swap3A_347], %scan3A_151#0 {strides = array<i32>} : memref<16xi32, #tpu.memory_space<vmem>>, vector<16xi32>,
      "tpu.region"() ({
        %run_scoped3A = tpu.sem_alloc : memref<!tpu.dma_semaphore, #tpu.memory_space<semaphore_mem>>
        %dma_start3A_349 = arith.constant 0 : i32
        %dma_start3A_350 = tpu.memref_slice %arg11[%select_n3A, %dma_start3A_349] : memref<4x16xi32, #tpu.memory_space<vmem_shared>> -> memref<1x16xi32, #tpu.memory_space<vmem_shared>>
        %dma_start3A_351 = tpu.memref_squeeze %dma_start3A_350 : memref<1x16xi32, #tpu.memory_space<vmem_shared>> -> memref<16xi32, #tpu.memory_space<vmem_shared>>
        %dma_start3A_352 = arith.constant 0 : i32
        %dma_start3A_353 = tpu.memref_slice %arg11[%select_n3A, %dma_start3A_352] : memref<4x16xi32, #tpu.memory_space<vmem_shared>> -> memref<1x16xi32, #tpu.memory_space<vmem_shared>>
        %dma_start3A_354 = tpu.memref_squeeze %dma_start3A_353 : memref<1x16xi32, #tpu.memory_space<vmem_shared>> -> memref<16xi32, #tpu.memory_space<vmem_shared>>
        tpu.enqueue_dma source(%arg8 : memref<16xi32, #tpu.memory_space<vmem>>) target(%dma_start3A_354 : memref<16xi32, #tpu.memory_space<vmem_shared>>) target_semaphore(%run_scoped3A : memref<!tpu.dma_semaphore, #tpu.memory_space<semaphore_mem>>)
        %dma_wait3A_355 = arith.constant 0 : i32
        %dma_wait3A_356 = tpu.memref_slice %arg11[%select_n3A, %dma_wait3A_355] : memref<4x16xi32, #tpu.memory_space<vmem_shared>> -> memref<1x16xi32, #tpu.memory_space<vmem_shared>>
        %dma_wait3A_357 = tpu.memref_squeeze %dma_wait3A_356 : memref<1x16xi32, #tpu.memory_space<vmem_shared>> -> memref<16xi32, #tpu.memory_space<vmem_shared>>
        %dma_wait3A_358 = arith.constant 0 : i32
        %dma_wait3A_359 = tpu.memref_slice %arg11[%select_n3A, %dma_wait3A_358] : memref<4x16xi32, #tpu.memory_space<vmem_shared>> -> memref<1x16xi32, #tpu.memory_space<vmem_shared>>
        %dma_wait3A_360 = tpu.memref_squeeze %dma_wait3A_359 : memref<1x16xi32, #tpu.memory_space<vmem_shared>> -> memref<16xi32, #tpu.memory_space<vmem_shared>>
        tpu.wait_dma2 semaphore(%run_scoped3A : memref<!tpu.dma_semaphore, #tpu.memory_space<semaphore_mem>>) src(%arg8 : memref<16xi32, #tpu.memory_space<vmem>>) dst(%dma_wait3A_360 : memref<16xi32, #tpu.memory_space<vmem_shared>>)
        tpu.yield
      }) : () -> ()
    } else {
    }
    %barrier3A_156 = arith.constant 0 : index
    tpu.barrier barrier_id(%barrier3A_156)
    "tpu.region"() ({
      %run_scoped3A = tpu.sem_alloc : memref<!tpu.dma_semaphore, #tpu.memory_space<semaphore_mem>>
      %dma_start3A_347 = arith.constant 0 : i32
      %dma_start3A_348 = tpu.memref_slice %arg11[%select_n3A, %dma_start3A_347] : memref<4x16xi32, #tpu.memory_space<vmem_shared>> -> memref<1x16xi32, #tpu.memory_space<vmem_shared>>
      %dma_start3A_349 = tpu.memref_squeeze %dma_start3A_348 : memref<1x16xi32, #tpu.memory_space<vmem_shared>> -> memref<16xi32, #tpu.memory_space<vmem_shared>>
      %dma_start3A_350 = arith.constant 0 : i32
      %dma_start3A_351 = tpu.memref_slice %arg11[%select_n3A, %dma_start3A_350] : memref<4x16xi32, #tpu.memory_space<vmem_shared>> -> memref<1x16xi32, #tpu.memory_space<vmem_shared>>
      %dma_start3A_352 = tpu.memref_squeeze %dma_start3A_351 : memref<1x16xi32, #tpu.memory_space<vmem_shared>> -> memref<16xi32, #tpu.memory_space<vmem_shared>>
      tpu.enqueue_dma source(%dma_start3A_352 : memref<16xi32, #tpu.memory_space<vmem_shared>>) target(%arg8 : memref<16xi32, #tpu.memory_space<vmem>>) target_semaphore(%run_scoped3A : memref<!tpu.dma_semaphore, #tpu.memory_space<semaphore_mem>>)
      %dma_wait3A_353 = arith.constant 0 : i32
      %dma_wait3A_354 = tpu.memref_slice %arg11[%select_n3A, %dma_wait3A_353] : memref<4x16xi32, #tpu.memory_space<vmem_shared>> -> memref<1x16xi32, #tpu.memory_space<vmem_shared>>
      %dma_wait3A_355 = tpu.memref_squeeze %dma_wait3A_354 : memref<1x16xi32, #tpu.memory_space<vmem_shared>> -> memref<16xi32, #tpu.memory_space<vmem_shared>>
      %dma_wait3A_356 = arith.constant 0 : i32
      %dma_wait3A_357 = tpu.memref_slice %arg11[%select_n3A, %dma_wait3A_356] : memref<4x16xi32, #tpu.memory_space<vmem_shared>> -> memref<1x16xi32, #tpu.memory_space<vmem_shared>>
      %dma_wait3A_358 = tpu.memref_squeeze %dma_wait3A_357 : memref<1x16xi32, #tpu.memory_space<vmem_shared>> -> memref<16xi32, #tpu.memory_space<vmem_shared>>
      tpu.wait_dma2 semaphore(%run_scoped3A : memref<!tpu.dma_semaphore, #tpu.memory_space<semaphore_mem>>) src(%dma_wait3A_358 : memref<16xi32, #tpu.memory_space<vmem_shared>>) dst(%arg8 : memref<16xi32, #tpu.memory_space<vmem>>)
      tpu.yield
    }) : () -> ()
    %get3A_157 = arith.constant 0 : index
    %get3A_158 = tpu.vector_load %arg8[%get3A_157] {strides = array<i32>} : memref<16xi32, #tpu.memory_space<vmem>>, vector<16xi32>,
    %broadcast_in_dim3A_159 = vector.shape_cast %broadcast_in_dim3A_38 : vector<16xi32> to vector<16x1xi32>
    %gather3A_160 = vector.shape_cast %broadcast_in_dim3A_159 : vector<16x1xi32> to vector<16xi32>
    %gather3A_161 = tpu.dynamic_gather %get3A_158[%gather3A_160] in [0] : vector<16xi32>, vector<16xi32> -> vector<16xi32>
    %scan3A_162 = arith.constant 0 : i32
    %scan3A_163 = arith.constant 0 : i32
    %scan3A_164 = arith.constant 128 : i32
    %scan3A_165 = arith.addi %scan3A_163, %scan3A_164 : i32
    %scan3A_166 = arith.constant 1 : i32
    scf.for %scan3A_347 = %scan3A_163 to %scan3A_165 step %scan3A_166  : i32 {
      %mul3A_348 = arith.constant 128 : i32
      %mul3A_349 = arith.muli %scan3A_347, %mul3A_348 : i32
      %add3A_350 = arith.constant 0 : i32
      %add3A_351 = arith.addi %mul3A_349, %add3A_350 : i32
      %swap3A_352 = arith.index_cast %add3A_351 : i32 to index
      %swap3A_353 = tpu.vector_load %arg5[%swap3A_352] {strides = array<i32>} : memref<32768xi32, #tpu.memory_space<vmem>>, vector<16xi32>,
      tpu.vector_store %arg5[%swap3A_352], %broadcast_in_dim3A_38 {strides = array<i32>} : memref<32768xi32, #tpu.memory_space<vmem>>, vector<16xi32>,
      %mul3A_354 = arith.constant 128 : i32
      %mul3A_355 = arith.muli %scan3A_347, %mul3A_354 : i32
      %add3A_356 = arith.constant 16 : i32
      %add3A_357 = arith.addi %mul3A_355, %add3A_356 : i32
      %swap3A_358 = arith.index_cast %add3A_357 : i32 to index
      %swap3A_359 = tpu.vector_load %arg5[%swap3A_358] {strides = array<i32>} : memref<32768xi32, #tpu.memory_space<vmem>>, vector<16xi32>,
      tpu.vector_store %arg5[%swap3A_358], %broadcast_in_dim3A_38 {strides = array<i32>} : memref<32768xi32, #tpu.memory_space<vmem>>, vector<16xi32>,
      %mul3A_360 = arith.constant 128 : i32
      %mul3A_361 = arith.muli %scan3A_347, %mul3A_360 : i32
      %add3A_362 = arith.constant 32 : i32
      %add3A_363 = arith.addi %mul3A_361, %add3A_362 : i32
      %swap3A_364 = arith.index_cast %add3A_363 : i32 to index
      %swap3A_365 = tpu.vector_load %arg5[%swap3A_364] {strides = array<i32>} : memref<32768xi32, #tpu.memory_space<vmem>>, vector<16xi32>,
      tpu.vector_store %arg5[%swap3A_364], %broadcast_in_dim3A_38 {strides = array<i32>} : memref<32768xi32, #tpu.memory_space<vmem>>, vector<16xi32>,
      %mul3A_366 = arith.constant 128 : i32
      %mul3A_367 = arith.muli %scan3A_347, %mul3A_366 : i32
      %add3A_368 = arith.constant 48 : i32
      %add3A_369 = arith.addi %mul3A_367, %add3A_368 : i32
      %swap3A_370 = arith.index_cast %add3A_369 : i32 to index
      %swap3A_371 = tpu.vector_load %arg5[%swap3A_370] {strides = array<i32>} : memref<32768xi32, #tpu.memory_space<vmem>>, vector<16xi32>,
      tpu.vector_store %arg5[%swap3A_370], %broadcast_in_dim3A_38 {strides = array<i32>} : memref<32768xi32, #tpu.memory_space<vmem>>, vector<16xi32>,
      %mul3A_372 = arith.constant 128 : i32
      %mul3A_373 = arith.muli %scan3A_347, %mul3A_372 : i32
      %add3A_374 = arith.constant 64 : i32
      %add3A_375 = arith.addi %mul3A_373, %add3A_374 : i32
      %swap3A_376 = arith.index_cast %add3A_375 : i32 to index
      %swap3A_377 = tpu.vector_load %arg5[%swap3A_376] {strides = array<i32>} : memref<32768xi32, #tpu.memory_space<vmem>>, vector<16xi32>,
      tpu.vector_store %arg5[%swap3A_376], %broadcast_in_dim3A_38 {strides = array<i32>} : memref<32768xi32, #tpu.memory_space<vmem>>, vector<16xi32>,
      %mul3A_378 = arith.constant 128 : i32
      %mul3A_379 = arith.muli %scan3A_347, %mul3A_378 : i32
      %add3A_380 = arith.constant 80 : i32
      %add3A_381 = arith.addi %mul3A_379, %add3A_380 : i32
      %swap3A_382 = arith.index_cast %add3A_381 : i32 to index
      %swap3A_383 = tpu.vector_load %arg5[%swap3A_382] {strides = array<i32>} : memref<32768xi32, #tpu.memory_space<vmem>>, vector<16xi32>,
      tpu.vector_store %arg5[%swap3A_382], %broadcast_in_dim3A_38 {strides = array<i32>} : memref<32768xi32, #tpu.memory_space<vmem>>, vector<16xi32>,
      %mul3A_384 = arith.constant 128 : i32
      %mul3A_385 = arith.muli %scan3A_347, %mul3A_384 : i32
      %add3A_386 = arith.constant 96 : i32
      %add3A_387 = arith.addi %mul3A_385, %add3A_386 : i32
      %swap3A_388 = arith.index_cast %add3A_387 : i32 to index
      %swap3A_389 = tpu.vector_load %arg5[%swap3A_388] {strides = array<i32>} : memref<32768xi32, #tpu.memory_space<vmem>>, vector<16xi32>,
      tpu.vector_store %arg5[%swap3A_388], %broadcast_in_dim3A_38 {strides = array<i32>} : memref<32768xi32, #tpu.memory_space<vmem>>, vector<16xi32>,
      %mul3A_390 = arith.constant 128 : i32
      %mul3A_391 = arith.muli %scan3A_347, %mul3A_390 : i32
      %add3A_392 = arith.constant 112 : i32
      %add3A_393 = arith.addi %mul3A_391, %add3A_392 : i32
      %swap3A_394 = arith.index_cast %add3A_393 : i32 to index
      %swap3A_395 = tpu.vector_load %arg5[%swap3A_394] {strides = array<i32>} : memref<32768xi32, #tpu.memory_space<vmem>>, vector<16xi32>,
      tpu.vector_store %arg5[%swap3A_394], %broadcast_in_dim3A_38 {strides = array<i32>} : memref<32768xi32, #tpu.memory_space<vmem>>, vector<16xi32>,
    }
    %scan3A_167 = arith.constant 128 : i32
    %add3A_168 = arith.constant 0 : i32
    %add3A_169 = arith.addi %add3A_35, %add3A_168 : i32
    %dma_start3A_170 = arith.constant 0 : i32
    %dma_start3A_171 = arith.constant 0 : i32
    %dma_start3A_172 = arith.constant 0 : i32
    %dma_start3A_173 = tpu.memref_slice %arg6[%dma_start3A_170, %dma_start3A_172] : memref<2x32768xi32, #tpu.memory_space<vmem>> -> memref<1x32768xi32, #tpu.memory_space<vmem>>
    %dma_start3A_174 = tpu.memref_squeeze %dma_start3A_173 : memref<1x32768xi32, #tpu.memory_space<vmem>> -> memref<32768xi32, #tpu.memory_space<vmem>>
    %dma_start3A_175 = tpu.memref_slice %arg2[%add3A_169] : memref<2097152xi32, #tpu.memory_space<hbm>> -> memref<32768xi32, #tpu.memory_space<hbm>>
    %dma_start3A_176 = tpu.memref_slice %arg13[%dma_start3A_171] : memref<2x!tpu.dma_semaphore, #tpu.memory_space<semaphore_mem>> -> memref<1x!tpu.dma_semaphore, #tpu.memory_space<semaphore_mem>>
    %dma_start3A_177 = tpu.memref_squeeze %dma_start3A_176 : memref<1x!tpu.dma_semaphore, #tpu.memory_space<semaphore_mem>> -> memref<!tpu.dma_semaphore, #tpu.memory_space<semaphore_mem>>
    %dma_start3A_178 = arith.constant 0 : i32
    %dma_start3A_179 = tpu.memref_slice %arg6[%dma_start3A_170, %dma_start3A_178] : memref<2x32768xi32, #tpu.memory_space<vmem>> -> memref<1x32768xi32, #tpu.memory_space<vmem>>
    %dma_start3A_180 = tpu.memref_squeeze %dma_start3A_179 : memref<1x32768xi32, #tpu.memory_space<vmem>> -> memref<32768xi32, #tpu.memory_space<vmem>>
    %dma_start3A_181 = tpu.memref_slice %arg2[%add3A_169] : memref<2097152xi32, #tpu.memory_space<hbm>> -> memref<32768xi32, #tpu.memory_space<hbm>>
    tpu.enqueue_dma source(%dma_start3A_181 : memref<32768xi32, #tpu.memory_space<hbm>>) target(%dma_start3A_180 : memref<32768xi32, #tpu.memory_space<vmem>>) target_semaphore(%dma_start3A_177 : memref<!tpu.dma_semaphore, #tpu.memory_space<semaphore_mem>>)
    %add3A_182 = arith.constant 32768 : i32
    %add3A_183 = arith.addi %add3A_35, %add3A_182 : i32
    %dma_start3A_184 = arith.constant 1 : i32
    %dma_start3A_185 = arith.constant 1 : i32
    %dma_start3A_186 = arith.constant 0 : i32
    %dma_start3A_187 = tpu.memref_slice %arg6[%dma_start3A_184, %dma_start3A_186] : memref<2x32768xi32, #tpu.memory_space<vmem>> -> memref<1x32768xi32, #tpu.memory_space<vmem>>
    %dma_start3A_188 = tpu.memref_squeeze %dma_start3A_187 : memref<1x32768xi32, #tpu.memory_space<vmem>> -> memref<32768xi32, #tpu.memory_space<vmem>>
    %dma_start3A_189 = tpu.memref_slice %arg2[%add3A_183] : memref<2097152xi32, #tpu.memory_space<hbm>> -> memref<32768xi32, #tpu.memory_space<hbm>>
    %dma_start3A_190 = tpu.memref_slice %arg13[%dma_start3A_185] : memref<2x!tpu.dma_semaphore, #tpu.memory_space<semaphore_mem>> -> memref<1x!tpu.dma_semaphore, #tpu.memory_space<semaphore_mem>>
    %dma_start3A_191 = tpu.memref_squeeze %dma_start3A_190 : memref<1x!tpu.dma_semaphore, #tpu.memory_space<semaphore_mem>> -> memref<!tpu.dma_semaphore, #tpu.memory_space<semaphore_mem>>
    %dma_start3A_192 = arith.constant 0 : i32
    %dma_start3A_193 = tpu.memref_slice %arg6[%dma_start3A_184, %dma_start3A_192] : memref<2x32768xi32, #tpu.memory_space<vmem>> -> memref<1x32768xi32, #tpu.memory_space<vmem>>
    %dma_start3A_194 = tpu.memref_squeeze %dma_start3A_193 : memref<1x32768xi32, #tpu.memory_space<vmem>> -> memref<32768xi32, #tpu.memory_space<vmem>>
    %dma_start3A_195 = tpu.memref_slice %arg2[%add3A_183] : memref<2097152xi32, #tpu.memory_space<hbm>> -> memref<32768xi32, #tpu.memory_space<hbm>>
    tpu.enqueue_dma source(%dma_start3A_195 : memref<32768xi32, #tpu.memory_space<hbm>>) target(%dma_start3A_194 : memref<32768xi32, #tpu.memory_space<vmem>>) target_semaphore(%dma_start3A_191 : memref<!tpu.dma_semaphore, #tpu.memory_space<semaphore_mem>>)
    %dma_wait3A_196 = arith.constant 0 : i32
    %dma_wait3A_197 = arith.constant 0 : i32
    %dma_wait3A_198 = arith.constant 0 : i32
    %dma_wait3A_199 = tpu.memref_slice %arg6[%dma_wait3A_196, %dma_wait3A_198] : memref<2x32768xi32, #tpu.memory_space<vmem>> -> memref<1x32768xi32, #tpu.memory_space<vmem>>
    %dma_wait3A_200 = tpu.memref_squeeze %dma_wait3A_199 : memref<1x32768xi32, #tpu.memory_space<vmem>> -> memref<32768xi32, #tpu.memory_space<vmem>>
    %dma_wait3A_201 = tpu.memref_slice %arg2[%add3A_169] : memref<2097152xi32, #tpu.memory_space<hbm>> -> memref<32768xi32, #tpu.memory_space<hbm>>
    %dma_wait3A_202 = tpu.memref_slice %arg13[%dma_wait3A_197] : memref<2x!tpu.dma_semaphore, #tpu.memory_space<semaphore_mem>> -> memref<1x!tpu.dma_semaphore, #tpu.memory_space<semaphore_mem>>
    %dma_wait3A_203 = tpu.memref_squeeze %dma_wait3A_202 : memref<1x!tpu.dma_semaphore, #tpu.memory_space<semaphore_mem>> -> memref<!tpu.dma_semaphore, #tpu.memory_space<semaphore_mem>>
    %dma_wait3A_204 = arith.constant 0 : i32
    %dma_wait3A_205 = tpu.memref_slice %arg6[%dma_wait3A_196, %dma_wait3A_204] : memref<2x32768xi32, #tpu.memory_space<vmem>> -> memref<1x32768xi32, #tpu.memory_space<vmem>>
    %dma_wait3A_206 = tpu.memref_squeeze %dma_wait3A_205 : memref<1x32768xi32, #tpu.memory_space<vmem>> -> memref<32768xi32, #tpu.memory_space<vmem>>
    %dma_wait3A_207 = tpu.memref_slice %arg2[%add3A_169] : memref<2097152xi32, #tpu.memory_space<hbm>> -> memref<32768xi32, #tpu.memory_space<hbm>>
    tpu.wait_dma2 semaphore(%dma_wait3A_203 : memref<!tpu.dma_semaphore, #tpu.memory_space<semaphore_mem>>) src(%dma_wait3A_207 : memref<32768xi32, #tpu.memory_space<hbm>>) dst(%dma_wait3A_206 : memref<32768xi32, #tpu.memory_space<vmem>>)
    %scan3A_208 = arith.constant 0 : i32
    %scan3A_209 = arith.constant 256 : i32
    %scan3A_210 = arith.addi %scan3A_208, %scan3A_209 : i32
    %scan3A_211 = arith.constant 1 : i32
    scf.for %scan3A_347 = %scan3A_208 to %scan3A_210 step %scan3A_211  : i32 {
      %mul3A_348 = arith.constant 128 : i32
      %mul3A_349 = arith.muli %scan3A_347, %mul3A_348 : i32
      %add3A_350 = arith.constant 0 : i32
      %add3A_351 = arith.addi %mul3A_349, %add3A_350 : i32
      %get3A_352 = arith.constant 0 : i32
      %get3A_353 = arith.index_cast %get3A_352 : i32 to index
      %get3A_354 = arith.index_cast %add3A_351 : i32 to index
      %get3A_355 = tpu.vector_load %arg6[%get3A_353, %get3A_354] {strides = array<i32>} : memref<2x32768xi32, #tpu.memory_space<vmem>>, vector<16xi32>,
      %shift_right_arithmetic3A = arith.constant 20 : i32
      %shift_right_arithmetic3A_356 = vector.broadcast %shift_right_arithmetic3A : i32 to vector<16xi32>
      %shift_right_arithmetic3A_357 = arith.shrsi %get3A_355, %shift_right_arithmetic3A_356 : vector<16xi32>
      %eq3A_358 = arith.cmpi eq, %shift_right_arithmetic3A_357, %gather3A_161 : vector<16xi32>
      %shift_right_arithmetic3A_359 = arith.constant 10 : i32
      %shift_right_arithmetic3A_360 = vector.broadcast %shift_right_arithmetic3A_359 : i32 to vector<16xi32>
      %shift_right_arithmetic3A_361 = arith.shrsi %get3A_355, %shift_right_arithmetic3A_360 : vector<16xi32>
      %and3A_362 = arith.constant 1023 : i32
      %and3A_363 = vector.broadcast %and3A_362 : i32 to vector<16xi32>
      %and3A_364 = arith.andi %shift_right_arithmetic3A_361, %and3A_363 : vector<16xi32>
      %add3A_365 = arith.addi %mul3A_49, %and3A_364 : vector<16xi32>
      tpu.vector_store_idx %arg5[%add3A_365], %broadcast_in_dim3A_42 masked %eq3A_358 {add = true} : memref<32768xi32, #tpu.memory_space<vmem>>[vector<16xi32>], vector<16xi32>, vector<16xi1>
      %mul3A_366 = arith.constant 128 : i32
      %mul3A_367 = arith.muli %scan3A_347, %mul3A_366 : i32
      %add3A_368 = arith.constant 16 : i32
      %add3A_369 = arith.addi %mul3A_367, %add3A_368 : i32
      %get3A_370 = arith.constant 0 : i32
      %get3A_371 = arith.index_cast %get3A_370 : i32 to index
      %get3A_372 = arith.index_cast %add3A_369 : i32 to index
      %get3A_373 = tpu.vector_load %arg6[%get3A_371, %get3A_372] {strides = array<i32>} : memref<2x32768xi32, #tpu.memory_space<vmem>>, vector<16xi32>,
      %shift_right_arithmetic3A_374 = arith.constant 20 : i32
      %shift_right_arithmetic3A_375 = vector.broadcast %shift_right_arithmetic3A_374 : i32 to vector<16xi32>
      %shift_right_arithmetic3A_376 = arith.shrsi %get3A_373, %shift_right_arithmetic3A_375 : vector<16xi32>
      %eq3A_377 = arith.cmpi eq, %shift_right_arithmetic3A_376, %gather3A_161 : vector<16xi32>
      %shift_right_arithmetic3A_378 = arith.constant 10 : i32
      %shift_right_arithmetic3A_379 = vector.broadcast %shift_right_arithmetic3A_378 : i32 to vector<16xi32>
      %shift_right_arithmetic3A_380 = arith.shrsi %get3A_373, %shift_right_arithmetic3A_379 : vector<16xi32>
      %and3A_381 = arith.constant 1023 : i32
      %and3A_382 = vector.broadcast %and3A_381 : i32 to vector<16xi32>
      %and3A_383 = arith.andi %shift_right_arithmetic3A_380, %and3A_382 : vector<16xi32>
      %add3A_384 = arith.addi %mul3A_49, %and3A_383 : vector<16xi32>
      tpu.vector_store_idx %arg5[%add3A_384], %broadcast_in_dim3A_42 masked %eq3A_377 {add = true} : memref<32768xi32, #tpu.memory_space<vmem>>[vector<16xi32>], vector<16xi32>, vector<16xi1>
      %mul3A_385 = arith.constant 128 : i32
      %mul3A_386 = arith.muli %scan3A_347, %mul3A_385 : i32
      %add3A_387 = arith.constant 32 : i32
      %add3A_388 = arith.addi %mul3A_386, %add3A_387 : i32
      %get3A_389 = arith.constant 0 : i32
      %get3A_390 = arith.index_cast %get3A_389 : i32 to index
      %get3A_391 = arith.index_cast %add3A_388 : i32 to index
      %get3A_392 = tpu.vector_load %arg6[%get3A_390, %get3A_391] {strides = array<i32>} : memref<2x32768xi32, #tpu.memory_space<vmem>>, vector<16xi32>,
      %shift_right_arithmetic3A_393 = arith.constant 20 : i32
      %shift_right_arithmetic3A_394 = vector.broadcast %shift_right_arithmetic3A_393 : i32 to vector<16xi32>
      %shift_right_arithmetic3A_395 = arith.shrsi %get3A_392, %shift_right_arithmetic3A_394 : vector<16xi32>
      %eq3A_396 = arith.cmpi eq, %shift_right_arithmetic3A_395, %gather3A_161 : vector<16xi32>
      %shift_right_arithmetic3A_397 = arith.constant 10 : i32
      %shift_right_arithmetic3A_398 = vector.broadcast %shift_right_arithmetic3A_397 : i32 to vector<16xi32>
      %shift_right_arithmetic3A_399 = arith.shrsi %get3A_392, %shift_right_arithmetic3A_398 : vector<16xi32>
      %and3A_400 = arith.constant 1023 : i32
      %and3A_401 = vector.broadcast %and3A_400 : i32 to vector<16xi32>
      %and3A_402 = arith.andi %shift_right_arithmetic3A_399, %and3A_401 : vector<16xi32>
      %add3A_403 = arith.addi %mul3A_49, %and3A_402 : vector<16xi32>
      tpu.vector_store_idx %arg5[%add3A_403], %broadcast_in_dim3A_42 masked %eq3A_396 {add = true} : memref<32768xi32, #tpu.memory_space<vmem>>[vector<16xi32>], vector<16xi32>, vector<16xi1>
      %mul3A_404 = arith.constant 128 : i32
      %mul3A_405 = arith.muli %scan3A_347, %mul3A_404 : i32
      %add3A_406 = arith.constant 48 : i32
      %add3A_407 = arith.addi %mul3A_405, %add3A_406 : i32
      %get3A_408 = arith.constant 0 : i32
      %get3A_409 = arith.index_cast %get3A_408 : i32 to index
      %get3A_410 = arith.index_cast %add3A_407 : i32 to index
      %get3A_411 = tpu.vector_load %arg6[%get3A_409, %get3A_410] {strides = array<i32>} : memref<2x32768xi32, #tpu.memory_space<vmem>>, vector<16xi32>,
      %shift_right_arithmetic3A_412 = arith.constant 20 : i32
      %shift_right_arithmetic3A_413 = vector.broadcast %shift_right_arithmetic3A_412 : i32 to vector<16xi32>
      %shift_right_arithmetic3A_414 = arith.shrsi %get3A_411, %shift_right_arithmetic3A_413 : vector<16xi32>
      %eq3A_415 = arith.cmpi eq, %shift_right_arithmetic3A_414, %gather3A_161 : vector<16xi32>
      %shift_right_arithmetic3A_416 = arith.constant 10 : i32
      %shift_right_arithmetic3A_417 = vector.broadcast %shift_right_arithmetic3A_416 : i32 to vector<16xi32>
      %shift_right_arithmetic3A_418 = arith.shrsi %get3A_411, %shift_right_arithmetic3A_417 : vector<16xi32>
      %and3A_419 = arith.constant 1023 : i32
      %and3A_420 = vector.broadcast %and3A_419 : i32 to vector<16xi32>
      %and3A_421 = arith.andi %shift_right_arithmetic3A_418, %and3A_420 : vector<16xi32>
      %add3A_422 = arith.addi %mul3A_49, %and3A_421 : vector<16xi32>
      tpu.vector_store_idx %arg5[%add3A_422], %broadcast_in_dim3A_42 masked %eq3A_415 {add = true} : memref<32768xi32, #tpu.memory_space<vmem>>[vector<16xi32>], vector<16xi32>, vector<16xi1>
      %mul3A_423 = arith.constant 128 : i32
      %mul3A_424 = arith.muli %scan3A_347, %mul3A_423 : i32
      %add3A_425 = arith.constant 64 : i32
      %add3A_426 = arith.addi %mul3A_424, %add3A_425 : i32
      %get3A_427 = arith.constant 0 : i32
      %get3A_428 = arith.index_cast %get3A_427 : i32 to index
      %get3A_429 = arith.index_cast %add3A_426 : i32 to index
      %get3A_430 = tpu.vector_load %arg6[%get3A_428, %get3A_429] {strides = array<i32>} : memref<2x32768xi32, #tpu.memory_space<vmem>>, vector<16xi32>,
      %shift_right_arithmetic3A_431 = arith.constant 20 : i32
      %shift_right_arithmetic3A_432 = vector.broadcast %shift_right_arithmetic3A_431 : i32 to vector<16xi32>
      %shift_right_arithmetic3A_433 = arith.shrsi %get3A_430, %shift_right_arithmetic3A_432 : vector<16xi32>
      %eq3A_434 = arith.cmpi eq, %shift_right_arithmetic3A_433, %gather3A_161 : vector<16xi32>
      %shift_right_arithmetic3A_435 = arith.constant 10 : i32
      %shift_right_arithmetic3A_436 = vector.broadcast %shift_right_arithmetic3A_435 : i32 to vector<16xi32>
      %shift_right_arithmetic3A_437 = arith.shrsi %get3A_430, %shift_right_arithmetic3A_436 : vector<16xi32>
      %and3A_438 = arith.constant 1023 : i32
      %and3A_439 = vector.broadcast %and3A_438 : i32 to vector<16xi32>
      %and3A_440 = arith.andi %shift_right_arithmetic3A_437, %and3A_439 : vector<16xi32>
      %add3A_441 = arith.addi %mul3A_49, %and3A_440 : vector<16xi32>
      tpu.vector_store_idx %arg5[%add3A_441], %broadcast_in_dim3A_42 masked %eq3A_434 {add = true} : memref<32768xi32, #tpu.memory_space<vmem>>[vector<16xi32>], vector<16xi32>, vector<16xi1>
      %mul3A_442 = arith.constant 128 : i32
      %mul3A_443 = arith.muli %scan3A_347, %mul3A_442 : i32
      %add3A_444 = arith.constant 80 : i32
      %add3A_445 = arith.addi %mul3A_443, %add3A_444 : i32
      %get3A_446 = arith.constant 0 : i32
      %get3A_447 = arith.index_cast %get3A_446 : i32 to index
      %get3A_448 = arith.index_cast %add3A_445 : i32 to index
      %get3A_449 = tpu.vector_load %arg6[%get3A_447, %get3A_448] {strides = array<i32>} : memref<2x32768xi32, #tpu.memory_space<vmem>>, vector<16xi32>,
      %shift_right_arithmetic3A_450 = arith.constant 20 : i32
      %shift_right_arithmetic3A_451 = vector.broadcast %shift_right_arithmetic3A_450 : i32 to vector<16xi32>
      %shift_right_arithmetic3A_452 = arith.shrsi %get3A_449, %shift_right_arithmetic3A_451 : vector<16xi32>
      %eq3A_453 = arith.cmpi eq, %shift_right_arithmetic3A_452, %gather3A_161 : vector<16xi32>
      %shift_right_arithmetic3A_454 = arith.constant 10 : i32
      %shift_right_arithmetic3A_455 = vector.broadcast %shift_right_arithmetic3A_454 : i32 to vector<16xi32>
      %shift_right_arithmetic3A_456 = arith.shrsi %get3A_449, %shift_right_arithmetic3A_455 : vector<16xi32>
      %and3A_457 = arith.constant 1023 : i32
      %and3A_458 = vector.broadcast %and3A_457 : i32 to vector<16xi32>
      %and3A_459 = arith.andi %shift_right_arithmetic3A_456, %and3A_458 : vector<16xi32>
      %add3A_460 = arith.addi %mul3A_49, %and3A_459 : vector<16xi32>
      tpu.vector_store_idx %arg5[%add3A_460], %broadcast_in_dim3A_42 masked %eq3A_453 {add = true} : memref<32768xi32, #tpu.memory_space<vmem>>[vector<16xi32>], vector<16xi32>, vector<16xi1>
      %mul3A_461 = arith.constant 128 : i32
      %mul3A_462 = arith.muli %scan3A_347, %mul3A_461 : i32
      %add3A_463 = arith.constant 96 : i32
      %add3A_464 = arith.addi %mul3A_462, %add3A_463 : i32
      %get3A_465 = arith.constant 0 : i32
      %get3A_466 = arith.index_cast %get3A_465 : i32 to index
      %get3A_467 = arith.index_cast %add3A_464 : i32 to index
      %get3A_468 = tpu.vector_load %arg6[%get3A_466, %get3A_467] {strides = array<i32>} : memref<2x32768xi32, #tpu.memory_space<vmem>>, vector<16xi32>,
      %shift_right_arithmetic3A_469 = arith.constant 20 : i32
      %shift_right_arithmetic3A_470 = vector.broadcast %shift_right_arithmetic3A_469 : i32 to vector<16xi32>
      %shift_right_arithmetic3A_471 = arith.shrsi %get3A_468, %shift_right_arithmetic3A_470 : vector<16xi32>
      %eq3A_472 = arith.cmpi eq, %shift_right_arithmetic3A_471, %gather3A_161 : vector<16xi32>
      %shift_right_arithmetic3A_473 = arith.constant 10 : i32
      %shift_right_arithmetic3A_474 = vector.broadcast %shift_right_arithmetic3A_473 : i32 to vector<16xi32>
      %shift_right_arithmetic3A_475 = arith.shrsi %get3A_468, %shift_right_arithmetic3A_474 : vector<16xi32>
      %and3A_476 = arith.constant 1023 : i32
      %and3A_477 = vector.broadcast %and3A_476 : i32 to vector<16xi32>
      %and3A_478 = arith.andi %shift_right_arithmetic3A_475, %and3A_477 : vector<16xi32>
      %add3A_479 = arith.addi %mul3A_49, %and3A_478 : vector<16xi32>
      tpu.vector_store_idx %arg5[%add3A_479], %broadcast_in_dim3A_42 masked %eq3A_472 {add = true} : memref<32768xi32, #tpu.memory_space<vmem>>[vector<16xi32>], vector<16xi32>, vector<16xi1>
      %mul3A_480 = arith.constant 128 : i32
      %mul3A_481 = arith.muli %scan3A_347, %mul3A_480 : i32
      %add3A_482 = arith.constant 112 : i32
      %add3A_483 = arith.addi %mul3A_481, %add3A_482 : i32
      %get3A_484 = arith.constant 0 : i32
      %get3A_485 = arith.index_cast %get3A_484 : i32 to index
      %get3A_486 = arith.index_cast %add3A_483 : i32 to index
      %get3A_487 = tpu.vector_load %arg6[%get3A_485, %get3A_486] {strides = array<i32>} : memref<2x32768xi32, #tpu.memory_space<vmem>>, vector<16xi32>,
      %shift_right_arithmetic3A_488 = arith.constant 20 : i32
      %shift_right_arithmetic3A_489 = vector.broadcast %shift_right_arithmetic3A_488 : i32 to vector<16xi32>
      %shift_right_arithmetic3A_490 = arith.shrsi %get3A_487, %shift_right_arithmetic3A_489 : vector<16xi32>
      %eq3A_491 = arith.cmpi eq, %shift_right_arithmetic3A_490, %gather3A_161 : vector<16xi32>
      %shift_right_arithmetic3A_492 = arith.constant 10 : i32
      %shift_right_arithmetic3A_493 = vector.broadcast %shift_right_arithmetic3A_492 : i32 to vector<16xi32>
      %shift_right_arithmetic3A_494 = arith.shrsi %get3A_487, %shift_right_arithmetic3A_493 : vector<16xi32>
      %and3A_495 = arith.constant 1023 : i32
      %and3A_496 = vector.broadcast %and3A_495 : i32 to vector<16xi32>
      %and3A_497 = arith.andi %shift_right_arithmetic3A_494, %and3A_496 : vector<16xi32>
      %add3A_498 = arith.addi %mul3A_49, %and3A_497 : vector<16xi32>
      tpu.vector_store_idx %arg5[%add3A_498], %broadcast_in_dim3A_42 masked %eq3A_491 {add = true} : memref<32768xi32, #tpu.memory_space<vmem>>[vector<16xi32>], vector<16xi32>, vector<16xi1>
    }
    %scan3A_212 = arith.constant 256 : i32
    %dma_wait3A_213 = arith.constant 1 : i32
    %dma_wait3A_214 = arith.constant 1 : i32
    %dma_wait3A_215 = arith.constant 0 : i32
    %dma_wait3A_216 = tpu.memref_slice %arg6[%dma_wait3A_213, %dma_wait3A_215] : memref<2x32768xi32, #tpu.memory_space<vmem>> -> memref<1x32768xi32, #tpu.memory_space<vmem>>
    %dma_wait3A_217 = tpu.memref_squeeze %dma_wait3A_216 : memref<1x32768xi32, #tpu.memory_space<vmem>> -> memref<32768xi32, #tpu.memory_space<vmem>>
    %dma_wait3A_218 = tpu.memref_slice %arg2[%add3A_183] : memref<2097152xi32, #tpu.memory_space<hbm>> -> memref<32768xi32, #tpu.memory_space<hbm>>
    %dma_wait3A_219 = tpu.memref_slice %arg13[%dma_wait3A_214] : memref<2x!tpu.dma_semaphore, #tpu.memory_space<semaphore_mem>> -> memref<1x!tpu.dma_semaphore, #tpu.memory_space<semaphore_mem>>
    %dma_wait3A_220 = tpu.memref_squeeze %dma_wait3A_219 : memref<1x!tpu.dma_semaphore, #tpu.memory_space<semaphore_mem>> -> memref<!tpu.dma_semaphore, #tpu.memory_space<semaphore_mem>>
    %dma_wait3A_221 = arith.constant 0 : i32
    %dma_wait3A_222 = tpu.memref_slice %arg6[%dma_wait3A_213, %dma_wait3A_221] : memref<2x32768xi32, #tpu.memory_space<vmem>> -> memref<1x32768xi32, #tpu.memory_space<vmem>>
    %dma_wait3A_223 = tpu.memref_squeeze %dma_wait3A_222 : memref<1x32768xi32, #tpu.memory_space<vmem>> -> memref<32768xi32, #tpu.memory_space<vmem>>
    %dma_wait3A_224 = tpu.memref_slice %arg2[%add3A_183] : memref<2097152xi32, #tpu.memory_space<hbm>> -> memref<32768xi32, #tpu.memory_space<hbm>>
    tpu.wait_dma2 semaphore(%dma_wait3A_220 : memref<!tpu.dma_semaphore, #tpu.memory_space<semaphore_mem>>) src(%dma_wait3A_224 : memref<32768xi32, #tpu.memory_space<hbm>>) dst(%dma_wait3A_223 : memref<32768xi32, #tpu.memory_space<vmem>>)
    %scan3A_225 = arith.constant 0 : i32
    %scan3A_226 = arith.constant 256 : i32
    %scan3A_227 = arith.addi %scan3A_225, %scan3A_226 : i32
    %scan3A_228 = arith.constant 1 : i32
    scf.for %scan3A_347 = %scan3A_225 to %scan3A_227 step %scan3A_228  : i32 {
      %mul3A_348 = arith.constant 128 : i32
      %mul3A_349 = arith.muli %scan3A_347, %mul3A_348 : i32
      %add3A_350 = arith.constant 0 : i32
      %add3A_351 = arith.addi %mul3A_349, %add3A_350 : i32
      %get3A_352 = arith.constant 1 : i32
      %get3A_353 = arith.index_cast %get3A_352 : i32 to index
      %get3A_354 = arith.index_cast %add3A_351 : i32 to index
      %get3A_355 = tpu.vector_load %arg6[%get3A_353, %get3A_354] {strides = array<i32>} : memref<2x32768xi32, #tpu.memory_space<vmem>>, vector<16xi32>,
      %shift_right_arithmetic3A = arith.constant 20 : i32
      %shift_right_arithmetic3A_356 = vector.broadcast %shift_right_arithmetic3A : i32 to vector<16xi32>
      %shift_right_arithmetic3A_357 = arith.shrsi %get3A_355, %shift_right_arithmetic3A_356 : vector<16xi32>
      %eq3A_358 = arith.cmpi eq, %shift_right_arithmetic3A_357, %gather3A_161 : vector<16xi32>
      %shift_right_arithmetic3A_359 = arith.constant 10 : i32
      %shift_right_arithmetic3A_360 = vector.broadcast %shift_right_arithmetic3A_359 : i32 to vector<16xi32>
      %shift_right_arithmetic3A_361 = arith.shrsi %get3A_355, %shift_right_arithmetic3A_360 : vector<16xi32>
      %and3A_362 = arith.constant 1023 : i32
      %and3A_363 = vector.broadcast %and3A_362 : i32 to vector<16xi32>
      %and3A_364 = arith.andi %shift_right_arithmetic3A_361, %and3A_363 : vector<16xi32>
      %add3A_365 = arith.addi %mul3A_49, %and3A_364 : vector<16xi32>
      tpu.vector_store_idx %arg5[%add3A_365], %broadcast_in_dim3A_42 masked %eq3A_358 {add = true} : memref<32768xi32, #tpu.memory_space<vmem>>[vector<16xi32>], vector<16xi32>, vector<16xi1>
      %mul3A_366 = arith.constant 128 : i32
      %mul3A_367 = arith.muli %scan3A_347, %mul3A_366 : i32
      %add3A_368 = arith.constant 16 : i32
      %add3A_369 = arith.addi %mul3A_367, %add3A_368 : i32
      %get3A_370 = arith.constant 1 : i32
      %get3A_371 = arith.index_cast %get3A_370 : i32 to index
      %get3A_372 = arith.index_cast %add3A_369 : i32 to index
      %get3A_373 = tpu.vector_load %arg6[%get3A_371, %get3A_372] {strides = array<i32>} : memref<2x32768xi32, #tpu.memory_space<vmem>>, vector<16xi32>,
      %shift_right_arithmetic3A_374 = arith.constant 20 : i32
      %shift_right_arithmetic3A_375 = vector.broadcast %shift_right_arithmetic3A_374 : i32 to vector<16xi32>
      %shift_right_arithmetic3A_376 = arith.shrsi %get3A_373, %shift_right_arithmetic3A_375 : vector<16xi32>
      %eq3A_377 = arith.cmpi eq, %shift_right_arithmetic3A_376, %gather3A_161 : vector<16xi32>
      %shift_right_arithmetic3A_378 = arith.constant 10 : i32
      %shift_right_arithmetic3A_379 = vector.broadcast %shift_right_arithmetic3A_378 : i32 to vector<16xi32>
      %shift_right_arithmetic3A_380 = arith.shrsi %get3A_373, %shift_right_arithmetic3A_379 : vector<16xi32>
      %and3A_381 = arith.constant 1023 : i32
      %and3A_382 = vector.broadcast %and3A_381 : i32 to vector<16xi32>
      %and3A_383 = arith.andi %shift_right_arithmetic3A_380, %and3A_382 : vector<16xi32>
      %add3A_384 = arith.addi %mul3A_49, %and3A_383 : vector<16xi32>
      tpu.vector_store_idx %arg5[%add3A_384], %broadcast_in_dim3A_42 masked %eq3A_377 {add = true} : memref<32768xi32, #tpu.memory_space<vmem>>[vector<16xi32>], vector<16xi32>, vector<16xi1>
      %mul3A_385 = arith.constant 128 : i32
      %mul3A_386 = arith.muli %scan3A_347, %mul3A_385 : i32
      %add3A_387 = arith.constant 32 : i32
      %add3A_388 = arith.addi %mul3A_386, %add3A_387 : i32
      %get3A_389 = arith.constant 1 : i32
      %get3A_390 = arith.index_cast %get3A_389 : i32 to index
      %get3A_391 = arith.index_cast %add3A_388 : i32 to index
      %get3A_392 = tpu.vector_load %arg6[%get3A_390, %get3A_391] {strides = array<i32>} : memref<2x32768xi32, #tpu.memory_space<vmem>>, vector<16xi32>,
      %shift_right_arithmetic3A_393 = arith.constant 20 : i32
      %shift_right_arithmetic3A_394 = vector.broadcast %shift_right_arithmetic3A_393 : i32 to vector<16xi32>
      %shift_right_arithmetic3A_395 = arith.shrsi %get3A_392, %shift_right_arithmetic3A_394 : vector<16xi32>
      %eq3A_396 = arith.cmpi eq, %shift_right_arithmetic3A_395, %gather3A_161 : vector<16xi32>
      %shift_right_arithmetic3A_397 = arith.constant 10 : i32
      %shift_right_arithmetic3A_398 = vector.broadcast %shift_right_arithmetic3A_397 : i32 to vector<16xi32>
      %shift_right_arithmetic3A_399 = arith.shrsi %get3A_392, %shift_right_arithmetic3A_398 : vector<16xi32>
      %and3A_400 = arith.constant 1023 : i32
      %and3A_401 = vector.broadcast %and3A_400 : i32 to vector<16xi32>
      %and3A_402 = arith.andi %shift_right_arithmetic3A_399, %and3A_401 : vector<16xi32>
      %add3A_403 = arith.addi %mul3A_49, %and3A_402 : vector<16xi32>
      tpu.vector_store_idx %arg5[%add3A_403], %broadcast_in_dim3A_42 masked %eq3A_396 {add = true} : memref<32768xi32, #tpu.memory_space<vmem>>[vector<16xi32>], vector<16xi32>, vector<16xi1>
      %mul3A_404 = arith.constant 128 : i32
      %mul3A_405 = arith.muli %scan3A_347, %mul3A_404 : i32
      %add3A_406 = arith.constant 48 : i32
      %add3A_407 = arith.addi %mul3A_405, %add3A_406 : i32
      %get3A_408 = arith.constant 1 : i32
      %get3A_409 = arith.index_cast %get3A_408 : i32 to index
      %get3A_410 = arith.index_cast %add3A_407 : i32 to index
      %get3A_411 = tpu.vector_load %arg6[%get3A_409, %get3A_410] {strides = array<i32>} : memref<2x32768xi32, #tpu.memory_space<vmem>>, vector<16xi32>,
      %shift_right_arithmetic3A_412 = arith.constant 20 : i32
      %shift_right_arithmetic3A_413 = vector.broadcast %shift_right_arithmetic3A_412 : i32 to vector<16xi32>
      %shift_right_arithmetic3A_414 = arith.shrsi %get3A_411, %shift_right_arithmetic3A_413 : vector<16xi32>
      %eq3A_415 = arith.cmpi eq, %shift_right_arithmetic3A_414, %gather3A_161 : vector<16xi32>
      %shift_right_arithmetic3A_416 = arith.constant 10 : i32
      %shift_right_arithmetic3A_417 = vector.broadcast %shift_right_arithmetic3A_416 : i32 to vector<16xi32>
      %shift_right_arithmetic3A_418 = arith.shrsi %get3A_411, %shift_right_arithmetic3A_417 : vector<16xi32>
      %and3A_419 = arith.constant 1023 : i32
      %and3A_420 = vector.broadcast %and3A_419 : i32 to vector<16xi32>
      %and3A_421 = arith.andi %shift_right_arithmetic3A_418, %and3A_420 : vector<16xi32>
      %add3A_422 = arith.addi %mul3A_49, %and3A_421 : vector<16xi32>
      tpu.vector_store_idx %arg5[%add3A_422], %broadcast_in_dim3A_42 masked %eq3A_415 {add = true} : memref<32768xi32, #tpu.memory_space<vmem>>[vector<16xi32>], vector<16xi32>, vector<16xi1>
      %mul3A_423 = arith.constant 128 : i32
      %mul3A_424 = arith.muli %scan3A_347, %mul3A_423 : i32
      %add3A_425 = arith.constant 64 : i32
      %add3A_426 = arith.addi %mul3A_424, %add3A_425 : i32
      %get3A_427 = arith.constant 1 : i32
      %get3A_428 = arith.index_cast %get3A_427 : i32 to index
      %get3A_429 = arith.index_cast %add3A_426 : i32 to index
      %get3A_430 = tpu.vector_load %arg6[%get3A_428, %get3A_429] {strides = array<i32>} : memref<2x32768xi32, #tpu.memory_space<vmem>>, vector<16xi32>,
      %shift_right_arithmetic3A_431 = arith.constant 20 : i32
      %shift_right_arithmetic3A_432 = vector.broadcast %shift_right_arithmetic3A_431 : i32 to vector<16xi32>
      %shift_right_arithmetic3A_433 = arith.shrsi %get3A_430, %shift_right_arithmetic3A_432 : vector<16xi32>
      %eq3A_434 = arith.cmpi eq, %shift_right_arithmetic3A_433, %gather3A_161 : vector<16xi32>
      %shift_right_arithmetic3A_435 = arith.constant 10 : i32
      %shift_right_arithmetic3A_436 = vector.broadcast %shift_right_arithmetic3A_435 : i32 to vector<16xi32>
      %shift_right_arithmetic3A_437 = arith.shrsi %get3A_430, %shift_right_arithmetic3A_436 : vector<16xi32>
      %and3A_438 = arith.constant 1023 : i32
      %and3A_439 = vector.broadcast %and3A_438 : i32 to vector<16xi32>
      %and3A_440 = arith.andi %shift_right_arithmetic3A_437, %and3A_439 : vector<16xi32>
      %add3A_441 = arith.addi %mul3A_49, %and3A_440 : vector<16xi32>
      tpu.vector_store_idx %arg5[%add3A_441], %broadcast_in_dim3A_42 masked %eq3A_434 {add = true} : memref<32768xi32, #tpu.memory_space<vmem>>[vector<16xi32>], vector<16xi32>, vector<16xi1>
      %mul3A_442 = arith.constant 128 : i32
      %mul3A_443 = arith.muli %scan3A_347, %mul3A_442 : i32
      %add3A_444 = arith.constant 80 : i32
      %add3A_445 = arith.addi %mul3A_443, %add3A_444 : i32
      %get3A_446 = arith.constant 1 : i32
      %get3A_447 = arith.index_cast %get3A_446 : i32 to index
      %get3A_448 = arith.index_cast %add3A_445 : i32 to index
      %get3A_449 = tpu.vector_load %arg6[%get3A_447, %get3A_448] {strides = array<i32>} : memref<2x32768xi32, #tpu.memory_space<vmem>>, vector<16xi32>,
      %shift_right_arithmetic3A_450 = arith.constant 20 : i32
      %shift_right_arithmetic3A_451 = vector.broadcast %shift_right_arithmetic3A_450 : i32 to vector<16xi32>
      %shift_right_arithmetic3A_452 = arith.shrsi %get3A_449, %shift_right_arithmetic3A_451 : vector<16xi32>
      %eq3A_453 = arith.cmpi eq, %shift_right_arithmetic3A_452, %gather3A_161 : vector<16xi32>
      %shift_right_arithmetic3A_454 = arith.constant 10 : i32
      %shift_right_arithmetic3A_455 = vector.broadcast %shift_right_arithmetic3A_454 : i32 to vector<16xi32>
      %shift_right_arithmetic3A_456 = arith.shrsi %get3A_449, %shift_right_arithmetic3A_455 : vector<16xi32>
      %and3A_457 = arith.constant 1023 : i32
      %and3A_458 = vector.broadcast %and3A_457 : i32 to vector<16xi32>
      %and3A_459 = arith.andi %shift_right_arithmetic3A_456, %and3A_458 : vector<16xi32>
      %add3A_460 = arith.addi %mul3A_49, %and3A_459 : vector<16xi32>
      tpu.vector_store_idx %arg5[%add3A_460], %broadcast_in_dim3A_42 masked %eq3A_453 {add = true} : memref<32768xi32, #tpu.memory_space<vmem>>[vector<16xi32>], vector<16xi32>, vector<16xi1>
      %mul3A_461 = arith.constant 128 : i32
      %mul3A_462 = arith.muli %scan3A_347, %mul3A_461 : i32
      %add3A_463 = arith.constant 96 : i32
      %add3A_464 = arith.addi %mul3A_462, %add3A_463 : i32
      %get3A_465 = arith.constant 1 : i32
      %get3A_466 = arith.index_cast %get3A_465 : i32 to index
      %get3A_467 = arith.index_cast %add3A_464 : i32 to index
      %get3A_468 = tpu.vector_load %arg6[%get3A_466, %get3A_467] {strides = array<i32>} : memref<2x32768xi32, #tpu.memory_space<vmem>>, vector<16xi32>,
      %shift_right_arithmetic3A_469 = arith.constant 20 : i32
      %shift_right_arithmetic3A_470 = vector.broadcast %shift_right_arithmetic3A_469 : i32 to vector<16xi32>
      %shift_right_arithmetic3A_471 = arith.shrsi %get3A_468, %shift_right_arithmetic3A_470 : vector<16xi32>
      %eq3A_472 = arith.cmpi eq, %shift_right_arithmetic3A_471, %gather3A_161 : vector<16xi32>
      %shift_right_arithmetic3A_473 = arith.constant 10 : i32
      %shift_right_arithmetic3A_474 = vector.broadcast %shift_right_arithmetic3A_473 : i32 to vector<16xi32>
      %shift_right_arithmetic3A_475 = arith.shrsi %get3A_468, %shift_right_arithmetic3A_474 : vector<16xi32>
      %and3A_476 = arith.constant 1023 : i32
      %and3A_477 = vector.broadcast %and3A_476 : i32 to vector<16xi32>
      %and3A_478 = arith.andi %shift_right_arithmetic3A_475, %and3A_477 : vector<16xi32>
      %add3A_479 = arith.addi %mul3A_49, %and3A_478 : vector<16xi32>
      tpu.vector_store_idx %arg5[%add3A_479], %broadcast_in_dim3A_42 masked %eq3A_472 {add = true} : memref<32768xi32, #tpu.memory_space<vmem>>[vector<16xi32>], vector<16xi32>, vector<16xi1>
      %mul3A_480 = arith.constant 128 : i32
      %mul3A_481 = arith.muli %scan3A_347, %mul3A_480 : i32
      %add3A_482 = arith.constant 112 : i32
      %add3A_483 = arith.addi %mul3A_481, %add3A_482 : i32
      %get3A_484 = arith.constant 1 : i32
      %get3A_485 = arith.index_cast %get3A_484 : i32 to index
      %get3A_486 = arith.index_cast %add3A_483 : i32 to index
      %get3A_487 = tpu.vector_load %arg6[%get3A_485, %get3A_486] {strides = array<i32>} : memref<2x32768xi32, #tpu.memory_space<vmem>>, vector<16xi32>,
      %shift_right_arithmetic3A_488 = arith.constant 20 : i32
      %shift_right_arithmetic3A_489 = vector.broadcast %shift_right_arithmetic3A_488 : i32 to vector<16xi32>
      %shift_right_arithmetic3A_490 = arith.shrsi %get3A_487, %shift_right_arithmetic3A_489 : vector<16xi32>
      %eq3A_491 = arith.cmpi eq, %shift_right_arithmetic3A_490, %gather3A_161 : vector<16xi32>
      %shift_right_arithmetic3A_492 = arith.constant 10 : i32
      %shift_right_arithmetic3A_493 = vector.broadcast %shift_right_arithmetic3A_492 : i32 to vector<16xi32>
      %shift_right_arithmetic3A_494 = arith.shrsi %get3A_487, %shift_right_arithmetic3A_493 : vector<16xi32>
      %and3A_495 = arith.constant 1023 : i32
      %and3A_496 = vector.broadcast %and3A_495 : i32 to vector<16xi32>
      %and3A_497 = arith.andi %shift_right_arithmetic3A_494, %and3A_496 : vector<16xi32>
      %add3A_498 = arith.addi %mul3A_49, %and3A_497 : vector<16xi32>
      tpu.vector_store_idx %arg5[%add3A_498], %broadcast_in_dim3A_42 masked %eq3A_491 {add = true} : memref<32768xi32, #tpu.memory_space<vmem>>[vector<16xi32>], vector<16xi32>, vector<16xi1>
    }
    %scan3A_229 = arith.constant 256 : i32
    %scan3A_230 = arith.constant 0 : i32
    %scan3A_231 = arith.constant 0 : i32
    %scan3A_232 = arith.constant 64 : i32
    %scan3A_233 = arith.addi %scan3A_231, %scan3A_232 : i32
    %scan3A_234 = arith.constant 1 : i32
    scf.for %scan3A_347 = %scan3A_231 to %scan3A_233 step %scan3A_234  : i32 {
      %mul3A_348 = arith.constant 16 : i32
      %mul3A_349 = arith.muli %scan3A_347, %mul3A_348 : i32
      %get3A_350 = arith.index_cast %mul3A_349 : i32 to index
      %get3A_351 = tpu.vector_load %arg5[%get3A_350] {strides = array<i32>} : memref<32768xi32, #tpu.memory_space<vmem>>, vector<16xi32>,
      %add3A_352 = arith.constant 1024 : i32
      %add3A_353 = arith.addi %add3A_352, %mul3A_349 : i32
      %get3A_354 = arith.index_cast %add3A_353 : i32 to index
      %get3A_355 = tpu.vector_load %arg5[%get3A_354] {strides = array<i32>} : memref<32768xi32, #tpu.memory_space<vmem>>, vector<16xi32>,
      %add3A_356 = arith.addi %get3A_351, %get3A_355 : vector<16xi32>
      %add3A_357 = arith.constant 2048 : i32
      %add3A_358 = arith.addi %add3A_357, %mul3A_349 : i32
      %get3A_359 = arith.index_cast %add3A_358 : i32 to index
      %get3A_360 = tpu.vector_load %arg5[%get3A_359] {strides = array<i32>} : memref<32768xi32, #tpu.memory_space<vmem>>, vector<16xi32>,
      %add3A_361 = arith.addi %add3A_356, %get3A_360 : vector<16xi32>
      %add3A_362 = arith.constant 3072 : i32
      %add3A_363 = arith.addi %add3A_362, %mul3A_349 : i32
      %get3A_364 = arith.index_cast %add3A_363 : i32 to index
      %get3A_365 = tpu.vector_load %arg5[%get3A_364] {strides = array<i32>} : memref<32768xi32, #tpu.memory_space<vmem>>, vector<16xi32>,
      %add3A_366 = arith.addi %add3A_361, %get3A_365 : vector<16xi32>
      %add3A_367 = arith.constant 4096 : i32
      %add3A_368 = arith.addi %add3A_367, %mul3A_349 : i32
      %get3A_369 = arith.index_cast %add3A_368 : i32 to index
      %get3A_370 = tpu.vector_load %arg5[%get3A_369] {strides = array<i32>} : memref<32768xi32, #tpu.memory_space<vmem>>, vector<16xi32>,
      %add3A_371 = arith.addi %add3A_366, %get3A_370 : vector<16xi32>
      %add3A_372 = arith.constant 5120 : i32
      %add3A_373 = arith.addi %add3A_372, %mul3A_349 : i32
      %get3A_374 = arith.index_cast %add3A_373 : i32 to index
      %get3A_375 = tpu.vector_load %arg5[%get3A_374] {strides = array<i32>} : memref<32768xi32, #tpu.memory_space<vmem>>, vector<16xi32>,
      %add3A_376 = arith.addi %add3A_371, %get3A_375 : vector<16xi32>
      %add3A_377 = arith.constant 6144 : i32
      %add3A_378 = arith.addi %add3A_377, %mul3A_349 : i32
      %get3A_379 = arith.index_cast %add3A_378 : i32 to index
      %get3A_380 = tpu.vector_load %arg5[%get3A_379] {strides = array<i32>} : memref<32768xi32, #tpu.memory_space<vmem>>, vector<16xi32>,
      %add3A_381 = arith.addi %add3A_376, %get3A_380 : vector<16xi32>
      %add3A_382 = arith.constant 7168 : i32
      %add3A_383 = arith.addi %add3A_382, %mul3A_349 : i32
      %get3A_384 = arith.index_cast %add3A_383 : i32 to index
      %get3A_385 = tpu.vector_load %arg5[%get3A_384] {strides = array<i32>} : memref<32768xi32, #tpu.memory_space<vmem>>, vector<16xi32>,
      %add3A_386 = arith.addi %add3A_381, %get3A_385 : vector<16xi32>
      %add3A_387 = arith.constant 8192 : i32
      %add3A_388 = arith.addi %add3A_387, %mul3A_349 : i32
      %get3A_389 = arith.index_cast %add3A_388 : i32 to index
      %get3A_390 = tpu.vector_load %arg5[%get3A_389] {strides = array<i32>} : memref<32768xi32, #tpu.memory_space<vmem>>, vector<16xi32>,
      %add3A_391 = arith.addi %add3A_386, %get3A_390 : vector<16xi32>
      %add3A_392 = arith.constant 9216 : i32
      %add3A_393 = arith.addi %add3A_392, %mul3A_349 : i32
      %get3A_394 = arith.index_cast %add3A_393 : i32 to index
      %get3A_395 = tpu.vector_load %arg5[%get3A_394] {strides = array<i32>} : memref<32768xi32, #tpu.memory_space<vmem>>, vector<16xi32>,
      %add3A_396 = arith.addi %add3A_391, %get3A_395 : vector<16xi32>
      %add3A_397 = arith.constant 10240 : i32
      %add3A_398 = arith.addi %add3A_397, %mul3A_349 : i32
      %get3A_399 = arith.index_cast %add3A_398 : i32 to index
      %get3A_400 = tpu.vector_load %arg5[%get3A_399] {strides = array<i32>} : memref<32768xi32, #tpu.memory_space<vmem>>, vector<16xi32>,
      %add3A_401 = arith.addi %add3A_396, %get3A_400 : vector<16xi32>
      %add3A_402 = arith.constant 11264 : i32
      %add3A_403 = arith.addi %add3A_402, %mul3A_349 : i32
      %get3A_404 = arith.index_cast %add3A_403 : i32 to index
      %get3A_405 = tpu.vector_load %arg5[%get3A_404] {strides = array<i32>} : memref<32768xi32, #tpu.memory_space<vmem>>, vector<16xi32>,
      %add3A_406 = arith.addi %add3A_401, %get3A_405 : vector<16xi32>
      %add3A_407 = arith.constant 12288 : i32
      %add3A_408 = arith.addi %add3A_407, %mul3A_349 : i32
      %get3A_409 = arith.index_cast %add3A_408 : i32 to index
      %get3A_410 = tpu.vector_load %arg5[%get3A_409] {strides = array<i32>} : memref<32768xi32, #tpu.memory_space<vmem>>, vector<16xi32>,
      %add3A_411 = arith.addi %add3A_406, %get3A_410 : vector<16xi32>
      %add3A_412 = arith.constant 13312 : i32
      %add3A_413 = arith.addi %add3A_412, %mul3A_349 : i32
      %get3A_414 = arith.index_cast %add3A_413 : i32 to index
      %get3A_415 = tpu.vector_load %arg5[%get3A_414] {strides = array<i32>} : memref<32768xi32, #tpu.memory_space<vmem>>, vector<16xi32>,
      %add3A_416 = arith.addi %add3A_411, %get3A_415 : vector<16xi32>
      %add3A_417 = arith.constant 14336 : i32
      %add3A_418 = arith.addi %add3A_417, %mul3A_349 : i32
      %get3A_419 = arith.index_cast %add3A_418 : i32 to index
      %get3A_420 = tpu.vector_load %arg5[%get3A_419] {strides = array<i32>} : memref<32768xi32, #tpu.memory_space<vmem>>, vector<16xi32>,
      %add3A_421 = arith.addi %add3A_416, %get3A_420 : vector<16xi32>
      %add3A_422 = arith.constant 15360 : i32
      %add3A_423 = arith.addi %add3A_422, %mul3A_349 : i32
      %get3A_424 = arith.index_cast %add3A_423 : i32 to index
      %get3A_425 = tpu.vector_load %arg5[%get3A_424] {strides = array<i32>} : memref<32768xi32, #tpu.memory_space<vmem>>, vector<16xi32>,
      %add3A_426 = arith.addi %add3A_421, %get3A_425 : vector<16xi32>
      %swap3A_427 = arith.index_cast %mul3A_349 : i32 to index
      %swap3A_428 = tpu.vector_load %arg5[%swap3A_427] {strides = array<i32>} : memref<32768xi32, #tpu.memory_space<vmem>>, vector<16xi32>,
      tpu.vector_store %arg5[%swap3A_427], %add3A_426 {strides = array<i32>} : memref<32768xi32, #tpu.memory_space<vmem>>, vector<16xi32>,
    }
    %scan3A_235 = arith.constant 64 : i32
    "tpu.region"() ({
      %run_scoped3A = tpu.sem_alloc : memref<!tpu.dma_semaphore, #tpu.memory_space<semaphore_mem>>
      %dma_start3A_347 = arith.constant 0 : i32
      %dma_start3A_348 = tpu.memref_slice %arg5[%dma_start3A_347] : memref<32768xi32, #tpu.memory_space<vmem>> -> memref<1024xi32, #tpu.memory_space<vmem>>
      %dma_start3A_349 = arith.constant 0 : i32
      %dma_start3A_350 = tpu.memref_slice %arg10[%select_n3A, %select_n3A_28, %dma_start3A_349] : memref<4x4x2048xi32, #tpu.memory_space<vmem_shared>> -> memref<1x1x1024xi32, #tpu.memory_space<vmem_shared>>
      %dma_start3A_351 = tpu.memref_squeeze %dma_start3A_350 : memref<1x1x1024xi32, #tpu.memory_space<vmem_shared>> -> memref<1024xi32, #tpu.memory_space<vmem_shared>>
      %dma_start3A_352 = arith.constant 0 : i32
      %dma_start3A_353 = tpu.memref_slice %arg10[%select_n3A, %select_n3A_28, %dma_start3A_352] : memref<4x4x2048xi32, #tpu.memory_space<vmem_shared>> -> memref<1x1x1024xi32, #tpu.memory_space<vmem_shared>>
      %dma_start3A_354 = tpu.memref_squeeze %dma_start3A_353 : memref<1x1x1024xi32, #tpu.memory_space<vmem_shared>> -> memref<1024xi32, #tpu.memory_space<vmem_shared>>
      %dma_start3A_355 = arith.constant 0 : i32
      %dma_start3A_356 = tpu.memref_slice %arg5[%dma_start3A_355] : memref<32768xi32, #tpu.memory_space<vmem>> -> memref<1024xi32, #tpu.memory_space<vmem>>
      tpu.enqueue_dma source(%dma_start3A_356 : memref<1024xi32, #tpu.memory_space<vmem>>) target(%dma_start3A_354 : memref<1024xi32, #tpu.memory_space<vmem_shared>>) target_semaphore(%run_scoped3A : memref<!tpu.dma_semaphore, #tpu.memory_space<semaphore_mem>>)
      %dma_wait3A_357 = arith.constant 0 : i32
      %dma_wait3A_358 = tpu.memref_slice %arg5[%dma_wait3A_357] : memref<32768xi32, #tpu.memory_space<vmem>> -> memref<1024xi32, #tpu.memory_space<vmem>>
      %dma_wait3A_359 = arith.constant 0 : i32
      %dma_wait3A_360 = tpu.memref_slice %arg10[%select_n3A, %select_n3A_28, %dma_wait3A_359] : memref<4x4x2048xi32, #tpu.memory_space<vmem_shared>> -> memref<1x1x1024xi32, #tpu.memory_space<vmem_shared>>
      %dma_wait3A_361 = tpu.memref_squeeze %dma_wait3A_360 : memref<1x1x1024xi32, #tpu.memory_space<vmem_shared>> -> memref<1024xi32, #tpu.memory_space<vmem_shared>>
      %dma_wait3A_362 = arith.constant 0 : i32
      %dma_wait3A_363 = tpu.memref_slice %arg10[%select_n3A, %select_n3A_28, %dma_wait3A_362] : memref<4x4x2048xi32, #tpu.memory_space<vmem_shared>> -> memref<1x1x1024xi32, #tpu.memory_space<vmem_shared>>
      %dma_wait3A_364 = tpu.memref_squeeze %dma_wait3A_363 : memref<1x1x1024xi32, #tpu.memory_space<vmem_shared>> -> memref<1024xi32, #tpu.memory_space<vmem_shared>>
      %dma_wait3A_365 = arith.constant 0 : i32
      %dma_wait3A_366 = tpu.memref_slice %arg5[%dma_wait3A_365] : memref<32768xi32, #tpu.memory_space<vmem>> -> memref<1024xi32, #tpu.memory_space<vmem>>
      tpu.wait_dma2 semaphore(%run_scoped3A : memref<!tpu.dma_semaphore, #tpu.memory_space<semaphore_mem>>) src(%dma_wait3A_366 : memref<1024xi32, #tpu.memory_space<vmem>>) dst(%dma_wait3A_364 : memref<1024xi32, #tpu.memory_space<vmem_shared>>)
      tpu.yield
    }) : () -> ()
    %barrier3A_236 = arith.constant 0 : index
    tpu.barrier barrier_id(%barrier3A_236)
    %convert_element_type3A_237 = arith.extui %eq3A_37 : i1 to i32
    %cond3A_238 = arith.constant 0 : i32
    %cond3A_239 = arith.cmpi ne, %convert_element_type3A_237, %cond3A_238 : i32
    scf.if %cond3A_239 {
      %run_scoped3A = arith.constant 0 : i32
      "tpu.region"() ({
        %run_scoped3A_350 = tpu.sem_alloc : memref<!tpu.dma_semaphore, #tpu.memory_space<semaphore_mem>>
        %dma_start3A_351 = arith.constant 0 : i32
        %dma_start3A_352 = tpu.memref_slice %arg7[%dma_start3A_351] : memref<8192xi32, #tpu.memory_space<vmem>> -> memref<1024xi32, #tpu.memory_space<vmem>>
        %dma_start3A_353 = arith.constant 0 : i32
        %dma_start3A_354 = tpu.memref_slice %arg10[%select_n3A, %run_scoped3A, %dma_start3A_353] : memref<4x4x2048xi32, #tpu.memory_space<vmem_shared>> -> memref<1x1x1024xi32, #tpu.memory_space<vmem_shared>>
        %dma_start3A_355 = tpu.memref_squeeze %dma_start3A_354 : memref<1x1x1024xi32, #tpu.memory_space<vmem_shared>> -> memref<1024xi32, #tpu.memory_space<vmem_shared>>
        %dma_start3A_356 = arith.constant 0 : i32
        %dma_start3A_357 = tpu.memref_slice %arg7[%dma_start3A_356] : memref<8192xi32, #tpu.memory_space<vmem>> -> memref<1024xi32, #tpu.memory_space<vmem>>
        %dma_start3A_358 = arith.constant 0 : i32
        %dma_start3A_359 = tpu.memref_slice %arg10[%select_n3A, %run_scoped3A, %dma_start3A_358] : memref<4x4x2048xi32, #tpu.memory_space<vmem_shared>> -> memref<1x1x1024xi32, #tpu.memory_space<vmem_shared>>
        %dma_start3A_360 = tpu.memref_squeeze %dma_start3A_359 : memref<1x1x1024xi32, #tpu.memory_space<vmem_shared>> -> memref<1024xi32, #tpu.memory_space<vmem_shared>>
        tpu.enqueue_dma source(%dma_start3A_360 : memref<1024xi32, #tpu.memory_space<vmem_shared>>) target(%dma_start3A_357 : memref<1024xi32, #tpu.memory_space<vmem>>) target_semaphore(%run_scoped3A_350 : memref<!tpu.dma_semaphore, #tpu.memory_space<semaphore_mem>>)
        %dma_wait3A_361 = arith.constant 0 : i32
        %dma_wait3A_362 = tpu.memref_slice %arg7[%dma_wait3A_361] : memref<8192xi32, #tpu.memory_space<vmem>> -> memref<1024xi32, #tpu.memory_space<vmem>>
        %dma_wait3A_363 = arith.constant 0 : i32
        %dma_wait3A_364 = tpu.memref_slice %arg10[%select_n3A, %run_scoped3A, %dma_wait3A_363] : memref<4x4x2048xi32, #tpu.memory_space<vmem_shared>> -> memref<1x1x1024xi32, #tpu.memory_space<vmem_shared>>
        %dma_wait3A_365 = tpu.memref_squeeze %dma_wait3A_364 : memref<1x1x1024xi32, #tpu.memory_space<vmem_shared>> -> memref<1024xi32, #tpu.memory_space<vmem_shared>>
        %dma_wait3A_366 = arith.constant 0 : i32
        %dma_wait3A_367 = tpu.memref_slice %arg7[%dma_wait3A_366] : memref<8192xi32, #tpu.memory_space<vmem>> -> memref<1024xi32, #tpu.memory_space<vmem>>
        %dma_wait3A_368 = arith.constant 0 : i32
        %dma_wait3A_369 = tpu.memref_slice %arg10[%select_n3A, %run_scoped3A, %dma_wait3A_368] : memref<4x4x2048xi32, #tpu.memory_space<vmem_shared>> -> memref<1x1x1024xi32, #tpu.memory_space<vmem_shared>>
        %dma_wait3A_370 = tpu.memref_squeeze %dma_wait3A_369 : memref<1x1x1024xi32, #tpu.memory_space<vmem_shared>> -> memref<1024xi32, #tpu.memory_space<vmem_shared>>
        tpu.wait_dma2 semaphore(%run_scoped3A_350 : memref<!tpu.dma_semaphore, #tpu.memory_space<semaphore_mem>>) src(%dma_wait3A_370 : memref<1024xi32, #tpu.memory_space<vmem_shared>>) dst(%dma_wait3A_367 : memref<1024xi32, #tpu.memory_space<vmem>>)
        tpu.yield
      }) : () -> ()
      %run_scoped3A_347 = arith.constant 1 : i32
      "tpu.region"() ({
        %run_scoped3A_350 = tpu.sem_alloc : memref<!tpu.dma_semaphore, #tpu.memory_space<semaphore_mem>>
        %dma_start3A_351 = arith.constant 1024 : i32
        %dma_start3A_352 = tpu.memref_slice %arg7[%dma_start3A_351] : memref<8192xi32, #tpu.memory_space<vmem>> -> memref<1024xi32, #tpu.memory_space<vmem>>
        %dma_start3A_353 = arith.constant 0 : i32
        %dma_start3A_354 = tpu.memref_slice %arg10[%select_n3A, %run_scoped3A_347, %dma_start3A_353] : memref<4x4x2048xi32, #tpu.memory_space<vmem_shared>> -> memref<1x1x1024xi32, #tpu.memory_space<vmem_shared>>
        %dma_start3A_355 = tpu.memref_squeeze %dma_start3A_354 : memref<1x1x1024xi32, #tpu.memory_space<vmem_shared>> -> memref<1024xi32, #tpu.memory_space<vmem_shared>>
        %dma_start3A_356 = arith.constant 1024 : i32
        %dma_start3A_357 = tpu.memref_slice %arg7[%dma_start3A_356] : memref<8192xi32, #tpu.memory_space<vmem>> -> memref<1024xi32, #tpu.memory_space<vmem>>
        %dma_start3A_358 = arith.constant 0 : i32
        %dma_start3A_359 = tpu.memref_slice %arg10[%select_n3A, %run_scoped3A_347, %dma_start3A_358] : memref<4x4x2048xi32, #tpu.memory_space<vmem_shared>> -> memref<1x1x1024xi32, #tpu.memory_space<vmem_shared>>
        %dma_start3A_360 = tpu.memref_squeeze %dma_start3A_359 : memref<1x1x1024xi32, #tpu.memory_space<vmem_shared>> -> memref<1024xi32, #tpu.memory_space<vmem_shared>>
        tpu.enqueue_dma source(%dma_start3A_360 : memref<1024xi32, #tpu.memory_space<vmem_shared>>) target(%dma_start3A_357 : memref<1024xi32, #tpu.memory_space<vmem>>) target_semaphore(%run_scoped3A_350 : memref<!tpu.dma_semaphore, #tpu.memory_space<semaphore_mem>>)
        %dma_wait3A_361 = arith.constant 1024 : i32
        %dma_wait3A_362 = tpu.memref_slice %arg7[%dma_wait3A_361] : memref<8192xi32, #tpu.memory_space<vmem>> -> memref<1024xi32, #tpu.memory_space<vmem>>
        %dma_wait3A_363 = arith.constant 0 : i32
        %dma_wait3A_364 = tpu.memref_slice %arg10[%select_n3A, %run_scoped3A_347, %dma_wait3A_363] : memref<4x4x2048xi32, #tpu.memory_space<vmem_shared>> -> memref<1x1x1024xi32, #tpu.memory_space<vmem_shared>>
        %dma_wait3A_365 = tpu.memref_squeeze %dma_wait3A_364 : memref<1x1x1024xi32, #tpu.memory_space<vmem_shared>> -> memref<1024xi32, #tpu.memory_space<vmem_shared>>
        %dma_wait3A_366 = arith.constant 1024 : i32
        %dma_wait3A_367 = tpu.memref_slice %arg7[%dma_wait3A_366] : memref<8192xi32, #tpu.memory_space<vmem>> -> memref<1024xi32, #tpu.memory_space<vmem>>
        %dma_wait3A_368 = arith.constant 0 : i32
        %dma_wait3A_369 = tpu.memref_slice %arg10[%select_n3A, %run_scoped3A_347, %dma_wait3A_368] : memref<4x4x2048xi32, #tpu.memory_space<vmem_shared>> -> memref<1x1x1024xi32, #tpu.memory_space<vmem_shared>>
        %dma_wait3A_370 = tpu.memref_squeeze %dma_wait3A_369 : memref<1x1x1024xi32, #tpu.memory_space<vmem_shared>> -> memref<1024xi32, #tpu.memory_space<vmem_shared>>
        tpu.wait_dma2 semaphore(%run_scoped3A_350 : memref<!tpu.dma_semaphore, #tpu.memory_space<semaphore_mem>>) src(%dma_wait3A_370 : memref<1024xi32, #tpu.memory_space<vmem_shared>>) dst(%dma_wait3A_367 : memref<1024xi32, #tpu.memory_space<vmem>>)
        tpu.yield
      }) : () -> ()
      %run_scoped3A_348 = arith.constant 2 : i32
      "tpu.region"() ({
        %run_scoped3A_350 = tpu.sem_alloc : memref<!tpu.dma_semaphore, #tpu.memory_space<semaphore_mem>>
        %dma_start3A_351 = arith.constant 2048 : i32
        %dma_start3A_352 = tpu.memref_slice %arg7[%dma_start3A_351] : memref<8192xi32, #tpu.memory_space<vmem>> -> memref<1024xi32, #tpu.memory_space<vmem>>
        %dma_start3A_353 = arith.constant 0 : i32
        %dma_start3A_354 = tpu.memref_slice %arg10[%select_n3A, %run_scoped3A_348, %dma_start3A_353] : memref<4x4x2048xi32, #tpu.memory_space<vmem_shared>> -> memref<1x1x1024xi32, #tpu.memory_space<vmem_shared>>
        %dma_start3A_355 = tpu.memref_squeeze %dma_start3A_354 : memref<1x1x1024xi32, #tpu.memory_space<vmem_shared>> -> memref<1024xi32, #tpu.memory_space<vmem_shared>>
        %dma_start3A_356 = arith.constant 2048 : i32
        %dma_start3A_357 = tpu.memref_slice %arg7[%dma_start3A_356] : memref<8192xi32, #tpu.memory_space<vmem>> -> memref<1024xi32, #tpu.memory_space<vmem>>
        %dma_start3A_358 = arith.constant 0 : i32
        %dma_start3A_359 = tpu.memref_slice %arg10[%select_n3A, %run_scoped3A_348, %dma_start3A_358] : memref<4x4x2048xi32, #tpu.memory_space<vmem_shared>> -> memref<1x1x1024xi32, #tpu.memory_space<vmem_shared>>
        %dma_start3A_360 = tpu.memref_squeeze %dma_start3A_359 : memref<1x1x1024xi32, #tpu.memory_space<vmem_shared>> -> memref<1024xi32, #tpu.memory_space<vmem_shared>>
        tpu.enqueue_dma source(%dma_start3A_360 : memref<1024xi32, #tpu.memory_space<vmem_shared>>) target(%dma_start3A_357 : memref<1024xi32, #tpu.memory_space<vmem>>) target_semaphore(%run_scoped3A_350 : memref<!tpu.dma_semaphore, #tpu.memory_space<semaphore_mem>>)
        %dma_wait3A_361 = arith.constant 2048 : i32
        %dma_wait3A_362 = tpu.memref_slice %arg7[%dma_wait3A_361] : memref<8192xi32, #tpu.memory_space<vmem>> -> memref<1024xi32, #tpu.memory_space<vmem>>
        %dma_wait3A_363 = arith.constant 0 : i32
        %dma_wait3A_364 = tpu.memref_slice %arg10[%select_n3A, %run_scoped3A_348, %dma_wait3A_363] : memref<4x4x2048xi32, #tpu.memory_space<vmem_shared>> -> memref<1x1x1024xi32, #tpu.memory_space<vmem_shared>>
        %dma_wait3A_365 = tpu.memref_squeeze %dma_wait3A_364 : memref<1x1x1024xi32, #tpu.memory_space<vmem_shared>> -> memref<1024xi32, #tpu.memory_space<vmem_shared>>
        %dma_wait3A_366 = arith.constant 2048 : i32
        %dma_wait3A_367 = tpu.memref_slice %arg7[%dma_wait3A_366] : memref<8192xi32, #tpu.memory_space<vmem>> -> memref<1024xi32, #tpu.memory_space<vmem>>
        %dma_wait3A_368 = arith.constant 0 : i32
        %dma_wait3A_369 = tpu.memref_slice %arg10[%select_n3A, %run_scoped3A_348, %dma_wait3A_368] : memref<4x4x2048xi32, #tpu.memory_space<vmem_shared>> -> memref<1x1x1024xi32, #tpu.memory_space<vmem_shared>>
        %dma_wait3A_370 = tpu.memref_squeeze %dma_wait3A_369 : memref<1x1x1024xi32, #tpu.memory_space<vmem_shared>> -> memref<1024xi32, #tpu.memory_space<vmem_shared>>
        tpu.wait_dma2 semaphore(%run_scoped3A_350 : memref<!tpu.dma_semaphore, #tpu.memory_space<semaphore_mem>>) src(%dma_wait3A_370 : memref<1024xi32, #tpu.memory_space<vmem_shared>>) dst(%dma_wait3A_367 : memref<1024xi32, #tpu.memory_space<vmem>>)
        tpu.yield
      }) : () -> ()
      %run_scoped3A_349 = arith.constant 3 : i32
      "tpu.region"() ({
        %run_scoped3A_350 = tpu.sem_alloc : memref<!tpu.dma_semaphore, #tpu.memory_space<semaphore_mem>>
        %dma_start3A_351 = arith.constant 3072 : i32
        %dma_start3A_352 = tpu.memref_slice %arg7[%dma_start3A_351] : memref<8192xi32, #tpu.memory_space<vmem>> -> memref<1024xi32, #tpu.memory_space<vmem>>
        %dma_start3A_353 = arith.constant 0 : i32
        %dma_start3A_354 = tpu.memref_slice %arg10[%select_n3A, %run_scoped3A_349, %dma_start3A_353] : memref<4x4x2048xi32, #tpu.memory_space<vmem_shared>> -> memref<1x1x1024xi32, #tpu.memory_space<vmem_shared>>
        %dma_start3A_355 = tpu.memref_squeeze %dma_start3A_354 : memref<1x1x1024xi32, #tpu.memory_space<vmem_shared>> -> memref<1024xi32, #tpu.memory_space<vmem_shared>>
        %dma_start3A_356 = arith.constant 3072 : i32
        %dma_start3A_357 = tpu.memref_slice %arg7[%dma_start3A_356] : memref<8192xi32, #tpu.memory_space<vmem>> -> memref<1024xi32, #tpu.memory_space<vmem>>
        %dma_start3A_358 = arith.constant 0 : i32
        %dma_start3A_359 = tpu.memref_slice %arg10[%select_n3A, %run_scoped3A_349, %dma_start3A_358] : memref<4x4x2048xi32, #tpu.memory_space<vmem_shared>> -> memref<1x1x1024xi32, #tpu.memory_space<vmem_shared>>
        %dma_start3A_360 = tpu.memref_squeeze %dma_start3A_359 : memref<1x1x1024xi32, #tpu.memory_space<vmem_shared>> -> memref<1024xi32, #tpu.memory_space<vmem_shared>>
        tpu.enqueue_dma source(%dma_start3A_360 : memref<1024xi32, #tpu.memory_space<vmem_shared>>) target(%dma_start3A_357 : memref<1024xi32, #tpu.memory_space<vmem>>) target_semaphore(%run_scoped3A_350 : memref<!tpu.dma_semaphore, #tpu.memory_space<semaphore_mem>>)
        %dma_wait3A_361 = arith.constant 3072 : i32
        %dma_wait3A_362 = tpu.memref_slice %arg7[%dma_wait3A_361] : memref<8192xi32, #tpu.memory_space<vmem>> -> memref<1024xi32, #tpu.memory_space<vmem>>
        %dma_wait3A_363 = arith.constant 0 : i32
        %dma_wait3A_364 = tpu.memref_slice %arg10[%select_n3A, %run_scoped3A_349, %dma_wait3A_363] : memref<4x4x2048xi32, #tpu.memory_space<vmem_shared>> -> memref<1x1x1024xi32, #tpu.memory_space<vmem_shared>>
        %dma_wait3A_365 = tpu.memref_squeeze %dma_wait3A_364 : memref<1x1x1024xi32, #tpu.memory_space<vmem_shared>> -> memref<1024xi32, #tpu.memory_space<vmem_shared>>
        %dma_wait3A_366 = arith.constant 3072 : i32
        %dma_wait3A_367 = tpu.memref_slice %arg7[%dma_wait3A_366] : memref<8192xi32, #tpu.memory_space<vmem>> -> memref<1024xi32, #tpu.memory_space<vmem>>
        %dma_wait3A_368 = arith.constant 0 : i32
        %dma_wait3A_369 = tpu.memref_slice %arg10[%select_n3A, %run_scoped3A_349, %dma_wait3A_368] : memref<4x4x2048xi32, #tpu.memory_space<vmem_shared>> -> memref<1x1x1024xi32, #tpu.memory_space<vmem_shared>>
        %dma_wait3A_370 = tpu.memref_squeeze %dma_wait3A_369 : memref<1x1x1024xi32, #tpu.memory_space<vmem_shared>> -> memref<1024xi32, #tpu.memory_space<vmem_shared>>
        tpu.wait_dma2 semaphore(%run_scoped3A_350 : memref<!tpu.dma_semaphore, #tpu.memory_space<semaphore_mem>>) src(%dma_wait3A_370 : memref<1024xi32, #tpu.memory_space<vmem_shared>>) dst(%dma_wait3A_367 : memref<1024xi32, #tpu.memory_space<vmem>>)
        tpu.yield
      }) : () -> ()
    } else {
    }
    %sub3A_240 = arith.subi %convert_element_type3A, %scan3A_151#1 : vector<16xi32>
    %scan3A_241 = arith.constant 0 : i32
    %scan3A_242 = arith.constant 64 : i32
    %scan3A_243 = arith.addi %scan3A_241, %scan3A_242 : i32
    %scan3A_244 = arith.constant 1 : i32
    %scan3A_245:3 = scf.for %scan3A_347 = %scan3A_241 to %scan3A_243 step %scan3A_244 iter_args(%scan3A_348 = %broadcast_in_dim3A_38, %scan3A_349 = %broadcast_in_dim3A_38, %scan3A_350 = %broadcast_in_dim3A_38) -> (vector<16xi32>, vector<16xi32>, vector<16xi32>)  : i32 {
      %sub3A_351 = arith.constant 63 : i32
      %sub3A_352 = arith.subi %sub3A_351, %scan3A_347 : i32
      %mul3A_353 = arith.constant 16 : i32
      %mul3A_354 = arith.muli %sub3A_352, %mul3A_353 : i32
      %get3A_355 = arith.index_cast %mul3A_354 : i32 to index
      %get3A_356 = tpu.vector_load %arg7[%get3A_355] {strides = array<i32>} : memref<8192xi32, #tpu.memory_space<vmem>>, vector<16xi32>,
      %add3A_357 = arith.constant 1024 : i32
      %add3A_358 = arith.addi %add3A_357, %mul3A_354 : i32
      %get3A_359 = arith.index_cast %add3A_358 : i32 to index
      %get3A_360 = tpu.vector_load %arg7[%get3A_359] {strides = array<i32>} : memref<8192xi32, #tpu.memory_space<vmem>>, vector<16xi32>,
      %add3A_361 = arith.addi %get3A_356, %get3A_360 : vector<16xi32>
      %add3A_362 = arith.constant 2048 : i32
      %add3A_363 = arith.addi %add3A_362, %mul3A_354 : i32
      %get3A_364 = arith.index_cast %add3A_363 : i32 to index
      %get3A_365 = tpu.vector_load %arg7[%get3A_364] {strides = array<i32>} : memref<8192xi32, #tpu.memory_space<vmem>>, vector<16xi32>,
      %add3A_366 = arith.addi %add3A_361, %get3A_365 : vector<16xi32>
      %add3A_367 = arith.constant 3072 : i32
      %add3A_368 = arith.addi %add3A_367, %mul3A_354 : i32
      %get3A_369 = arith.index_cast %add3A_368 : i32 to index
      %get3A_370 = tpu.vector_load %arg7[%get3A_369] {strides = array<i32>} : memref<8192xi32, #tpu.memory_space<vmem>>, vector<16xi32>,
      %add3A_371 = arith.addi %add3A_366, %get3A_370 : vector<16xi32>
      %iota3A_372 = tpu.iota {dimensions = array<i32: 0>} : vector<16xi32>
      %add3A_373 = arith.constant 1 : i32
      %add3A_374 = vector.broadcast %add3A_373 : i32 to vector<16xi32>
      %add3A_375 = arith.addi %iota3A_372, %add3A_374 : vector<16xi32>
      %min3A_376 = arith.constant 15 : i32
      %min3A_377 = vector.broadcast %min3A_376 : i32 to vector<16xi32>
      %min3A_378 = arith.minsi %add3A_375, %min3A_377 : vector<16xi32>
      %broadcast_in_dim3A_379 = vector.shape_cast %min3A_378 : vector<16xi32> to vector<16x1xi32>
      %gather3A_380 = vector.shape_cast %broadcast_in_dim3A_379 : vector<16x1xi32> to vector<16xi32>
      %gather3A_381 = tpu.dynamic_gather %add3A_371[%gather3A_380] in [0] : vector<16xi32>, vector<16xi32> -> vector<16xi32>
      %iota3A_382 = tpu.iota {dimensions = array<i32: 0>} : vector<16xi32>
      %add3A_383 = arith.constant 1 : i32
      %add3A_384 = vector.broadcast %add3A_383 : i32 to vector<16xi32>
      %add3A_385 = arith.addi %iota3A_382, %add3A_384 : vector<16xi32>
      %le3A = arith.constant 15 : i32
      %le3A_386 = vector.broadcast %le3A : i32 to vector<16xi32>
      %le3A_387 = arith.cmpi sle, %add3A_385, %le3A_386 : vector<16xi32>
      %jit3A_388 = arith.constant 0 : i32
      %broadcast_in_dim3A_389 = vector.broadcast %jit3A_388 : i32 to vector<16xi32>
      %select_n3A_390 = arith.select %le3A_387, %gather3A_381, %broadcast_in_dim3A_389 : vector<16xi1>, vector<16xi32>
      %add3A_391 = arith.addi %add3A_371, %select_n3A_390 : vector<16xi32>
      %iota3A_392 = tpu.iota {dimensions = array<i32: 0>} : vector<16xi32>
      %add3A_393 = arith.constant 2 : i32
      %add3A_394 = vector.broadcast %add3A_393 : i32 to vector<16xi32>
      %add3A_395 = arith.addi %iota3A_392, %add3A_394 : vector<16xi32>
      %min3A_396 = arith.constant 15 : i32
      %min3A_397 = vector.broadcast %min3A_396 : i32 to vector<16xi32>
      %min3A_398 = arith.minsi %add3A_395, %min3A_397 : vector<16xi32>
      %broadcast_in_dim3A_399 = vector.shape_cast %min3A_398 : vector<16xi32> to vector<16x1xi32>
      %gather3A_400 = vector.shape_cast %broadcast_in_dim3A_399 : vector<16x1xi32> to vector<16xi32>
      %gather3A_401 = tpu.dynamic_gather %add3A_391[%gather3A_400] in [0] : vector<16xi32>, vector<16xi32> -> vector<16xi32>
      %iota3A_402 = tpu.iota {dimensions = array<i32: 0>} : vector<16xi32>
      %add3A_403 = arith.constant 2 : i32
      %add3A_404 = vector.broadcast %add3A_403 : i32 to vector<16xi32>
      %add3A_405 = arith.addi %iota3A_402, %add3A_404 : vector<16xi32>
      %le3A_406 = arith.constant 15 : i32
      %le3A_407 = vector.broadcast %le3A_406 : i32 to vector<16xi32>
      %le3A_408 = arith.cmpi sle, %add3A_405, %le3A_407 : vector<16xi32>
      %jit3A_409 = arith.constant 0 : i32
      %broadcast_in_dim3A_410 = vector.broadcast %jit3A_409 : i32 to vector<16xi32>
      %select_n3A_411 = arith.select %le3A_408, %gather3A_401, %broadcast_in_dim3A_410 : vector<16xi1>, vector<16xi32>
      %add3A_412 = arith.addi %add3A_391, %select_n3A_411 : vector<16xi32>
      %iota3A_413 = tpu.iota {dimensions = array<i32: 0>} : vector<16xi32>
      %add3A_414 = arith.constant 4 : i32
      %add3A_415 = vector.broadcast %add3A_414 : i32 to vector<16xi32>
      %add3A_416 = arith.addi %iota3A_413, %add3A_415 : vector<16xi32>
      %min3A_417 = arith.constant 15 : i32
      %min3A_418 = vector.broadcast %min3A_417 : i32 to vector<16xi32>
      %min3A_419 = arith.minsi %add3A_416, %min3A_418 : vector<16xi32>
      %broadcast_in_dim3A_420 = vector.shape_cast %min3A_419 : vector<16xi32> to vector<16x1xi32>
      %gather3A_421 = vector.shape_cast %broadcast_in_dim3A_420 : vector<16x1xi32> to vector<16xi32>
      %gather3A_422 = tpu.dynamic_gather %add3A_412[%gather3A_421] in [0] : vector<16xi32>, vector<16xi32> -> vector<16xi32>
      %iota3A_423 = tpu.iota {dimensions = array<i32: 0>} : vector<16xi32>
      %add3A_424 = arith.constant 4 : i32
      %add3A_425 = vector.broadcast %add3A_424 : i32 to vector<16xi32>
      %add3A_426 = arith.addi %iota3A_423, %add3A_425 : vector<16xi32>
      %le3A_427 = arith.constant 15 : i32
      %le3A_428 = vector.broadcast %le3A_427 : i32 to vector<16xi32>
      %le3A_429 = arith.cmpi sle, %add3A_426, %le3A_428 : vector<16xi32>
      %jit3A_430 = arith.constant 0 : i32
      %broadcast_in_dim3A_431 = vector.broadcast %jit3A_430 : i32 to vector<16xi32>
      %select_n3A_432 = arith.select %le3A_429, %gather3A_422, %broadcast_in_dim3A_431 : vector<16xi1>, vector<16xi32>
      %add3A_433 = arith.addi %add3A_412, %select_n3A_432 : vector<16xi32>
      %iota3A_434 = tpu.iota {dimensions = array<i32: 0>} : vector<16xi32>
      %add3A_435 = arith.constant 8 : i32
      %add3A_436 = vector.broadcast %add3A_435 : i32 to vector<16xi32>
      %add3A_437 = arith.addi %iota3A_434, %add3A_436 : vector<16xi32>
      %min3A_438 = arith.constant 15 : i32
      %min3A_439 = vector.broadcast %min3A_438 : i32 to vector<16xi32>
      %min3A_440 = arith.minsi %add3A_437, %min3A_439 : vector<16xi32>
      %broadcast_in_dim3A_441 = vector.shape_cast %min3A_440 : vector<16xi32> to vector<16x1xi32>
      %gather3A_442 = vector.shape_cast %broadcast_in_dim3A_441 : vector<16x1xi32> to vector<16xi32>
      %gather3A_443 = tpu.dynamic_gather %add3A_433[%gather3A_442] in [0] : vector<16xi32>, vector<16xi32> -> vector<16xi32>
      %iota3A_444 = tpu.iota {dimensions = array<i32: 0>} : vector<16xi32>
      %add3A_445 = arith.constant 8 : i32
      %add3A_446 = vector.broadcast %add3A_445 : i32 to vector<16xi32>
      %add3A_447 = arith.addi %iota3A_444, %add3A_446 : vector<16xi32>
      %le3A_448 = arith.constant 15 : i32
      %le3A_449 = vector.broadcast %le3A_448 : i32 to vector<16xi32>
      %le3A_450 = arith.cmpi sle, %add3A_447, %le3A_449 : vector<16xi32>
      %jit3A_451 = arith.constant 0 : i32
      %broadcast_in_dim3A_452 = vector.broadcast %jit3A_451 : i32 to vector<16xi32>
      %select_n3A_453 = arith.select %le3A_450, %gather3A_443, %broadcast_in_dim3A_452 : vector<16xi1>, vector<16xi32>
      %add3A_454 = arith.addi %add3A_433, %select_n3A_453 : vector<16xi32>
      %broadcast_in_dim3A_455 = vector.shape_cast %broadcast_in_dim3A_38 : vector<16xi32> to vector<16x1xi32>
      %gather3A_456 = vector.shape_cast %broadcast_in_dim3A_455 : vector<16x1xi32> to vector<16xi32>
      %gather3A_457 = tpu.dynamic_gather %add3A_454[%gather3A_456] in [0] : vector<16xi32>, vector<16xi32> -> vector<16xi32>
      %add3A_458 = arith.addi %scan3A_350, %add3A_454 : vector<16xi32>
      %ge3A = arith.cmpi sge, %add3A_458, %sub3A_240 : vector<16xi32>
      %all_reduce_population_count3A = tpu.all_reduce %ge3A {dim = 0 : i64, kind = #tpu.reduction_kind<sum>} : vector<16xi1> -> vector<16xi32>
      %sub3A_459 = arith.constant 1 : i32
      %sub3A_460 = vector.broadcast %sub3A_459 : i32 to vector<16xi32>
      %sub3A_461 = arith.subi %all_reduce_population_count3A, %sub3A_460 : vector<16xi32>
      %max3A_462 = arith.constant 0 : i32
      %max3A_463 = vector.broadcast %max3A_462 : i32 to vector<16xi32>
      %max3A_464 = arith.maxsi %sub3A_461, %max3A_463 : vector<16xi32>
      %lt3A_465 = arith.cmpi slt, %scan3A_350, %sub3A_240 : vector<16xi32>
      %add3A_466 = arith.addi %scan3A_350, %gather3A_457 : vector<16xi32>
      %ge3A_467 = arith.cmpi sge, %add3A_466, %sub3A_240 : vector<16xi32>
      %and3A_468 = arith.andi %lt3A_465, %ge3A_467 : vector<16xi1>
      %broadcast_in_dim3A_469 = vector.shape_cast %max3A_464 : vector<16xi32> to vector<16x1xi32>
      %gather3A_470 = vector.shape_cast %broadcast_in_dim3A_469 : vector<16x1xi32> to vector<16xi32>
      %gather3A_471 = tpu.dynamic_gather %add3A_458[%gather3A_470] in [0] : vector<16xi32>, vector<16xi32> -> vector<16xi32>
      %broadcast_in_dim3A_472 = vector.shape_cast %max3A_464 : vector<16xi32> to vector<16x1xi32>
      %gather3A_473 = vector.shape_cast %broadcast_in_dim3A_472 : vector<16x1xi32> to vector<16xi32>
      %gather3A_474 = tpu.dynamic_gather %add3A_371[%gather3A_473] in [0] : vector<16xi32>, vector<16xi32> -> vector<16xi32>
      %sub3A_475 = arith.subi %gather3A_471, %gather3A_474 : vector<16xi32>
      %add3A_476 = vector.broadcast %mul3A_354 : i32 to vector<16xi32>
      %add3A_477 = arith.addi %add3A_476, %max3A_464 : vector<16xi32>
      %select_n3A_478 = arith.select %and3A_468, %add3A_477, %scan3A_348 : vector<16xi1>, vector<16xi32>
      %select_n3A_479 = arith.select %and3A_468, %sub3A_475, %scan3A_349 : vector<16xi1>, vector<16xi32>
      %add3A_480 = arith.addi %scan3A_350, %gather3A_457 : vector<16xi32>
      scf.yield %select_n3A_478, %select_n3A_479, %add3A_480 : vector<16xi32>, vector<16xi32>, vector<16xi32>
    }
    %scan3A_246 = arith.constant 64 : i32
    %convert_element_type3A_247 = arith.extui %eq3A_37 : i1 to i32
    %cond3A_248 = arith.constant 0 : i32
    %cond3A_249 = arith.cmpi ne, %convert_element_type3A_247, %cond3A_248 : i32
    scf.if %cond3A_249 {
      %shift_left3A = arith.constant 10 : i32
      %shift_left3A_347 = vector.broadcast %shift_left3A : i32 to vector<16xi32>
      %shift_left3A_348 = arith.shli %gather3A_161, %shift_left3A_347 : vector<16xi32>
      %or3A = arith.ori %shift_left3A_348, %scan3A_245#0 : vector<16xi32>
      %swap3A_349 = arith.constant 0 : index
      %swap3A_350 = tpu.vector_load %arg8[%swap3A_349] {strides = array<i32>} : memref<16xi32, #tpu.memory_space<vmem>>, vector<16xi32>,
      tpu.vector_store %arg8[%swap3A_349], %or3A {strides = array<i32>} : memref<16xi32, #tpu.memory_space<vmem>>, vector<16xi32>,
      "tpu.region"() ({
        %run_scoped3A = tpu.sem_alloc : memref<!tpu.dma_semaphore, #tpu.memory_space<semaphore_mem>>
        %dma_start3A_351 = arith.constant 0 : i32
        %dma_start3A_352 = tpu.memref_slice %arg11[%select_n3A, %dma_start3A_351] : memref<4x16xi32, #tpu.memory_space<vmem_shared>> -> memref<1x16xi32, #tpu.memory_space<vmem_shared>>
        %dma_start3A_353 = tpu.memref_squeeze %dma_start3A_352 : memref<1x16xi32, #tpu.memory_space<vmem_shared>> -> memref<16xi32, #tpu.memory_space<vmem_shared>>
        %dma_start3A_354 = arith.constant 0 : i32
        %dma_start3A_355 = tpu.memref_slice %arg11[%select_n3A, %dma_start3A_354] : memref<4x16xi32, #tpu.memory_space<vmem_shared>> -> memref<1x16xi32, #tpu.memory_space<vmem_shared>>
        %dma_start3A_356 = tpu.memref_squeeze %dma_start3A_355 : memref<1x16xi32, #tpu.memory_space<vmem_shared>> -> memref<16xi32, #tpu.memory_space<vmem_shared>>
        tpu.enqueue_dma source(%arg8 : memref<16xi32, #tpu.memory_space<vmem>>) target(%dma_start3A_356 : memref<16xi32, #tpu.memory_space<vmem_shared>>) target_semaphore(%run_scoped3A : memref<!tpu.dma_semaphore, #tpu.memory_space<semaphore_mem>>)
        %dma_wait3A_357 = arith.constant 0 : i32
        %dma_wait3A_358 = tpu.memref_slice %arg11[%select_n3A, %dma_wait3A_357] : memref<4x16xi32, #tpu.memory_space<vmem_shared>> -> memref<1x16xi32, #tpu.memory_space<vmem_shared>>
        %dma_wait3A_359 = tpu.memref_squeeze %dma_wait3A_358 : memref<1x16xi32, #tpu.memory_space<vmem_shared>> -> memref<16xi32, #tpu.memory_space<vmem_shared>>
        %dma_wait3A_360 = arith.constant 0 : i32
        %dma_wait3A_361 = tpu.memref_slice %arg11[%select_n3A, %dma_wait3A_360] : memref<4x16xi32, #tpu.memory_space<vmem_shared>> -> memref<1x16xi32, #tpu.memory_space<vmem_shared>>
        %dma_wait3A_362 = tpu.memref_squeeze %dma_wait3A_361 : memref<1x16xi32, #tpu.memory_space<vmem_shared>> -> memref<16xi32, #tpu.memory_space<vmem_shared>>
        tpu.wait_dma2 semaphore(%run_scoped3A : memref<!tpu.dma_semaphore, #tpu.memory_space<semaphore_mem>>) src(%arg8 : memref<16xi32, #tpu.memory_space<vmem>>) dst(%dma_wait3A_362 : memref<16xi32, #tpu.memory_space<vmem_shared>>)
        tpu.yield
      }) : () -> ()
    } else {
    }
    %barrier3A_250 = arith.constant 0 : index
    tpu.barrier barrier_id(%barrier3A_250)
    "tpu.region"() ({
      %run_scoped3A = tpu.sem_alloc : memref<!tpu.dma_semaphore, #tpu.memory_space<semaphore_mem>>
      %dma_start3A_347 = arith.constant 0 : i32
      %dma_start3A_348 = tpu.memref_slice %arg11[%select_n3A, %dma_start3A_347] : memref<4x16xi32, #tpu.memory_space<vmem_shared>> -> memref<1x16xi32, #tpu.memory_space<vmem_shared>>
      %dma_start3A_349 = tpu.memref_squeeze %dma_start3A_348 : memref<1x16xi32, #tpu.memory_space<vmem_shared>> -> memref<16xi32, #tpu.memory_space<vmem_shared>>
      %dma_start3A_350 = arith.constant 0 : i32
      %dma_start3A_351 = tpu.memref_slice %arg11[%select_n3A, %dma_start3A_350] : memref<4x16xi32, #tpu.memory_space<vmem_shared>> -> memref<1x16xi32, #tpu.memory_space<vmem_shared>>
      %dma_start3A_352 = tpu.memref_squeeze %dma_start3A_351 : memref<1x16xi32, #tpu.memory_space<vmem_shared>> -> memref<16xi32, #tpu.memory_space<vmem_shared>>
      tpu.enqueue_dma source(%dma_start3A_352 : memref<16xi32, #tpu.memory_space<vmem_shared>>) target(%arg8 : memref<16xi32, #tpu.memory_space<vmem>>) target_semaphore(%run_scoped3A : memref<!tpu.dma_semaphore, #tpu.memory_space<semaphore_mem>>)
      %dma_wait3A_353 = arith.constant 0 : i32
      %dma_wait3A_354 = tpu.memref_slice %arg11[%select_n3A, %dma_wait3A_353] : memref<4x16xi32, #tpu.memory_space<vmem_shared>> -> memref<1x16xi32, #tpu.memory_space<vmem_shared>>
      %dma_wait3A_355 = tpu.memref_squeeze %dma_wait3A_354 : memref<1x16xi32, #tpu.memory_space<vmem_shared>> -> memref<16xi32, #tpu.memory_space<vmem_shared>>
      %dma_wait3A_356 = arith.constant 0 : i32
      %dma_wait3A_357 = tpu.memref_slice %arg11[%select_n3A, %dma_wait3A_356] : memref<4x16xi32, #tpu.memory_space<vmem_shared>> -> memref<1x16xi32, #tpu.memory_space<vmem_shared>>
      %dma_wait3A_358 = tpu.memref_squeeze %dma_wait3A_357 : memref<1x16xi32, #tpu.memory_space<vmem_shared>> -> memref<16xi32, #tpu.memory_space<vmem_shared>>
      tpu.wait_dma2 semaphore(%run_scoped3A : memref<!tpu.dma_semaphore, #tpu.memory_space<semaphore_mem>>) src(%dma_wait3A_358 : memref<16xi32, #tpu.memory_space<vmem_shared>>) dst(%arg8 : memref<16xi32, #tpu.memory_space<vmem>>)
      tpu.yield
    }) : () -> ()
    %get3A_251 = arith.constant 0 : index
    %get3A_252 = tpu.vector_load %arg8[%get3A_251] {strides = array<i32>} : memref<16xi32, #tpu.memory_space<vmem>>, vector<16xi32>,
    %broadcast_in_dim3A_253 = vector.shape_cast %broadcast_in_dim3A_38 : vector<16xi32> to vector<16x1xi32>
    %gather3A_254 = vector.shape_cast %broadcast_in_dim3A_253 : vector<16x1xi32> to vector<16xi32>
    %gather3A_255 = tpu.dynamic_gather %get3A_252[%gather3A_254] in [0] : vector<16xi32>, vector<16xi32> -> vector<16xi32>
    %scan3A_256 = arith.constant 0 : i32
    %scan3A_257 = arith.constant 0 : i32
    %scan3A_258 = arith.constant 128 : i32
    %scan3A_259 = arith.addi %scan3A_257, %scan3A_258 : i32
    %scan3A_260 = arith.constant 1 : i32
    scf.for %scan3A_347 = %scan3A_257 to %scan3A_259 step %scan3A_260  : i32 {
      %mul3A_348 = arith.constant 128 : i32
      %mul3A_349 = arith.muli %scan3A_347, %mul3A_348 : i32
      %add3A_350 = arith.constant 0 : i32
      %add3A_351 = arith.addi %mul3A_349, %add3A_350 : i32
      %swap3A_352 = arith.index_cast %add3A_351 : i32 to index
      %swap3A_353 = tpu.vector_load %arg5[%swap3A_352] {strides = array<i32>} : memref<32768xi32, #tpu.memory_space<vmem>>, vector<16xi32>,
      tpu.vector_store %arg5[%swap3A_352], %broadcast_in_dim3A_38 {strides = array<i32>} : memref<32768xi32, #tpu.memory_space<vmem>>, vector<16xi32>,
      %mul3A_354 = arith.constant 128 : i32
      %mul3A_355 = arith.muli %scan3A_347, %mul3A_354 : i32
      %add3A_356 = arith.constant 16 : i32
      %add3A_357 = arith.addi %mul3A_355, %add3A_356 : i32
      %swap3A_358 = arith.index_cast %add3A_357 : i32 to index
      %swap3A_359 = tpu.vector_load %arg5[%swap3A_358] {strides = array<i32>} : memref<32768xi32, #tpu.memory_space<vmem>>, vector<16xi32>,
      tpu.vector_store %arg5[%swap3A_358], %broadcast_in_dim3A_38 {strides = array<i32>} : memref<32768xi32, #tpu.memory_space<vmem>>, vector<16xi32>,
      %mul3A_360 = arith.constant 128 : i32
      %mul3A_361 = arith.muli %scan3A_347, %mul3A_360 : i32
      %add3A_362 = arith.constant 32 : i32
      %add3A_363 = arith.addi %mul3A_361, %add3A_362 : i32
      %swap3A_364 = arith.index_cast %add3A_363 : i32 to index
      %swap3A_365 = tpu.vector_load %arg5[%swap3A_364] {strides = array<i32>} : memref<32768xi32, #tpu.memory_space<vmem>>, vector<16xi32>,
      tpu.vector_store %arg5[%swap3A_364], %broadcast_in_dim3A_38 {strides = array<i32>} : memref<32768xi32, #tpu.memory_space<vmem>>, vector<16xi32>,
      %mul3A_366 = arith.constant 128 : i32
      %mul3A_367 = arith.muli %scan3A_347, %mul3A_366 : i32
      %add3A_368 = arith.constant 48 : i32
      %add3A_369 = arith.addi %mul3A_367, %add3A_368 : i32
      %swap3A_370 = arith.index_cast %add3A_369 : i32 to index
      %swap3A_371 = tpu.vector_load %arg5[%swap3A_370] {strides = array<i32>} : memref<32768xi32, #tpu.memory_space<vmem>>, vector<16xi32>,
      tpu.vector_store %arg5[%swap3A_370], %broadcast_in_dim3A_38 {strides = array<i32>} : memref<32768xi32, #tpu.memory_space<vmem>>, vector<16xi32>,
      %mul3A_372 = arith.constant 128 : i32
      %mul3A_373 = arith.muli %scan3A_347, %mul3A_372 : i32
      %add3A_374 = arith.constant 64 : i32
      %add3A_375 = arith.addi %mul3A_373, %add3A_374 : i32
      %swap3A_376 = arith.index_cast %add3A_375 : i32 to index
      %swap3A_377 = tpu.vector_load %arg5[%swap3A_376] {strides = array<i32>} : memref<32768xi32, #tpu.memory_space<vmem>>, vector<16xi32>,
      tpu.vector_store %arg5[%swap3A_376], %broadcast_in_dim3A_38 {strides = array<i32>} : memref<32768xi32, #tpu.memory_space<vmem>>, vector<16xi32>,
      %mul3A_378 = arith.constant 128 : i32
      %mul3A_379 = arith.muli %scan3A_347, %mul3A_378 : i32
      %add3A_380 = arith.constant 80 : i32
      %add3A_381 = arith.addi %mul3A_379, %add3A_380 : i32
      %swap3A_382 = arith.index_cast %add3A_381 : i32 to index
      %swap3A_383 = tpu.vector_load %arg5[%swap3A_382] {strides = array<i32>} : memref<32768xi32, #tpu.memory_space<vmem>>, vector<16xi32>,
      tpu.vector_store %arg5[%swap3A_382], %broadcast_in_dim3A_38 {strides = array<i32>} : memref<32768xi32, #tpu.memory_space<vmem>>, vector<16xi32>,
      %mul3A_384 = arith.constant 128 : i32
      %mul3A_385 = arith.muli %scan3A_347, %mul3A_384 : i32
      %add3A_386 = arith.constant 96 : i32
      %add3A_387 = arith.addi %mul3A_385, %add3A_386 : i32
      %swap3A_388 = arith.index_cast %add3A_387 : i32 to index
      %swap3A_389 = tpu.vector_load %arg5[%swap3A_388] {strides = array<i32>} : memref<32768xi32, #tpu.memory_space<vmem>>, vector<16xi32>,
      tpu.vector_store %arg5[%swap3A_388], %broadcast_in_dim3A_38 {strides = array<i32>} : memref<32768xi32, #tpu.memory_space<vmem>>, vector<16xi32>,
      %mul3A_390 = arith.constant 128 : i32
      %mul3A_391 = arith.muli %scan3A_347, %mul3A_390 : i32
      %add3A_392 = arith.constant 112 : i32
      %add3A_393 = arith.addi %mul3A_391, %add3A_392 : i32
      %swap3A_394 = arith.index_cast %add3A_393 : i32 to index
      %swap3A_395 = tpu.vector_load %arg5[%swap3A_394] {strides = array<i32>} : memref<32768xi32, #tpu.memory_space<vmem>>, vector<16xi32>,
      tpu.vector_store %arg5[%swap3A_394], %broadcast_in_dim3A_38 {strides = array<i32>} : memref<32768xi32, #tpu.memory_space<vmem>>, vector<16xi32>,
    }
    %scan3A_261 = arith.constant 128 : i32
    %add3A_262 = arith.constant 0 : i32
    %add3A_263 = arith.addi %add3A_35, %add3A_262 : i32
    %dma_start3A_264 = arith.constant 0 : i32
    %dma_start3A_265 = arith.constant 0 : i32
    %dma_start3A_266 = arith.constant 0 : i32
    %dma_start3A_267 = tpu.memref_slice %arg6[%dma_start3A_264, %dma_start3A_266] : memref<2x32768xi32, #tpu.memory_space<vmem>> -> memref<1x32768xi32, #tpu.memory_space<vmem>>
    %dma_start3A_268 = tpu.memref_squeeze %dma_start3A_267 : memref<1x32768xi32, #tpu.memory_space<vmem>> -> memref<32768xi32, #tpu.memory_space<vmem>>
    %dma_start3A_269 = tpu.memref_slice %arg2[%add3A_263] : memref<2097152xi32, #tpu.memory_space<hbm>> -> memref<32768xi32, #tpu.memory_space<hbm>>
    %dma_start3A_270 = tpu.memref_slice %arg13[%dma_start3A_265] : memref<2x!tpu.dma_semaphore, #tpu.memory_space<semaphore_mem>> -> memref<1x!tpu.dma_semaphore, #tpu.memory_space<semaphore_mem>>
    %dma_start3A_271 = tpu.memref_squeeze %dma_start3A_270 : memref<1x!tpu.dma_semaphore, #tpu.memory_space<semaphore_mem>> -> memref<!tpu.dma_semaphore, #tpu.memory_space<semaphore_mem>>
    %dma_start3A_272 = arith.constant 0 : i32
    %dma_start3A_273 = tpu.memref_slice %arg6[%dma_start3A_264, %dma_start3A_272] : memref<2x32768xi32, #tpu.memory_space<vmem>> -> memref<1x32768xi32, #tpu.memory_space<vmem>>
    %dma_start3A_274 = tpu.memref_squeeze %dma_start3A_273 : memref<1x32768xi32, #tpu.memory_space<vmem>> -> memref<32768xi32, #tpu.memory_space<vmem>>
    %dma_start3A_275 = tpu.memref_slice %arg2[%add3A_263] : memref<2097152xi32, #tpu.memory_space<hbm>> -> memref<32768xi32, #tpu.memory_space<hbm>>
    tpu.enqueue_dma source(%dma_start3A_275 : memref<32768xi32, #tpu.memory_space<hbm>>) target(%dma_start3A_274 : memref<32768xi32, #tpu.memory_space<vmem>>) target_semaphore(%dma_start3A_271 : memref<!tpu.dma_semaphore, #tpu.memory_space<semaphore_mem>>)
    %add3A_276 = arith.constant 32768 : i32
    %add3A_277 = arith.addi %add3A_35, %add3A_276 : i32
    %dma_start3A_278 = arith.constant 1 : i32
    %dma_start3A_279 = arith.constant 1 : i32
    %dma_start3A_280 = arith.constant 0 : i32
    %dma_start3A_281 = tpu.memref_slice %arg6[%dma_start3A_278, %dma_start3A_280] : memref<2x32768xi32, #tpu.memory_space<vmem>> -> memref<1x32768xi32, #tpu.memory_space<vmem>>
    %dma_start3A_282 = tpu.memref_squeeze %dma_start3A_281 : memref<1x32768xi32, #tpu.memory_space<vmem>> -> memref<32768xi32, #tpu.memory_space<vmem>>
    %dma_start3A_283 = tpu.memref_slice %arg2[%add3A_277] : memref<2097152xi32, #tpu.memory_space<hbm>> -> memref<32768xi32, #tpu.memory_space<hbm>>
    %dma_start3A_284 = tpu.memref_slice %arg13[%dma_start3A_279] : memref<2x!tpu.dma_semaphore, #tpu.memory_space<semaphore_mem>> -> memref<1x!tpu.dma_semaphore, #tpu.memory_space<semaphore_mem>>
    %dma_start3A_285 = tpu.memref_squeeze %dma_start3A_284 : memref<1x!tpu.dma_semaphore, #tpu.memory_space<semaphore_mem>> -> memref<!tpu.dma_semaphore, #tpu.memory_space<semaphore_mem>>
    %dma_start3A_286 = arith.constant 0 : i32
    %dma_start3A_287 = tpu.memref_slice %arg6[%dma_start3A_278, %dma_start3A_286] : memref<2x32768xi32, #tpu.memory_space<vmem>> -> memref<1x32768xi32, #tpu.memory_space<vmem>>
    %dma_start3A_288 = tpu.memref_squeeze %dma_start3A_287 : memref<1x32768xi32, #tpu.memory_space<vmem>> -> memref<32768xi32, #tpu.memory_space<vmem>>
    %dma_start3A_289 = tpu.memref_slice %arg2[%add3A_277] : memref<2097152xi32, #tpu.memory_space<hbm>> -> memref<32768xi32, #tpu.memory_space<hbm>>
    tpu.enqueue_dma source(%dma_start3A_289 : memref<32768xi32, #tpu.memory_space<hbm>>) target(%dma_start3A_288 : memref<32768xi32, #tpu.memory_space<vmem>>) target_semaphore(%dma_start3A_285 : memref<!tpu.dma_semaphore, #tpu.memory_space<semaphore_mem>>)
    %dma_wait3A_290 = arith.constant 0 : i32
    %dma_wait3A_291 = arith.constant 0 : i32
    %dma_wait3A_292 = arith.constant 0 : i32
    %dma_wait3A_293 = tpu.memref_slice %arg6[%dma_wait3A_290, %dma_wait3A_292] : memref<2x32768xi32, #tpu.memory_space<vmem>> -> memref<1x32768xi32, #tpu.memory_space<vmem>>
    %dma_wait3A_294 = tpu.memref_squeeze %dma_wait3A_293 : memref<1x32768xi32, #tpu.memory_space<vmem>> -> memref<32768xi32, #tpu.memory_space<vmem>>
    %dma_wait3A_295 = tpu.memref_slice %arg2[%add3A_263] : memref<2097152xi32, #tpu.memory_space<hbm>> -> memref<32768xi32, #tpu.memory_space<hbm>>
    %dma_wait3A_296 = tpu.memref_slice %arg13[%dma_wait3A_291] : memref<2x!tpu.dma_semaphore, #tpu.memory_space<semaphore_mem>> -> memref<1x!tpu.dma_semaphore, #tpu.memory_space<semaphore_mem>>
    %dma_wait3A_297 = tpu.memref_squeeze %dma_wait3A_296 : memref<1x!tpu.dma_semaphore, #tpu.memory_space<semaphore_mem>> -> memref<!tpu.dma_semaphore, #tpu.memory_space<semaphore_mem>>
    %dma_wait3A_298 = arith.constant 0 : i32
    %dma_wait3A_299 = tpu.memref_slice %arg6[%dma_wait3A_290, %dma_wait3A_298] : memref<2x32768xi32, #tpu.memory_space<vmem>> -> memref<1x32768xi32, #tpu.memory_space<vmem>>
    %dma_wait3A_300 = tpu.memref_squeeze %dma_wait3A_299 : memref<1x32768xi32, #tpu.memory_space<vmem>> -> memref<32768xi32, #tpu.memory_space<vmem>>
    %dma_wait3A_301 = tpu.memref_slice %arg2[%add3A_263] : memref<2097152xi32, #tpu.memory_space<hbm>> -> memref<32768xi32, #tpu.memory_space<hbm>>
    tpu.wait_dma2 semaphore(%dma_wait3A_297 : memref<!tpu.dma_semaphore, #tpu.memory_space<semaphore_mem>>) src(%dma_wait3A_301 : memref<32768xi32, #tpu.memory_space<hbm>>) dst(%dma_wait3A_300 : memref<32768xi32, #tpu.memory_space<vmem>>)
    %scan3A_302 = arith.constant 0 : i32
    %scan3A_303 = arith.constant 256 : i32
    %scan3A_304 = arith.addi %scan3A_302, %scan3A_303 : i32
    %scan3A_305 = arith.constant 1 : i32
    %scan3A_306 = scf.for %scan3A_347 = %scan3A_302 to %scan3A_304 step %scan3A_305 iter_args(%scan3A_348 = %broadcast_in_dim3A_40) -> (vector<16xf32>)  : i32 {
      %mul3A_349 = arith.constant 128 : i32
      %mul3A_350 = arith.muli %scan3A_347, %mul3A_349 : i32
      %add3A_351 = arith.constant 0 : i32
      %add3A_352 = arith.addi %mul3A_350, %add3A_351 : i32
      %get3A_353 = arith.constant 0 : i32
      %get3A_354 = arith.index_cast %get3A_353 : i32 to index
      %get3A_355 = arith.index_cast %add3A_352 : i32 to index
      %get3A_356 = tpu.vector_load %arg6[%get3A_354, %get3A_355] {strides = array<i32>} : memref<2x32768xi32, #tpu.memory_space<vmem>>, vector<16xi32>,
      %shift_right_arithmetic3A = arith.constant 10 : i32
      %shift_right_arithmetic3A_357 = vector.broadcast %shift_right_arithmetic3A : i32 to vector<16xi32>
      %shift_right_arithmetic3A_358 = arith.shrsi %get3A_356, %shift_right_arithmetic3A_357 : vector<16xi32>
      %eq3A_359 = arith.cmpi eq, %shift_right_arithmetic3A_358, %gather3A_255 : vector<16xi32>
      %and3A_360 = arith.constant 1023 : i32
      %and3A_361 = vector.broadcast %and3A_360 : i32 to vector<16xi32>
      %and3A_362 = arith.andi %get3A_356, %and3A_361 : vector<16xi32>
      %add3A_363 = arith.addi %mul3A_53, %and3A_362 : vector<16xi32>
      %add3A_364 = arith.constant 1 : i32
      %add3A_365 = vector.broadcast %add3A_364 : i32 to vector<16xi32>
      %add3A_366 = arith.addi %gather3A_255, %add3A_365 : vector<16xi32>
      %shift_left3A = arith.constant 10 : i32
      %shift_left3A_367 = vector.broadcast %shift_left3A : i32 to vector<16xi32>
      %shift_left3A_368 = arith.shli %add3A_366, %shift_left3A_367 : vector<16xi32>
      %ge3A = arith.cmpi sge, %get3A_356, %shift_left3A_368 : vector<16xi32>
      %bitcast_convert_type3A = tpu.bitcast %get3A_356 : vector<16xi32> -> vector<16xf32>
      %jit3A_369 = arith.constant 0.000000e+00 : f32
      %broadcast_in_dim3A_370 = vector.broadcast %jit3A_369 : f32 to vector<16xf32>
      %select_n3A_371 = arith.select %ge3A, %bitcast_convert_type3A, %broadcast_in_dim3A_370 : vector<16xi1>, vector<16xf32>
      %add3A_372 = arith.addf %scan3A_348, %select_n3A_371 : vector<16xf32>
      tpu.vector_store_idx %arg5[%add3A_363], %broadcast_in_dim3A_42 masked %eq3A_359 {add = true} : memref<32768xi32, #tpu.memory_space<vmem>>[vector<16xi32>], vector<16xi32>, vector<16xi1>
      %mul3A_373 = arith.constant 128 : i32
      %mul3A_374 = arith.muli %scan3A_347, %mul3A_373 : i32
      %add3A_375 = arith.constant 16 : i32
      %add3A_376 = arith.addi %mul3A_374, %add3A_375 : i32
      %get3A_377 = arith.constant 0 : i32
      %get3A_378 = arith.index_cast %get3A_377 : i32 to index
      %get3A_379 = arith.index_cast %add3A_376 : i32 to index
      %get3A_380 = tpu.vector_load %arg6[%get3A_378, %get3A_379] {strides = array<i32>} : memref<2x32768xi32, #tpu.memory_space<vmem>>, vector<16xi32>,
      %shift_right_arithmetic3A_381 = arith.constant 10 : i32
      %shift_right_arithmetic3A_382 = vector.broadcast %shift_right_arithmetic3A_381 : i32 to vector<16xi32>
      %shift_right_arithmetic3A_383 = arith.shrsi %get3A_380, %shift_right_arithmetic3A_382 : vector<16xi32>
      %eq3A_384 = arith.cmpi eq, %shift_right_arithmetic3A_383, %gather3A_255 : vector<16xi32>
      %and3A_385 = arith.constant 1023 : i32
      %and3A_386 = vector.broadcast %and3A_385 : i32 to vector<16xi32>
      %and3A_387 = arith.andi %get3A_380, %and3A_386 : vector<16xi32>
      %add3A_388 = arith.addi %mul3A_53, %and3A_387 : vector<16xi32>
      %add3A_389 = arith.constant 1 : i32
      %add3A_390 = vector.broadcast %add3A_389 : i32 to vector<16xi32>
      %add3A_391 = arith.addi %gather3A_255, %add3A_390 : vector<16xi32>
      %shift_left3A_392 = arith.constant 10 : i32
      %shift_left3A_393 = vector.broadcast %shift_left3A_392 : i32 to vector<16xi32>
      %shift_left3A_394 = arith.shli %add3A_391, %shift_left3A_393 : vector<16xi32>
      %ge3A_395 = arith.cmpi sge, %get3A_380, %shift_left3A_394 : vector<16xi32>
      %bitcast_convert_type3A_396 = tpu.bitcast %get3A_380 : vector<16xi32> -> vector<16xf32>
      %jit3A_397 = arith.constant 0.000000e+00 : f32
      %broadcast_in_dim3A_398 = vector.broadcast %jit3A_397 : f32 to vector<16xf32>
      %select_n3A_399 = arith.select %ge3A_395, %bitcast_convert_type3A_396, %broadcast_in_dim3A_398 : vector<16xi1>, vector<16xf32>
      %add3A_400 = arith.addf %add3A_372, %select_n3A_399 : vector<16xf32>
      tpu.vector_store_idx %arg5[%add3A_388], %broadcast_in_dim3A_42 masked %eq3A_384 {add = true} : memref<32768xi32, #tpu.memory_space<vmem>>[vector<16xi32>], vector<16xi32>, vector<16xi1>
      %mul3A_401 = arith.constant 128 : i32
      %mul3A_402 = arith.muli %scan3A_347, %mul3A_401 : i32
      %add3A_403 = arith.constant 32 : i32
      %add3A_404 = arith.addi %mul3A_402, %add3A_403 : i32
      %get3A_405 = arith.constant 0 : i32
      %get3A_406 = arith.index_cast %get3A_405 : i32 to index
      %get3A_407 = arith.index_cast %add3A_404 : i32 to index
      %get3A_408 = tpu.vector_load %arg6[%get3A_406, %get3A_407] {strides = array<i32>} : memref<2x32768xi32, #tpu.memory_space<vmem>>, vector<16xi32>,
      %shift_right_arithmetic3A_409 = arith.constant 10 : i32
      %shift_right_arithmetic3A_410 = vector.broadcast %shift_right_arithmetic3A_409 : i32 to vector<16xi32>
      %shift_right_arithmetic3A_411 = arith.shrsi %get3A_408, %shift_right_arithmetic3A_410 : vector<16xi32>
      %eq3A_412 = arith.cmpi eq, %shift_right_arithmetic3A_411, %gather3A_255 : vector<16xi32>
      %and3A_413 = arith.constant 1023 : i32
      %and3A_414 = vector.broadcast %and3A_413 : i32 to vector<16xi32>
      %and3A_415 = arith.andi %get3A_408, %and3A_414 : vector<16xi32>
      %add3A_416 = arith.addi %mul3A_53, %and3A_415 : vector<16xi32>
      %add3A_417 = arith.constant 1 : i32
      %add3A_418 = vector.broadcast %add3A_417 : i32 to vector<16xi32>
      %add3A_419 = arith.addi %gather3A_255, %add3A_418 : vector<16xi32>
      %shift_left3A_420 = arith.constant 10 : i32
      %shift_left3A_421 = vector.broadcast %shift_left3A_420 : i32 to vector<16xi32>
      %shift_left3A_422 = arith.shli %add3A_419, %shift_left3A_421 : vector<16xi32>
      %ge3A_423 = arith.cmpi sge, %get3A_408, %shift_left3A_422 : vector<16xi32>
      %bitcast_convert_type3A_424 = tpu.bitcast %get3A_408 : vector<16xi32> -> vector<16xf32>
      %jit3A_425 = arith.constant 0.000000e+00 : f32
      %broadcast_in_dim3A_426 = vector.broadcast %jit3A_425 : f32 to vector<16xf32>
      %select_n3A_427 = arith.select %ge3A_423, %bitcast_convert_type3A_424, %broadcast_in_dim3A_426 : vector<16xi1>, vector<16xf32>
      %add3A_428 = arith.addf %add3A_400, %select_n3A_427 : vector<16xf32>
      tpu.vector_store_idx %arg5[%add3A_416], %broadcast_in_dim3A_42 masked %eq3A_412 {add = true} : memref<32768xi32, #tpu.memory_space<vmem>>[vector<16xi32>], vector<16xi32>, vector<16xi1>
      %mul3A_429 = arith.constant 128 : i32
      %mul3A_430 = arith.muli %scan3A_347, %mul3A_429 : i32
      %add3A_431 = arith.constant 48 : i32
      %add3A_432 = arith.addi %mul3A_430, %add3A_431 : i32
      %get3A_433 = arith.constant 0 : i32
      %get3A_434 = arith.index_cast %get3A_433 : i32 to index
      %get3A_435 = arith.index_cast %add3A_432 : i32 to index
      %get3A_436 = tpu.vector_load %arg6[%get3A_434, %get3A_435] {strides = array<i32>} : memref<2x32768xi32, #tpu.memory_space<vmem>>, vector<16xi32>,
      %shift_right_arithmetic3A_437 = arith.constant 10 : i32
      %shift_right_arithmetic3A_438 = vector.broadcast %shift_right_arithmetic3A_437 : i32 to vector<16xi32>
      %shift_right_arithmetic3A_439 = arith.shrsi %get3A_436, %shift_right_arithmetic3A_438 : vector<16xi32>
      %eq3A_440 = arith.cmpi eq, %shift_right_arithmetic3A_439, %gather3A_255 : vector<16xi32>
      %and3A_441 = arith.constant 1023 : i32
      %and3A_442 = vector.broadcast %and3A_441 : i32 to vector<16xi32>
      %and3A_443 = arith.andi %get3A_436, %and3A_442 : vector<16xi32>
      %add3A_444 = arith.addi %mul3A_53, %and3A_443 : vector<16xi32>
      %add3A_445 = arith.constant 1 : i32
      %add3A_446 = vector.broadcast %add3A_445 : i32 to vector<16xi32>
      %add3A_447 = arith.addi %gather3A_255, %add3A_446 : vector<16xi32>
      %shift_left3A_448 = arith.constant 10 : i32
      %shift_left3A_449 = vector.broadcast %shift_left3A_448 : i32 to vector<16xi32>
      %shift_left3A_450 = arith.shli %add3A_447, %shift_left3A_449 : vector<16xi32>
      %ge3A_451 = arith.cmpi sge, %get3A_436, %shift_left3A_450 : vector<16xi32>
      %bitcast_convert_type3A_452 = tpu.bitcast %get3A_436 : vector<16xi32> -> vector<16xf32>
      %jit3A_453 = arith.constant 0.000000e+00 : f32
      %broadcast_in_dim3A_454 = vector.broadcast %jit3A_453 : f32 to vector<16xf32>
      %select_n3A_455 = arith.select %ge3A_451, %bitcast_convert_type3A_452, %broadcast_in_dim3A_454 : vector<16xi1>, vector<16xf32>
      %add3A_456 = arith.addf %add3A_428, %select_n3A_455 : vector<16xf32>
      tpu.vector_store_idx %arg5[%add3A_444], %broadcast_in_dim3A_42 masked %eq3A_440 {add = true} : memref<32768xi32, #tpu.memory_space<vmem>>[vector<16xi32>], vector<16xi32>, vector<16xi1>
      %mul3A_457 = arith.constant 128 : i32
      %mul3A_458 = arith.muli %scan3A_347, %mul3A_457 : i32
      %add3A_459 = arith.constant 64 : i32
      %add3A_460 = arith.addi %mul3A_458, %add3A_459 : i32
      %get3A_461 = arith.constant 0 : i32
      %get3A_462 = arith.index_cast %get3A_461 : i32 to index
      %get3A_463 = arith.index_cast %add3A_460 : i32 to index
      %get3A_464 = tpu.vector_load %arg6[%get3A_462, %get3A_463] {strides = array<i32>} : memref<2x32768xi32, #tpu.memory_space<vmem>>, vector<16xi32>,
      %shift_right_arithmetic3A_465 = arith.constant 10 : i32
      %shift_right_arithmetic3A_466 = vector.broadcast %shift_right_arithmetic3A_465 : i32 to vector<16xi32>
      %shift_right_arithmetic3A_467 = arith.shrsi %get3A_464, %shift_right_arithmetic3A_466 : vector<16xi32>
      %eq3A_468 = arith.cmpi eq, %shift_right_arithmetic3A_467, %gather3A_255 : vector<16xi32>
      %and3A_469 = arith.constant 1023 : i32
      %and3A_470 = vector.broadcast %and3A_469 : i32 to vector<16xi32>
      %and3A_471 = arith.andi %get3A_464, %and3A_470 : vector<16xi32>
      %add3A_472 = arith.addi %mul3A_53, %and3A_471 : vector<16xi32>
      %add3A_473 = arith.constant 1 : i32
      %add3A_474 = vector.broadcast %add3A_473 : i32 to vector<16xi32>
      %add3A_475 = arith.addi %gather3A_255, %add3A_474 : vector<16xi32>
      %shift_left3A_476 = arith.constant 10 : i32
      %shift_left3A_477 = vector.broadcast %shift_left3A_476 : i32 to vector<16xi32>
      %shift_left3A_478 = arith.shli %add3A_475, %shift_left3A_477 : vector<16xi32>
      %ge3A_479 = arith.cmpi sge, %get3A_464, %shift_left3A_478 : vector<16xi32>
      %bitcast_convert_type3A_480 = tpu.bitcast %get3A_464 : vector<16xi32> -> vector<16xf32>
      %jit3A_481 = arith.constant 0.000000e+00 : f32
      %broadcast_in_dim3A_482 = vector.broadcast %jit3A_481 : f32 to vector<16xf32>
      %select_n3A_483 = arith.select %ge3A_479, %bitcast_convert_type3A_480, %broadcast_in_dim3A_482 : vector<16xi1>, vector<16xf32>
      %add3A_484 = arith.addf %add3A_456, %select_n3A_483 : vector<16xf32>
      tpu.vector_store_idx %arg5[%add3A_472], %broadcast_in_dim3A_42 masked %eq3A_468 {add = true} : memref<32768xi32, #tpu.memory_space<vmem>>[vector<16xi32>], vector<16xi32>, vector<16xi1>
      %mul3A_485 = arith.constant 128 : i32
      %mul3A_486 = arith.muli %scan3A_347, %mul3A_485 : i32
      %add3A_487 = arith.constant 80 : i32
      %add3A_488 = arith.addi %mul3A_486, %add3A_487 : i32
      %get3A_489 = arith.constant 0 : i32
      %get3A_490 = arith.index_cast %get3A_489 : i32 to index
      %get3A_491 = arith.index_cast %add3A_488 : i32 to index
      %get3A_492 = tpu.vector_load %arg6[%get3A_490, %get3A_491] {strides = array<i32>} : memref<2x32768xi32, #tpu.memory_space<vmem>>, vector<16xi32>,
      %shift_right_arithmetic3A_493 = arith.constant 10 : i32
      %shift_right_arithmetic3A_494 = vector.broadcast %shift_right_arithmetic3A_493 : i32 to vector<16xi32>
      %shift_right_arithmetic3A_495 = arith.shrsi %get3A_492, %shift_right_arithmetic3A_494 : vector<16xi32>
      %eq3A_496 = arith.cmpi eq, %shift_right_arithmetic3A_495, %gather3A_255 : vector<16xi32>
      %and3A_497 = arith.constant 1023 : i32
      %and3A_498 = vector.broadcast %and3A_497 : i32 to vector<16xi32>
      %and3A_499 = arith.andi %get3A_492, %and3A_498 : vector<16xi32>
      %add3A_500 = arith.addi %mul3A_53, %and3A_499 : vector<16xi32>
      %add3A_501 = arith.constant 1 : i32
      %add3A_502 = vector.broadcast %add3A_501 : i32 to vector<16xi32>
      %add3A_503 = arith.addi %gather3A_255, %add3A_502 : vector<16xi32>
      %shift_left3A_504 = arith.constant 10 : i32
      %shift_left3A_505 = vector.broadcast %shift_left3A_504 : i32 to vector<16xi32>
      %shift_left3A_506 = arith.shli %add3A_503, %shift_left3A_505 : vector<16xi32>
      %ge3A_507 = arith.cmpi sge, %get3A_492, %shift_left3A_506 : vector<16xi32>
      %bitcast_convert_type3A_508 = tpu.bitcast %get3A_492 : vector<16xi32> -> vector<16xf32>
      %jit3A_509 = arith.constant 0.000000e+00 : f32
      %broadcast_in_dim3A_510 = vector.broadcast %jit3A_509 : f32 to vector<16xf32>
      %select_n3A_511 = arith.select %ge3A_507, %bitcast_convert_type3A_508, %broadcast_in_dim3A_510 : vector<16xi1>, vector<16xf32>
      %add3A_512 = arith.addf %add3A_484, %select_n3A_511 : vector<16xf32>
      tpu.vector_store_idx %arg5[%add3A_500], %broadcast_in_dim3A_42 masked %eq3A_496 {add = true} : memref<32768xi32, #tpu.memory_space<vmem>>[vector<16xi32>], vector<16xi32>, vector<16xi1>
      %mul3A_513 = arith.constant 128 : i32
      %mul3A_514 = arith.muli %scan3A_347, %mul3A_513 : i32
      %add3A_515 = arith.constant 96 : i32
      %add3A_516 = arith.addi %mul3A_514, %add3A_515 : i32
      %get3A_517 = arith.constant 0 : i32
      %get3A_518 = arith.index_cast %get3A_517 : i32 to index
      %get3A_519 = arith.index_cast %add3A_516 : i32 to index
      %get3A_520 = tpu.vector_load %arg6[%get3A_518, %get3A_519] {strides = array<i32>} : memref<2x32768xi32, #tpu.memory_space<vmem>>, vector<16xi32>,
      %shift_right_arithmetic3A_521 = arith.constant 10 : i32
      %shift_right_arithmetic3A_522 = vector.broadcast %shift_right_arithmetic3A_521 : i32 to vector<16xi32>
      %shift_right_arithmetic3A_523 = arith.shrsi %get3A_520, %shift_right_arithmetic3A_522 : vector<16xi32>
      %eq3A_524 = arith.cmpi eq, %shift_right_arithmetic3A_523, %gather3A_255 : vector<16xi32>
      %and3A_525 = arith.constant 1023 : i32
      %and3A_526 = vector.broadcast %and3A_525 : i32 to vector<16xi32>
      %and3A_527 = arith.andi %get3A_520, %and3A_526 : vector<16xi32>
      %add3A_528 = arith.addi %mul3A_53, %and3A_527 : vector<16xi32>
      %add3A_529 = arith.constant 1 : i32
      %add3A_530 = vector.broadcast %add3A_529 : i32 to vector<16xi32>
      %add3A_531 = arith.addi %gather3A_255, %add3A_530 : vector<16xi32>
      %shift_left3A_532 = arith.constant 10 : i32
      %shift_left3A_533 = vector.broadcast %shift_left3A_532 : i32 to vector<16xi32>
      %shift_left3A_534 = arith.shli %add3A_531, %shift_left3A_533 : vector<16xi32>
      %ge3A_535 = arith.cmpi sge, %get3A_520, %shift_left3A_534 : vector<16xi32>
      %bitcast_convert_type3A_536 = tpu.bitcast %get3A_520 : vector<16xi32> -> vector<16xf32>
      %jit3A_537 = arith.constant 0.000000e+00 : f32
      %broadcast_in_dim3A_538 = vector.broadcast %jit3A_537 : f32 to vector<16xf32>
      %select_n3A_539 = arith.select %ge3A_535, %bitcast_convert_type3A_536, %broadcast_in_dim3A_538 : vector<16xi1>, vector<16xf32>
      %add3A_540 = arith.addf %add3A_512, %select_n3A_539 : vector<16xf32>
      tpu.vector_store_idx %arg5[%add3A_528], %broadcast_in_dim3A_42 masked %eq3A_524 {add = true} : memref<32768xi32, #tpu.memory_space<vmem>>[vector<16xi32>], vector<16xi32>, vector<16xi1>
      %mul3A_541 = arith.constant 128 : i32
      %mul3A_542 = arith.muli %scan3A_347, %mul3A_541 : i32
      %add3A_543 = arith.constant 112 : i32
      %add3A_544 = arith.addi %mul3A_542, %add3A_543 : i32
      %get3A_545 = arith.constant 0 : i32
      %get3A_546 = arith.index_cast %get3A_545 : i32 to index
      %get3A_547 = arith.index_cast %add3A_544 : i32 to index
      %get3A_548 = tpu.vector_load %arg6[%get3A_546, %get3A_547] {strides = array<i32>} : memref<2x32768xi32, #tpu.memory_space<vmem>>, vector<16xi32>,
      %shift_right_arithmetic3A_549 = arith.constant 10 : i32
      %shift_right_arithmetic3A_550 = vector.broadcast %shift_right_arithmetic3A_549 : i32 to vector<16xi32>
      %shift_right_arithmetic3A_551 = arith.shrsi %get3A_548, %shift_right_arithmetic3A_550 : vector<16xi32>
      %eq3A_552 = arith.cmpi eq, %shift_right_arithmetic3A_551, %gather3A_255 : vector<16xi32>
      %and3A_553 = arith.constant 1023 : i32
      %and3A_554 = vector.broadcast %and3A_553 : i32 to vector<16xi32>
      %and3A_555 = arith.andi %get3A_548, %and3A_554 : vector<16xi32>
      %add3A_556 = arith.addi %mul3A_53, %and3A_555 : vector<16xi32>
      %add3A_557 = arith.constant 1 : i32
      %add3A_558 = vector.broadcast %add3A_557 : i32 to vector<16xi32>
      %add3A_559 = arith.addi %gather3A_255, %add3A_558 : vector<16xi32>
      %shift_left3A_560 = arith.constant 10 : i32
      %shift_left3A_561 = vector.broadcast %shift_left3A_560 : i32 to vector<16xi32>
      %shift_left3A_562 = arith.shli %add3A_559, %shift_left3A_561 : vector<16xi32>
      %ge3A_563 = arith.cmpi sge, %get3A_548, %shift_left3A_562 : vector<16xi32>
      %bitcast_convert_type3A_564 = tpu.bitcast %get3A_548 : vector<16xi32> -> vector<16xf32>
      %jit3A_565 = arith.constant 0.000000e+00 : f32
      %broadcast_in_dim3A_566 = vector.broadcast %jit3A_565 : f32 to vector<16xf32>
      %select_n3A_567 = arith.select %ge3A_563, %bitcast_convert_type3A_564, %broadcast_in_dim3A_566 : vector<16xi1>, vector<16xf32>
      %add3A_568 = arith.addf %add3A_540, %select_n3A_567 : vector<16xf32>
      tpu.vector_store_idx %arg5[%add3A_556], %broadcast_in_dim3A_42 masked %eq3A_552 {add = true} : memref<32768xi32, #tpu.memory_space<vmem>>[vector<16xi32>], vector<16xi32>, vector<16xi1>
      scf.yield %add3A_568 : vector<16xf32>
    }
    %scan3A_307 = arith.constant 256 : i32
    %dma_wait3A_308 = arith.constant 1 : i32
    %dma_wait3A_309 = arith.constant 1 : i32
    %dma_wait3A_310 = arith.constant 0 : i32
    %dma_wait3A_311 = tpu.memref_slice %arg6[%dma_wait3A_308, %dma_wait3A_310] : memref<2x32768xi32, #tpu.memory_space<vmem>> -> memref<1x32768xi32, #tpu.memory_space<vmem>>
    %dma_wait3A_312 = tpu.memref_squeeze %dma_wait3A_311 : memref<1x32768xi32, #tpu.memory_space<vmem>> -> memref<32768xi32, #tpu.memory_space<vmem>>
    %dma_wait3A_313 = tpu.memref_slice %arg2[%add3A_277] : memref<2097152xi32, #tpu.memory_space<hbm>> -> memref<32768xi32, #tpu.memory_space<hbm>>
    %dma_wait3A_314 = tpu.memref_slice %arg13[%dma_wait3A_309] : memref<2x!tpu.dma_semaphore, #tpu.memory_space<semaphore_mem>> -> memref<1x!tpu.dma_semaphore, #tpu.memory_space<semaphore_mem>>
    %dma_wait3A_315 = tpu.memref_squeeze %dma_wait3A_314 : memref<1x!tpu.dma_semaphore, #tpu.memory_space<semaphore_mem>> -> memref<!tpu.dma_semaphore, #tpu.memory_space<semaphore_mem>>
    %dma_wait3A_316 = arith.constant 0 : i32
    %dma_wait3A_317 = tpu.memref_slice %arg6[%dma_wait3A_308, %dma_wait3A_316] : memref<2x32768xi32, #tpu.memory_space<vmem>> -> memref<1x32768xi32, #tpu.memory_space<vmem>>
    %dma_wait3A_318 = tpu.memref_squeeze %dma_wait3A_317 : memref<1x32768xi32, #tpu.memory_space<vmem>> -> memref<32768xi32, #tpu.memory_space<vmem>>
    %dma_wait3A_319 = tpu.memref_slice %arg2[%add3A_277] : memref<2097152xi32, #tpu.memory_space<hbm>> -> memref<32768xi32, #tpu.memory_space<hbm>>
    tpu.wait_dma2 semaphore(%dma_wait3A_315 : memref<!tpu.dma_semaphore, #tpu.memory_space<semaphore_mem>>) src(%dma_wait3A_319 : memref<32768xi32, #tpu.memory_space<hbm>>) dst(%dma_wait3A_318 : memref<32768xi32, #tpu.memory_space<vmem>>)
    %scan3A_320 = arith.constant 0 : i32
    %scan3A_321 = arith.constant 256 : i32
    %scan3A_322 = arith.addi %scan3A_320, %scan3A_321 : i32
    %scan3A_323 = arith.constant 1 : i32
    %scan3A_324 = scf.for %scan3A_347 = %scan3A_320 to %scan3A_322 step %scan3A_323 iter_args(%scan3A_348 = %scan3A_306) -> (vector<16xf32>)  : i32 {
      %mul3A_349 = arith.constant 128 : i32
      %mul3A_350 = arith.muli %scan3A_347, %mul3A_349 : i32
      %add3A_351 = arith.constant 0 : i32
      %add3A_352 = arith.addi %mul3A_350, %add3A_351 : i32
      %get3A_353 = arith.constant 1 : i32
      %get3A_354 = arith.index_cast %get3A_353 : i32 to index
      %get3A_355 = arith.index_cast %add3A_352 : i32 to index
      %get3A_356 = tpu.vector_load %arg6[%get3A_354, %get3A_355] {strides = array<i32>} : memref<2x32768xi32, #tpu.memory_space<vmem>>, vector<16xi32>,
      %shift_right_arithmetic3A = arith.constant 10 : i32
      %shift_right_arithmetic3A_357 = vector.broadcast %shift_right_arithmetic3A : i32 to vector<16xi32>
      %shift_right_arithmetic3A_358 = arith.shrsi %get3A_356, %shift_right_arithmetic3A_357 : vector<16xi32>
      %eq3A_359 = arith.cmpi eq, %shift_right_arithmetic3A_358, %gather3A_255 : vector<16xi32>
      %and3A_360 = arith.constant 1023 : i32
      %and3A_361 = vector.broadcast %and3A_360 : i32 to vector<16xi32>
      %and3A_362 = arith.andi %get3A_356, %and3A_361 : vector<16xi32>
      %add3A_363 = arith.addi %mul3A_53, %and3A_362 : vector<16xi32>
      %add3A_364 = arith.constant 1 : i32
      %add3A_365 = vector.broadcast %add3A_364 : i32 to vector<16xi32>
      %add3A_366 = arith.addi %gather3A_255, %add3A_365 : vector<16xi32>
      %shift_left3A = arith.constant 10 : i32
      %shift_left3A_367 = vector.broadcast %shift_left3A : i32 to vector<16xi32>
      %shift_left3A_368 = arith.shli %add3A_366, %shift_left3A_367 : vector<16xi32>
      %ge3A = arith.cmpi sge, %get3A_356, %shift_left3A_368 : vector<16xi32>
      %bitcast_convert_type3A = tpu.bitcast %get3A_356 : vector<16xi32> -> vector<16xf32>
      %jit3A_369 = arith.constant 0.000000e+00 : f32
      %broadcast_in_dim3A_370 = vector.broadcast %jit3A_369 : f32 to vector<16xf32>
      %select_n3A_371 = arith.select %ge3A, %bitcast_convert_type3A, %broadcast_in_dim3A_370 : vector<16xi1>, vector<16xf32>
      %add3A_372 = arith.addf %scan3A_348, %select_n3A_371 : vector<16xf32>
      tpu.vector_store_idx %arg5[%add3A_363], %broadcast_in_dim3A_42 masked %eq3A_359 {add = true} : memref<32768xi32, #tpu.memory_space<vmem>>[vector<16xi32>], vector<16xi32>, vector<16xi1>
      %mul3A_373 = arith.constant 128 : i32
      %mul3A_374 = arith.muli %scan3A_347, %mul3A_373 : i32
      %add3A_375 = arith.constant 16 : i32
      %add3A_376 = arith.addi %mul3A_374, %add3A_375 : i32
      %get3A_377 = arith.constant 1 : i32
      %get3A_378 = arith.index_cast %get3A_377 : i32 to index
      %get3A_379 = arith.index_cast %add3A_376 : i32 to index
      %get3A_380 = tpu.vector_load %arg6[%get3A_378, %get3A_379] {strides = array<i32>} : memref<2x32768xi32, #tpu.memory_space<vmem>>, vector<16xi32>,
      %shift_right_arithmetic3A_381 = arith.constant 10 : i32
      %shift_right_arithmetic3A_382 = vector.broadcast %shift_right_arithmetic3A_381 : i32 to vector<16xi32>
      %shift_right_arithmetic3A_383 = arith.shrsi %get3A_380, %shift_right_arithmetic3A_382 : vector<16xi32>
      %eq3A_384 = arith.cmpi eq, %shift_right_arithmetic3A_383, %gather3A_255 : vector<16xi32>
      %and3A_385 = arith.constant 1023 : i32
      %and3A_386 = vector.broadcast %and3A_385 : i32 to vector<16xi32>
      %and3A_387 = arith.andi %get3A_380, %and3A_386 : vector<16xi32>
      %add3A_388 = arith.addi %mul3A_53, %and3A_387 : vector<16xi32>
      %add3A_389 = arith.constant 1 : i32
      %add3A_390 = vector.broadcast %add3A_389 : i32 to vector<16xi32>
      %add3A_391 = arith.addi %gather3A_255, %add3A_390 : vector<16xi32>
      %shift_left3A_392 = arith.constant 10 : i32
      %shift_left3A_393 = vector.broadcast %shift_left3A_392 : i32 to vector<16xi32>
      %shift_left3A_394 = arith.shli %add3A_391, %shift_left3A_393 : vector<16xi32>
      %ge3A_395 = arith.cmpi sge, %get3A_380, %shift_left3A_394 : vector<16xi32>
      %bitcast_convert_type3A_396 = tpu.bitcast %get3A_380 : vector<16xi32> -> vector<16xf32>
      %jit3A_397 = arith.constant 0.000000e+00 : f32
      %broadcast_in_dim3A_398 = vector.broadcast %jit3A_397 : f32 to vector<16xf32>
      %select_n3A_399 = arith.select %ge3A_395, %bitcast_convert_type3A_396, %broadcast_in_dim3A_398 : vector<16xi1>, vector<16xf32>
      %add3A_400 = arith.addf %add3A_372, %select_n3A_399 : vector<16xf32>
      tpu.vector_store_idx %arg5[%add3A_388], %broadcast_in_dim3A_42 masked %eq3A_384 {add = true} : memref<32768xi32, #tpu.memory_space<vmem>>[vector<16xi32>], vector<16xi32>, vector<16xi1>
      %mul3A_401 = arith.constant 128 : i32
      %mul3A_402 = arith.muli %scan3A_347, %mul3A_401 : i32
      %add3A_403 = arith.constant 32 : i32
      %add3A_404 = arith.addi %mul3A_402, %add3A_403 : i32
      %get3A_405 = arith.constant 1 : i32
      %get3A_406 = arith.index_cast %get3A_405 : i32 to index
      %get3A_407 = arith.index_cast %add3A_404 : i32 to index
      %get3A_408 = tpu.vector_load %arg6[%get3A_406, %get3A_407] {strides = array<i32>} : memref<2x32768xi32, #tpu.memory_space<vmem>>, vector<16xi32>,
      %shift_right_arithmetic3A_409 = arith.constant 10 : i32
      %shift_right_arithmetic3A_410 = vector.broadcast %shift_right_arithmetic3A_409 : i32 to vector<16xi32>
      %shift_right_arithmetic3A_411 = arith.shrsi %get3A_408, %shift_right_arithmetic3A_410 : vector<16xi32>
      %eq3A_412 = arith.cmpi eq, %shift_right_arithmetic3A_411, %gather3A_255 : vector<16xi32>
      %and3A_413 = arith.constant 1023 : i32
      %and3A_414 = vector.broadcast %and3A_413 : i32 to vector<16xi32>
      %and3A_415 = arith.andi %get3A_408, %and3A_414 : vector<16xi32>
      %add3A_416 = arith.addi %mul3A_53, %and3A_415 : vector<16xi32>
      %add3A_417 = arith.constant 1 : i32
      %add3A_418 = vector.broadcast %add3A_417 : i32 to vector<16xi32>
      %add3A_419 = arith.addi %gather3A_255, %add3A_418 : vector<16xi32>
      %shift_left3A_420 = arith.constant 10 : i32
      %shift_left3A_421 = vector.broadcast %shift_left3A_420 : i32 to vector<16xi32>
      %shift_left3A_422 = arith.shli %add3A_419, %shift_left3A_421 : vector<16xi32>
      %ge3A_423 = arith.cmpi sge, %get3A_408, %shift_left3A_422 : vector<16xi32>
      %bitcast_convert_type3A_424 = tpu.bitcast %get3A_408 : vector<16xi32> -> vector<16xf32>
      %jit3A_425 = arith.constant 0.000000e+00 : f32
      %broadcast_in_dim3A_426 = vector.broadcast %jit3A_425 : f32 to vector<16xf32>
      %select_n3A_427 = arith.select %ge3A_423, %bitcast_convert_type3A_424, %broadcast_in_dim3A_426 : vector<16xi1>, vector<16xf32>
      %add3A_428 = arith.addf %add3A_400, %select_n3A_427 : vector<16xf32>
      tpu.vector_store_idx %arg5[%add3A_416], %broadcast_in_dim3A_42 masked %eq3A_412 {add = true} : memref<32768xi32, #tpu.memory_space<vmem>>[vector<16xi32>], vector<16xi32>, vector<16xi1>
      %mul3A_429 = arith.constant 128 : i32
      %mul3A_430 = arith.muli %scan3A_347, %mul3A_429 : i32
      %add3A_431 = arith.constant 48 : i32
      %add3A_432 = arith.addi %mul3A_430, %add3A_431 : i32
      %get3A_433 = arith.constant 1 : i32
      %get3A_434 = arith.index_cast %get3A_433 : i32 to index
      %get3A_435 = arith.index_cast %add3A_432 : i32 to index
      %get3A_436 = tpu.vector_load %arg6[%get3A_434, %get3A_435] {strides = array<i32>} : memref<2x32768xi32, #tpu.memory_space<vmem>>, vector<16xi32>,
      %shift_right_arithmetic3A_437 = arith.constant 10 : i32
      %shift_right_arithmetic3A_438 = vector.broadcast %shift_right_arithmetic3A_437 : i32 to vector<16xi32>
      %shift_right_arithmetic3A_439 = arith.shrsi %get3A_436, %shift_right_arithmetic3A_438 : vector<16xi32>
      %eq3A_440 = arith.cmpi eq, %shift_right_arithmetic3A_439, %gather3A_255 : vector<16xi32>
      %and3A_441 = arith.constant 1023 : i32
      %and3A_442 = vector.broadcast %and3A_441 : i32 to vector<16xi32>
      %and3A_443 = arith.andi %get3A_436, %and3A_442 : vector<16xi32>
      %add3A_444 = arith.addi %mul3A_53, %and3A_443 : vector<16xi32>
      %add3A_445 = arith.constant 1 : i32
      %add3A_446 = vector.broadcast %add3A_445 : i32 to vector<16xi32>
      %add3A_447 = arith.addi %gather3A_255, %add3A_446 : vector<16xi32>
      %shift_left3A_448 = arith.constant 10 : i32
      %shift_left3A_449 = vector.broadcast %shift_left3A_448 : i32 to vector<16xi32>
      %shift_left3A_450 = arith.shli %add3A_447, %shift_left3A_449 : vector<16xi32>
      %ge3A_451 = arith.cmpi sge, %get3A_436, %shift_left3A_450 : vector<16xi32>
      %bitcast_convert_type3A_452 = tpu.bitcast %get3A_436 : vector<16xi32> -> vector<16xf32>
      %jit3A_453 = arith.constant 0.000000e+00 : f32
      %broadcast_in_dim3A_454 = vector.broadcast %jit3A_453 : f32 to vector<16xf32>
      %select_n3A_455 = arith.select %ge3A_451, %bitcast_convert_type3A_452, %broadcast_in_dim3A_454 : vector<16xi1>, vector<16xf32>
      %add3A_456 = arith.addf %add3A_428, %select_n3A_455 : vector<16xf32>
      tpu.vector_store_idx %arg5[%add3A_444], %broadcast_in_dim3A_42 masked %eq3A_440 {add = true} : memref<32768xi32, #tpu.memory_space<vmem>>[vector<16xi32>], vector<16xi32>, vector<16xi1>
      %mul3A_457 = arith.constant 128 : i32
      %mul3A_458 = arith.muli %scan3A_347, %mul3A_457 : i32
      %add3A_459 = arith.constant 64 : i32
      %add3A_460 = arith.addi %mul3A_458, %add3A_459 : i32
      %get3A_461 = arith.constant 1 : i32
      %get3A_462 = arith.index_cast %get3A_461 : i32 to index
      %get3A_463 = arith.index_cast %add3A_460 : i32 to index
      %get3A_464 = tpu.vector_load %arg6[%get3A_462, %get3A_463] {strides = array<i32>} : memref<2x32768xi32, #tpu.memory_space<vmem>>, vector<16xi32>,
      %shift_right_arithmetic3A_465 = arith.constant 10 : i32
      %shift_right_arithmetic3A_466 = vector.broadcast %shift_right_arithmetic3A_465 : i32 to vector<16xi32>
      %shift_right_arithmetic3A_467 = arith.shrsi %get3A_464, %shift_right_arithmetic3A_466 : vector<16xi32>
      %eq3A_468 = arith.cmpi eq, %shift_right_arithmetic3A_467, %gather3A_255 : vector<16xi32>
      %and3A_469 = arith.constant 1023 : i32
      %and3A_470 = vector.broadcast %and3A_469 : i32 to vector<16xi32>
      %and3A_471 = arith.andi %get3A_464, %and3A_470 : vector<16xi32>
      %add3A_472 = arith.addi %mul3A_53, %and3A_471 : vector<16xi32>
      %add3A_473 = arith.constant 1 : i32
      %add3A_474 = vector.broadcast %add3A_473 : i32 to vector<16xi32>
      %add3A_475 = arith.addi %gather3A_255, %add3A_474 : vector<16xi32>
      %shift_left3A_476 = arith.constant 10 : i32
      %shift_left3A_477 = vector.broadcast %shift_left3A_476 : i32 to vector<16xi32>
      %shift_left3A_478 = arith.shli %add3A_475, %shift_left3A_477 : vector<16xi32>
      %ge3A_479 = arith.cmpi sge, %get3A_464, %shift_left3A_478 : vector<16xi32>
      %bitcast_convert_type3A_480 = tpu.bitcast %get3A_464 : vector<16xi32> -> vector<16xf32>
      %jit3A_481 = arith.constant 0.000000e+00 : f32
      %broadcast_in_dim3A_482 = vector.broadcast %jit3A_481 : f32 to vector<16xf32>
      %select_n3A_483 = arith.select %ge3A_479, %bitcast_convert_type3A_480, %broadcast_in_dim3A_482 : vector<16xi1>, vector<16xf32>
      %add3A_484 = arith.addf %add3A_456, %select_n3A_483 : vector<16xf32>
      tpu.vector_store_idx %arg5[%add3A_472], %broadcast_in_dim3A_42 masked %eq3A_468 {add = true} : memref<32768xi32, #tpu.memory_space<vmem>>[vector<16xi32>], vector<16xi32>, vector<16xi1>
      %mul3A_485 = arith.constant 128 : i32
      %mul3A_486 = arith.muli %scan3A_347, %mul3A_485 : i32
      %add3A_487 = arith.constant 80 : i32
      %add3A_488 = arith.addi %mul3A_486, %add3A_487 : i32
      %get3A_489 = arith.constant 1 : i32
      %get3A_490 = arith.index_cast %get3A_489 : i32 to index
      %get3A_491 = arith.index_cast %add3A_488 : i32 to index
      %get3A_492 = tpu.vector_load %arg6[%get3A_490, %get3A_491] {strides = array<i32>} : memref<2x32768xi32, #tpu.memory_space<vmem>>, vector<16xi32>,
      %shift_right_arithmetic3A_493 = arith.constant 10 : i32
      %shift_right_arithmetic3A_494 = vector.broadcast %shift_right_arithmetic3A_493 : i32 to vector<16xi32>
      %shift_right_arithmetic3A_495 = arith.shrsi %get3A_492, %shift_right_arithmetic3A_494 : vector<16xi32>
      %eq3A_496 = arith.cmpi eq, %shift_right_arithmetic3A_495, %gather3A_255 : vector<16xi32>
      %and3A_497 = arith.constant 1023 : i32
      %and3A_498 = vector.broadcast %and3A_497 : i32 to vector<16xi32>
      %and3A_499 = arith.andi %get3A_492, %and3A_498 : vector<16xi32>
      %add3A_500 = arith.addi %mul3A_53, %and3A_499 : vector<16xi32>
      %add3A_501 = arith.constant 1 : i32
      %add3A_502 = vector.broadcast %add3A_501 : i32 to vector<16xi32>
      %add3A_503 = arith.addi %gather3A_255, %add3A_502 : vector<16xi32>
      %shift_left3A_504 = arith.constant 10 : i32
      %shift_left3A_505 = vector.broadcast %shift_left3A_504 : i32 to vector<16xi32>
      %shift_left3A_506 = arith.shli %add3A_503, %shift_left3A_505 : vector<16xi32>
      %ge3A_507 = arith.cmpi sge, %get3A_492, %shift_left3A_506 : vector<16xi32>
      %bitcast_convert_type3A_508 = tpu.bitcast %get3A_492 : vector<16xi32> -> vector<16xf32>
      %jit3A_509 = arith.constant 0.000000e+00 : f32
      %broadcast_in_dim3A_510 = vector.broadcast %jit3A_509 : f32 to vector<16xf32>
      %select_n3A_511 = arith.select %ge3A_507, %bitcast_convert_type3A_508, %broadcast_in_dim3A_510 : vector<16xi1>, vector<16xf32>
      %add3A_512 = arith.addf %add3A_484, %select_n3A_511 : vector<16xf32>
      tpu.vector_store_idx %arg5[%add3A_500], %broadcast_in_dim3A_42 masked %eq3A_496 {add = true} : memref<32768xi32, #tpu.memory_space<vmem>>[vector<16xi32>], vector<16xi32>, vector<16xi1>
      %mul3A_513 = arith.constant 128 : i32
      %mul3A_514 = arith.muli %scan3A_347, %mul3A_513 : i32
      %add3A_515 = arith.constant 96 : i32
      %add3A_516 = arith.addi %mul3A_514, %add3A_515 : i32
      %get3A_517 = arith.constant 1 : i32
      %get3A_518 = arith.index_cast %get3A_517 : i32 to index
      %get3A_519 = arith.index_cast %add3A_516 : i32 to index
      %get3A_520 = tpu.vector_load %arg6[%get3A_518, %get3A_519] {strides = array<i32>} : memref<2x32768xi32, #tpu.memory_space<vmem>>, vector<16xi32>,
      %shift_right_arithmetic3A_521 = arith.constant 10 : i32
      %shift_right_arithmetic3A_522 = vector.broadcast %shift_right_arithmetic3A_521 : i32 to vector<16xi32>
      %shift_right_arithmetic3A_523 = arith.shrsi %get3A_520, %shift_right_arithmetic3A_522 : vector<16xi32>
      %eq3A_524 = arith.cmpi eq, %shift_right_arithmetic3A_523, %gather3A_255 : vector<16xi32>
      %and3A_525 = arith.constant 1023 : i32
      %and3A_526 = vector.broadcast %and3A_525 : i32 to vector<16xi32>
      %and3A_527 = arith.andi %get3A_520, %and3A_526 : vector<16xi32>
      %add3A_528 = arith.addi %mul3A_53, %and3A_527 : vector<16xi32>
      %add3A_529 = arith.constant 1 : i32
      %add3A_530 = vector.broadcast %add3A_529 : i32 to vector<16xi32>
      %add3A_531 = arith.addi %gather3A_255, %add3A_530 : vector<16xi32>
      %shift_left3A_532 = arith.constant 10 : i32
      %shift_left3A_533 = vector.broadcast %shift_left3A_532 : i32 to vector<16xi32>
      %shift_left3A_534 = arith.shli %add3A_531, %shift_left3A_533 : vector<16xi32>
      %ge3A_535 = arith.cmpi sge, %get3A_520, %shift_left3A_534 : vector<16xi32>
      %bitcast_convert_type3A_536 = tpu.bitcast %get3A_520 : vector<16xi32> -> vector<16xf32>
      %jit3A_537 = arith.constant 0.000000e+00 : f32
      %broadcast_in_dim3A_538 = vector.broadcast %jit3A_537 : f32 to vector<16xf32>
      %select_n3A_539 = arith.select %ge3A_535, %bitcast_convert_type3A_536, %broadcast_in_dim3A_538 : vector<16xi1>, vector<16xf32>
      %add3A_540 = arith.addf %add3A_512, %select_n3A_539 : vector<16xf32>
      tpu.vector_store_idx %arg5[%add3A_528], %broadcast_in_dim3A_42 masked %eq3A_524 {add = true} : memref<32768xi32, #tpu.memory_space<vmem>>[vector<16xi32>], vector<16xi32>, vector<16xi1>
      %mul3A_541 = arith.constant 128 : i32
      %mul3A_542 = arith.muli %scan3A_347, %mul3A_541 : i32
      %add3A_543 = arith.constant 112 : i32
      %add3A_544 = arith.addi %mul3A_542, %add3A_543 : i32
      %get3A_545 = arith.constant 1 : i32
      %get3A_546 = arith.index_cast %get3A_545 : i32 to index
      %get3A_547 = arith.index_cast %add3A_544 : i32 to index
      %get3A_548 = tpu.vector_load %arg6[%get3A_546, %get3A_547] {strides = array<i32>} : memref<2x32768xi32, #tpu.memory_space<vmem>>, vector<16xi32>,
      %shift_right_arithmetic3A_549 = arith.constant 10 : i32
      %shift_right_arithmetic3A_550 = vector.broadcast %shift_right_arithmetic3A_549 : i32 to vector<16xi32>
      %shift_right_arithmetic3A_551 = arith.shrsi %get3A_548, %shift_right_arithmetic3A_550 : vector<16xi32>
      %eq3A_552 = arith.cmpi eq, %shift_right_arithmetic3A_551, %gather3A_255 : vector<16xi32>
      %and3A_553 = arith.constant 1023 : i32
      %and3A_554 = vector.broadcast %and3A_553 : i32 to vector<16xi32>
      %and3A_555 = arith.andi %get3A_548, %and3A_554 : vector<16xi32>
      %add3A_556 = arith.addi %mul3A_53, %and3A_555 : vector<16xi32>
      %add3A_557 = arith.constant 1 : i32
      %add3A_558 = vector.broadcast %add3A_557 : i32 to vector<16xi32>
      %add3A_559 = arith.addi %gather3A_255, %add3A_558 : vector<16xi32>
      %shift_left3A_560 = arith.constant 10 : i32
      %shift_left3A_561 = vector.broadcast %shift_left3A_560 : i32 to vector<16xi32>
      %shift_left3A_562 = arith.shli %add3A_559, %shift_left3A_561 : vector<16xi32>
      %ge3A_563 = arith.cmpi sge, %get3A_548, %shift_left3A_562 : vector<16xi32>
      %bitcast_convert_type3A_564 = tpu.bitcast %get3A_548 : vector<16xi32> -> vector<16xf32>
      %jit3A_565 = arith.constant 0.000000e+00 : f32
      %broadcast_in_dim3A_566 = vector.broadcast %jit3A_565 : f32 to vector<16xf32>
      %select_n3A_567 = arith.select %ge3A_563, %bitcast_convert_type3A_564, %broadcast_in_dim3A_566 : vector<16xi1>, vector<16xf32>
      %add3A_568 = arith.addf %add3A_540, %select_n3A_567 : vector<16xf32>
      tpu.vector_store_idx %arg5[%add3A_556], %broadcast_in_dim3A_42 masked %eq3A_552 {add = true} : memref<32768xi32, #tpu.memory_space<vmem>>[vector<16xi32>], vector<16xi32>, vector<16xi1>
      scf.yield %add3A_568 : vector<16xf32>
    }
    %scan3A_325 = arith.constant 256 : i32
    %scan3A_326 = arith.constant 0 : i32
    %scan3A_327 = arith.constant 0 : i32
    %scan3A_328 = arith.constant 64 : i32
    %scan3A_329 = arith.addi %scan3A_327, %scan3A_328 : i32
    %scan3A_330 = arith.constant 1 : i32
    scf.for %scan3A_347 = %scan3A_327 to %scan3A_329 step %scan3A_330  : i32 {
      %mul3A_348 = arith.constant 16 : i32
      %mul3A_349 = arith.muli %scan3A_347, %mul3A_348 : i32
      %get3A_350 = arith.index_cast %mul3A_349 : i32 to index
      %get3A_351 = tpu.vector_load %arg5[%get3A_350] {strides = array<i32>} : memref<32768xi32, #tpu.memory_space<vmem>>, vector<16xi32>,
      %add3A_352 = arith.constant 1024 : i32
      %add3A_353 = arith.addi %add3A_352, %mul3A_349 : i32
      %get3A_354 = arith.index_cast %add3A_353 : i32 to index
      %get3A_355 = tpu.vector_load %arg5[%get3A_354] {strides = array<i32>} : memref<32768xi32, #tpu.memory_space<vmem>>, vector<16xi32>,
      %add3A_356 = arith.addi %get3A_351, %get3A_355 : vector<16xi32>
      %add3A_357 = arith.constant 2048 : i32
      %add3A_358 = arith.addi %add3A_357, %mul3A_349 : i32
      %get3A_359 = arith.index_cast %add3A_358 : i32 to index
      %get3A_360 = tpu.vector_load %arg5[%get3A_359] {strides = array<i32>} : memref<32768xi32, #tpu.memory_space<vmem>>, vector<16xi32>,
      %add3A_361 = arith.addi %add3A_356, %get3A_360 : vector<16xi32>
      %add3A_362 = arith.constant 3072 : i32
      %add3A_363 = arith.addi %add3A_362, %mul3A_349 : i32
      %get3A_364 = arith.index_cast %add3A_363 : i32 to index
      %get3A_365 = tpu.vector_load %arg5[%get3A_364] {strides = array<i32>} : memref<32768xi32, #tpu.memory_space<vmem>>, vector<16xi32>,
      %add3A_366 = arith.addi %add3A_361, %get3A_365 : vector<16xi32>
      %add3A_367 = arith.constant 4096 : i32
      %add3A_368 = arith.addi %add3A_367, %mul3A_349 : i32
      %get3A_369 = arith.index_cast %add3A_368 : i32 to index
      %get3A_370 = tpu.vector_load %arg5[%get3A_369] {strides = array<i32>} : memref<32768xi32, #tpu.memory_space<vmem>>, vector<16xi32>,
      %add3A_371 = arith.addi %add3A_366, %get3A_370 : vector<16xi32>
      %add3A_372 = arith.constant 5120 : i32
      %add3A_373 = arith.addi %add3A_372, %mul3A_349 : i32
      %get3A_374 = arith.index_cast %add3A_373 : i32 to index
      %get3A_375 = tpu.vector_load %arg5[%get3A_374] {strides = array<i32>} : memref<32768xi32, #tpu.memory_space<vmem>>, vector<16xi32>,
      %add3A_376 = arith.addi %add3A_371, %get3A_375 : vector<16xi32>
      %add3A_377 = arith.constant 6144 : i32
      %add3A_378 = arith.addi %add3A_377, %mul3A_349 : i32
      %get3A_379 = arith.index_cast %add3A_378 : i32 to index
      %get3A_380 = tpu.vector_load %arg5[%get3A_379] {strides = array<i32>} : memref<32768xi32, #tpu.memory_space<vmem>>, vector<16xi32>,
      %add3A_381 = arith.addi %add3A_376, %get3A_380 : vector<16xi32>
      %add3A_382 = arith.constant 7168 : i32
      %add3A_383 = arith.addi %add3A_382, %mul3A_349 : i32
      %get3A_384 = arith.index_cast %add3A_383 : i32 to index
      %get3A_385 = tpu.vector_load %arg5[%get3A_384] {strides = array<i32>} : memref<32768xi32, #tpu.memory_space<vmem>>, vector<16xi32>,
      %add3A_386 = arith.addi %add3A_381, %get3A_385 : vector<16xi32>
      %add3A_387 = arith.constant 8192 : i32
      %add3A_388 = arith.addi %add3A_387, %mul3A_349 : i32
      %get3A_389 = arith.index_cast %add3A_388 : i32 to index
      %get3A_390 = tpu.vector_load %arg5[%get3A_389] {strides = array<i32>} : memref<32768xi32, #tpu.memory_space<vmem>>, vector<16xi32>,
      %add3A_391 = arith.addi %add3A_386, %get3A_390 : vector<16xi32>
      %add3A_392 = arith.constant 9216 : i32
      %add3A_393 = arith.addi %add3A_392, %mul3A_349 : i32
      %get3A_394 = arith.index_cast %add3A_393 : i32 to index
      %get3A_395 = tpu.vector_load %arg5[%get3A_394] {strides = array<i32>} : memref<32768xi32, #tpu.memory_space<vmem>>, vector<16xi32>,
      %add3A_396 = arith.addi %add3A_391, %get3A_395 : vector<16xi32>
      %add3A_397 = arith.constant 10240 : i32
      %add3A_398 = arith.addi %add3A_397, %mul3A_349 : i32
      %get3A_399 = arith.index_cast %add3A_398 : i32 to index
      %get3A_400 = tpu.vector_load %arg5[%get3A_399] {strides = array<i32>} : memref<32768xi32, #tpu.memory_space<vmem>>, vector<16xi32>,
      %add3A_401 = arith.addi %add3A_396, %get3A_400 : vector<16xi32>
      %add3A_402 = arith.constant 11264 : i32
      %add3A_403 = arith.addi %add3A_402, %mul3A_349 : i32
      %get3A_404 = arith.index_cast %add3A_403 : i32 to index
      %get3A_405 = tpu.vector_load %arg5[%get3A_404] {strides = array<i32>} : memref<32768xi32, #tpu.memory_space<vmem>>, vector<16xi32>,
      %add3A_406 = arith.addi %add3A_401, %get3A_405 : vector<16xi32>
      %add3A_407 = arith.constant 12288 : i32
      %add3A_408 = arith.addi %add3A_407, %mul3A_349 : i32
      %get3A_409 = arith.index_cast %add3A_408 : i32 to index
      %get3A_410 = tpu.vector_load %arg5[%get3A_409] {strides = array<i32>} : memref<32768xi32, #tpu.memory_space<vmem>>, vector<16xi32>,
      %add3A_411 = arith.addi %add3A_406, %get3A_410 : vector<16xi32>
      %add3A_412 = arith.constant 13312 : i32
      %add3A_413 = arith.addi %add3A_412, %mul3A_349 : i32
      %get3A_414 = arith.index_cast %add3A_413 : i32 to index
      %get3A_415 = tpu.vector_load %arg5[%get3A_414] {strides = array<i32>} : memref<32768xi32, #tpu.memory_space<vmem>>, vector<16xi32>,
      %add3A_416 = arith.addi %add3A_411, %get3A_415 : vector<16xi32>
      %add3A_417 = arith.constant 14336 : i32
      %add3A_418 = arith.addi %add3A_417, %mul3A_349 : i32
      %get3A_419 = arith.index_cast %add3A_418 : i32 to index
      %get3A_420 = tpu.vector_load %arg5[%get3A_419] {strides = array<i32>} : memref<32768xi32, #tpu.memory_space<vmem>>, vector<16xi32>,
      %add3A_421 = arith.addi %add3A_416, %get3A_420 : vector<16xi32>
      %add3A_422 = arith.constant 15360 : i32
      %add3A_423 = arith.addi %add3A_422, %mul3A_349 : i32
      %get3A_424 = arith.index_cast %add3A_423 : i32 to index
      %get3A_425 = tpu.vector_load %arg5[%get3A_424] {strides = array<i32>} : memref<32768xi32, #tpu.memory_space<vmem>>, vector<16xi32>,
      %add3A_426 = arith.addi %add3A_421, %get3A_425 : vector<16xi32>
      %swap3A_427 = arith.index_cast %mul3A_349 : i32 to index
      %swap3A_428 = tpu.vector_load %arg5[%swap3A_427] {strides = array<i32>} : memref<32768xi32, #tpu.memory_space<vmem>>, vector<16xi32>,
      tpu.vector_store %arg5[%swap3A_427], %add3A_426 {strides = array<i32>} : memref<32768xi32, #tpu.memory_space<vmem>>, vector<16xi32>,
    }
    %scan3A_331 = arith.constant 64 : i32
    "tpu.region"() ({
      %run_scoped3A = tpu.sem_alloc : memref<!tpu.dma_semaphore, #tpu.memory_space<semaphore_mem>>
      %dma_start3A_347 = arith.constant 0 : i32
      %dma_start3A_348 = tpu.memref_slice %arg5[%dma_start3A_347] : memref<32768xi32, #tpu.memory_space<vmem>> -> memref<1024xi32, #tpu.memory_space<vmem>>
      %dma_start3A_349 = arith.constant 0 : i32
      %dma_start3A_350 = tpu.memref_slice %arg10[%select_n3A, %select_n3A_28, %dma_start3A_349] : memref<4x4x2048xi32, #tpu.memory_space<vmem_shared>> -> memref<1x1x1024xi32, #tpu.memory_space<vmem_shared>>
      %dma_start3A_351 = tpu.memref_squeeze %dma_start3A_350 : memref<1x1x1024xi32, #tpu.memory_space<vmem_shared>> -> memref<1024xi32, #tpu.memory_space<vmem_shared>>
      %dma_start3A_352 = arith.constant 0 : i32
      %dma_start3A_353 = tpu.memref_slice %arg10[%select_n3A, %select_n3A_28, %dma_start3A_352] : memref<4x4x2048xi32, #tpu.memory_space<vmem_shared>> -> memref<1x1x1024xi32, #tpu.memory_space<vmem_shared>>
      %dma_start3A_354 = tpu.memref_squeeze %dma_start3A_353 : memref<1x1x1024xi32, #tpu.memory_space<vmem_shared>> -> memref<1024xi32, #tpu.memory_space<vmem_shared>>
      %dma_start3A_355 = arith.constant 0 : i32
      %dma_start3A_356 = tpu.memref_slice %arg5[%dma_start3A_355] : memref<32768xi32, #tpu.memory_space<vmem>> -> memref<1024xi32, #tpu.memory_space<vmem>>
      tpu.enqueue_dma source(%dma_start3A_356 : memref<1024xi32, #tpu.memory_space<vmem>>) target(%dma_start3A_354 : memref<1024xi32, #tpu.memory_space<vmem_shared>>) target_semaphore(%run_scoped3A : memref<!tpu.dma_semaphore, #tpu.memory_space<semaphore_mem>>)
      %dma_wait3A_357 = arith.constant 0 : i32
      %dma_wait3A_358 = tpu.memref_slice %arg5[%dma_wait3A_357] : memref<32768xi32, #tpu.memory_space<vmem>> -> memref<1024xi32, #tpu.memory_space<vmem>>
      %dma_wait3A_359 = arith.constant 0 : i32
      %dma_wait3A_360 = tpu.memref_slice %arg10[%select_n3A, %select_n3A_28, %dma_wait3A_359] : memref<4x4x2048xi32, #tpu.memory_space<vmem_shared>> -> memref<1x1x1024xi32, #tpu.memory_space<vmem_shared>>
      %dma_wait3A_361 = tpu.memref_squeeze %dma_wait3A_360 : memref<1x1x1024xi32, #tpu.memory_space<vmem_shared>> -> memref<1024xi32, #tpu.memory_space<vmem_shared>>
      %dma_wait3A_362 = arith.constant 0 : i32
      %dma_wait3A_363 = tpu.memref_slice %arg10[%select_n3A, %select_n3A_28, %dma_wait3A_362] : memref<4x4x2048xi32, #tpu.memory_space<vmem_shared>> -> memref<1x1x1024xi32, #tpu.memory_space<vmem_shared>>
      %dma_wait3A_364 = tpu.memref_squeeze %dma_wait3A_363 : memref<1x1x1024xi32, #tpu.memory_space<vmem_shared>> -> memref<1024xi32, #tpu.memory_space<vmem_shared>>
      %dma_wait3A_365 = arith.constant 0 : i32
      %dma_wait3A_366 = tpu.memref_slice %arg5[%dma_wait3A_365] : memref<32768xi32, #tpu.memory_space<vmem>> -> memref<1024xi32, #tpu.memory_space<vmem>>
      tpu.wait_dma2 semaphore(%run_scoped3A : memref<!tpu.dma_semaphore, #tpu.memory_space<semaphore_mem>>) src(%dma_wait3A_366 : memref<1024xi32, #tpu.memory_space<vmem>>) dst(%dma_wait3A_364 : memref<1024xi32, #tpu.memory_space<vmem_shared>>)
      tpu.yield
    }) : () -> ()
    %swap3A = arith.constant 0 : index
    %swap3A_332 = tpu.vector_load %arg9[%swap3A] {strides = array<i32>} : memref<16xf32, #tpu.memory_space<vmem>>, vector<16xf32>,
    tpu.vector_store %arg9[%swap3A], %scan3A_324 {strides = array<i32>} : memref<16xf32, #tpu.memory_space<vmem>>, vector<16xf32>,
    "tpu.region"() ({
      %run_scoped3A = tpu.sem_alloc : memref<!tpu.dma_semaphore, #tpu.memory_space<semaphore_mem>>
      %dma_start3A_347 = arith.constant 0 : i32
      %dma_start3A_348 = tpu.memref_slice %arg12[%select_n3A, %select_n3A_28, %dma_start3A_347] : memref<4x4x16xf32, #tpu.memory_space<vmem_shared>> -> memref<1x1x16xf32, #tpu.memory_space<vmem_shared>>
      %dma_start3A_349 = tpu.memref_squeeze %dma_start3A_348 : memref<1x1x16xf32, #tpu.memory_space<vmem_shared>> -> memref<16xf32, #tpu.memory_space<vmem_shared>>
      %dma_start3A_350 = arith.constant 0 : i32
      %dma_start3A_351 = tpu.memref_slice %arg12[%select_n3A, %select_n3A_28, %dma_start3A_350] : memref<4x4x16xf32, #tpu.memory_space<vmem_shared>> -> memref<1x1x16xf32, #tpu.memory_space<vmem_shared>>
      %dma_start3A_352 = tpu.memref_squeeze %dma_start3A_351 : memref<1x1x16xf32, #tpu.memory_space<vmem_shared>> -> memref<16xf32, #tpu.memory_space<vmem_shared>>
      tpu.enqueue_dma source(%arg9 : memref<16xf32, #tpu.memory_space<vmem>>) target(%dma_start3A_352 : memref<16xf32, #tpu.memory_space<vmem_shared>>) target_semaphore(%run_scoped3A : memref<!tpu.dma_semaphore, #tpu.memory_space<semaphore_mem>>)
      %dma_wait3A_353 = arith.constant 0 : i32
      %dma_wait3A_354 = tpu.memref_slice %arg12[%select_n3A, %select_n3A_28, %dma_wait3A_353] : memref<4x4x16xf32, #tpu.memory_space<vmem_shared>> -> memref<1x1x16xf32, #tpu.memory_space<vmem_shared>>
      %dma_wait3A_355 = tpu.memref_squeeze %dma_wait3A_354 : memref<1x1x16xf32, #tpu.memory_space<vmem_shared>> -> memref<16xf32, #tpu.memory_space<vmem_shared>>
      %dma_wait3A_356 = arith.constant 0 : i32
      %dma_wait3A_357 = tpu.memref_slice %arg12[%select_n3A, %select_n3A_28, %dma_wait3A_356] : memref<4x4x16xf32, #tpu.memory_space<vmem_shared>> -> memref<1x1x16xf32, #tpu.memory_space<vmem_shared>>
      %dma_wait3A_358 = tpu.memref_squeeze %dma_wait3A_357 : memref<1x1x16xf32, #tpu.memory_space<vmem_shared>> -> memref<16xf32, #tpu.memory_space<vmem_shared>>
      tpu.wait_dma2 semaphore(%run_scoped3A : memref<!tpu.dma_semaphore, #tpu.memory_space<semaphore_mem>>) src(%arg9 : memref<16xf32, #tpu.memory_space<vmem>>) dst(%dma_wait3A_358 : memref<16xf32, #tpu.memory_space<vmem_shared>>)
      tpu.yield
    }) : () -> ()
    %barrier3A_333 = arith.constant 0 : index
    tpu.barrier barrier_id(%barrier3A_333)
    %convert_element_type3A_334 = arith.extui %eq3A_37 : i1 to i32
    %cond3A_335 = arith.constant 0 : i32
    %cond3A_336 = arith.cmpi ne, %convert_element_type3A_334, %cond3A_335 : i32
    scf.if %cond3A_336 {
      %run_scoped3A = arith.constant 0 : i32
      "tpu.region"() ({
        %run_scoped3A_350 = tpu.sem_alloc : memref<!tpu.dma_semaphore, #tpu.memory_space<semaphore_mem>>
        %dma_start3A_351 = arith.constant 0 : i32
        %dma_start3A_352 = tpu.memref_slice %arg7[%dma_start3A_351] : memref<8192xi32, #tpu.memory_space<vmem>> -> memref<1024xi32, #tpu.memory_space<vmem>>
        %dma_start3A_353 = arith.constant 0 : i32
        %dma_start3A_354 = tpu.memref_slice %arg10[%select_n3A, %run_scoped3A, %dma_start3A_353] : memref<4x4x2048xi32, #tpu.memory_space<vmem_shared>> -> memref<1x1x1024xi32, #tpu.memory_space<vmem_shared>>
        %dma_start3A_355 = tpu.memref_squeeze %dma_start3A_354 : memref<1x1x1024xi32, #tpu.memory_space<vmem_shared>> -> memref<1024xi32, #tpu.memory_space<vmem_shared>>
        %dma_start3A_356 = arith.constant 0 : i32
        %dma_start3A_357 = tpu.memref_slice %arg7[%dma_start3A_356] : memref<8192xi32, #tpu.memory_space<vmem>> -> memref<1024xi32, #tpu.memory_space<vmem>>
        %dma_start3A_358 = arith.constant 0 : i32
        %dma_start3A_359 = tpu.memref_slice %arg10[%select_n3A, %run_scoped3A, %dma_start3A_358] : memref<4x4x2048xi32, #tpu.memory_space<vmem_shared>> -> memref<1x1x1024xi32, #tpu.memory_space<vmem_shared>>
        %dma_start3A_360 = tpu.memref_squeeze %dma_start3A_359 : memref<1x1x1024xi32, #tpu.memory_space<vmem_shared>> -> memref<1024xi32, #tpu.memory_space<vmem_shared>>
        tpu.enqueue_dma source(%dma_start3A_360 : memref<1024xi32, #tpu.memory_space<vmem_shared>>) target(%dma_start3A_357 : memref<1024xi32, #tpu.memory_space<vmem>>) target_semaphore(%run_scoped3A_350 : memref<!tpu.dma_semaphore, #tpu.memory_space<semaphore_mem>>)
        %dma_wait3A_361 = arith.constant 0 : i32
        %dma_wait3A_362 = tpu.memref_slice %arg7[%dma_wait3A_361] : memref<8192xi32, #tpu.memory_space<vmem>> -> memref<1024xi32, #tpu.memory_space<vmem>>
        %dma_wait3A_363 = arith.constant 0 : i32
        %dma_wait3A_364 = tpu.memref_slice %arg10[%select_n3A, %run_scoped3A, %dma_wait3A_363] : memref<4x4x2048xi32, #tpu.memory_space<vmem_shared>> -> memref<1x1x1024xi32, #tpu.memory_space<vmem_shared>>
        %dma_wait3A_365 = tpu.memref_squeeze %dma_wait3A_364 : memref<1x1x1024xi32, #tpu.memory_space<vmem_shared>> -> memref<1024xi32, #tpu.memory_space<vmem_shared>>
        %dma_wait3A_366 = arith.constant 0 : i32
        %dma_wait3A_367 = tpu.memref_slice %arg7[%dma_wait3A_366] : memref<8192xi32, #tpu.memory_space<vmem>> -> memref<1024xi32, #tpu.memory_space<vmem>>
        %dma_wait3A_368 = arith.constant 0 : i32
        %dma_wait3A_369 = tpu.memref_slice %arg10[%select_n3A, %run_scoped3A, %dma_wait3A_368] : memref<4x4x2048xi32, #tpu.memory_space<vmem_shared>> -> memref<1x1x1024xi32, #tpu.memory_space<vmem_shared>>
        %dma_wait3A_370 = tpu.memref_squeeze %dma_wait3A_369 : memref<1x1x1024xi32, #tpu.memory_space<vmem_shared>> -> memref<1024xi32, #tpu.memory_space<vmem_shared>>
        tpu.wait_dma2 semaphore(%run_scoped3A_350 : memref<!tpu.dma_semaphore, #tpu.memory_space<semaphore_mem>>) src(%dma_wait3A_370 : memref<1024xi32, #tpu.memory_space<vmem_shared>>) dst(%dma_wait3A_367 : memref<1024xi32, #tpu.memory_space<vmem>>)
        tpu.yield
      }) : () -> ()
      %run_scoped3A_347 = arith.constant 1 : i32
      "tpu.region"() ({
        %run_scoped3A_350 = tpu.sem_alloc : memref<!tpu.dma_semaphore, #tpu.memory_space<semaphore_mem>>
        %dma_start3A_351 = arith.constant 1024 : i32
        %dma_start3A_352 = tpu.memref_slice %arg7[%dma_start3A_351] : memref<8192xi32, #tpu.memory_space<vmem>> -> memref<1024xi32, #tpu.memory_space<vmem>>
        %dma_start3A_353 = arith.constant 0 : i32
        %dma_start3A_354 = tpu.memref_slice %arg10[%select_n3A, %run_scoped3A_347, %dma_start3A_353] : memref<4x4x2048xi32, #tpu.memory_space<vmem_shared>> -> memref<1x1x1024xi32, #tpu.memory_space<vmem_shared>>
        %dma_start3A_355 = tpu.memref_squeeze %dma_start3A_354 : memref<1x1x1024xi32, #tpu.memory_space<vmem_shared>> -> memref<1024xi32, #tpu.memory_space<vmem_shared>>
        %dma_start3A_356 = arith.constant 1024 : i32
        %dma_start3A_357 = tpu.memref_slice %arg7[%dma_start3A_356] : memref<8192xi32, #tpu.memory_space<vmem>> -> memref<1024xi32, #tpu.memory_space<vmem>>
        %dma_start3A_358 = arith.constant 0 : i32
        %dma_start3A_359 = tpu.memref_slice %arg10[%select_n3A, %run_scoped3A_347, %dma_start3A_358] : memref<4x4x2048xi32, #tpu.memory_space<vmem_shared>> -> memref<1x1x1024xi32, #tpu.memory_space<vmem_shared>>
        %dma_start3A_360 = tpu.memref_squeeze %dma_start3A_359 : memref<1x1x1024xi32, #tpu.memory_space<vmem_shared>> -> memref<1024xi32, #tpu.memory_space<vmem_shared>>
        tpu.enqueue_dma source(%dma_start3A_360 : memref<1024xi32, #tpu.memory_space<vmem_shared>>) target(%dma_start3A_357 : memref<1024xi32, #tpu.memory_space<vmem>>) target_semaphore(%run_scoped3A_350 : memref<!tpu.dma_semaphore, #tpu.memory_space<semaphore_mem>>)
        %dma_wait3A_361 = arith.constant 1024 : i32
        %dma_wait3A_362 = tpu.memref_slice %arg7[%dma_wait3A_361] : memref<8192xi32, #tpu.memory_space<vmem>> -> memref<1024xi32, #tpu.memory_space<vmem>>
        %dma_wait3A_363 = arith.constant 0 : i32
        %dma_wait3A_364 = tpu.memref_slice %arg10[%select_n3A, %run_scoped3A_347, %dma_wait3A_363] : memref<4x4x2048xi32, #tpu.memory_space<vmem_shared>> -> memref<1x1x1024xi32, #tpu.memory_space<vmem_shared>>
        %dma_wait3A_365 = tpu.memref_squeeze %dma_wait3A_364 : memref<1x1x1024xi32, #tpu.memory_space<vmem_shared>> -> memref<1024xi32, #tpu.memory_space<vmem_shared>>
        %dma_wait3A_366 = arith.constant 1024 : i32
        %dma_wait3A_367 = tpu.memref_slice %arg7[%dma_wait3A_366] : memref<8192xi32, #tpu.memory_space<vmem>> -> memref<1024xi32, #tpu.memory_space<vmem>>
        %dma_wait3A_368 = arith.constant 0 : i32
        %dma_wait3A_369 = tpu.memref_slice %arg10[%select_n3A, %run_scoped3A_347, %dma_wait3A_368] : memref<4x4x2048xi32, #tpu.memory_space<vmem_shared>> -> memref<1x1x1024xi32, #tpu.memory_space<vmem_shared>>
        %dma_wait3A_370 = tpu.memref_squeeze %dma_wait3A_369 : memref<1x1x1024xi32, #tpu.memory_space<vmem_shared>> -> memref<1024xi32, #tpu.memory_space<vmem_shared>>
        tpu.wait_dma2 semaphore(%run_scoped3A_350 : memref<!tpu.dma_semaphore, #tpu.memory_space<semaphore_mem>>) src(%dma_wait3A_370 : memref<1024xi32, #tpu.memory_space<vmem_shared>>) dst(%dma_wait3A_367 : memref<1024xi32, #tpu.memory_space<vmem>>)
        tpu.yield
      }) : () -> ()
      %run_scoped3A_348 = arith.constant 2 : i32
      "tpu.region"() ({
        %run_scoped3A_350 = tpu.sem_alloc : memref<!tpu.dma_semaphore, #tpu.memory_space<semaphore_mem>>
        %dma_start3A_351 = arith.constant 2048 : i32
        %dma_start3A_352 = tpu.memref_slice %arg7[%dma_start3A_351] : memref<8192xi32, #tpu.memory_space<vmem>> -> memref<1024xi32, #tpu.memory_space<vmem>>
        %dma_start3A_353 = arith.constant 0 : i32
        %dma_start3A_354 = tpu.memref_slice %arg10[%select_n3A, %run_scoped3A_348, %dma_start3A_353] : memref<4x4x2048xi32, #tpu.memory_space<vmem_shared>> -> memref<1x1x1024xi32, #tpu.memory_space<vmem_shared>>
        %dma_start3A_355 = tpu.memref_squeeze %dma_start3A_354 : memref<1x1x1024xi32, #tpu.memory_space<vmem_shared>> -> memref<1024xi32, #tpu.memory_space<vmem_shared>>
        %dma_start3A_356 = arith.constant 2048 : i32
        %dma_start3A_357 = tpu.memref_slice %arg7[%dma_start3A_356] : memref<8192xi32, #tpu.memory_space<vmem>> -> memref<1024xi32, #tpu.memory_space<vmem>>
        %dma_start3A_358 = arith.constant 0 : i32
        %dma_start3A_359 = tpu.memref_slice %arg10[%select_n3A, %run_scoped3A_348, %dma_start3A_358] : memref<4x4x2048xi32, #tpu.memory_space<vmem_shared>> -> memref<1x1x1024xi32, #tpu.memory_space<vmem_shared>>
        %dma_start3A_360 = tpu.memref_squeeze %dma_start3A_359 : memref<1x1x1024xi32, #tpu.memory_space<vmem_shared>> -> memref<1024xi32, #tpu.memory_space<vmem_shared>>
        tpu.enqueue_dma source(%dma_start3A_360 : memref<1024xi32, #tpu.memory_space<vmem_shared>>) target(%dma_start3A_357 : memref<1024xi32, #tpu.memory_space<vmem>>) target_semaphore(%run_scoped3A_350 : memref<!tpu.dma_semaphore, #tpu.memory_space<semaphore_mem>>)
        %dma_wait3A_361 = arith.constant 2048 : i32
        %dma_wait3A_362 = tpu.memref_slice %arg7[%dma_wait3A_361] : memref<8192xi32, #tpu.memory_space<vmem>> -> memref<1024xi32, #tpu.memory_space<vmem>>
        %dma_wait3A_363 = arith.constant 0 : i32
        %dma_wait3A_364 = tpu.memref_slice %arg10[%select_n3A, %run_scoped3A_348, %dma_wait3A_363] : memref<4x4x2048xi32, #tpu.memory_space<vmem_shared>> -> memref<1x1x1024xi32, #tpu.memory_space<vmem_shared>>
        %dma_wait3A_365 = tpu.memref_squeeze %dma_wait3A_364 : memref<1x1x1024xi32, #tpu.memory_space<vmem_shared>> -> memref<1024xi32, #tpu.memory_space<vmem_shared>>
        %dma_wait3A_366 = arith.constant 2048 : i32
        %dma_wait3A_367 = tpu.memref_slice %arg7[%dma_wait3A_366] : memref<8192xi32, #tpu.memory_space<vmem>> -> memref<1024xi32, #tpu.memory_space<vmem>>
        %dma_wait3A_368 = arith.constant 0 : i32
        %dma_wait3A_369 = tpu.memref_slice %arg10[%select_n3A, %run_scoped3A_348, %dma_wait3A_368] : memref<4x4x2048xi32, #tpu.memory_space<vmem_shared>> -> memref<1x1x1024xi32, #tpu.memory_space<vmem_shared>>
        %dma_wait3A_370 = tpu.memref_squeeze %dma_wait3A_369 : memref<1x1x1024xi32, #tpu.memory_space<vmem_shared>> -> memref<1024xi32, #tpu.memory_space<vmem_shared>>
        tpu.wait_dma2 semaphore(%run_scoped3A_350 : memref<!tpu.dma_semaphore, #tpu.memory_space<semaphore_mem>>) src(%dma_wait3A_370 : memref<1024xi32, #tpu.memory_space<vmem_shared>>) dst(%dma_wait3A_367 : memref<1024xi32, #tpu.memory_space<vmem>>)
        tpu.yield
      }) : () -> ()
      %run_scoped3A_349 = arith.constant 3 : i32
      "tpu.region"() ({
        %run_scoped3A_350 = tpu.sem_alloc : memref<!tpu.dma_semaphore, #tpu.memory_space<semaphore_mem>>
        %dma_start3A_351 = arith.constant 3072 : i32
        %dma_start3A_352 = tpu.memref_slice %arg7[%dma_start3A_351] : memref<8192xi32, #tpu.memory_space<vmem>> -> memref<1024xi32, #tpu.memory_space<vmem>>
        %dma_start3A_353 = arith.constant 0 : i32
        %dma_start3A_354 = tpu.memref_slice %arg10[%select_n3A, %run_scoped3A_349, %dma_start3A_353] : memref<4x4x2048xi32, #tpu.memory_space<vmem_shared>> -> memref<1x1x1024xi32, #tpu.memory_space<vmem_shared>>
        %dma_start3A_355 = tpu.memref_squeeze %dma_start3A_354 : memref<1x1x1024xi32, #tpu.memory_space<vmem_shared>> -> memref<1024xi32, #tpu.memory_space<vmem_shared>>
        %dma_start3A_356 = arith.constant 3072 : i32
        %dma_start3A_357 = tpu.memref_slice %arg7[%dma_start3A_356] : memref<8192xi32, #tpu.memory_space<vmem>> -> memref<1024xi32, #tpu.memory_space<vmem>>
        %dma_start3A_358 = arith.constant 0 : i32
        %dma_start3A_359 = tpu.memref_slice %arg10[%select_n3A, %run_scoped3A_349, %dma_start3A_358] : memref<4x4x2048xi32, #tpu.memory_space<vmem_shared>> -> memref<1x1x1024xi32, #tpu.memory_space<vmem_shared>>
        %dma_start3A_360 = tpu.memref_squeeze %dma_start3A_359 : memref<1x1x1024xi32, #tpu.memory_space<vmem_shared>> -> memref<1024xi32, #tpu.memory_space<vmem_shared>>
        tpu.enqueue_dma source(%dma_start3A_360 : memref<1024xi32, #tpu.memory_space<vmem_shared>>) target(%dma_start3A_357 : memref<1024xi32, #tpu.memory_space<vmem>>) target_semaphore(%run_scoped3A_350 : memref<!tpu.dma_semaphore, #tpu.memory_space<semaphore_mem>>)
        %dma_wait3A_361 = arith.constant 3072 : i32
        %dma_wait3A_362 = tpu.memref_slice %arg7[%dma_wait3A_361] : memref<8192xi32, #tpu.memory_space<vmem>> -> memref<1024xi32, #tpu.memory_space<vmem>>
        %dma_wait3A_363 = arith.constant 0 : i32
        %dma_wait3A_364 = tpu.memref_slice %arg10[%select_n3A, %run_scoped3A_349, %dma_wait3A_363] : memref<4x4x2048xi32, #tpu.memory_space<vmem_shared>> -> memref<1x1x1024xi32, #tpu.memory_space<vmem_shared>>
        %dma_wait3A_365 = tpu.memref_squeeze %dma_wait3A_364 : memref<1x1x1024xi32, #tpu.memory_space<vmem_shared>> -> memref<1024xi32, #tpu.memory_space<vmem_shared>>
        %dma_wait3A_366 = arith.constant 3072 : i32
        %dma_wait3A_367 = tpu.memref_slice %arg7[%dma_wait3A_366] : memref<8192xi32, #tpu.memory_space<vmem>> -> memref<1024xi32, #tpu.memory_space<vmem>>
        %dma_wait3A_368 = arith.constant 0 : i32
        %dma_wait3A_369 = tpu.memref_slice %arg10[%select_n3A, %run_scoped3A_349, %dma_wait3A_368] : memref<4x4x2048xi32, #tpu.memory_space<vmem_shared>> -> memref<1x1x1024xi32, #tpu.memory_space<vmem_shared>>
        %dma_wait3A_370 = tpu.memref_squeeze %dma_wait3A_369 : memref<1x1x1024xi32, #tpu.memory_space<vmem_shared>> -> memref<1024xi32, #tpu.memory_space<vmem_shared>>
        tpu.wait_dma2 semaphore(%run_scoped3A_350 : memref<!tpu.dma_semaphore, #tpu.memory_space<semaphore_mem>>) src(%dma_wait3A_370 : memref<1024xi32, #tpu.memory_space<vmem_shared>>) dst(%dma_wait3A_367 : memref<1024xi32, #tpu.memory_space<vmem>>)
        tpu.yield
      }) : () -> ()
    } else {
    }
    %sub3A_337 = arith.subi %sub3A_240, %scan3A_245#1 : vector<16xi32>
    %scan3A_338 = arith.constant 0 : i32
    %scan3A_339 = arith.constant 64 : i32
    %scan3A_340 = arith.addi %scan3A_338, %scan3A_339 : i32
    %scan3A_341 = arith.constant 1 : i32
    %scan3A_342:5 = scf.for %scan3A_347 = %scan3A_338 to %scan3A_340 step %scan3A_341 iter_args(%scan3A_348 = %broadcast_in_dim3A_38, %scan3A_349 = %broadcast_in_dim3A_38, %scan3A_350 = %broadcast_in_dim3A_40, %scan3A_351 = %broadcast_in_dim3A_38, %scan3A_352 = %broadcast_in_dim3A_40) -> (vector<16xi32>, vector<16xi32>, vector<16xf32>, vector<16xi32>, vector<16xf32>)  : i32 {
      %sub3A_353 = arith.constant 63 : i32
      %sub3A_354 = arith.subi %sub3A_353, %scan3A_347 : i32
      %mul3A_355 = arith.constant 16 : i32
      %mul3A_356 = arith.muli %sub3A_354, %mul3A_355 : i32
      %get3A_357 = arith.index_cast %mul3A_356 : i32 to index
      %get3A_358 = tpu.vector_load %arg7[%get3A_357] {strides = array<i32>} : memref<8192xi32, #tpu.memory_space<vmem>>, vector<16xi32>,
      %add3A_359 = arith.constant 1024 : i32
      %add3A_360 = arith.addi %add3A_359, %mul3A_356 : i32
      %get3A_361 = arith.index_cast %add3A_360 : i32 to index
      %get3A_362 = tpu.vector_load %arg7[%get3A_361] {strides = array<i32>} : memref<8192xi32, #tpu.memory_space<vmem>>, vector<16xi32>,
      %add3A_363 = arith.addi %get3A_358, %get3A_362 : vector<16xi32>
      %add3A_364 = arith.constant 2048 : i32
      %add3A_365 = arith.addi %add3A_364, %mul3A_356 : i32
      %get3A_366 = arith.index_cast %add3A_365 : i32 to index
      %get3A_367 = tpu.vector_load %arg7[%get3A_366] {strides = array<i32>} : memref<8192xi32, #tpu.memory_space<vmem>>, vector<16xi32>,
      %add3A_368 = arith.addi %add3A_363, %get3A_367 : vector<16xi32>
      %add3A_369 = arith.constant 3072 : i32
      %add3A_370 = arith.addi %add3A_369, %mul3A_356 : i32
      %get3A_371 = arith.index_cast %add3A_370 : i32 to index
      %get3A_372 = tpu.vector_load %arg7[%get3A_371] {strides = array<i32>} : memref<8192xi32, #tpu.memory_space<vmem>>, vector<16xi32>,
      %add3A_373 = arith.addi %add3A_368, %get3A_372 : vector<16xi32>
      %iota3A_374 = tpu.iota {dimensions = array<i32: 0>} : vector<16xi32>
      %add3A_375 = arith.constant 1 : i32
      %add3A_376 = vector.broadcast %add3A_375 : i32 to vector<16xi32>
      %add3A_377 = arith.addi %iota3A_374, %add3A_376 : vector<16xi32>
      %min3A_378 = arith.constant 15 : i32
      %min3A_379 = vector.broadcast %min3A_378 : i32 to vector<16xi32>
      %min3A_380 = arith.minsi %add3A_377, %min3A_379 : vector<16xi32>
      %broadcast_in_dim3A_381 = vector.shape_cast %min3A_380 : vector<16xi32> to vector<16x1xi32>
      %gather3A_382 = vector.shape_cast %broadcast_in_dim3A_381 : vector<16x1xi32> to vector<16xi32>
      %gather3A_383 = tpu.dynamic_gather %add3A_373[%gather3A_382] in [0] : vector<16xi32>, vector<16xi32> -> vector<16xi32>
      %iota3A_384 = tpu.iota {dimensions = array<i32: 0>} : vector<16xi32>
      %add3A_385 = arith.constant 1 : i32
      %add3A_386 = vector.broadcast %add3A_385 : i32 to vector<16xi32>
      %add3A_387 = arith.addi %iota3A_384, %add3A_386 : vector<16xi32>
      %le3A = arith.constant 15 : i32
      %le3A_388 = vector.broadcast %le3A : i32 to vector<16xi32>
      %le3A_389 = arith.cmpi sle, %add3A_387, %le3A_388 : vector<16xi32>
      %jit3A_390 = arith.constant 0 : i32
      %broadcast_in_dim3A_391 = vector.broadcast %jit3A_390 : i32 to vector<16xi32>
      %select_n3A_392 = arith.select %le3A_389, %gather3A_383, %broadcast_in_dim3A_391 : vector<16xi1>, vector<16xi32>
      %add3A_393 = arith.addi %add3A_373, %select_n3A_392 : vector<16xi32>
      %iota3A_394 = tpu.iota {dimensions = array<i32: 0>} : vector<16xi32>
      %add3A_395 = arith.constant 2 : i32
      %add3A_396 = vector.broadcast %add3A_395 : i32 to vector<16xi32>
      %add3A_397 = arith.addi %iota3A_394, %add3A_396 : vector<16xi32>
      %min3A_398 = arith.constant 15 : i32
      %min3A_399 = vector.broadcast %min3A_398 : i32 to vector<16xi32>
      %min3A_400 = arith.minsi %add3A_397, %min3A_399 : vector<16xi32>
      %broadcast_in_dim3A_401 = vector.shape_cast %min3A_400 : vector<16xi32> to vector<16x1xi32>
      %gather3A_402 = vector.shape_cast %broadcast_in_dim3A_401 : vector<16x1xi32> to vector<16xi32>
      %gather3A_403 = tpu.dynamic_gather %add3A_393[%gather3A_402] in [0] : vector<16xi32>, vector<16xi32> -> vector<16xi32>
      %iota3A_404 = tpu.iota {dimensions = array<i32: 0>} : vector<16xi32>
      %add3A_405 = arith.constant 2 : i32
      %add3A_406 = vector.broadcast %add3A_405 : i32 to vector<16xi32>
      %add3A_407 = arith.addi %iota3A_404, %add3A_406 : vector<16xi32>
      %le3A_408 = arith.constant 15 : i32
      %le3A_409 = vector.broadcast %le3A_408 : i32 to vector<16xi32>
      %le3A_410 = arith.cmpi sle, %add3A_407, %le3A_409 : vector<16xi32>
      %jit3A_411 = arith.constant 0 : i32
      %broadcast_in_dim3A_412 = vector.broadcast %jit3A_411 : i32 to vector<16xi32>
      %select_n3A_413 = arith.select %le3A_410, %gather3A_403, %broadcast_in_dim3A_412 : vector<16xi1>, vector<16xi32>
      %add3A_414 = arith.addi %add3A_393, %select_n3A_413 : vector<16xi32>
      %iota3A_415 = tpu.iota {dimensions = array<i32: 0>} : vector<16xi32>
      %add3A_416 = arith.constant 4 : i32
      %add3A_417 = vector.broadcast %add3A_416 : i32 to vector<16xi32>
      %add3A_418 = arith.addi %iota3A_415, %add3A_417 : vector<16xi32>
      %min3A_419 = arith.constant 15 : i32
      %min3A_420 = vector.broadcast %min3A_419 : i32 to vector<16xi32>
      %min3A_421 = arith.minsi %add3A_418, %min3A_420 : vector<16xi32>
      %broadcast_in_dim3A_422 = vector.shape_cast %min3A_421 : vector<16xi32> to vector<16x1xi32>
      %gather3A_423 = vector.shape_cast %broadcast_in_dim3A_422 : vector<16x1xi32> to vector<16xi32>
      %gather3A_424 = tpu.dynamic_gather %add3A_414[%gather3A_423] in [0] : vector<16xi32>, vector<16xi32> -> vector<16xi32>
      %iota3A_425 = tpu.iota {dimensions = array<i32: 0>} : vector<16xi32>
      %add3A_426 = arith.constant 4 : i32
      %add3A_427 = vector.broadcast %add3A_426 : i32 to vector<16xi32>
      %add3A_428 = arith.addi %iota3A_425, %add3A_427 : vector<16xi32>
      %le3A_429 = arith.constant 15 : i32
      %le3A_430 = vector.broadcast %le3A_429 : i32 to vector<16xi32>
      %le3A_431 = arith.cmpi sle, %add3A_428, %le3A_430 : vector<16xi32>
      %jit3A_432 = arith.constant 0 : i32
      %broadcast_in_dim3A_433 = vector.broadcast %jit3A_432 : i32 to vector<16xi32>
      %select_n3A_434 = arith.select %le3A_431, %gather3A_424, %broadcast_in_dim3A_433 : vector<16xi1>, vector<16xi32>
      %add3A_435 = arith.addi %add3A_414, %select_n3A_434 : vector<16xi32>
      %iota3A_436 = tpu.iota {dimensions = array<i32: 0>} : vector<16xi32>
      %add3A_437 = arith.constant 8 : i32
      %add3A_438 = vector.broadcast %add3A_437 : i32 to vector<16xi32>
      %add3A_439 = arith.addi %iota3A_436, %add3A_438 : vector<16xi32>
      %min3A_440 = arith.constant 15 : i32
      %min3A_441 = vector.broadcast %min3A_440 : i32 to vector<16xi32>
      %min3A_442 = arith.minsi %add3A_439, %min3A_441 : vector<16xi32>
      %broadcast_in_dim3A_443 = vector.shape_cast %min3A_442 : vector<16xi32> to vector<16x1xi32>
      %gather3A_444 = vector.shape_cast %broadcast_in_dim3A_443 : vector<16x1xi32> to vector<16xi32>
      %gather3A_445 = tpu.dynamic_gather %add3A_435[%gather3A_444] in [0] : vector<16xi32>, vector<16xi32> -> vector<16xi32>
      %iota3A_446 = tpu.iota {dimensions = array<i32: 0>} : vector<16xi32>
      %add3A_447 = arith.constant 8 : i32
      %add3A_448 = vector.broadcast %add3A_447 : i32 to vector<16xi32>
      %add3A_449 = arith.addi %iota3A_446, %add3A_448 : vector<16xi32>
      %le3A_450 = arith.constant 15 : i32
      %le3A_451 = vector.broadcast %le3A_450 : i32 to vector<16xi32>
      %le3A_452 = arith.cmpi sle, %add3A_449, %le3A_451 : vector<16xi32>
      %jit3A_453 = arith.constant 0 : i32
      %broadcast_in_dim3A_454 = vector.broadcast %jit3A_453 : i32 to vector<16xi32>
      %select_n3A_455 = arith.select %le3A_452, %gather3A_445, %broadcast_in_dim3A_454 : vector<16xi1>, vector<16xi32>
      %add3A_456 = arith.addi %add3A_435, %select_n3A_455 : vector<16xi32>
      %broadcast_in_dim3A_457 = vector.shape_cast %broadcast_in_dim3A_38 : vector<16xi32> to vector<16x1xi32>
      %gather3A_458 = vector.shape_cast %broadcast_in_dim3A_457 : vector<16x1xi32> to vector<16xi32>
      %gather3A_459 = tpu.dynamic_gather %add3A_456[%gather3A_458] in [0] : vector<16xi32>, vector<16xi32> -> vector<16xi32>
      %add3A_460 = arith.addi %scan3A_351, %add3A_456 : vector<16xi32>
      %ge3A = arith.cmpi sge, %add3A_460, %sub3A_337 : vector<16xi32>
      %all_reduce_population_count3A = tpu.all_reduce %ge3A {dim = 0 : i64, kind = #tpu.reduction_kind<sum>} : vector<16xi1> -> vector<16xi32>
      %sub3A_461 = arith.constant 1 : i32
      %sub3A_462 = vector.broadcast %sub3A_461 : i32 to vector<16xi32>
      %sub3A_463 = arith.subi %all_reduce_population_count3A, %sub3A_462 : vector<16xi32>
      %max3A_464 = arith.constant 0 : i32
      %max3A_465 = vector.broadcast %max3A_464 : i32 to vector<16xi32>
      %max3A_466 = arith.maxsi %sub3A_463, %max3A_465 : vector<16xi32>
      %lt3A_467 = arith.cmpi slt, %scan3A_351, %sub3A_337 : vector<16xi32>
      %add3A_468 = arith.addi %scan3A_351, %gather3A_459 : vector<16xi32>
      %ge3A_469 = arith.cmpi sge, %add3A_468, %sub3A_337 : vector<16xi32>
      %and3A_470 = arith.andi %lt3A_467, %ge3A_469 : vector<16xi1>
      %broadcast_in_dim3A_471 = vector.shape_cast %max3A_466 : vector<16xi32> to vector<16x1xi32>
      %gather3A_472 = vector.shape_cast %broadcast_in_dim3A_471 : vector<16x1xi32> to vector<16xi32>
      %gather3A_473 = tpu.dynamic_gather %add3A_460[%gather3A_472] in [0] : vector<16xi32>, vector<16xi32> -> vector<16xi32>
      %broadcast_in_dim3A_474 = vector.shape_cast %max3A_466 : vector<16xi32> to vector<16x1xi32>
      %gather3A_475 = vector.shape_cast %broadcast_in_dim3A_474 : vector<16x1xi32> to vector<16xi32>
      %gather3A_476 = tpu.dynamic_gather %add3A_373[%gather3A_475] in [0] : vector<16xi32>, vector<16xi32> -> vector<16xi32>
      %sub3A_477 = arith.subi %gather3A_473, %gather3A_476 : vector<16xi32>
      %add3A_478 = vector.broadcast %mul3A_356 : i32 to vector<16xi32>
      %add3A_479 = arith.addi %add3A_478, %max3A_466 : vector<16xi32>
      %select_n3A_480 = arith.select %and3A_470, %add3A_479, %scan3A_348 : vector<16xi1>, vector<16xi32>
      %select_n3A_481 = arith.select %and3A_470, %sub3A_477, %scan3A_349 : vector<16xi1>, vector<16xi32>
      %shift_left3A = arith.constant 10 : i32
      %shift_left3A_482 = vector.broadcast %shift_left3A : i32 to vector<16xi32>
      %shift_left3A_483 = arith.shli %gather3A_255, %shift_left3A_482 : vector<16xi32>
      %iota3A_484 = tpu.iota {dimensions = array<i32: 0>} : vector<16xi32>
      %add3A_485 = vector.broadcast %mul3A_356 : i32 to vector<16xi32>
      %add3A_486 = arith.addi %add3A_485, %iota3A_484 : vector<16xi32>
      %or3A = arith.ori %shift_left3A_483, %add3A_486 : vector<16xi32>
      %bitcast_convert_type3A = tpu.bitcast %or3A : vector<16xi32> -> vector<16xf32>
      %convert_element_type3A_487 = arith.sitofp %add3A_373 : vector<16xi32> to vector<16xf32>
      %mul3A_488 = arith.mulf %convert_element_type3A_487, %bitcast_convert_type3A : vector<16xf32>
      %iota3A_489 = tpu.iota {dimensions = array<i32: 0>} : vector<16xi32>
      %add3A_490 = arith.constant 1 : i32
      %add3A_491 = vector.broadcast %add3A_490 : i32 to vector<16xi32>
      %add3A_492 = arith.addi %iota3A_489, %add3A_491 : vector<16xi32>
      %min3A_493 = arith.constant 15 : i32
      %min3A_494 = vector.broadcast %min3A_493 : i32 to vector<16xi32>
      %min3A_495 = arith.minsi %add3A_492, %min3A_494 : vector<16xi32>
      %broadcast_in_dim3A_496 = vector.shape_cast %min3A_495 : vector<16xi32> to vector<16x1xi32>
      %gather3A_497 = vector.shape_cast %broadcast_in_dim3A_496 : vector<16x1xi32> to vector<16xi32>
      %gather3A_498 = tpu.dynamic_gather %mul3A_488[%gather3A_497] in [0] : vector<16xf32>, vector<16xi32> -> vector<16xf32>
      %iota3A_499 = tpu.iota {dimensions = array<i32: 0>} : vector<16xi32>
      %add3A_500 = arith.constant 1 : i32
      %add3A_501 = vector.broadcast %add3A_500 : i32 to vector<16xi32>
      %add3A_502 = arith.addi %iota3A_499, %add3A_501 : vector<16xi32>
      %le3A_503 = arith.constant 15 : i32
      %le3A_504 = vector.broadcast %le3A_503 : i32 to vector<16xi32>
      %le3A_505 = arith.cmpi sle, %add3A_502, %le3A_504 : vector<16xi32>
      %jit3A_506 = arith.constant 0.000000e+00 : f32
      %broadcast_in_dim3A_507 = vector.broadcast %jit3A_506 : f32 to vector<16xf32>
      %select_n3A_508 = arith.select %le3A_505, %gather3A_498, %broadcast_in_dim3A_507 : vector<16xi1>, vector<16xf32>
      %add3A_509 = arith.addf %mul3A_488, %select_n3A_508 : vector<16xf32>
      %iota3A_510 = tpu.iota {dimensions = array<i32: 0>} : vector<16xi32>
      %add3A_511 = arith.constant 2 : i32
      %add3A_512 = vector.broadcast %add3A_511 : i32 to vector<16xi32>
      %add3A_513 = arith.addi %iota3A_510, %add3A_512 : vector<16xi32>
      %min3A_514 = arith.constant 15 : i32
      %min3A_515 = vector.broadcast %min3A_514 : i32 to vector<16xi32>
      %min3A_516 = arith.minsi %add3A_513, %min3A_515 : vector<16xi32>
      %broadcast_in_dim3A_517 = vector.shape_cast %min3A_516 : vector<16xi32> to vector<16x1xi32>
      %gather3A_518 = vector.shape_cast %broadcast_in_dim3A_517 : vector<16x1xi32> to vector<16xi32>
      %gather3A_519 = tpu.dynamic_gather %add3A_509[%gather3A_518] in [0] : vector<16xf32>, vector<16xi32> -> vector<16xf32>
      %iota3A_520 = tpu.iota {dimensions = array<i32: 0>} : vector<16xi32>
      %add3A_521 = arith.constant 2 : i32
      %add3A_522 = vector.broadcast %add3A_521 : i32 to vector<16xi32>
      %add3A_523 = arith.addi %iota3A_520, %add3A_522 : vector<16xi32>
      %le3A_524 = arith.constant 15 : i32
      %le3A_525 = vector.broadcast %le3A_524 : i32 to vector<16xi32>
      %le3A_526 = arith.cmpi sle, %add3A_523, %le3A_525 : vector<16xi32>
      %jit3A_527 = arith.constant 0.000000e+00 : f32
      %broadcast_in_dim3A_528 = vector.broadcast %jit3A_527 : f32 to vector<16xf32>
      %select_n3A_529 = arith.select %le3A_526, %gather3A_519, %broadcast_in_dim3A_528 : vector<16xi1>, vector<16xf32>
      %add3A_530 = arith.addf %add3A_509, %select_n3A_529 : vector<16xf32>
      %iota3A_531 = tpu.iota {dimensions = array<i32: 0>} : vector<16xi32>
      %add3A_532 = arith.constant 4 : i32
      %add3A_533 = vector.broadcast %add3A_532 : i32 to vector<16xi32>
      %add3A_534 = arith.addi %iota3A_531, %add3A_533 : vector<16xi32>
      %min3A_535 = arith.constant 15 : i32
      %min3A_536 = vector.broadcast %min3A_535 : i32 to vector<16xi32>
      %min3A_537 = arith.minsi %add3A_534, %min3A_536 : vector<16xi32>
      %broadcast_in_dim3A_538 = vector.shape_cast %min3A_537 : vector<16xi32> to vector<16x1xi32>
      %gather3A_539 = vector.shape_cast %broadcast_in_dim3A_538 : vector<16x1xi32> to vector<16xi32>
      %gather3A_540 = tpu.dynamic_gather %add3A_530[%gather3A_539] in [0] : vector<16xf32>, vector<16xi32> -> vector<16xf32>
      %iota3A_541 = tpu.iota {dimensions = array<i32: 0>} : vector<16xi32>
      %add3A_542 = arith.constant 4 : i32
      %add3A_543 = vector.broadcast %add3A_542 : i32 to vector<16xi32>
      %add3A_544 = arith.addi %iota3A_541, %add3A_543 : vector<16xi32>
      %le3A_545 = arith.constant 15 : i32
      %le3A_546 = vector.broadcast %le3A_545 : i32 to vector<16xi32>
      %le3A_547 = arith.cmpi sle, %add3A_544, %le3A_546 : vector<16xi32>
      %jit3A_548 = arith.constant 0.000000e+00 : f32
      %broadcast_in_dim3A_549 = vector.broadcast %jit3A_548 : f32 to vector<16xf32>
      %select_n3A_550 = arith.select %le3A_547, %gather3A_540, %broadcast_in_dim3A_549 : vector<16xi1>, vector<16xf32>
      %add3A_551 = arith.addf %add3A_530, %select_n3A_550 : vector<16xf32>
      %iota3A_552 = tpu.iota {dimensions = array<i32: 0>} : vector<16xi32>
      %add3A_553 = arith.constant 8 : i32
      %add3A_554 = vector.broadcast %add3A_553 : i32 to vector<16xi32>
      %add3A_555 = arith.addi %iota3A_552, %add3A_554 : vector<16xi32>
      %min3A_556 = arith.constant 15 : i32
      %min3A_557 = vector.broadcast %min3A_556 : i32 to vector<16xi32>
      %min3A_558 = arith.minsi %add3A_555, %min3A_557 : vector<16xi32>
      %broadcast_in_dim3A_559 = vector.shape_cast %min3A_558 : vector<16xi32> to vector<16x1xi32>
      %gather3A_560 = vector.shape_cast %broadcast_in_dim3A_559 : vector<16x1xi32> to vector<16xi32>
      %gather3A_561 = tpu.dynamic_gather %add3A_551[%gather3A_560] in [0] : vector<16xf32>, vector<16xi32> -> vector<16xf32>
      %iota3A_562 = tpu.iota {dimensions = array<i32: 0>} : vector<16xi32>
      %add3A_563 = arith.constant 8 : i32
      %add3A_564 = vector.broadcast %add3A_563 : i32 to vector<16xi32>
      %add3A_565 = arith.addi %iota3A_562, %add3A_564 : vector<16xi32>
      %le3A_566 = arith.constant 15 : i32
      %le3A_567 = vector.broadcast %le3A_566 : i32 to vector<16xi32>
      %le3A_568 = arith.cmpi sle, %add3A_565, %le3A_567 : vector<16xi32>
      %jit3A_569 = arith.constant 0.000000e+00 : f32
      %broadcast_in_dim3A_570 = vector.broadcast %jit3A_569 : f32 to vector<16xf32>
      %select_n3A_571 = arith.select %le3A_568, %gather3A_561, %broadcast_in_dim3A_570 : vector<16xi1>, vector<16xf32>
      %add3A_572 = arith.addf %add3A_551, %select_n3A_571 : vector<16xf32>
      %broadcast_in_dim3A_573 = vector.shape_cast %broadcast_in_dim3A_38 : vector<16xi32> to vector<16x1xi32>
      %gather3A_574 = vector.shape_cast %broadcast_in_dim3A_573 : vector<16x1xi32> to vector<16xi32>
      %gather3A_575 = tpu.dynamic_gather %add3A_572[%gather3A_574] in [0] : vector<16xf32>, vector<16xi32> -> vector<16xf32>
      %broadcast_in_dim3A_576 = vector.shape_cast %max3A_466 : vector<16xi32> to vector<16x1xi32>
      %gather3A_577 = vector.shape_cast %broadcast_in_dim3A_576 : vector<16x1xi32> to vector<16xi32>
      %gather3A_578 = tpu.dynamic_gather %add3A_572[%gather3A_577] in [0] : vector<16xf32>, vector<16xi32> -> vector<16xf32>
      %add3A_579 = arith.addf %scan3A_352, %gather3A_578 : vector<16xf32>
      %broadcast_in_dim3A_580 = vector.shape_cast %max3A_466 : vector<16xi32> to vector<16x1xi32>
      %gather3A_581 = vector.shape_cast %broadcast_in_dim3A_580 : vector<16x1xi32> to vector<16xi32>
      %gather3A_582 = tpu.dynamic_gather %mul3A_488[%gather3A_581] in [0] : vector<16xf32>, vector<16xi32> -> vector<16xf32>
      %sub3A_583 = arith.subf %add3A_579, %gather3A_582 : vector<16xf32>
      %select_n3A_584 = arith.select %and3A_470, %sub3A_583, %scan3A_350 : vector<16xi1>, vector<16xf32>
      %add3A_585 = arith.addf %scan3A_352, %gather3A_575 : vector<16xf32>
      %add3A_586 = arith.addi %scan3A_351, %gather3A_459 : vector<16xi32>
      scf.yield %select_n3A_480, %select_n3A_481, %select_n3A_584, %add3A_586, %add3A_585 : vector<16xi32>, vector<16xi32>, vector<16xf32>, vector<16xi32>, vector<16xf32>
    }
    %scan3A_343 = arith.constant 64 : i32
    %convert_element_type3A_344 = arith.extui %eq3A_37 : i1 to i32
    %cond3A_345 = arith.constant 0 : i32
    %cond3A_346 = arith.cmpi ne, %convert_element_type3A_344, %cond3A_345 : i32
    scf.if %cond3A_346 {
      %run_scoped3A = arith.constant 0 : i32
      "tpu.region"() ({
        %run_scoped3A_476 = tpu.sem_alloc : memref<!tpu.dma_semaphore, #tpu.memory_space<semaphore_mem>>
        %dma_start3A_477 = arith.constant 0 : i32
        %dma_start3A_478 = tpu.memref_slice %arg12[%select_n3A, %run_scoped3A, %dma_start3A_477] : memref<4x4x16xf32, #tpu.memory_space<vmem_shared>> -> memref<1x1x16xf32, #tpu.memory_space<vmem_shared>>
        %dma_start3A_479 = tpu.memref_squeeze %dma_start3A_478 : memref<1x1x16xf32, #tpu.memory_space<vmem_shared>> -> memref<16xf32, #tpu.memory_space<vmem_shared>>
        %dma_start3A_480 = arith.constant 0 : i32
        %dma_start3A_481 = tpu.memref_slice %arg12[%select_n3A, %run_scoped3A, %dma_start3A_480] : memref<4x4x16xf32, #tpu.memory_space<vmem_shared>> -> memref<1x1x16xf32, #tpu.memory_space<vmem_shared>>
        %dma_start3A_482 = tpu.memref_squeeze %dma_start3A_481 : memref<1x1x16xf32, #tpu.memory_space<vmem_shared>> -> memref<16xf32, #tpu.memory_space<vmem_shared>>
        tpu.enqueue_dma source(%dma_start3A_482 : memref<16xf32, #tpu.memory_space<vmem_shared>>) target(%arg9 : memref<16xf32, #tpu.memory_space<vmem>>) target_semaphore(%run_scoped3A_476 : memref<!tpu.dma_semaphore, #tpu.memory_space<semaphore_mem>>)
        %dma_wait3A_483 = arith.constant 0 : i32
        %dma_wait3A_484 = tpu.memref_slice %arg12[%select_n3A, %run_scoped3A, %dma_wait3A_483] : memref<4x4x16xf32, #tpu.memory_space<vmem_shared>> -> memref<1x1x16xf32, #tpu.memory_space<vmem_shared>>
        %dma_wait3A_485 = tpu.memref_squeeze %dma_wait3A_484 : memref<1x1x16xf32, #tpu.memory_space<vmem_shared>> -> memref<16xf32, #tpu.memory_space<vmem_shared>>
        %dma_wait3A_486 = arith.constant 0 : i32
        %dma_wait3A_487 = tpu.memref_slice %arg12[%select_n3A, %run_scoped3A, %dma_wait3A_486] : memref<4x4x16xf32, #tpu.memory_space<vmem_shared>> -> memref<1x1x16xf32, #tpu.memory_space<vmem_shared>>
        %dma_wait3A_488 = tpu.memref_squeeze %dma_wait3A_487 : memref<1x1x16xf32, #tpu.memory_space<vmem_shared>> -> memref<16xf32, #tpu.memory_space<vmem_shared>>
        tpu.wait_dma2 semaphore(%run_scoped3A_476 : memref<!tpu.dma_semaphore, #tpu.memory_space<semaphore_mem>>) src(%dma_wait3A_488 : memref<16xf32, #tpu.memory_space<vmem_shared>>) dst(%arg9 : memref<16xf32, #tpu.memory_space<vmem>>)
        tpu.yield
      }) : () -> ()
      %get3A_347 = arith.constant 0 : index
      %get3A_348 = tpu.vector_load %arg9[%get3A_347] {strides = array<i32>} : memref<16xf32, #tpu.memory_space<vmem>>, vector<16xf32>,
      %add3A_349 = arith.addf %broadcast_in_dim3A_40, %get3A_348 : vector<16xf32>
      %run_scoped3A_350 = arith.constant 1 : i32
      "tpu.region"() ({
        %run_scoped3A_476 = tpu.sem_alloc : memref<!tpu.dma_semaphore, #tpu.memory_space<semaphore_mem>>
        %dma_start3A_477 = arith.constant 0 : i32
        %dma_start3A_478 = tpu.memref_slice %arg12[%select_n3A, %run_scoped3A_350, %dma_start3A_477] : memref<4x4x16xf32, #tpu.memory_space<vmem_shared>> -> memref<1x1x16xf32, #tpu.memory_space<vmem_shared>>
        %dma_start3A_479 = tpu.memref_squeeze %dma_start3A_478 : memref<1x1x16xf32, #tpu.memory_space<vmem_shared>> -> memref<16xf32, #tpu.memory_space<vmem_shared>>
        %dma_start3A_480 = arith.constant 0 : i32
        %dma_start3A_481 = tpu.memref_slice %arg12[%select_n3A, %run_scoped3A_350, %dma_start3A_480] : memref<4x4x16xf32, #tpu.memory_space<vmem_shared>> -> memref<1x1x16xf32, #tpu.memory_space<vmem_shared>>
        %dma_start3A_482 = tpu.memref_squeeze %dma_start3A_481 : memref<1x1x16xf32, #tpu.memory_space<vmem_shared>> -> memref<16xf32, #tpu.memory_space<vmem_shared>>
        tpu.enqueue_dma source(%dma_start3A_482 : memref<16xf32, #tpu.memory_space<vmem_shared>>) target(%arg9 : memref<16xf32, #tpu.memory_space<vmem>>) target_semaphore(%run_scoped3A_476 : memref<!tpu.dma_semaphore, #tpu.memory_space<semaphore_mem>>)
        %dma_wait3A_483 = arith.constant 0 : i32
        %dma_wait3A_484 = tpu.memref_slice %arg12[%select_n3A, %run_scoped3A_350, %dma_wait3A_483] : memref<4x4x16xf32, #tpu.memory_space<vmem_shared>> -> memref<1x1x16xf32, #tpu.memory_space<vmem_shared>>
        %dma_wait3A_485 = tpu.memref_squeeze %dma_wait3A_484 : memref<1x1x16xf32, #tpu.memory_space<vmem_shared>> -> memref<16xf32, #tpu.memory_space<vmem_shared>>
        %dma_wait3A_486 = arith.constant 0 : i32
        %dma_wait3A_487 = tpu.memref_slice %arg12[%select_n3A, %run_scoped3A_350, %dma_wait3A_486] : memref<4x4x16xf32, #tpu.memory_space<vmem_shared>> -> memref<1x1x16xf32, #tpu.memory_space<vmem_shared>>
        %dma_wait3A_488 = tpu.memref_squeeze %dma_wait3A_487 : memref<1x1x16xf32, #tpu.memory_space<vmem_shared>> -> memref<16xf32, #tpu.memory_space<vmem_shared>>
        tpu.wait_dma2 semaphore(%run_scoped3A_476 : memref<!tpu.dma_semaphore, #tpu.memory_space<semaphore_mem>>) src(%dma_wait3A_488 : memref<16xf32, #tpu.memory_space<vmem_shared>>) dst(%arg9 : memref<16xf32, #tpu.memory_space<vmem>>)
        tpu.yield
      }) : () -> ()
      %get3A_351 = arith.constant 0 : index
      %get3A_352 = tpu.vector_load %arg9[%get3A_351] {strides = array<i32>} : memref<16xf32, #tpu.memory_space<vmem>>, vector<16xf32>,
      %add3A_353 = arith.addf %add3A_349, %get3A_352 : vector<16xf32>
      %run_scoped3A_354 = arith.constant 2 : i32
      "tpu.region"() ({
        %run_scoped3A_476 = tpu.sem_alloc : memref<!tpu.dma_semaphore, #tpu.memory_space<semaphore_mem>>
        %dma_start3A_477 = arith.constant 0 : i32
        %dma_start3A_478 = tpu.memref_slice %arg12[%select_n3A, %run_scoped3A_354, %dma_start3A_477] : memref<4x4x16xf32, #tpu.memory_space<vmem_shared>> -> memref<1x1x16xf32, #tpu.memory_space<vmem_shared>>
        %dma_start3A_479 = tpu.memref_squeeze %dma_start3A_478 : memref<1x1x16xf32, #tpu.memory_space<vmem_shared>> -> memref<16xf32, #tpu.memory_space<vmem_shared>>
        %dma_start3A_480 = arith.constant 0 : i32
        %dma_start3A_481 = tpu.memref_slice %arg12[%select_n3A, %run_scoped3A_354, %dma_start3A_480] : memref<4x4x16xf32, #tpu.memory_space<vmem_shared>> -> memref<1x1x16xf32, #tpu.memory_space<vmem_shared>>
        %dma_start3A_482 = tpu.memref_squeeze %dma_start3A_481 : memref<1x1x16xf32, #tpu.memory_space<vmem_shared>> -> memref<16xf32, #tpu.memory_space<vmem_shared>>
        tpu.enqueue_dma source(%dma_start3A_482 : memref<16xf32, #tpu.memory_space<vmem_shared>>) target(%arg9 : memref<16xf32, #tpu.memory_space<vmem>>) target_semaphore(%run_scoped3A_476 : memref<!tpu.dma_semaphore, #tpu.memory_space<semaphore_mem>>)
        %dma_wait3A_483 = arith.constant 0 : i32
        %dma_wait3A_484 = tpu.memref_slice %arg12[%select_n3A, %run_scoped3A_354, %dma_wait3A_483] : memref<4x4x16xf32, #tpu.memory_space<vmem_shared>> -> memref<1x1x16xf32, #tpu.memory_space<vmem_shared>>
        %dma_wait3A_485 = tpu.memref_squeeze %dma_wait3A_484 : memref<1x1x16xf32, #tpu.memory_space<vmem_shared>> -> memref<16xf32, #tpu.memory_space<vmem_shared>>
        %dma_wait3A_486 = arith.constant 0 : i32
        %dma_wait3A_487 = tpu.memref_slice %arg12[%select_n3A, %run_scoped3A_354, %dma_wait3A_486] : memref<4x4x16xf32, #tpu.memory_space<vmem_shared>> -> memref<1x1x16xf32, #tpu.memory_space<vmem_shared>>
        %dma_wait3A_488 = tpu.memref_squeeze %dma_wait3A_487 : memref<1x1x16xf32, #tpu.memory_space<vmem_shared>> -> memref<16xf32, #tpu.memory_space<vmem_shared>>
        tpu.wait_dma2 semaphore(%run_scoped3A_476 : memref<!tpu.dma_semaphore, #tpu.memory_space<semaphore_mem>>) src(%dma_wait3A_488 : memref<16xf32, #tpu.memory_space<vmem_shared>>) dst(%arg9 : memref<16xf32, #tpu.memory_space<vmem>>)
        tpu.yield
      }) : () -> ()
      %get3A_355 = arith.constant 0 : index
      %get3A_356 = tpu.vector_load %arg9[%get3A_355] {strides = array<i32>} : memref<16xf32, #tpu.memory_space<vmem>>, vector<16xf32>,
      %add3A_357 = arith.addf %add3A_353, %get3A_356 : vector<16xf32>
      %run_scoped3A_358 = arith.constant 3 : i32
      "tpu.region"() ({
        %run_scoped3A_476 = tpu.sem_alloc : memref<!tpu.dma_semaphore, #tpu.memory_space<semaphore_mem>>
        %dma_start3A_477 = arith.constant 0 : i32
        %dma_start3A_478 = tpu.memref_slice %arg12[%select_n3A, %run_scoped3A_358, %dma_start3A_477] : memref<4x4x16xf32, #tpu.memory_space<vmem_shared>> -> memref<1x1x16xf32, #tpu.memory_space<vmem_shared>>
        %dma_start3A_479 = tpu.memref_squeeze %dma_start3A_478 : memref<1x1x16xf32, #tpu.memory_space<vmem_shared>> -> memref<16xf32, #tpu.memory_space<vmem_shared>>
        %dma_start3A_480 = arith.constant 0 : i32
        %dma_start3A_481 = tpu.memref_slice %arg12[%select_n3A, %run_scoped3A_358, %dma_start3A_480] : memref<4x4x16xf32, #tpu.memory_space<vmem_shared>> -> memref<1x1x16xf32, #tpu.memory_space<vmem_shared>>
        %dma_start3A_482 = tpu.memref_squeeze %dma_start3A_481 : memref<1x1x16xf32, #tpu.memory_space<vmem_shared>> -> memref<16xf32, #tpu.memory_space<vmem_shared>>
        tpu.enqueue_dma source(%dma_start3A_482 : memref<16xf32, #tpu.memory_space<vmem_shared>>) target(%arg9 : memref<16xf32, #tpu.memory_space<vmem>>) target_semaphore(%run_scoped3A_476 : memref<!tpu.dma_semaphore, #tpu.memory_space<semaphore_mem>>)
        %dma_wait3A_483 = arith.constant 0 : i32
        %dma_wait3A_484 = tpu.memref_slice %arg12[%select_n3A, %run_scoped3A_358, %dma_wait3A_483] : memref<4x4x16xf32, #tpu.memory_space<vmem_shared>> -> memref<1x1x16xf32, #tpu.memory_space<vmem_shared>>
        %dma_wait3A_485 = tpu.memref_squeeze %dma_wait3A_484 : memref<1x1x16xf32, #tpu.memory_space<vmem_shared>> -> memref<16xf32, #tpu.memory_space<vmem_shared>>
        %dma_wait3A_486 = arith.constant 0 : i32
        %dma_wait3A_487 = tpu.memref_slice %arg12[%select_n3A, %run_scoped3A_358, %dma_wait3A_486] : memref<4x4x16xf32, #tpu.memory_space<vmem_shared>> -> memref<1x1x16xf32, #tpu.memory_space<vmem_shared>>
        %dma_wait3A_488 = tpu.memref_squeeze %dma_wait3A_487 : memref<1x1x16xf32, #tpu.memory_space<vmem_shared>> -> memref<16xf32, #tpu.memory_space<vmem_shared>>
        tpu.wait_dma2 semaphore(%run_scoped3A_476 : memref<!tpu.dma_semaphore, #tpu.memory_space<semaphore_mem>>) src(%dma_wait3A_488 : memref<16xf32, #tpu.memory_space<vmem_shared>>) dst(%arg9 : memref<16xf32, #tpu.memory_space<vmem>>)
        tpu.yield
      }) : () -> ()
      %get3A_359 = arith.constant 0 : index
      %get3A_360 = tpu.vector_load %arg9[%get3A_359] {strides = array<i32>} : memref<16xf32, #tpu.memory_space<vmem>>, vector<16xf32>,
      %add3A_361 = arith.addf %add3A_357, %get3A_360 : vector<16xf32>
      %iota3A_362 = tpu.iota {dimensions = array<i32: 0>} : vector<16xi32>
      %add3A_363 = arith.constant 1 : i32
      %add3A_364 = vector.broadcast %add3A_363 : i32 to vector<16xi32>
      %add3A_365 = arith.addi %iota3A_362, %add3A_364 : vector<16xi32>
      %min3A_366 = arith.constant 15 : i32
      %min3A_367 = vector.broadcast %min3A_366 : i32 to vector<16xi32>
      %min3A_368 = arith.minsi %add3A_365, %min3A_367 : vector<16xi32>
      %broadcast_in_dim3A_369 = vector.shape_cast %min3A_368 : vector<16xi32> to vector<16x1xi32>
      %gather3A_370 = vector.shape_cast %broadcast_in_dim3A_369 : vector<16x1xi32> to vector<16xi32>
      %gather3A_371 = tpu.dynamic_gather %add3A_361[%gather3A_370] in [0] : vector<16xf32>, vector<16xi32> -> vector<16xf32>
      %iota3A_372 = tpu.iota {dimensions = array<i32: 0>} : vector<16xi32>
      %add3A_373 = arith.constant 1 : i32
      %add3A_374 = vector.broadcast %add3A_373 : i32 to vector<16xi32>
      %add3A_375 = arith.addi %iota3A_372, %add3A_374 : vector<16xi32>
      %le3A = arith.constant 15 : i32
      %le3A_376 = vector.broadcast %le3A : i32 to vector<16xi32>
      %le3A_377 = arith.cmpi sle, %add3A_375, %le3A_376 : vector<16xi32>
      %jit3A_378 = arith.constant 0.000000e+00 : f32
      %broadcast_in_dim3A_379 = vector.broadcast %jit3A_378 : f32 to vector<16xf32>
      %select_n3A_380 = arith.select %le3A_377, %gather3A_371, %broadcast_in_dim3A_379 : vector<16xi1>, vector<16xf32>
      %add3A_381 = arith.addf %add3A_361, %select_n3A_380 : vector<16xf32>
      %iota3A_382 = tpu.iota {dimensions = array<i32: 0>} : vector<16xi32>
      %add3A_383 = arith.constant 2 : i32
      %add3A_384 = vector.broadcast %add3A_383 : i32 to vector<16xi32>
      %add3A_385 = arith.addi %iota3A_382, %add3A_384 : vector<16xi32>
      %min3A_386 = arith.constant 15 : i32
      %min3A_387 = vector.broadcast %min3A_386 : i32 to vector<16xi32>
      %min3A_388 = arith.minsi %add3A_385, %min3A_387 : vector<16xi32>
      %broadcast_in_dim3A_389 = vector.shape_cast %min3A_388 : vector<16xi32> to vector<16x1xi32>
      %gather3A_390 = vector.shape_cast %broadcast_in_dim3A_389 : vector<16x1xi32> to vector<16xi32>
      %gather3A_391 = tpu.dynamic_gather %add3A_381[%gather3A_390] in [0] : vector<16xf32>, vector<16xi32> -> vector<16xf32>
      %iota3A_392 = tpu.iota {dimensions = array<i32: 0>} : vector<16xi32>
      %add3A_393 = arith.constant 2 : i32
      %add3A_394 = vector.broadcast %add3A_393 : i32 to vector<16xi32>
      %add3A_395 = arith.addi %iota3A_392, %add3A_394 : vector<16xi32>
      %le3A_396 = arith.constant 15 : i32
      %le3A_397 = vector.broadcast %le3A_396 : i32 to vector<16xi32>
      %le3A_398 = arith.cmpi sle, %add3A_395, %le3A_397 : vector<16xi32>
      %jit3A_399 = arith.constant 0.000000e+00 : f32
      %broadcast_in_dim3A_400 = vector.broadcast %jit3A_399 : f32 to vector<16xf32>
      %select_n3A_401 = arith.select %le3A_398, %gather3A_391, %broadcast_in_dim3A_400 : vector<16xi1>, vector<16xf32>
      %add3A_402 = arith.addf %add3A_381, %select_n3A_401 : vector<16xf32>
      %iota3A_403 = tpu.iota {dimensions = array<i32: 0>} : vector<16xi32>
      %add3A_404 = arith.constant 4 : i32
      %add3A_405 = vector.broadcast %add3A_404 : i32 to vector<16xi32>
      %add3A_406 = arith.addi %iota3A_403, %add3A_405 : vector<16xi32>
      %min3A_407 = arith.constant 15 : i32
      %min3A_408 = vector.broadcast %min3A_407 : i32 to vector<16xi32>
      %min3A_409 = arith.minsi %add3A_406, %min3A_408 : vector<16xi32>
      %broadcast_in_dim3A_410 = vector.shape_cast %min3A_409 : vector<16xi32> to vector<16x1xi32>
      %gather3A_411 = vector.shape_cast %broadcast_in_dim3A_410 : vector<16x1xi32> to vector<16xi32>
      %gather3A_412 = tpu.dynamic_gather %add3A_402[%gather3A_411] in [0] : vector<16xf32>, vector<16xi32> -> vector<16xf32>
      %iota3A_413 = tpu.iota {dimensions = array<i32: 0>} : vector<16xi32>
      %add3A_414 = arith.constant 4 : i32
      %add3A_415 = vector.broadcast %add3A_414 : i32 to vector<16xi32>
      %add3A_416 = arith.addi %iota3A_413, %add3A_415 : vector<16xi32>
      %le3A_417 = arith.constant 15 : i32
      %le3A_418 = vector.broadcast %le3A_417 : i32 to vector<16xi32>
      %le3A_419 = arith.cmpi sle, %add3A_416, %le3A_418 : vector<16xi32>
      %jit3A_420 = arith.constant 0.000000e+00 : f32
      %broadcast_in_dim3A_421 = vector.broadcast %jit3A_420 : f32 to vector<16xf32>
      %select_n3A_422 = arith.select %le3A_419, %gather3A_412, %broadcast_in_dim3A_421 : vector<16xi1>, vector<16xf32>
      %add3A_423 = arith.addf %add3A_402, %select_n3A_422 : vector<16xf32>
      %iota3A_424 = tpu.iota {dimensions = array<i32: 0>} : vector<16xi32>
      %add3A_425 = arith.constant 8 : i32
      %add3A_426 = vector.broadcast %add3A_425 : i32 to vector<16xi32>
      %add3A_427 = arith.addi %iota3A_424, %add3A_426 : vector<16xi32>
      %min3A_428 = arith.constant 15 : i32
      %min3A_429 = vector.broadcast %min3A_428 : i32 to vector<16xi32>
      %min3A_430 = arith.minsi %add3A_427, %min3A_429 : vector<16xi32>
      %broadcast_in_dim3A_431 = vector.shape_cast %min3A_430 : vector<16xi32> to vector<16x1xi32>
      %gather3A_432 = vector.shape_cast %broadcast_in_dim3A_431 : vector<16x1xi32> to vector<16xi32>
      %gather3A_433 = tpu.dynamic_gather %add3A_423[%gather3A_432] in [0] : vector<16xf32>, vector<16xi32> -> vector<16xf32>
      %iota3A_434 = tpu.iota {dimensions = array<i32: 0>} : vector<16xi32>
      %add3A_435 = arith.constant 8 : i32
      %add3A_436 = vector.broadcast %add3A_435 : i32 to vector<16xi32>
      %add3A_437 = arith.addi %iota3A_434, %add3A_436 : vector<16xi32>
      %le3A_438 = arith.constant 15 : i32
      %le3A_439 = vector.broadcast %le3A_438 : i32 to vector<16xi32>
      %le3A_440 = arith.cmpi sle, %add3A_437, %le3A_439 : vector<16xi32>
      %jit3A_441 = arith.constant 0.000000e+00 : f32
      %broadcast_in_dim3A_442 = vector.broadcast %jit3A_441 : f32 to vector<16xf32>
      %select_n3A_443 = arith.select %le3A_440, %gather3A_433, %broadcast_in_dim3A_442 : vector<16xi1>, vector<16xf32>
      %add3A_444 = arith.addf %add3A_423, %select_n3A_443 : vector<16xf32>
      %broadcast_in_dim3A_445 = vector.shape_cast %broadcast_in_dim3A_38 : vector<16xi32> to vector<16x1xi32>
      %gather3A_446 = vector.shape_cast %broadcast_in_dim3A_445 : vector<16x1xi32> to vector<16xi32>
      %gather3A_447 = tpu.dynamic_gather %add3A_444[%gather3A_446] in [0] : vector<16xf32>, vector<16xi32> -> vector<16xf32>
      %add3A_448 = arith.addf %gather3A_447, %scan3A_342#2 : vector<16xf32>
      %add3A_449 = arith.addi %scan3A_151#1, %scan3A_245#1 : vector<16xi32>
      %add3A_450 = arith.addi %add3A_449, %scan3A_342#1 : vector<16xi32>
      %convert_element_type3A_451 = arith.sitofp %add3A_450 : vector<16xi32> to vector<16xf32>
      %shift_left3A = arith.constant 10 : i32
      %shift_left3A_452 = vector.broadcast %shift_left3A : i32 to vector<16xi32>
      %shift_left3A_453 = arith.shli %gather3A_255, %shift_left3A_452 : vector<16xi32>
      %or3A = arith.ori %shift_left3A_453, %scan3A_342#0 : vector<16xi32>
      %bitcast_convert_type3A = tpu.bitcast %or3A : vector<16xi32> -> vector<16xf32>
      %gt3A = arith.constant 0 : i32
      %gt3A_454 = vector.broadcast %gt3A : i32 to vector<16xi32>
      %gt3A_455 = arith.cmpi sgt, %convert_element_type3A, %gt3A_454 : vector<16xi32>
      %sub3A_456 = arith.subf %min3A, %convert_element_type3A_451 : vector<16xf32>
      %mul3A_457 = arith.mulf %sub3A_456, %bitcast_convert_type3A : vector<16xf32>
      %add3A_458 = arith.addf %add3A_448, %mul3A_457 : vector<16xf32>
      %jit3A_459 = arith.constant 0.000000e+00 : f32
      %broadcast_in_dim3A_460 = vector.broadcast %jit3A_459 : f32 to vector<16xf32>
      %select_n3A_461 = arith.select %gt3A_455, %add3A_458, %broadcast_in_dim3A_460 : vector<16xi1>, vector<16xf32>
      %add3A_462 = arith.addf %gather3A_56, %min3A : vector<16xf32>
      %gt3A_463 = arith.constant 0.000000e+00 : f32
      %gt3A_464 = vector.broadcast %gt3A_463 : f32 to vector<16xf32>
      %gt3A_465 = arith.cmpf ogt, %add3A_462, %gt3A_464 : vector<16xf32>
      %add3A_466 = arith.addf %gather3A_62, %select_n3A_461 : vector<16xf32>
      %max3A_467 = arith.constant 1.000000e+00 : f32
      %max3A_468 = vector.broadcast %max3A_467 : f32 to vector<16xf32>
      %max3A_469 = arith.maximumf %add3A_462, %max3A_468 : vector<16xf32>
      %div3A_470 = arith.divf %add3A_466, %max3A_469 : vector<16xf32>
      %jit3A_471 = arith.constant 0.000000e+00 : f32
      %broadcast_in_dim3A_472 = vector.broadcast %jit3A_471 : f32 to vector<16xf32>
      %select_n3A_473 = arith.select %gt3A_465, %div3A_470, %broadcast_in_dim3A_472 : vector<16xi1>, vector<16xf32>
      %swap3A_474 = arith.constant 0 : index
      %swap3A_475 = tpu.vector_load %arg9[%swap3A_474] {strides = array<i32>} : memref<16xf32, #tpu.memory_space<vmem>>, vector<16xf32>,
      tpu.vector_store %arg9[%swap3A_474], %select_n3A_473 {strides = array<i32>} : memref<16xf32, #tpu.memory_space<vmem>>, vector<16xf32>,
      "tpu.region"() ({
        %run_scoped3A_476 = tpu.sem_alloc : memref<!tpu.dma_semaphore, #tpu.memory_space<semaphore_mem>>
        %dma_start3A_477 = arith.constant 0 : i32
        %dma_start3A_478 = tpu.memref_slice %arg4[%add3A_30, %dma_start3A_477] : memref<8x16xf32, #tpu.memory_space<hbm>> -> memref<1x16xf32, #tpu.memory_space<hbm>>
        %dma_start3A_479 = tpu.memref_squeeze %dma_start3A_478 : memref<1x16xf32, #tpu.memory_space<hbm>> -> memref<16xf32, #tpu.memory_space<hbm>>
        %dma_start3A_480 = arith.constant 0 : i32
        %dma_start3A_481 = tpu.memref_slice %arg4[%add3A_30, %dma_start3A_480] : memref<8x16xf32, #tpu.memory_space<hbm>> -> memref<1x16xf32, #tpu.memory_space<hbm>>
        %dma_start3A_482 = tpu.memref_squeeze %dma_start3A_481 : memref<1x16xf32, #tpu.memory_space<hbm>> -> memref<16xf32, #tpu.memory_space<hbm>>
        tpu.enqueue_dma source(%arg9 : memref<16xf32, #tpu.memory_space<vmem>>) target(%dma_start3A_482 : memref<16xf32, #tpu.memory_space<hbm>>) target_semaphore(%run_scoped3A_476 : memref<!tpu.dma_semaphore, #tpu.memory_space<semaphore_mem>>)
        %dma_wait3A_483 = arith.constant 0 : i32
        %dma_wait3A_484 = tpu.memref_slice %arg4[%add3A_30, %dma_wait3A_483] : memref<8x16xf32, #tpu.memory_space<hbm>> -> memref<1x16xf32, #tpu.memory_space<hbm>>
        %dma_wait3A_485 = tpu.memref_squeeze %dma_wait3A_484 : memref<1x16xf32, #tpu.memory_space<hbm>> -> memref<16xf32, #tpu.memory_space<hbm>>
        %dma_wait3A_486 = arith.constant 0 : i32
        %dma_wait3A_487 = tpu.memref_slice %arg4[%add3A_30, %dma_wait3A_486] : memref<8x16xf32, #tpu.memory_space<hbm>> -> memref<1x16xf32, #tpu.memory_space<hbm>>
        %dma_wait3A_488 = tpu.memref_squeeze %dma_wait3A_487 : memref<1x16xf32, #tpu.memory_space<hbm>> -> memref<16xf32, #tpu.memory_space<hbm>>
        tpu.wait_dma2 semaphore(%run_scoped3A_476 : memref<!tpu.dma_semaphore, #tpu.memory_space<semaphore_mem>>) src(%arg9 : memref<16xf32, #tpu.memory_space<vmem>>) dst(%dma_wait3A_488 : memref<16xf32, #tpu.memory_space<hbm>>)
        tpu.yield
      }) : () -> ()
    } else {
    }
    return
  }
}

module attributes {stable_mosaic.version = 14 : i64} {
  func.func @_tc_body(%arg0: i32, %arg1: i32, %arg2: memref<1x256x128xf32, #tpu.memory_space<vmem>>, %arg3: memref<1x256x128xf32, #tpu.memory_space<vmem>>, %arg4: memref<1x256x128xf32, #tpu.memory_space<vmem>>, %arg5: memref<1x256x128xi32, #tpu.memory_space<vmem>>, %arg6: memref<8x16xf32, #tpu.memory_space<smem>>, %arg7: memref<3xf32, #tpu.memory_space<smem>>) attributes {dimension_semantics = [#tpu.dimension_semantics<arbitrary>, #tpu.dimension_semantics<arbitrary>], iteration_bounds = array<i64: 8, 8>, scalar_prefetch = 0 : i64, scratch_operands = 1 : i64, tpu.core_type = #tpu.core_type<tc>, window_params = [{transform_indices = @transform_0, window_bounds = array<i64: 1, 256, 128>}, {transform_indices = @transform_1, window_bounds = array<i64: 1, 256, 128>}, {transform_indices = @transform_2, window_bounds = array<i64: 1, 256, 128>}, {transform_indices = @transform_3, window_bounds = array<i64: 1, 256, 128>}, {transform_indices = @transform_4, window_bounds = array<i64: 8, 16>}]} {
    %get3A = arith.constant 0 : index
    %get3A_0 = arith.constant 0 : index
    %get3A_1 = arith.constant 0 : index
    %get3A_2 = vector.load %arg2[%get3A, %get3A_0, %get3A_1] : memref<1x256x128xf32, #tpu.memory_space<vmem>>, vector<1x256x128xf32>
    %get3A_3 = vector.shape_cast %get3A_2 : vector<1x256x128xf32> to vector<256x128xf32>
    %get3A_4 = arith.constant 0 : index
    %get3A_5 = arith.constant 0 : index
    %get3A_6 = arith.constant 0 : index
    %get3A_7 = vector.load %arg3[%get3A_4, %get3A_5, %get3A_6] : memref<1x256x128xf32, #tpu.memory_space<vmem>>, vector<1x256x128xf32>
    %get3A_8 = vector.shape_cast %get3A_7 : vector<1x256x128xf32> to vector<256x128xf32>
    %get3A_9 = arith.constant 0 : index
    %get3A_10 = arith.constant 0 : index
    %get3A_11 = arith.constant 0 : index
    %get3A_12 = vector.load %arg4[%get3A_9, %get3A_10, %get3A_11] : memref<1x256x128xf32, #tpu.memory_space<vmem>>, vector<1x256x128xf32>
    %get3A_13 = vector.shape_cast %get3A_12 : vector<1x256x128xf32> to vector<256x128xf32>
    %max3A = arith.constant 0.000000e+00 : f32
    %max3A_14 = vector.broadcast %max3A : f32 to vector<256x128xf32>
    %max3A_15 = arith.maximumf %get3A_3, %max3A_14 : vector<256x128xf32>
    %mul3A = arith.mulf %get3A_3, %get3A_8 : vector<256x128xf32>
    %sub3A = arith.subf %max3A_15, %mul3A : vector<256x128xf32>
    %abs3A = math.absf %get3A_3 : vector<256x128xf32>
    %neg3A = arith.constant 0.000000e+00 : f32
    %neg3A_16 = vector.broadcast %neg3A : f32 to vector<256x128xf32>
    %neg3A_17 = arith.subf %neg3A_16, %abs3A : vector<256x128xf32>
    %exp3A = math.exp %neg3A_17 : vector<256x128xf32>
    %log1p3A = math.log1p %exp3A : vector<256x128xf32>
    %add3A = arith.addf %sub3A, %log1p3A : vector<256x128xf32>
    %mul3A_18 = arith.mulf %add3A, %get3A_13 : vector<256x128xf32>
    %mul3A_19 = arith.mulf %get3A_8, %get3A_13 : vector<256x128xf32>
    %sub3A_20 = arith.constant 1.000000e+00 : f32
    %sub3A_21 = vector.broadcast %sub3A_20 : f32 to vector<256x128xf32>
    %sub3A_22 = arith.subf %sub3A_21, %get3A_8 : vector<256x128xf32>
    %mul3A_23 = arith.mulf %sub3A_22, %get3A_13 : vector<256x128xf32>
    %gt3A = arith.constant 0.000000e+00 : f32
    %gt3A_24 = vector.broadcast %gt3A : f32 to vector<256x128xf32>
    %gt3A_25 = arith.cmpf ogt, %mul3A_23, %gt3A_24 : vector<256x128xf32>
    %bitcast_convert_type3A = tpu.bitcast %mul3A_18 : vector<256x128xf32> -> vector<256x128xi32>
    %jit3A = arith.constant -1 : i32
    %broadcast_in_dim3A = vector.broadcast %jit3A : i32 to vector<256x128xi32>
    %select_n3A = arith.select %gt3A_25, %bitcast_convert_type3A, %broadcast_in_dim3A : vector<256x128xi1>, vector<256x128xi32>
    %swap3A = arith.constant 0 : index
    %swap3A_26 = arith.constant 0 : index
    %swap3A_27 = arith.constant 0 : index
    %swap3A_28 = vector.load %arg5[%swap3A, %swap3A_26, %swap3A_27] : memref<1x256x128xi32, #tpu.memory_space<vmem>>, vector<1x256x128xi32>
    %swap3A_29 = vector.shape_cast %swap3A_28 : vector<1x256x128xi32> to vector<256x128xi32>
    %swap3A_30 = vector.shape_cast %select_n3A : vector<256x128xi32> to vector<1x256x128xi32>
    tpu.vector_store %arg5[%swap3A, %swap3A_26, %swap3A_27], %swap3A_30 {strides = array<i32>} : memref<1x256x128xi32, #tpu.memory_space<vmem>>, vector<1x256x128xi32>,
    %reduce_sum3A = vector.shape_cast %mul3A_19 : vector<256x128xf32> to vector<1x256x128xf32>
    %reduce_sum3A_31 = arith.constant dense<0.000000e+00> : vector<1xf32>
    %reduce_sum3A_32 = vector.multi_reduction <add>, %reduce_sum3A, %reduce_sum3A_31 [1, 2] : vector<1x256x128xf32> to vector<1xf32>
    %reduce_sum3A_33 = vector.shape_cast %reduce_sum3A_32 : vector<1xf32> to vector<1x1x1xf32>
    %reduce_sum3A_34 = vector.extract %reduce_sum3A_33[0, 0, 0] : f32 from vector<1x1x1xf32>
    %mul3A_35 = arith.mulf %mul3A_18, %mul3A_19 : vector<256x128xf32>
    %reduce_sum3A_36 = vector.shape_cast %mul3A_35 : vector<256x128xf32> to vector<1x256x128xf32>
    %reduce_sum3A_37 = arith.constant dense<0.000000e+00> : vector<1xf32>
    %reduce_sum3A_38 = vector.multi_reduction <add>, %reduce_sum3A_36, %reduce_sum3A_37 [1, 2] : vector<1x256x128xf32> to vector<1xf32>
    %reduce_sum3A_39 = vector.shape_cast %reduce_sum3A_38 : vector<1xf32> to vector<1x1x1xf32>
    %reduce_sum3A_40 = vector.extract %reduce_sum3A_39[0, 0, 0] : f32 from vector<1x1x1xf32>
    %reduce_sum3A_41 = vector.shape_cast %mul3A_23 : vector<256x128xf32> to vector<1x256x128xf32>
    %reduce_sum3A_42 = arith.constant dense<0.000000e+00> : vector<1xf32>
    %reduce_sum3A_43 = vector.multi_reduction <add>, %reduce_sum3A_41, %reduce_sum3A_42 [1, 2] : vector<1x256x128xf32> to vector<1xf32>
    %reduce_sum3A_44 = vector.shape_cast %reduce_sum3A_43 : vector<1xf32> to vector<1x1x1xf32>
    %reduce_sum3A_45 = vector.extract %reduce_sum3A_44[0, 0, 0] : f32 from vector<1x1x1xf32>
    %eq3A = arith.constant 0 : i32
    %eq3A_46 = arith.cmpi eq, %arg1, %eq3A : i32
    %convert_element_type3A = arith.extui %eq3A_46 : i1 to i32
    %cond3A = arith.constant 0 : i32
    %cond3A_47 = arith.cmpi ne, %convert_element_type3A, %cond3A : i32
    scf.if %cond3A_47 {
      %swap3A_57 = arith.constant 0 : index
      %swap3A_58 = memref.load %arg7[%swap3A_57] : memref<3xf32, #tpu.memory_space<smem>>
      memref.store %reduce_sum3A_34, %arg7[%swap3A_57] : memref<3xf32, #tpu.memory_space<smem>>
      %swap3A_59 = arith.constant 1 : index
      %swap3A_60 = memref.load %arg7[%swap3A_59] : memref<3xf32, #tpu.memory_space<smem>>
      memref.store %reduce_sum3A_40, %arg7[%swap3A_59] : memref<3xf32, #tpu.memory_space<smem>>
      %swap3A_61 = arith.constant 2 : index
      %swap3A_62 = memref.load %arg7[%swap3A_61] : memref<3xf32, #tpu.memory_space<smem>>
      memref.store %reduce_sum3A_45, %arg7[%swap3A_61] : memref<3xf32, #tpu.memory_space<smem>>
    } else {
    }
    %ne3A = arith.constant 0 : i32
    %ne3A_48 = arith.cmpi ne, %arg1, %ne3A : i32
    %convert_element_type3A_49 = arith.extui %ne3A_48 : i1 to i32
    %cond3A_50 = arith.constant 0 : i32
    %cond3A_51 = arith.cmpi ne, %convert_element_type3A_49, %cond3A_50 : i32
    scf.if %cond3A_51 {
      %get3A_57 = arith.constant 0 : index
      %get3A_58 = memref.load %arg7[%get3A_57] : memref<3xf32, #tpu.memory_space<smem>>
      %add3A_59 = arith.addf %get3A_58, %reduce_sum3A_34 : f32
      %swap3A_60 = arith.constant 0 : index
      %swap3A_61 = memref.load %arg7[%swap3A_60] : memref<3xf32, #tpu.memory_space<smem>>
      memref.store %add3A_59, %arg7[%swap3A_60] : memref<3xf32, #tpu.memory_space<smem>>
      %get3A_62 = arith.constant 1 : index
      %get3A_63 = memref.load %arg7[%get3A_62] : memref<3xf32, #tpu.memory_space<smem>>
      %add3A_64 = arith.addf %get3A_63, %reduce_sum3A_40 : f32
      %swap3A_65 = arith.constant 1 : index
      %swap3A_66 = memref.load %arg7[%swap3A_65] : memref<3xf32, #tpu.memory_space<smem>>
      memref.store %add3A_64, %arg7[%swap3A_65] : memref<3xf32, #tpu.memory_space<smem>>
      %get3A_67 = arith.constant 2 : index
      %get3A_68 = memref.load %arg7[%get3A_67] : memref<3xf32, #tpu.memory_space<smem>>
      %add3A_69 = arith.addf %get3A_68, %reduce_sum3A_45 : f32
      %swap3A_70 = arith.constant 2 : index
      %swap3A_71 = memref.load %arg7[%swap3A_70] : memref<3xf32, #tpu.memory_space<smem>>
      memref.store %add3A_69, %arg7[%swap3A_70] : memref<3xf32, #tpu.memory_space<smem>>
    } else {
    }
    %eq3A_52 = arith.constant 7 : i32
    %eq3A_53 = arith.cmpi eq, %arg1, %eq3A_52 : i32
    %convert_element_type3A_54 = arith.extui %eq3A_53 : i1 to i32
    %cond3A_55 = arith.constant 0 : i32
    %cond3A_56 = arith.cmpi ne, %convert_element_type3A_54, %cond3A_55 : i32
    scf.if %cond3A_56 {
      %get3A_57 = arith.constant 0 : index
      %get3A_58 = memref.load %arg7[%get3A_57] : memref<3xf32, #tpu.memory_space<smem>>
      %swap3A_59 = arith.index_cast %arg0 : i32 to index
      %swap3A_60 = arith.constant 0 : index
      %swap3A_61 = memref.load %arg6[%swap3A_59, %swap3A_60] : memref<8x16xf32, #tpu.memory_space<smem>>
      memref.store %get3A_58, %arg6[%swap3A_59, %swap3A_60] : memref<8x16xf32, #tpu.memory_space<smem>>
      %get3A_62 = arith.constant 1 : index
      %get3A_63 = memref.load %arg7[%get3A_62] : memref<3xf32, #tpu.memory_space<smem>>
      %swap3A_64 = arith.index_cast %arg0 : i32 to index
      %swap3A_65 = arith.constant 1 : index
      %swap3A_66 = memref.load %arg6[%swap3A_64, %swap3A_65] : memref<8x16xf32, #tpu.memory_space<smem>>
      memref.store %get3A_63, %arg6[%swap3A_64, %swap3A_65] : memref<8x16xf32, #tpu.memory_space<smem>>
      %get3A_67 = arith.constant 2 : index
      %get3A_68 = memref.load %arg7[%get3A_67] : memref<3xf32, #tpu.memory_space<smem>>
      %swap3A_69 = arith.index_cast %arg0 : i32 to index
      %swap3A_70 = arith.constant 2 : index
      %swap3A_71 = memref.load %arg6[%swap3A_69, %swap3A_70] : memref<8x16xf32, #tpu.memory_space<smem>>
      memref.store %get3A_68, %arg6[%swap3A_69, %swap3A_70] : memref<8x16xf32, #tpu.memory_space<smem>>
    } else {
    }
    return
  }
  func.func @transform_0(%arg0: i32, %arg1: i32) -> (i32, i32, i32) {
    %c0_i32 = arith.constant 0 : i32
    %c0_i32_0 = arith.constant 0 : i32
    return %arg0, %arg1, %c0_i32 : i32, i32, i32
  }
  func.func @transform_1(%arg0: i32, %arg1: i32) -> (i32, i32, i32) {
    %c0_i32 = arith.constant 0 : i32
    %c0_i32_0 = arith.constant 0 : i32
    return %arg0, %arg1, %c0_i32 : i32, i32, i32
  }
  func.func @transform_2(%arg0: i32, %arg1: i32) -> (i32, i32, i32) {
    %c0_i32 = arith.constant 0 : i32
    %c0_i32_0 = arith.constant 0 : i32
    return %arg0, %arg1, %c0_i32 : i32, i32, i32
  }
  func.func @transform_3(%arg0: i32, %arg1: i32) -> (i32, i32, i32) {
    %c0_i32 = arith.constant 0 : i32
    %c0_i32_0 = arith.constant 0 : i32
    return %arg0, %arg1, %c0_i32 : i32, i32, i32
  }
  func.func @transform_4(%arg0: i32, %arg1: i32) -> (i32, i32) {
    %c0_i32 = arith.constant 0 : i32
    %c0_i32_0 = arith.constant 0 : i32
    %c0_i32_1 = arith.constant 0 : i32
    return %c0_i32, %c0_i32_0 : i32, i32
  }
}

</mosaic_0001>

<sc_bundles>
// kernel: kernel.4.cloned.1.call-start
scs
__scs_entry_jumppad:
0x0: {  	(pc) =	sbr.rel $0x88, $3  }
0x1: {  	(tag) =	ssettag $0x0;
	lr =	simm.s32 $0x1  }
0x2: {  	[smem:$0x3F9E] =	sst lr;
	_ =	strace $0xD0000000  }
0x3: {  	_ = 	snop  }
0x4: {  	_ = 	snop  }
0x5: {  	_ = 	snop  }
0x6: {  	_ = 	snop  }
0x7: {  	_ = 	snop  }
__scs_overlays_trampoline_lowered:
0x8: {  	[smem:$0x3FAD] =	sst s0  }
0x9: {  	[smem:$0x3FAE] =	sst s1  }
0xa: {  	[smem:$0x3FAF] =	sst s2  }
0xb: {  	[smem:$0x3FB0] =	sst s3  }
0xc: {  	[smem:$0x3FB1] =	sst s4  }
0xd: {  	[smem:$0x3FB2] =	sst s5  }
0xe: {  	[smem:$0x3FB3] =	sst s6  }
0xf: {  	[smem:$0x3FB4] =	sst s7  }
0x10: {  	[smem:$0x3FB5] =	sst s8  }
0x11: {  	[smem:$0x3FB6] =	sst s9;
	s0 =	simm.s32 @!p0 $0x0  }
0x12: {  	s1 =	sld [smem:$0x3F9C];
	s0 =	simm.s32 @p0 $0x1  }
0x13: {  	[smem:$0x3FB7] =	sst s0;
	s0 =	simm.s32 @!p1 $0x0  }
0x14: {  	s2 =	sld [smem:$0x3F9B];
	s0 =	simm.s32 @p1 $0x1  }
0x15: {  	[smem:$0x3FB8] =	sst s0;
	s0 =	simm.s32 @!p2 $0x0  }
0x16: {  	s3 =	sld [smem:$0x3FDB];
	s0 =	simm.s32 @p2 $0x1  }
0x17: {  	s4 =	simm.s32 $0x1BF5;
	[smem:$0x3FBA] =	sst s0  }
0x18: {  	s0 =	sld [smem:$0x3F9D];
	_ =	swait.ge [sflag:s4], $0x0  }
0x19: {  	s7 =	sld [smem:$0x3F9E]  }
0x1a: {  	s8 =	sadd.s32 $0xFFFFE003, lr  }
0x1b: {  	s9 =	sadd.s32 $0xFFFFFEF7, lr;
	s5 =	simm.s32 $0xFFFFFFFF;
	p2 =	slt.u32 s8, $0xFFFFF086  }
0x1c: {  	p1 =	slt.u32 s9, $0xF7A;
	s5 =	simm.s32 @!p2 $0x0  }
0x1d: {  	s5 =	simm.s32 @p1 $0x1;
	p0 =	seq.s32 s7, s2  }
0x1e: {  	s7 =	smul.u32 @!p0 $0xF7A, s2;
	p2 =	seq.s32 @!p0 s5, $0x0  }
0x1f: {  	s9 =	smul.u32 $0xF7A, s1;
	s8 =	simm.s32 @!p0 $0x1BF5;
	p2 =	por !p2, p0  }
0x20: {  	[sflag:s8] =	ssyncset.s32 @!p0 $0xFFFFF086;
	s6 =	sadd.s32 @!p0 s3, s7;
	s7 =	simm.s32 @!p0 $0x108  }
0x21: {  	s3 =	sadd.s32 s3, s9;
	s6 =	sadd.s32 @!p0 $0x88, s6;
	s7 =	simm.s32 @p2 $0x1082  }
0x22: {  	[simem:s7], [sflag:s8] =	dma.local @!p0 [hbm:s6], $0xF7A  }
0x23: {  	s9 =	sor.u32 $0xD0000000, s2;
	s6 =	simm.s32 $0x108;
	_ =	swait.ge @!p0 [sflag:s8], $0x0  }
0x24: {  	s3 =	sadd.s32 $0x88, s3;
	s6 =	simm.s32 @!p1 $0x1082;
	[sflag:s4] =	ssyncset.s32 $0xFFFFF086  }
0x25: {  	[simem:s6], [sflag:s4] =	dma.local [hbm:s3], $0xF7A  }
0x26: {  	[smem:$0x3F9E] =	sst s1;
	(tag) =	ssettag s2;
	_ =	strace s9  }
0x27: {  	s1 =	sld [smem:$0x3FAE]  }
0x28: {  	s2 =	sld [smem:$0x3FAF]  }
0x29: {  	s4 =	sld [smem:$0x3FB1]  }
0x2a: {  	p0 =	seq.s32 s5, $0x0;
	s5 =	sld [smem:$0x3FB2]  }
0x2b: {  	s6 =	sld [smem:$0x3FB3]  }
0x2c: {  	s7 =	sld [smem:$0x3FB4]  }
0x2d: {  	s3 =	simm.s32 $0x108;
	s8 =	sld [smem:$0x3FB5]  }
0x2e: {  	s3 =	simm.s32 @!p0 $0x1082;
	s9 =	sld [smem:$0x3FB6]  }
0x2f: {  	lr =	sadd.s32 s0, s3;
	s0 =	sld [smem:$0x3FAD]  }
0x30: {  	s3 =	sld [smem:$0x3FB0]  }
0x31: {  	[smem:$0x3FB9] =	sst s10  }
0x32: {  	s10 =	sld [smem:$0x3FB7];
	_ =	sdelay $0x3  }
0x33: {  	p0 =	seq.s32 s10, $0x1;
	s10 =	sld [smem:$0x3FB9];
	_ =	sdelay $0x3  }
0x34: {  	[smem:$0x3FB9] =	sst s10  }
0x35: {  	s10 =	sld [smem:$0x3FB8];
	_ =	sdelay $0x3  }
0x36: {  	p1 =	seq.s32 s10, $0x1;
	s10 =	sld [smem:$0x3FB9];
	_ =	sdelay $0x3  }
0x37: {  	[smem:$0x3FB9] =	sst s10  }
0x38: {  	s10 =	sld [smem:$0x3FBA]  }
0x39: {  	_ = 	snop;
	(pc) =	sbr.ind lr, $3  }
0x3a: {  	_ = 	snop  }
0x3b: {  	_ = 	snop  }
0x3c: {  	p2 =	seq.s32 s10, $0x1;
	s10 =	sld [smem:$0x3FB9]  }
0x3d: {  	_ =	shalt  }
0x3e: {  	_ =	shalt  }
0x3f: {  	_ =	shalt  }
0x40: {  	_ =	shalt  }
0x41: {  	_ =	shalt  }
0x42: {  	_ =	shalt  }
0x43: {  	_ =	shalt  }
0x44: {  	_ =	shalt  }
0x45: {  	_ =	shalt  }
0x46: {  	_ =	shalt  }
0x47: {  	_ =	shalt  }
0x48: {  	_ =	shalt  }
0x49: {  	_ =	shalt  }
0x4a: {  	_ =	shalt  }
0x4b: {  	_ =	shalt  }
0x4c: {  	_ =	shalt  }
0x4d: {  	_ =	shalt  }
0x4e: {  	_ =	shalt  }
0x4f: {  	_ =	shalt  }
0x50: {  	_ =	shalt  }
0x51: {  	_ =	shalt  }
0x52: {  	_ =	shalt  }
0x53: {  	_ =	shalt  }
0x54: {  	_ =	shalt  }
0x55: {  	_ =	shalt  }
0x56: {  	_ =	shalt  }
0x57: {  	_ =	shalt  }
0x58: {  	_ =	shalt  }
0x59: {  	_ =	shalt  }
0x5a: {  	_ =	shalt  }
0x5b: {  	_ =	shalt  }
0x5c: {  	_ =	shalt  }
0x5d: {  	_ =	shalt  }
0x5e: {  	_ =	shalt  }
0x5f: {  	_ =	shalt  }
0x60: {  	_ =	shalt  }
0x61: {  	_ =	shalt  }
0x62: {  	_ =	shalt  }
0x63: {  	_ =	shalt  }
0x64: {  	_ =	shalt  }
0x65: {  	_ =	shalt  }
0x66: {  	_ =	shalt  }
0x67: {  	_ =	shalt  }
0x68: {  	_ =	shalt  }
0x69: {  	_ =	shalt  }
0x6a: {  	_ =	shalt  }
0x6b: {  	_ =	shalt  }
0x6c: {  	_ =	shalt  }
0x6d: {  	_ =	shalt  }
0x6e: {  	_ =	shalt  }
0x6f: {  	_ =	shalt  }
0x70: {  	_ =	shalt  }
0x71: {  	_ =	shalt  }
0x72: {  	_ =	shalt  }
0x73: {  	_ =	shalt  }
0x74: {  	_ =	shalt  }
0x75: {  	_ =	shalt  }
0x76: {  	_ =	shalt  }
0x77: {  	_ =	shalt  }
0x78: {  	_ =	shalt  }
0x79: {  	_ =	shalt  }
0x7a: {  	_ =	shalt  }
0x7b: {  	_ =	shalt  }
0x7c: {  	_ =	shalt  }
0x7d: {  	_ =	shalt  }
0x7e: {  	_ =	shalt  }
0x7f: {  	_ =	shalt  }
0x80: {  	_ =	shalt  }
0x81: {  	_ =	shalt  }
0x82: {  	_ =	shalt  }
0x83: {  	_ =	shalt  }
0x84: {  	_ =	shalt  }
0x85: {  	_ =	shalt  }
0x86: {  	_ =	shalt  }
0x87: {  	_ =	shalt  }
.Lfunc_end0:
.L_simem_size_0:
called_computation_lowered:
.L_overlay_start_0:
0x88: {  	s2 =	sld [smem:$0x3FD9]  }
0x89: {  	s3 =	sld [smem:$0x3FFE];
	_ =	sdelay $0x1  }
0x8a: {  	s1 =	srdreg.scid  }
0x8b: {  	s0 =	sand.u32 $0x1, s1  }
0x8c: {  	s17 =	sshll.u32 s0, $0xA;
	s2 =	sadd.s32 s3, s2  }
0x8d: {  	s2 =	sadd.s32 s2, s17  }
0x8e: {  	[smem:$0x3FC5] =	sst s2  }
0x8f: {  	_ = 	snop  }
0x90: {  	s2 =	sld [smem:$0x3FD0];
	(tm) =	ssettm $0x1  }
0x91: {  	s18 =	sld [smem:$0x3FFB];
	_ =	sdelay $0x3  }
0x92: {  	_ =	strace s18  }
0x93: {  	s3 =	sld [smem:$0x3FFC];
	_ =	sdelay $0x3  }
0x94: {  	_ =	strace s3  }
0x95: {  	s3 =	sld [smem:$0x3FFD];
	_ =	sdelay $0x3  }
0x96: {  	_ =	strace s3  }
0x97: {  	_ =	strace $0x8FFFFFFF  }
0x98: {  	s19 =	sld [smem:$0x3FDB];
	_ =	sdelay $0x1  }
0x99: {  	s4 =	simm.s32 $_scs_section_size  }
0x9a: {  	s5 =	simm.s32 $_size__tile_overlayer_lowered;
	s6 =	simm.s32 $_tile_overlayer_lowered  }
0x9b: {  	s22 =	simm.s32 $0x1BFF;
	s21 =	sshll.u32 s6, $0x1;
	s3 =	sadd.s32 s4, s19  }
0x9c: {  	s7 =	simm.s32 $0x0;
	s20 =	sshll.u32 s5, $0x1;
	s5 =	sadd.s32 s21, s3  }
0x9d: {  	[timem:s7], [sflag:s22] =	dma.local [hbm:s5], s20  }
0x9e: {  	_ =	swait.ge [sflag:s22], s20  }
0x9f: {  	s4 =	ssub.s32 $0x0, s20;
	[sflag:s22] =	ssyncset.done $0x0  }
0xa0: {  	[sflag:s22] =	ssyncadd.s32 s4;
	_ =	sdelay $0x1  }
0xa1: {  	s23 =	simm.s32 $0x1B8B  }
0xa2: {  	_ =	swait.ge [sflag:s23], $0x1  }
0xa3: {  	[sflag:s23] =	ssyncset.done $0x0  }
0xa4: {  	s25 =	simm.s32 $0x1B8E;
	s24 =	sld [smem:$0x3FFE];
	[sflag:s23] =	ssyncadd.s32 $0xFFFFFFFF  }
0xa5: {  	s26 =	simm.s32 $execute0_lowered;
	[smem:$0x3FD2] =	sst s25  }
0xa6: {  	s5 =	sshll.u32 s26, $0x1;
	_ =	strace $0x80000046;
	[dreg:$0x1] =	wrdreg $0xFFFFFFFF  }
0xa7: {  	s28 =	simm.s32 $_size_execute0_lowered;
	s3 =	sadd.s32 s3, s5;
	[dreg:$0x0] =	wrdreg $0x0  }
0xa8: {  	s5 =	sshll.u32 s28, $0x1;
	[dreg:$0x2] =	wrdreg s3  }
0xa9: {  	[dreg:$0x3] =	wrdreg s5  }
0xaa: {  	[dreg:$0x4] =	wrdreg $0xC0  }
0xab: {  	_ =	task [dreg:s7], $0x5FFFF  }
0xac: {  	[dreg:$0x1] =	wrdreg $0xFFFFFFFF  }
0xad: {  	[dreg:$0x0] =	wrdreg $0x60  }
0xae: {  	[dreg:$0x2] =	wrdreg s24  }
0xaf: {  	[dreg:$0x3] =	wrdreg s2  }
0xb0: {  	[dreg:$0x4] =	wrdreg $0x1A0200  }
0xb1: {  	[dreg:$0x5] =	wrdreg $0x1A8200  }
0xb2: {  	[dreg:$0x6] =	wrdreg $0x1A8280  }
0xb3: {  	[dreg:$0x7] =	wrdreg $0x9  }
0xb4: {  	_ =	task.clear_ibuf [dreg:s7], $0x8FFFF;
	_ =	strace $0x90000046  }
0xb5: {  	s29 =	simm.s32 $0x9;
	_ =	strace $0x80000048  }
0xb6: {  	_ =	swait.ge [sflag:s29], $0x1  }
0xb7: {  	[sflag:s29] =	ssyncadd.s32 $0xFFFFFFFF  }
0xb8: {  	_ =	strace $0x90000048  }
0xb9: {  	_ =	sfence  }
0xba: {  	s30 =	sld [smem:$0x0];
	_ =	sdelay $0x2  }
0xbb: {  	s31 =	sshll.u32 s1, $0xD;
	s1 =	sshrl.u32 s1, $0x2  }
0xbc: {  	s3 =	sand.u32 $0x4000, s31;
	s1 =	sadd.s32 s1, s30  }
0xbd: {  	s0 =	sor.u32 s3, s0;
	s1 =	sshll.u32 s1, $0x11  }
0xbe: {  	s0 =	sor.u32 s1, s0  }
0xbf: {  	s0 =	sadd.s32 $0x8F2B, s0  }
0xc0: {  	[sflag:s0] =	ssyncadd.remote.s32 $0x1  }
0xc1: {  	_ =	sfence.sel $0xFFFF  }
0xc2: {  	[dreg:$0x0] =	wrdreg $0xFFFFFFFF;
	(pc) =	sbr.abs _section_cstart, $3  }
0xc3: {  	[dreg:$0x1] =	wrdreg $0xFFFFFFFF  }
0xc4: {  	_ =	task.clear_ibuf [dreg:s7], $0x2FFFF;
	_ =	strace $0x9FFFFFFF  }
0xc5: {  	(tm) =	ssettm $0x7FFFFFFF  }
tec
execute0_lowered:
.L_overlay_start_1:
0x0: {  	(tag) =	ssettag $0x1  }
0x1: {  	s0 =	rddreg [dreg:$0x0]  }
0x2: {  	s1 =	rddreg [dreg:$0x1]  }
0x3: {  	s6 =	rddreg [dreg:$0x2]  }
0x4: {  	s11 =	rddreg [dreg:$0x3]  }
0x5: {  	s12 =	rddreg [dreg:$0x4];
	s3 =	srdreg.scid;
	s2 =	simm.s32 $0x0  }
0x6: {  	s5 =	stileid.u32;
	s19 =	simm.s32 $0x1A010;
	s20 =	simm.s32 $0x3  }
0x7: {  	s21 =	simm.s32 $0x8000;
	s22 =	simm.s32 $0x10000;
	s23 =	simm.s32 $0x1  }
0x8: {  	s24 =	simm.s32 $0x2;
	s3 =	sand.u32 $0x1, s3;
	[smem:$0x7FF] =	sst s2  }
0x9: {  	v0 =	vimm.s32 $0xFFEDCBA9;
	s9 =	sshrl.u32 s5, $0x2;
	s25 =	sand.u32 $0x3, s5;
	s4 =	sshll.u32 s3, $0x2  }
0xa: {  	v2 =	vimm.s32 $0x87654321;
	v1 =	vimm.s32 $0x1;
	_ =	strace $0x80000047;
	s7 =	sshll.u32 s25, $0xD;
	s3 =	ssub.s32 $0x2, s3  }
0xb: {  	v3 =	vlaneseq.u32;
	v7 =	vimm.s32 $0x98765432;
	v9 =	vimm.s32 $0xBA987654;
	s28 =	sshll.u32 s9, $0xD;
	s30 =	sshll.u32 s9, $0x6;
	s31 =	sshll.u32 s25, $0x4  }
0xc: {  	v10 =	vimm.s32 $0xF0E0D0C;
	v4 =	vunpack.c.l.s4.s8 v0;
	v5 =	vunpack.c.l.s4.s8 v2;
	p0 =	sne.s32 s25, $0x0;
	s25 =	simm.s32 $0x1A000;
	s4 =	sor.u32 s9, s4  }
0xd: {  	vm0 =	vcmask $0x1F00;
	vm1 =	vcmask $0x2F20;
	vm2 =	vmmov $0x3fff;
	s8 =	sshrl.u32 s3, $0x1;
	s6 =	sadd.s32 s28, s6;
	s29 =	sshrl.u32 s7, $0x2  }
0xe: {  	v6 =	vunpack.c.0.s8.s32 v4;
	v5 =	vunpack.c.0.s8.s32 v5;
	v4 =	vimm.s32 $0xFFFEDCBA;
	s13 =	sshrl.u32 s30, $0x2;
	s12 =	sadd.s32 s30, s12;
	s26 =	sshll.u32 s4, $0xF  }
0xf: {  	vm3 =	vmmov $0xfff;
	v7 =	vunpack.c.l.s4.s8 v7;
	s4 =	sshll.u32 s4, $0x1;
	s18 =	ssub.s32 s3, s8;
	s8 =	sadd.s32 $0x800, s6;
	v8 =	vunpack.c.l.s4.s8 v4  }
0x10: {  	s9 =	sadd.s32 $0x1000, s6;
	s10 =	sadd.s32 $0x1800, s6;
	s11 =	sadd.s32 s13, s11;
	v5 =	vcombine.low v5, v6;
	v6 =	vunpack.c.l.s4.s8 v9;
	v9 =	vimm.s32 $0xFEDCBA98  }
.Ltmp0:
0x11: {  	v7 =	vunpack.c.0.s8.s32 v7;
	s13 =	sadd.s32 s31, s12;
	s14 =	sadd.s32 $0x10, s12;
	v8 =	vunpack.c.0.s8.s32 v8;
	v9 =	vunpack.c.l.s4.s8 v9;
	(pc) =	sbr.rel .LBB2_1-.Ltmp0, $4  }
0x12: {  	vm4 =	vmmov $0xff;
	v0 =	vimm.s32 $0x0;
	s15 =	sadd.s32 $0x20, s12;
	s16 =	sadd.s32 $0x30, s12;
	s5 =	sor.u32 s7, s26;
	v6 =	vunpack.c.0.s8.s32 v6  }
0x13: {  	s3 =	sadd.s32 s1, s4;
	s7 =	sadd.s32 s29, s6;
	s18 =	smax.u32 s18, $0x1;
	v7 =	vcombine.low v7, v8;
	v8 =	vunpack.c.0.s8.s32 v10;
	v9 =	vunpack.c.0.s8.s32 v9  }
0x14: {  	v2 =	vimm.s32 $0x2;
	v12 =	vmul.u32 $0x400, v3;
	s26 =	simm.s32 $0x0;
	s5 =	sadd.s32 s5, s0;
	s0 =	sadd.s32 s4, s0;
	v10 =	vnsel vm0, $0xF, v6  }
0x15: {  	v4 =	vmul.u32 $0x800, v3;
	s4 =	sadd.s32 $0x800, s5;
	s5 =	sadd.s32 $0x1800, s5;
	s17 =	sadd.s32 $0x40800, s0;
	v10 =	vsel vm1, v8, v10;
	v11 =	vnsel vm0, $0xF, v9  }
.LBB2_33:
0x16: {  	s26 =	sadd.s32 $0x1, s26  }
0x17: {  	p1 =	sne.s32 s26, s18  }
.Ltmp1:
0x18: {  	_ = 	snop;
	(pc) =	sbr.rel @!p1 .LBB2_34-.Ltmp1, $1  }
0x19: {  	_ =	sdelay $0x3  }
.LBB2_1:
0x1a: {  	[tilespmem:s19], [sflag:$0x3] =	stream.linear.gather [hbm4b:s3+s2], $0x10, $0x38;
	[tilespmem:$0x1A838] =	vst v63  }
0x1b: {  	_ =	swait.ge [sflag:s20], $0x10  }
0x1c: {  	[sflag:s20] =	ssyncset.done $0x0  }
0x1d: {  	[sflag:s20] =	ssyncadd.s32 $0xFFFFFFF0  }
0x1e: {  	v15 =	vld [tilespmem:$0x1A010];
	_ =	sdelay $0x4  }
0x1f: {  	v14 =	vperm.xlane v15, v0  }
0x20: {  	s0 =	simm.s32 $0x0;
	s1 =	simm.s32 $0x200;
	v13 =	vperm.xlane v15, v1;
	v15 =	vperm.xlane v15, v2  }
.LBB2_2:
0x21: {  	p1 =	sne.s32 s1, $0x1FE00;
	[tilespmem:s0+$0x70] =	vst v0  }
0x22: {  	[tilespmem:s0+$0x0] =	vst v0  }
0x23: {  	[tilespmem:s0+$0x10] =	vst v0  }
.Ltmp2:
0x24: {  	[tilespmem:s0+$0x20] =	vst v0;
	(pc) =	sbr.rel @p1 .LBB2_2-.Ltmp2, $4  }
0x25: {  	[tilespmem:s0+$0x30] =	vst v0  }
0x26: {  	[tilespmem:s0+$0x40] =	vst v0  }
0x27: {  	[tilespmem:s0+$0x50] =	vst v0  }
0x28: {  	[tilespmem:s0+$0x60] =	vst v0;
	s0 =	sshra.s32 s1, $0x2;
	s1 =	sadd.s32 $0x200, s1  }
0x29: {  	[tilespmem:s0+$0x70] =	vst v0  }
0x2a: {  	[tilespmem:s0+$0x0] =	vst v0  }
0x2b: {  	[tilespmem:s0+$0x10] =	vst v0  }
0x2c: {  	[tilespmem:s0+$0x20] =	vst v0  }
0x2d: {  	[tilespmem:s0+$0x30] =	vst v0  }
0x2e: {  	[tilespmem:s0+$0x40] =	vst v0  }
0x2f: {  	[tilespmem:s0+$0x50] =	vst v0  }
0x30: {  	[tilespmem:s0+$0x60] =	vst v0;
	s0 =	simm.s32 $0x0  }
0x31: {  	[tilespmem:s21], [sflag:$0x1] =	stream.linear.gather [hbm4b:s4+s0], $0x8000, $0x38;
	[tilespmem:$0x1A838] =	vst v63  }
0x32: {  	_ = 	snop  }
0x33: {  	[tilespmem:s22], [sflag:$0x2] =	stream.linear.gather [hbm4b:s5+s0], $0x8000, $0x38;
	[tilespmem:$0x1A838] =	vst v63  }
0x34: {  	_ =	swait.ge [sflag:s23], $0x8000  }
0x35: {  	[sflag:s23] =	ssyncset.done $0x0  }
0x36: {  	[sflag:s23] =	ssyncadd.s32 $0xFFFF8000  }
.LBB2_4:
0x37: {  	s1 =	sshra.s32 s0, $0x2  }
0x38: {  	v16 =	vld [tilespmem:s1+$0x8000];
	_ =	sdelay $0x4  }
0x39: {  	v17 =	vshrl.u32 v16, $0x14  }
0x3a: {  	vm5 =	vgt.s32 v16, $0xFFFFFFFF;
	v16 =	vand.u32 $0x7FF, v17  }
0x3b: {  	v16 =	vor.u32 v4, v16;
	_ =	sdelay $0x4  }
0x3c: {  	[tilespmem:v16+s2+$0x0] =	vst.idx.add.s32.msk vm5, v1  }
0x3d: {  	v16 =	vld [tilespmem:s1+$0x8010];
	_ =	sdelay $0x4  }
0x3e: {  	v17 =	vshrl.u32 v16, $0x14  }
0x3f: {  	vm5 =	vgt.s32 v16, $0xFFFFFFFF;
	v16 =	vand.u32 $0x7FF, v17  }
0x40: {  	v16 =	vor.u32 v4, v16;
	_ =	sdelay $0x4  }
0x41: {  	[tilespmem:v16+s2+$0x0] =	vst.idx.add.s32.msk vm5, v1  }
0x42: {  	v16 =	vld [tilespmem:s1+$0x8020];
	_ =	sdelay $0x4  }
0x43: {  	v17 =	vshrl.u32 v16, $0x14  }
0x44: {  	vm5 =	vgt.s32 v16, $0xFFFFFFFF;
	v16 =	vand.u32 $0x7FF, v17  }
0x45: {  	v16 =	vor.u32 v4, v16;
	_ =	sdelay $0x4  }
0x46: {  	[tilespmem:v16+s2+$0x0] =	vst.idx.add.s32.msk vm5, v1  }
0x47: {  	v16 =	vld [tilespmem:s1+$0x8030];
	_ =	sdelay $0x4  }
0x48: {  	v17 =	vshrl.u32 v16, $0x14  }
0x49: {  	vm5 =	vgt.s32 v16, $0xFFFFFFFF;
	v16 =	vand.u32 $0x7FF, v17  }
0x4a: {  	v16 =	vor.u32 v4, v16;
	_ =	sdelay $0x4  }
0x4b: {  	[tilespmem:v16+s2+$0x0] =	vst.idx.add.s32.msk vm5, v1  }
0x4c: {  	v16 =	vld [tilespmem:s1+$0x8040];
	_ =	sdelay $0x4  }
0x4d: {  	v17 =	vshrl.u32 v16, $0x14  }
0x4e: {  	vm5 =	vgt.s32 v16, $0xFFFFFFFF;
	v16 =	vand.u32 $0x7FF, v17  }
0x4f: {  	v16 =	vor.u32 v4, v16;
	_ =	sdelay $0x4  }
0x50: {  	[tilespmem:v16+s2+$0x0] =	vst.idx.add.s32.msk vm5, v1  }
0x51: {  	v16 =	vld [tilespmem:s1+$0x8050];
	_ =	sdelay $0x4  }
0x52: {  	v17 =	vshrl.u32 v16, $0x14  }
0x53: {  	vm5 =	vgt.s32 v16, $0xFFFFFFFF;
	v16 =	vand.u32 $0x7FF, v17  }
0x54: {  	v16 =	vor.u32 v4, v16;
	_ =	sdelay $0x4  }
0x55: {  	[tilespmem:v16+s2+$0x0] =	vst.idx.add.s32.msk vm5, v1  }
0x56: {  	v16 =	vld [tilespmem:s1+$0x8060];
	_ =	sdelay $0x4  }
0x57: {  	v17 =	vshrl.u32 v16, $0x14  }
0x58: {  	vm5 =	vgt.s32 v16, $0xFFFFFFFF;
	v16 =	vand.u32 $0x7FF, v17  }
0x59: {  	v16 =	vor.u32 v4, v16;
	_ =	sdelay $0x4  }
0x5a: {  	[tilespmem:v16+s2+$0x0] =	vst.idx.add.s32.msk vm5, v1  }
0x5b: {  	v16 =	vld [tilespmem:s1+$0x8070];
	_ =	sdelay $0x4  }
0x5c: {  	v17 =	vshrl.u32 v16, $0x14  }
0x5d: {  	vm5 =	vgt.s32 v16, $0xFFFFFFFF;
	v16 =	vand.u32 $0x7FF, v17  }
0x5e: {  	p1 =	sne.s32 s0, $0x1FE00;
	v16 =	vor.u32 v4, v16  }
.Ltmp3:
0x5f: {  	_ = 	snop;
	(pc) =	sbr.rel @p1 .LBB2_4-.Ltmp3, $2  }
0x60: {  	_ =	sdelay $0x2  }
0x61: {  	s0 =	sadd.s32 $0x200, s0;
	[tilespmem:v16+s2+$0x0] =	vst.idx.add.s32.msk vm5, v1  }
0x62: {  	_ =	swait.ge [sflag:s24], $0x8000  }
0x63: {  	[sflag:s24] =	ssyncset.done $0x0  }
0x64: {  	s0 =	simm.s32 $0x0;
	s1 =	simm.s32 $0x0;
	[sflag:s24] =	ssyncadd.s32 $0xFFFF8000  }
.LBB2_6:
0x65: {  	s28 =	sshra.s32 s1, $0x2  }
0x66: {  	v16 =	vld [tilespmem:s28+$0x10000];
	_ =	sdelay $0x4  }
0x67: {  	v17 =	vshrl.u32 v16, $0x14  }
0x68: {  	vm5 =	vgt.s32 v16, $0xFFFFFFFF;
	v16 =	vand.u32 $0x7FF, v17  }
0x69: {  	v16 =	vor.u32 v4, v16;
	_ =	sdelay $0x4  }
0x6a: {  	[tilespmem:v16+s0+$0x0] =	vst.idx.add.s32.msk vm5, v1  }
0x6b: {  	v16 =	vld [tilespmem:s28+$0x10010];
	_ =	sdelay $0x4  }
0x6c: {  	v17 =	vshrl.u32 v16, $0x14  }
0x6d: {  	vm5 =	vgt.s32 v16, $0xFFFFFFFF;
	v16 =	vand.u32 $0x7FF, v17  }
0x6e: {  	v16 =	vor.u32 v4, v16;
	_ =	sdelay $0x4  }
0x6f: {  	[tilespmem:v16+s0+$0x0] =	vst.idx.add.s32.msk vm5, v1  }
0x70: {  	v16 =	vld [tilespmem:s28+$0x10020];
	_ =	sdelay $0x4  }
0x71: {  	v17 =	vshrl.u32 v16, $0x14  }
0x72: {  	vm5 =	vgt.s32 v16, $0xFFFFFFFF;
	v16 =	vand.u32 $0x7FF, v17  }
0x73: {  	v16 =	vor.u32 v4, v16;
	_ =	sdelay $0x4  }
0x74: {  	[tilespmem:v16+s0+$0x0] =	vst.idx.add.s32.msk vm5, v1  }
0x75: {  	v16 =	vld [tilespmem:s28+$0x10030];
	_ =	sdelay $0x4  }
0x76: {  	v17 =	vshrl.u32 v16, $0x14  }
0x77: {  	vm5 =	vgt.s32 v16, $0xFFFFFFFF;
	v16 =	vand.u32 $0x7FF, v17  }
0x78: {  	v16 =	vor.u32 v4, v16;
	_ =	sdelay $0x4  }
0x79: {  	[tilespmem:v16+s0+$0x0] =	vst.idx.add.s32.msk vm5, v1  }
0x7a: {  	v16 =	vld [tilespmem:s28+$0x10040];
	_ =	sdelay $0x4  }
0x7b: {  	v17 =	vshrl.u32 v16, $0x14  }
0x7c: {  	vm5 =	vgt.s32 v16, $0xFFFFFFFF;
	v16 =	vand.u32 $0x7FF, v17  }
0x7d: {  	v16 =	vor.u32 v4, v16;
	_ =	sdelay $0x4  }
0x7e: {  	[tilespmem:v16+s0+$0x0] =	vst.idx.add.s32.msk vm5, v1  }
0x7f: {  	v16 =	vld [tilespmem:s28+$0x10050];
	_ =	sdelay $0x4  }
0x80: {  	v17 =	vshrl.u32 v16, $0x14  }
0x81: {  	vm5 =	vgt.s32 v16, $0xFFFFFFFF;
	v16 =	vand.u32 $0x7FF, v17  }
0x82: {  	v16 =	vor.u32 v4, v16;
	_ =	sdelay $0x4  }
0x83: {  	[tilespmem:v16+s0+$0x0] =	vst.idx.add.s32.msk vm5, v1  }
0x84: {  	v16 =	vld [tilespmem:s28+$0x10060];
	_ =	sdelay $0x4  }
0x85: {  	v17 =	vshrl.u32 v16, $0x14  }
0x86: {  	vm5 =	vgt.s32 v16, $0xFFFFFFFF;
	v16 =	vand.u32 $0x7FF, v17  }
0x87: {  	v16 =	vor.u32 v4, v16;
	_ =	sdelay $0x4  }
0x88: {  	[tilespmem:v16+s0+$0x0] =	vst.idx.add.s32.msk vm5, v1  }
0x89: {  	v16 =	vld [tilespmem:s28+$0x10070];
	_ =	sdelay $0x4  }
0x8a: {  	v17 =	vshrl.u32 v16, $0x14  }
0x8b: {  	vm5 =	vgt.s32 v16, $0xFFFFFFFF;
	v16 =	vand.u32 $0x7FF, v17  }
0x8c: {  	p1 =	sne.s32 s1, $0x1FE00;
	v16 =	vor.u32 v4, v16  }
.Ltmp4:
0x8d: {  	_ = 	snop;
	(pc) =	sbr.rel @p1 .LBB2_6-.Ltmp4, $2  }
0x8e: {  	_ =	sdelay $0x2  }
0x8f: {  	s1 =	sadd.s32 $0x200, s1;
	[tilespmem:v16+s0+$0x0] =	vst.idx.add.s32.msk vm5, v1  }
0x90: {  	s28 =	simm.s32 $0x0  }
0x91: {  	s0 =	simm.s32 $0x40;
	v16 =	vld [tilespmem:s28+$0x800]  }
.LBB2_8:
0x92: {  	p1 =	sne.s32 s0, $0x1FC0;
	v17 =	vld [tilespmem:s28+$0x0]  }
0x93: {  	v18 =	vld [tilespmem:s28+$0x1000]  }
0x94: {  	v19 =	vld [tilespmem:s28+$0x1800]  }
0x95: {  	v20 =	vld [tilespmem:s28+$0x2000]  }
0x96: {  	v21 =	vld [tilespmem:s28+$0x2800]  }
0x97: {  	v16 =	vadd.s32 v17, v16;
	v17 =	vld [tilespmem:s28+$0x3000]  }
0x98: {  	v16 =	vadd.s32 v18, v16;
	v18 =	vld [tilespmem:s28+$0x3800]  }
0x99: {  	v16 =	vadd.s32 v19, v16;
	v19 =	vld [tilespmem:s28+$0x4000]  }
0x9a: {  	v16 =	vadd.s32 v20, v16;
	v20 =	vld [tilespmem:s28+$0x4800]  }
0x9b: {  	v16 =	vadd.s32 v21, v16;
	v21 =	vld [tilespmem:s28+$0x5000]  }
0x9c: {  	v16 =	vadd.s32 v17, v16;
	v17 =	vld [tilespmem:s28+$0x5800]  }
0x9d: {  	v16 =	vadd.s32 v18, v16;
	v18 =	vld [tilespmem:s28+$0x6000]  }
0x9e: {  	v16 =	vadd.s32 v19, v16;
	v19 =	vld [tilespmem:s28+$0x6800]  }
0x9f: {  	v16 =	vadd.s32 v20, v16;
	v20 =	vld [tilespmem:s28+$0x7000]  }
0xa0: {  	v16 =	vadd.s32 v21, v16;
	v21 =	vld [tilespmem:s28+$0x7800]  }
0xa1: {  	v16 =	vadd.s32 v17, v16  }
.Ltmp5:
0xa2: {  	v16 =	vadd.s32 v18, v16;
	(pc) =	sbr.rel @p1 .LBB2_8-.Ltmp5, $4  }
0xa3: {  	v16 =	vadd.s32 v19, v16  }
0xa4: {  	v16 =	vadd.s32 v20, v16  }
0xa5: {  	s1 =	sshra.s32 s0, $0x2;
	v17 =	vadd.s32 v21, v16  }
0xa6: {  	s0 =	sadd.s32 $0x40, s0;
	v16 =	vld [tilespmem:s1+$0x800];
	[tilespmem:s28+$0x0] =	vst v17;
	s28 =	smov.u32 s1  }
0xa7: {  	v17 =	vld [tilespmem:s28+$0x0]  }
0xa8: {  	v18 =	vld [tilespmem:s28+$0x1000]  }
0xa9: {  	v19 =	vld [tilespmem:s28+$0x1800]  }
0xaa: {  	v20 =	vld [tilespmem:s28+$0x2000]  }
0xab: {  	v21 =	vld [tilespmem:s28+$0x2800]  }
0xac: {  	v16 =	vadd.s32 v17, v16;
	v17 =	vld [tilespmem:s28+$0x3000]  }
0xad: {  	v16 =	vadd.s32 v18, v16;
	v18 =	vld [tilespmem:s28+$0x3800]  }
0xae: {  	v16 =	vadd.s32 v19, v16;
	v19 =	vld [tilespmem:s28+$0x4000]  }
0xaf: {  	v16 =	vadd.s32 v20, v16;
	v20 =	vld [tilespmem:s28+$0x4800]  }
0xb0: {  	v16 =	vadd.s32 v21, v16;
	v21 =	vld [tilespmem:s28+$0x5000]  }
0xb1: {  	v16 =	vadd.s32 v17, v16;
	v17 =	vld [tilespmem:s28+$0x5800]  }
0xb2: {  	v16 =	vadd.s32 v18, v16;
	v18 =	vld [tilespmem:s28+$0x6000]  }
0xb3: {  	v16 =	vadd.s32 v19, v16;
	v19 =	vld [tilespmem:s28+$0x6800]  }
0xb4: {  	v16 =	vadd.s32 v20, v16;
	v20 =	vld [tilespmem:s28+$0x7000]  }
0xb5: {  	v16 =	vadd.s32 v21, v16;
	v21 =	vld [tilespmem:s28+$0x7800]  }
0xb6: {  	v16 =	vadd.s32 v17, v16  }
0xb7: {  	v16 =	vadd.s32 v18, v16  }
0xb8: {  	v16 =	vadd.s32 v19, v16  }
0xb9: {  	v16 =	vadd.s32 v20, v16  }
0xba: {  	v16 =	vadd.s32 v21, v16  }
0xbb: {  	[tilespmem:s28+$0x0] =	vst v16  }
0xbc: {  	[spmem:s7] =	stream.linear.scatter [tilespmem:s2], [sflag:$0x3], $0x800, $0x38;
	[tilespmem:$0x1A838] =	vst v63  }
0xbd: {  	_ =	swait.ge [sflag:s20], $0x800  }
0xbe: {  	[sflag:s20] =	ssyncset.done $0x0  }
0xbf: {  	[sflag:s20] =	ssyncadd.s32 $0xFFFFF800  }
0xc0: {  	s0 =	simm.s32 @!p0 $0x18000;
	[bflag:$0x0] =	sbarrier.arrive $0xFFFF  }
0xc1: {  	[tilespmem:s0], [sflag:$0x3] =	stream.linear.gather @!p0 [spmem:s6], $0x800, $0x38;
	[tilespmem:$0x1A838] =	vst v63  }
0xc2: {  	s0 =	simm.s32 @!p0 $0x3  }
0xc3: {  	_ =	swait.ge @!p0 [sflag:s0], $0x800  }
0xc4: {  	[sflag:s0] =	ssyncset.done @!p0 $0x0  }
0xc5: {  	s1 =	simm.s32 @!p0 $0x18800;
	[sflag:s0] =	ssyncadd.s32 @!p0 $0xFFFFF800  }
0xc6: {  	[tilespmem:s1], [sflag:$0x3] =	stream.linear.gather @!p0 [spmem:s8], $0x800, $0x38;
	[tilespmem:$0x1A838] =	vst v63  }
0xc7: {  	_ =	swait.ge @!p0 [sflag:s0], $0x800  }
0xc8: {  	[sflag:s0] =	ssyncset.done @!p0 $0x0  }
0xc9: {  	s1 =	simm.s32 @!p0 $0x19000;
	[sflag:s0] =	ssyncadd.s32 @!p0 $0xFFFFF800  }
0xca: {  	[tilespmem:s1], [sflag:$0x3] =	stream.linear.gather @!p0 [spmem:s9], $0x800, $0x38;
	[tilespmem:$0x1A838] =	vst v63  }
0xcb: {  	_ =	swait.ge @!p0 [sflag:s0], $0x800  }
0xcc: {  	[sflag:s0] =	ssyncset.done @!p0 $0x0  }
0xcd: {  	s1 =	simm.s32 @!p0 $0x19800;
	[sflag:s0] =	ssyncadd.s32 @!p0 $0xFFFFF800  }
0xce: {  	[tilespmem:s1], [sflag:$0x3] =	stream.linear.gather @!p0 [spmem:s10], $0x800, $0x38;
	[tilespmem:$0x1A838] =	vst v63  }
0xcf: {  	_ =	swait.ge @!p0 [sflag:s0], $0x800  }
0xd0: {  	[sflag:s0] =	ssyncset.done @!p0 $0x0  }
0xd1: {  	s1 =	simm.s32 $0x197F0;
	[sflag:s0] =	ssyncadd.s32 @!p0 $0xFFFFF800  }
0xd2: {  	v16 =	vld [tilespmem:s1+$0xFFFFF000]  }
0xd3: {  	v17 =	vld [tilespmem:s1+$0xFFFFF800]  }
0xd4: {  	v18 =	vld [tilespmem:s1+$0x0]  }
0xd5: {  	v19 =	vld [tilespmem:s1+$0x800];
	_ =	sdelay $0x2  }
0xd6: {  	v16 =	vadd.s32 v16, v17  }
0xd7: {  	v16 =	vadd.s32 v18, v16  }
0xd8: {  	v20 =	vadd.s32 v19, v16  }
0xd9: {  	s1 =	simm.s32 $0x197E0;
	v16 =	vperm.xlane v20, v5  }
0xda: {  	vm5 =	veq.s32 v3, $0xF;
	v17 =	vld [tilespmem:s1+$0xFFFFF000]  }
0xdb: {  	v18 =	vld [tilespmem:s1+$0xFFFFF800];
	v16 =	vsel vm5, $0x0, v16  }
0xdc: {  	v21 =	vld [tilespmem:s1+$0x0];
	v16 =	vadd.s32 v20, v16  }
0xdd: {  	v23 =	vsub.f32 $1.310720000e+05, v14;
	v22 =	vld [tilespmem:s1+$0x800];
	v19 =	vperm.xlane v16, v7;
	_ =	sdelay $0x1  }
0xde: {  	v23 =	vmax.f32 v23, $0.0e+00;
	s1 =	simm.s32 $0x197D0;
	v19 =	vnsel vm2, $0x0, v19  }
0xdf: {  	v15 =	vmin.f32 v23, v15;
	v23 =	vld [tilespmem:s1+$0xFFFFF800];
	v17 =	vadd.s32 v17, v18;
	v16 =	vadd.s32 v19, v16  }
0xe0: {  	v18 =	vld [tilespmem:s1+$0xFFFFF000];
	v17 =	vadd.s32 v21, v17;
	v19 =	vperm.xlane v16, v10  }
0xe1: {  	v17 =	vadd.s32 v22, v17;
	v22 =	vld [tilespmem:s1+$0x0]  }
0xe2: {  	v24 =	vperm.xlane v17, v5;
	v19 =	vnsel vm3, $0x0, v19  }
0xe3: {  	v25 =	vld [tilespmem:s1+$0x800];
	v19 =	vadd.s32 v19, v16  }
0xe4: {  	v24 =	vsel vm5, $0x0, v24;
	v26 =	vperm.xlane v19, v11  }
0xe5: {  	v21 =	vtrunc.f32 v15;
	s1 =	simm.s32 $0x197C0;
	v18 =	vadd.s32 v18, v23;
	v23 =	vadd.s32 v17, v24  }
0xe6: {  	v24 =	vld [tilespmem:s1+$0xFFFFF000];
	v18 =	vadd.s32 v22, v18;
	v22 =	vperm.xlane v23, v7;
	v26 =	vnsel vm4, $0x0, v26  }
0xe7: {  	v16 =	vcvt.f32.s32 v21;
	v21 =	vimm.s32 $0x0;
	v19 =	vadd.s32 v26, v19;
	v26 =	vld [tilespmem:s1+$0xFFFFF800]  }
0xe8: {  	v18 =	vadd.s32 v25, v18;
	v31 =	vadd.s32 v21, v19  }
0xe9: {  	v25 =	vld [tilespmem:s1+$0x0];
	v22 =	vnsel vm2, $0x0, v22;
	v19 =	vperm.xlane v19, v0;
	vm6 =	vge.s32 v31, v16  }
0xea: {  	v29 =	vld [tilespmem:s1+$0x800];
	v30 =	vperm.xlane v18, v5;
	v22 =	vadd.s32 v22, v23;
	v27 =	vmpcnt.ones.xlane vm6  }
0xeb: {  	v28 =	vperm.xlane v22, v10;
	v23 =	vadd.s32 v21, v19;
	vm6 =	vlt.s32 v21, v16  }
0xec: {  	vm7 =	vge.s32 v23, v16;
	v19 =	vadd.s32 $0xFFFFFFFF, v27;
	v24 =	vadd.s32 v24, v26  }
0xed: {  	v26 =	vnsel vm3, $0x0, v28;
	vm6 =	vmand vm6, vm7;
	vm8 =	vgt.s32 v19, $0x0  }
0xee: {  	v24 =	vadd.s32 v25, v24;
	v27 =	vadd.s32 v26, v22;
	v25 =	vsel vm5, $0x0, v30  }
0xef: {  	v28 =	vnsel vm8, $0x0, v19;
	v19 =	vadd.s32 v29, v24;
	v24 =	vperm.xlane v27, v11  }
0xf0: {  	s31 =	simm.s32 $0x7F0;
	s30 =	simm.s32 $0x7E0;
	s29 =	simm.s32 $0x7C0;
	v29 =	vadd.s32 v18, v25;
	v26 =	vperm.xlane v19, v5;
	v22 =	vperm.xlane v20, v28  }
0xf1: {  	s28 =	simm.s32 $0x7D0;
	s0 =	simm.s32 $0x7B0;
	s1 =	simm.s32 $0x197B0;
	v20 =	vimm.s32 $0x0;
	v30 =	vnsel vm4, $0x0, v24;
	v24 =	vperm.xlane v31, v28;
	v25 =	vmovc v23  }
.LBB2_10:
0xf2: {  	p1 =	sne.s32 s0, $0x0;
	v28 =	vadd.s32 s31, v28;
	s31 =	smov.u32 s30;
	s30 =	smov.u32 s28  }
0xf3: {  	v31 =	vld [tilespmem:s1+$0xFFFFF000];
	v32 =	vperm.xlane v29, v7;
	v27 =	vadd.s32 v30, v27;
	s28 =	smov.u32 s29;
	s29 =	smov.u32 s0;
	s0 =	sadd.s32 $0xFFFFFFF0, s0  }
0xf4: {  	v30 =	vld [tilespmem:s1+$0xFFFFF800];
	v33 =	vperm.xlane v27, v0;
	v34 =	vadd.s32 v23, v27;
	v21 =	vsel vm6, v28, v21  }
0xf5: {  	v22 =	vsub.s32 v24, v22;
	v27 =	vld [tilespmem:s1+$0x0];
	v28 =	vnsel vm2, $0x0, v32;
	vm7 =	vge.s32 v34, v16  }
0xf6: {  	v20 =	vsel vm6, v22, v20;
	v24 =	vld [tilespmem:s1+$0x800];
	v28 =	vadd.s32 v28, v29;
	v29 =	vmpcnt.ones.xlane vm7  }
0xf7: {  	v23 =	vadd.s32 v23, v33;
	v22 =	vperm.xlane v28, v10  }
0xf8: {  	vm6 =	vlt.s32 v25, v16;
	vm7 =	vge.s32 v23, v16;
	v25 =	vmovc v23;
	v29 =	vadd.s32 $0xFFFFFFFF, v29  }
.Ltmp6:
0xf9: {  	v30 =	vadd.s32 v31, v30;
	v22 =	vnsel vm3, $0x0, v22;
	vm8 =	vgt.s32 v29, $0x0;
	(pc) =	sbr.rel @p1 .LBB2_10-.Ltmp6, $4  }
0xfa: {  	v30 =	vadd.s32 v27, v30;
	v27 =	vadd.s32 v22, v28;
	v28 =	vnsel vm8, $0x0, v29  }
0xfb: {  	vm6 =	vmand vm6, vm7;
	v31 =	vadd.s32 v24, v30;
	v24 =	vperm.xlane v27, v11  }
0xfc: {  	v29 =	vsel vm5, $0x0, v26;
	v22 =	vperm.xlane v17, v28;
	v17 =	vmovc v18;
	v18 =	vmovc v19;
	v26 =	vperm.xlane v31, v5  }
0xfd: {  	s1 =	sadd.s32 $0xFFFFFFF0, s1;
	v29 =	vadd.s32 v18, v29;
	v19 =	vmovc v31;
	v30 =	vnsel vm4, $0x0, v24;
	v24 =	vperm.xlane v34, v28  }
0xfe: {  	v31 =	vperm.xlane v29, v7;
	vm5 =	veq.s32 v3, $0xF  }
0xff: {  	v26 =	vsel vm5, $0x0, v26  }
0x100: {  	v31 =	vnsel vm2, $0x0, v31;
	v26 =	vadd.s32 v19, v26  }
0x101: {  	v41 =	vadd.s32 v31, v29;
	v42 =	vperm.xlane v26, v7  }
0x102: {  	v43 =	vperm.xlane v41, v10  }
0x103: {  	v27 =	vadd.s32 v30, v27;
	v28 =	vadd.s32 s31, v28;
	v31 =	vnsel vm2, $0x0, v42  }
0x104: {  	v32 =	vperm.xlane v27, v0;
	v30 =	vnsel vm3, $0x0, v43;
	v26 =	vadd.s32 v31, v26  }
0x105: {  	v27 =	vadd.s32 v23, v27;
	v29 =	vadd.s32 v30, v41;
	v45 =	vperm.xlane v26, v10  }
0x106: {  	v21 =	vsel vm6, v28, v21;
	vm5 =	vge.s32 v27, v16;
	v46 =	vperm.xlane v29, v11  }
0x107: {  	v44 =	vmpcnt.ones.xlane vm5;
	v47 =	vadd.s32 v23, v32;
	v30 =	vnsel vm3, $0x0, v45  }
0x108: {  	vm5 =	vlt.s32 v25, v16;
	v48 =	vnsel vm4, $0x0, v46;
	v26 =	vadd.s32 v30, v26  }
0x109: {  	vm8 =	vge.s32 v47, v16;
	v25 =	vadd.s32 v48, v29;
	v49 =	vperm.xlane v26, v11  }
0x10a: {  	vm12 =	vlt.s32 v47, v16;
	v31 =	vadd.s32 $0xFFFFFFFF, v44;
	v51 =	vperm.xlane v25, v0  }
0x10b: {  	vm5 =	vmand vm5, vm8;
	vm7 =	vgt.s32 v31, $0x0;
	v28 =	vnsel vm4, $0x0, v49  }
0x10c: {  	v25 =	vadd.s32 v47, v25;
	v30 =	vadd.s32 v47, v51;
	v26 =	vadd.s32 v28, v26  }
0x10d: {  	v50 =	vnsel vm7, $0x0, v31;
	vm7 =	vge.s32 v25, v16;
	v54 =	vadd.s32 v30, v26  }
0x10e: {  	v52 =	vadd.s32 s30, v50;
	v53 =	vmpcnt.ones.xlane vm7;
	vm7 =	vge.s32 v54, v16  }
0x10f: {  	v21 =	vsel vm5, v52, v21;
	v26 =	vperm.xlane v26, v0;
	v56 =	vmpcnt.ones.xlane vm7  }
0x110: {  	vm13 =	vlt.s32 v30, v16;
	v55 =	vadd.s32 $0xFFFFFFFF, v53;
	vm7 =	vge.s32 v30, v16  }
0x111: {  	vm9 =	vgt.s32 v55, $0x0;
	v26 =	vadd.s32 v30, v26;
	v23 =	vadd.s32 $0xFFFFFFFF, v56  }
0x112: {  	v28 =	vnsel vm9, $0x0, v55;
	vm7 =	vmand vm12, vm7;
	vm14 =	vgt.s32 v23, $0x0  }
0x113: {  	vm15 =	vge.s32 v26, v16;
	v57 =	vadd.s32 s28, v28;
	v23 =	vnsel vm14, $0x0, v23  }
0x114: {  	vm8 =	vmand vm13, vm15;
	v21 =	vsel vm7, v57, v21;
	v58 =	vadd.s32 s29, v23  }
0x115: {  	v21 =	vsel vm8, v58, v21  }
0x116: {  	s0 =	simm.s32 @!p0 $0x1A000;
	[tilespmem:$0x1A000] =	vst @!p0 v21  }
0x117: {  	[spmem:s11] =	stream.linear.scatter @!p0 [tilespmem:s0], [sflag:$0x3], $0x10, $0x38;
	[tilespmem:$0x1A838] =	vst v63  }
0x118: {  	s0 =	simm.s32 @!p0 $0x3  }
0x119: {  	_ =	swait.ge @!p0 [sflag:s0], $0x10  }
0x11a: {  	[sflag:s0] =	ssyncset.done @!p0 $0x0  }
0x11b: {  	[sflag:s0] =	ssyncadd.s32 @!p0 $0xFFFFFFF0  }
0x11c: {  	[bflag:$0x0] =	sbarrier.arrive $0xFFFF  }
0x11d: {  	[tilespmem:s25], [sflag:$0x3] =	stream.linear.gather [spmem:s11], $0x10, $0x38;
	[tilespmem:$0x1A838] =	vst v63  }
0x11e: {  	_ =	swait.ge [sflag:s20], $0x10  }
0x11f: {  	[sflag:s20] =	ssyncset.done $0x0  }
0x120: {  	[sflag:s20] =	ssyncadd.s32 $0xFFFFFFF0  }
0x121: {  	v59 =	vsub.s32 v24, v22;
	v17 =	vperm.xlane v17, v50;
	v60 =	vperm.xlane v27, v50;
	v61 =	vld [tilespmem:$0x1A000]  }
0x122: {  	v20 =	vsel vm6, v59, v20;
	v18 =	vperm.xlane v18, v28;
	v62 =	vperm.xlane v25, v28  }
0x123: {  	v17 =	vsub.s32 v60, v17;
	v19 =	vperm.xlane v19, v23;
	v63 =	vperm.xlane v54, v23  }
0x124: {  	v17 =	vsel vm5, v17, v20;
	v18 =	vsub.s32 v62, v18  }
0x125: {  	v17 =	vsel vm7, v18, v17;
	v18 =	vsub.s32 v63, v19  }
0x126: {  	s1 =	simm.s32 $0x200;
	v17 =	vsel vm8, v18, v17;
	s0 =	simm.s32 $0x0;
	v18 =	vperm.xlane v61, v0  }
.LBB2_12:
0x127: {  	p1 =	sne.s32 s1, $0xFE00;
	[tilespmem:s0+$0x70] =	vst v0  }
0x128: {  	[tilespmem:s0+$0x0] =	vst v0  }
0x129: {  	[tilespmem:s0+$0x10] =	vst v0  }
.Ltmp7:
0x12a: {  	[tilespmem:s0+$0x20] =	vst v0;
	(pc) =	sbr.rel @p1 .LBB2_12-.Ltmp7, $4  }
0x12b: {  	[tilespmem:s0+$0x30] =	vst v0  }
0x12c: {  	[tilespmem:s0+$0x40] =	vst v0  }
0x12d: {  	[tilespmem:s0+$0x50] =	vst v0  }
0x12e: {  	[tilespmem:s0+$0x60] =	vst v0;
	s0 =	sshra.s32 s1, $0x2;
	s1 =	sadd.s32 $0x200, s1  }
0x12f: {  	[tilespmem:s0+$0x70] =	vst v0  }
0x130: {  	[tilespmem:s0+$0x0] =	vst v0  }
0x131: {  	[tilespmem:s0+$0x10] =	vst v0  }
0x132: {  	[tilespmem:s0+$0x20] =	vst v0  }
0x133: {  	[tilespmem:s0+$0x30] =	vst v0  }
0x134: {  	[tilespmem:s0+$0x40] =	vst v0  }
0x135: {  	[tilespmem:s0+$0x50] =	vst v0  }
0x136: {  	[tilespmem:s0+$0x60] =	vst v0;
	s28 =	simm.s32 $0x0  }
0x137: {  	[tilespmem:s21], [sflag:$0x1] =	stream.linear.gather [hbm4b:s4+s28], $0x8000, $0x38;
	[tilespmem:$0x1A838] =	vst v63  }
0x138: {  	_ = 	snop  }
0x139: {  	[tilespmem:s22], [sflag:$0x2] =	stream.linear.gather [hbm4b:s5+s28], $0x8000, $0x38;
	[tilespmem:$0x1A838] =	vst v63  }
0x13a: {  	_ =	swait.ge [sflag:s23], $0x8000  }
0x13b: {  	[sflag:s23] =	ssyncset.done $0x0  }
0x13c: {  	[sflag:s23] =	ssyncadd.s32 $0xFFFF8000  }
.LBB2_14:
0x13d: {  	s0 =	sshra.s32 s28, $0x2  }
0x13e: {  	v19 =	vld [tilespmem:s0+$0x8000];
	_ =	sdelay $0x4  }
0x13f: {  	v20 =	vshra.s32 v19, $0x14;
	v19 =	vshrl.u32 v19, $0xA  }
0x140: {  	vm5 =	veq.s32 v20, v18;
	v19 =	vand.u32 $0x3FF, v19  }
0x141: {  	v19 =	vor.u32 v12, v19;
	_ =	sdelay $0x4  }
0x142: {  	[tilespmem:v19+s2+$0x0] =	vst.idx.add.s32.msk vm5, v1  }
0x143: {  	v19 =	vld [tilespmem:s0+$0x8010];
	_ =	sdelay $0x4  }
0x144: {  	v20 =	vshra.s32 v19, $0x14;
	v19 =	vshrl.u32 v19, $0xA  }
0x145: {  	vm5 =	veq.s32 v20, v18;
	v19 =	vand.u32 $0x3FF, v19  }
0x146: {  	v19 =	vor.u32 v12, v19;
	_ =	sdelay $0x4  }
0x147: {  	[tilespmem:v19+s2+$0x0] =	vst.idx.add.s32.msk vm5, v1  }
0x148: {  	v19 =	vld [tilespmem:s0+$0x8020];
	_ =	sdelay $0x4  }
0x149: {  	v20 =	vshra.s32 v19, $0x14;
	v19 =	vshrl.u32 v19, $0xA  }
0x14a: {  	vm5 =	veq.s32 v20, v18;
	v19 =	vand.u32 $0x3FF, v19  }
0x14b: {  	v19 =	vor.u32 v12, v19;
	_ =	sdelay $0x4  }
0x14c: {  	[tilespmem:v19+s2+$0x0] =	vst.idx.add.s32.msk vm5, v1  }
0x14d: {  	v19 =	vld [tilespmem:s0+$0x8030];
	_ =	sdelay $0x4  }
0x14e: {  	v20 =	vshra.s32 v19, $0x14;
	v19 =	vshrl.u32 v19, $0xA  }
0x14f: {  	vm5 =	veq.s32 v20, v18;
	v19 =	vand.u32 $0x3FF, v19  }
0x150: {  	v19 =	vor.u32 v12, v19;
	_ =	sdelay $0x4  }
0x151: {  	[tilespmem:v19+s2+$0x0] =	vst.idx.add.s32.msk vm5, v1  }
0x152: {  	v19 =	vld [tilespmem:s0+$0x8040];
	_ =	sdelay $0x4  }
0x153: {  	v20 =	vshra.s32 v19, $0x14;
	v19 =	vshrl.u32 v19, $0xA  }
0x154: {  	vm5 =	veq.s32 v20, v18;
	v19 =	vand.u32 $0x3FF, v19  }
0x155: {  	v19 =	vor.u32 v12, v19;
	_ =	sdelay $0x4  }
0x156: {  	[tilespmem:v19+s2+$0x0] =	vst.idx.add.s32.msk vm5, v1  }
0x157: {  	v19 =	vld [tilespmem:s0+$0x8050];
	_ =	sdelay $0x4  }
0x158: {  	v20 =	vshra.s32 v19, $0x14;
	v19 =	vshrl.u32 v19, $0xA  }
0x159: {  	vm5 =	veq.s32 v20, v18;
	v19 =	vand.u32 $0x3FF, v19  }
0x15a: {  	v19 =	vor.u32 v12, v19;
	_ =	sdelay $0x4  }
0x15b: {  	[tilespmem:v19+s2+$0x0] =	vst.idx.add.s32.msk vm5, v1  }
0x15c: {  	v19 =	vld [tilespmem:s0+$0x8060];
	_ =	sdelay $0x4  }
0x15d: {  	v20 =	vshra.s32 v19, $0x14;
	v19 =	vshrl.u32 v19, $0xA  }
0x15e: {  	vm5 =	veq.s32 v20, v18;
	v19 =	vand.u32 $0x3FF, v19  }
0x15f: {  	v19 =	vor.u32 v12, v19;
	_ =	sdelay $0x4  }
0x160: {  	[tilespmem:v19+s2+$0x0] =	vst.idx.add.s32.msk vm5, v1  }
0x161: {  	v19 =	vld [tilespmem:s0+$0x8070];
	_ =	sdelay $0x4  }
0x162: {  	v20 =	vshra.s32 v19, $0x14;
	v19 =	vshrl.u32 v19, $0xA  }
0x163: {  	vm5 =	veq.s32 v20, v18;
	v19 =	vand.u32 $0x3FF, v19  }
0x164: {  	p1 =	sne.s32 s28, $0x1FE00;
	v19 =	vor.u32 v12, v19  }
.Ltmp8:
0x165: {  	_ = 	snop;
	(pc) =	sbr.rel @p1 .LBB2_14-.Ltmp8, $2  }
0x166: {  	_ =	sdelay $0x2  }
0x167: {  	s28 =	sadd.s32 $0x200, s28;
	[tilespmem:v19+s2+$0x0] =	vst.idx.add.s32.msk vm5, v1  }
0x168: {  	_ =	swait.ge [sflag:s24], $0x8000  }
0x169: {  	[sflag:s24] =	ssyncset.done $0x0  }
0x16a: {  	s0 =	simm.s32 $0x0;
	[sflag:s24] =	ssyncadd.s32 $0xFFFF8000  }
.LBB2_16:
0x16b: {  	s1 =	sshra.s32 s0, $0x2  }
0x16c: {  	v19 =	vld [tilespmem:s1+$0x10000];
	_ =	sdelay $0x4  }
0x16d: {  	v20 =	vshra.s32 v19, $0x14;
	v19 =	vshrl.u32 v19, $0xA  }
0x16e: {  	vm5 =	veq.s32 v20, v18;
	v19 =	vand.u32 $0x3FF, v19  }
0x16f: {  	v19 =	vor.u32 v12, v19;
	_ =	sdelay $0x4  }
0x170: {  	[tilespmem:v19+s2+$0x0] =	vst.idx.add.s32.msk vm5, v1  }
0x171: {  	v19 =	vld [tilespmem:s1+$0x10010];
	_ =	sdelay $0x4  }
0x172: {  	v20 =	vshra.s32 v19, $0x14;
	v19 =	vshrl.u32 v19, $0xA  }
0x173: {  	vm5 =	veq.s32 v20, v18;
	v19 =	vand.u32 $0x3FF, v19  }
0x174: {  	v19 =	vor.u32 v12, v19;
	_ =	sdelay $0x4  }
0x175: {  	[tilespmem:v19+s2+$0x0] =	vst.idx.add.s32.msk vm5, v1  }
0x176: {  	v19 =	vld [tilespmem:s1+$0x10020];
	_ =	sdelay $0x4  }
0x177: {  	v20 =	vshra.s32 v19, $0x14;
	v19 =	vshrl.u32 v19, $0xA  }
0x178: {  	vm5 =	veq.s32 v20, v18;
	v19 =	vand.u32 $0x3FF, v19  }
0x179: {  	v19 =	vor.u32 v12, v19;
	_ =	sdelay $0x4  }
0x17a: {  	[tilespmem:v19+s2+$0x0] =	vst.idx.add.s32.msk vm5, v1  }
0x17b: {  	v19 =	vld [tilespmem:s1+$0x10030];
	_ =	sdelay $0x4  }
0x17c: {  	v20 =	vshra.s32 v19, $0x14;
	v19 =	vshrl.u32 v19, $0xA  }
0x17d: {  	vm5 =	veq.s32 v20, v18;
	v19 =	vand.u32 $0x3FF, v19  }
0x17e: {  	v19 =	vor.u32 v12, v19;
	_ =	sdelay $0x4  }
0x17f: {  	[tilespmem:v19+s2+$0x0] =	vst.idx.add.s32.msk vm5, v1  }
0x180: {  	v19 =	vld [tilespmem:s1+$0x10040];
	_ =	sdelay $0x4  }
0x181: {  	v20 =	vshra.s32 v19, $0x14;
	v19 =	vshrl.u32 v19, $0xA  }
0x182: {  	vm5 =	veq.s32 v20, v18;
	v19 =	vand.u32 $0x3FF, v19  }
0x183: {  	v19 =	vor.u32 v12, v19;
	_ =	sdelay $0x4  }
0x184: {  	[tilespmem:v19+s2+$0x0] =	vst.idx.add.s32.msk vm5, v1  }
0x185: {  	v19 =	vld [tilespmem:s1+$0x10050];
	_ =	sdelay $0x4  }
0x186: {  	v20 =	vshra.s32 v19, $0x14;
	v19 =	vshrl.u32 v19, $0xA  }
0x187: {  	vm5 =	veq.s32 v20, v18;
	v19 =	vand.u32 $0x3FF, v19  }
0x188: {  	v19 =	vor.u32 v12, v19;
	_ =	sdelay $0x4  }
0x189: {  	[tilespmem:v19+s2+$0x0] =	vst.idx.add.s32.msk vm5, v1  }
0x18a: {  	v19 =	vld [tilespmem:s1+$0x10060];
	_ =	sdelay $0x4  }
0x18b: {  	v20 =	vshra.s32 v19, $0x14;
	v19 =	vshrl.u32 v19, $0xA  }
0x18c: {  	vm5 =	veq.s32 v20, v18;
	v19 =	vand.u32 $0x3FF, v19  }
0x18d: {  	v19 =	vor.u32 v12, v19;
	_ =	sdelay $0x4  }
0x18e: {  	[tilespmem:v19+s2+$0x0] =	vst.idx.add.s32.msk vm5, v1  }
0x18f: {  	v19 =	vld [tilespmem:s1+$0x10070];
	_ =	sdelay $0x4  }
0x190: {  	v20 =	vshra.s32 v19, $0x14;
	v19 =	vshrl.u32 v19, $0xA  }
0x191: {  	vm5 =	veq.s32 v20, v18;
	v19 =	vand.u32 $0x3FF, v19  }
0x192: {  	p1 =	sne.s32 s0, $0x1FE00;
	v19 =	vor.u32 v12, v19  }
.Ltmp9:
0x193: {  	_ = 	snop;
	(pc) =	sbr.rel @p1 .LBB2_16-.Ltmp9, $2  }
0x194: {  	_ =	sdelay $0x2  }
0x195: {  	s0 =	sadd.s32 $0x200, s0;
	[tilespmem:v19+s2+$0x0] =	vst.idx.add.s32.msk vm5, v1  }
0x196: {  	s28 =	simm.s32 $0xFFFFFC00  }
0x197: {  	s0 =	simm.s32 $0xFFFFF040;
	v19 =	vld [tilespmem:s28+$0x800]  }
.LBB2_18:
0x198: {  	p1 =	sne.s32 s0, $0xFFFFFFC0;
	v20 =	vld [tilespmem:s28+$0x400]  }
0x199: {  	v21 =	vld [tilespmem:s28+$0xC00]  }
0x19a: {  	v22 =	vld [tilespmem:s28+$0x1000]  }
0x19b: {  	v23 =	vld [tilespmem:s28+$0x1400]  }
0x19c: {  	v24 =	vld [tilespmem:s28+$0x1800]  }
0x19d: {  	v19 =	vadd.s32 v20, v19;
	v20 =	vld [tilespmem:s28+$0x1C00]  }
0x19e: {  	v19 =	vadd.s32 v21, v19;
	v21 =	vld [tilespmem:s28+$0x2000]  }
0x19f: {  	v19 =	vadd.s32 v22, v19;
	v22 =	vld [tilespmem:s28+$0x2400]  }
0x1a0: {  	v19 =	vadd.s32 v23, v19;
	v23 =	vld [tilespmem:s28+$0x2800]  }
0x1a1: {  	v19 =	vadd.s32 v24, v19;
	v24 =	vld [tilespmem:s28+$0x2C00]  }
0x1a2: {  	v19 =	vadd.s32 v20, v19;
	v20 =	vld [tilespmem:s28+$0x3000]  }
0x1a3: {  	v19 =	vadd.s32 v21, v19;
	v21 =	vld [tilespmem:s28+$0x3400]  }
0x1a4: {  	v19 =	vadd.s32 v22, v19;
	v22 =	vld [tilespmem:s28+$0x3800]  }
0x1a5: {  	v19 =	vadd.s32 v23, v19;
	v23 =	vld [tilespmem:s28+$0x3C00]  }
0x1a6: {  	v19 =	vadd.s32 v24, v19;
	v24 =	vld [tilespmem:s28+$0x4000]  }
0x1a7: {  	v19 =	vadd.s32 v20, v19  }
.Ltmp10:
0x1a8: {  	v19 =	vadd.s32 v21, v19;
	(pc) =	sbr.rel @p1 .LBB2_18-.Ltmp10, $4  }
0x1a9: {  	v19 =	vadd.s32 v22, v19  }
0x1aa: {  	v19 =	vadd.s32 v23, v19  }
0x1ab: {  	s1 =	sshra.s32 s0, $0x2;
	v20 =	vadd.s32 v24, v19  }
0x1ac: {  	s0 =	sadd.s32 $0x40, s0;
	v19 =	vld [tilespmem:s1+$0x800];
	[tilespmem:s28+$0x400] =	vst v20;
	s28 =	smov.u32 s1  }
0x1ad: {  	v20 =	vld [tilespmem:s28+$0x400]  }
0x1ae: {  	v21 =	vld [tilespmem:s28+$0xC00]  }
0x1af: {  	v22 =	vld [tilespmem:s28+$0x1000]  }
0x1b0: {  	v23 =	vld [tilespmem:s28+$0x1400]  }
0x1b1: {  	v24 =	vld [tilespmem:s28+$0x1800]  }
0x1b2: {  	v19 =	vadd.s32 v20, v19;
	v20 =	vld [tilespmem:s28+$0x1C00]  }
0x1b3: {  	v19 =	vadd.s32 v21, v19;
	v21 =	vld [tilespmem:s28+$0x2000]  }
0x1b4: {  	v19 =	vadd.s32 v22, v19;
	v22 =	vld [tilespmem:s28+$0x2400]  }
0x1b5: {  	v19 =	vadd.s32 v23, v19;
	v23 =	vld [tilespmem:s28+$0x2800]  }
0x1b6: {  	v19 =	vadd.s32 v24, v19;
	v24 =	vld [tilespmem:s28+$0x2C00]  }
0x1b7: {  	v19 =	vadd.s32 v20, v19;
	v20 =	vld [tilespmem:s28+$0x3000]  }
0x1b8: {  	v19 =	vadd.s32 v21, v19;
	v21 =	vld [tilespmem:s28+$0x3400]  }
0x1b9: {  	v19 =	vadd.s32 v22, v19;
	v22 =	vld [tilespmem:s28+$0x3800]  }
0x1ba: {  	v19 =	vadd.s32 v23, v19;
	v23 =	vld [tilespmem:s28+$0x3C00]  }
0x1bb: {  	v19 =	vadd.s32 v24, v19;
	v24 =	vld [tilespmem:s28+$0x4000]  }
0x1bc: {  	v19 =	vadd.s32 v20, v19  }
0x1bd: {  	v19 =	vadd.s32 v21, v19  }
0x1be: {  	v19 =	vadd.s32 v22, v19  }
0x1bf: {  	v19 =	vadd.s32 v23, v19  }
0x1c0: {  	v19 =	vadd.s32 v24, v19  }
0x1c1: {  	[tilespmem:s28+$0x400] =	vst v19  }
0x1c2: {  	[spmem:s7] =	stream.linear.scatter [tilespmem:s2], [sflag:$0x3], $0x400, $0x38;
	[tilespmem:$0x1A838] =	vst v63  }
0x1c3: {  	_ =	swait.ge [sflag:s20], $0x400  }
0x1c4: {  	[sflag:s20] =	ssyncset.done $0x0  }
0x1c5: {  	[sflag:s20] =	ssyncadd.s32 $0xFFFFFC00  }
0x1c6: {  	s0 =	simm.s32 @!p0 $0x18000;
	[bflag:$0x0] =	sbarrier.arrive $0xFFFF  }
0x1c7: {  	[tilespmem:s0], [sflag:$0x3] =	stream.linear.gather @!p0 [spmem:s6], $0x400, $0x38;
	[tilespmem:$0x1A838] =	vst v63  }
0x1c8: {  	s0 =	simm.s32 @!p0 $0x3  }
0x1c9: {  	_ =	swait.ge @!p0 [sflag:s0], $0x400  }
0x1ca: {  	[sflag:s0] =	ssyncset.done @!p0 $0x0  }
0x1cb: {  	s1 =	simm.s32 @!p0 $0x18400;
	[sflag:s0] =	ssyncadd.s32 @!p0 $0xFFFFFC00  }
0x1cc: {  	[tilespmem:s1], [sflag:$0x3] =	stream.linear.gather @!p0 [spmem:s8], $0x400, $0x38;
	[tilespmem:$0x1A838] =	vst v63  }
0x1cd: {  	_ =	swait.ge @!p0 [sflag:s0], $0x400  }
0x1ce: {  	[sflag:s0] =	ssyncset.done @!p0 $0x0  }
0x1cf: {  	s1 =	simm.s32 @!p0 $0x18800;
	[sflag:s0] =	ssyncadd.s32 @!p0 $0xFFFFFC00  }
0x1d0: {  	[tilespmem:s1], [sflag:$0x3] =	stream.linear.gather @!p0 [spmem:s9], $0x400, $0x38;
	[tilespmem:$0x1A838] =	vst v63  }
0x1d1: {  	_ =	swait.ge @!p0 [sflag:s0], $0x400  }
0x1d2: {  	[sflag:s0] =	ssyncset.done @!p0 $0x0  }
0x1d3: {  	s1 =	simm.s32 @!p0 $0x18C00;
	[sflag:s0] =	ssyncadd.s32 @!p0 $0xFFFFFC00  }
0x1d4: {  	[tilespmem:s1], [sflag:$0x3] =	stream.linear.gather @!p0 [spmem:s10], $0x400, $0x38;
	[tilespmem:$0x1A838] =	vst v63  }
0x1d5: {  	_ =	swait.ge @!p0 [sflag:s0], $0x400  }
0x1d6: {  	[sflag:s0] =	ssyncset.done @!p0 $0x0  }
0x1d7: {  	s1 =	simm.s32 $0x18BF0;
	[sflag:s0] =	ssyncadd.s32 @!p0 $0xFFFFFC00  }
0x1d8: {  	v19 =	vld [tilespmem:s1+$0xFFFFF800]  }
0x1d9: {  	v20 =	vld [tilespmem:s1+$0xFFFFFC00]  }
0x1da: {  	v21 =	vld [tilespmem:s1+$0x0]  }
0x1db: {  	v22 =	vld [tilespmem:s1+$0x400];
	_ =	sdelay $0x2  }
0x1dc: {  	v19 =	vadd.s32 v19, v20  }
0x1dd: {  	v19 =	vadd.s32 v21, v19  }
0x1de: {  	v23 =	vadd.s32 v22, v19  }
0x1df: {  	v19 =	vperm.xlane v23, v5  }
0x1e0: {  	vm6 =	veq.s32 v3, $0xF;
	s1 =	simm.s32 $0x18BE0  }
0x1e1: {  	v20 =	vld [tilespmem:s1+$0xFFFFF800];
	v19 =	vsel vm6, $0x0, v19  }
0x1e2: {  	v21 =	vld [tilespmem:s1+$0xFFFFFC00];
	v19 =	vadd.s32 v23, v19  }
0x1e3: {  	v24 =	vld [tilespmem:s1+$0x0];
	v22 =	vperm.xlane v19, v7  }
0x1e4: {  	v25 =	vld [tilespmem:s1+$0x400]  }
0x1e5: {  	s1 =	simm.s32 $0x18BD0;
	v22 =	vnsel vm2, $0x0, v22  }
0x1e6: {  	v26 =	vld [tilespmem:s1+$0xFFFFFC00];
	v22 =	vadd.s32 v22, v19  }
0x1e7: {  	v20 =	vadd.s32 v20, v21;
	v21 =	vld [tilespmem:s1+$0xFFFFF800];
	v19 =	vperm.xlane v22, v10  }
0x1e8: {  	v20 =	vadd.s32 v24, v20  }
0x1e9: {  	v24 =	vnsel vm3, $0x0, v19;
	v19 =	vadd.s32 v25, v20;
	v25 =	vld [tilespmem:s1+$0x0]  }
0x1ea: {  	v28 =	vld [tilespmem:s1+$0x400];
	v22 =	vadd.s32 v24, v22;
	v27 =	vperm.xlane v19, v5  }
0x1eb: {  	v29 =	vperm.xlane v22, v11  }
0x1ec: {  	v21 =	vadd.s32 v21, v26;
	s1 =	simm.s32 $0x18BC0;
	v27 =	vsel vm6, $0x0, v27  }
0x1ed: {  	v24 =	vimm.s32 $0x0;
	v29 =	vnsel vm4, $0x0, v29;
	v26 =	vadd.s32 v19, v27;
	v27 =	vld [tilespmem:s1+$0xFFFFF800]  }
0x1ee: {  	v22 =	vadd.s32 v29, v22;
	v21 =	vadd.s32 v25, v21;
	v25 =	vperm.xlane v26, v7;
	v29 =	vld [tilespmem:s1+$0xFFFFFC00]  }
0x1ef: {  	v20 =	vsub.s32 v16, v17;
	v34 =	vadd.s32 v24, v22;
	v21 =	vadd.s32 v28, v21  }
0x1f0: {  	v28 =	vld [tilespmem:s1+$0x0];
	v22 =	vperm.xlane v22, v0;
	vm5 =	vge.s32 v34, v20;
	v25 =	vnsel vm2, $0x0, v25  }
0x1f1: {  	v32 =	vld [tilespmem:s1+$0x400];
	v33 =	vperm.xlane v21, v5;
	v30 =	vmpcnt.ones.xlane vm5;
	v25 =	vadd.s32 v25, v26  }
0x1f2: {  	v26 =	vadd.s32 v24, v22;
	vm5 =	vlt.s32 v24, v20;
	v31 =	vperm.xlane v25, v10  }
0x1f3: {  	vm7 =	vge.s32 v26, v20;
	v22 =	vadd.s32 $0xFFFFFFFF, v30;
	v27 =	vadd.s32 v27, v29  }
0x1f4: {  	vm5 =	vmand vm5, vm7;
	v29 =	vnsel vm3, $0x0, v31;
	vm8 =	vgt.s32 v22, $0x0  }
0x1f5: {  	v27 =	vadd.s32 v28, v27;
	v28 =	vsel vm6, $0x0, v33;
	v30 =	vadd.s32 v29, v25  }
0x1f6: {  	v31 =	vnsel vm8, $0x0, v22;
	v22 =	vadd.s32 v32, v27;
	v27 =	vperm.xlane v30, v11  }
0x1f7: {  	s31 =	simm.s32 $0x3F0;
	s30 =	simm.s32 $0x3E0;
	s29 =	simm.s32 $0x3C0;
	v32 =	vadd.s32 v21, v28;
	v29 =	vperm.xlane v22, v5;
	v25 =	vperm.xlane v23, v31  }
0x1f8: {  	s28 =	simm.s32 $0x3D0;
	s0 =	simm.s32 $0x3B0;
	s1 =	simm.s32 $0x18BB0;
	v23 =	vimm.s32 $0x0;
	v28 =	vmovc v26;
	v33 =	vnsel vm4, $0x0, v27;
	v27 =	vperm.xlane v34, v31  }
.LBB2_20:
0x1f9: {  	p1 =	sne.s32 s0, $0x0;
	v31 =	vadd.s32 s31, v31;
	s31 =	smov.u32 s30;
	s30 =	smov.u32 s28  }
0x1fa: {  	v34 =	vld [tilespmem:s1+$0xFFFFF800];
	v35 =	vperm.xlane v32, v7;
	v30 =	vadd.s32 v33, v30;
	s28 =	smov.u32 s29;
	s29 =	smov.u32 s0;
	s0 =	sadd.s32 $0xFFFFFFF0, s0  }
0x1fb: {  	v33 =	vld [tilespmem:s1+$0xFFFFFC00];
	v36 =	vperm.xlane v30, v0;
	v37 =	vadd.s32 v26, v30;
	v24 =	vsel vm5, v31, v24  }
0x1fc: {  	v25 =	vsub.s32 v27, v25;
	v30 =	vld [tilespmem:s1+$0x0];
	v31 =	vnsel vm2, $0x0, v35;
	vm7 =	vge.s32 v37, v20  }
0x1fd: {  	v23 =	vsel vm5, v25, v23;
	v27 =	vld [tilespmem:s1+$0x400];
	v31 =	vadd.s32 v31, v32;
	v32 =	vmpcnt.ones.xlane vm7  }
0x1fe: {  	v26 =	vadd.s32 v26, v36;
	v25 =	vperm.xlane v31, v10  }
0x1ff: {  	vm5 =	vlt.s32 v28, v20;
	vm7 =	vge.s32 v26, v20;
	v28 =	vmovc v26;
	v32 =	vadd.s32 $0xFFFFFFFF, v32  }
.Ltmp11:
0x200: {  	v33 =	vadd.s32 v34, v33;
	v25 =	vnsel vm3, $0x0, v25;
	vm8 =	vgt.s32 v32, $0x0;
	(pc) =	sbr.rel @p1 .LBB2_20-.Ltmp11, $4  }
0x201: {  	v33 =	vadd.s32 v30, v33;
	v30 =	vadd.s32 v25, v31;
	v31 =	vnsel vm8, $0x0, v32  }
0x202: {  	vm5 =	vmand vm5, vm7;
	v34 =	vadd.s32 v27, v33;
	v27 =	vperm.xlane v30, v11  }
0x203: {  	v32 =	vsel vm6, $0x0, v29;
	v25 =	vperm.xlane v19, v31;
	v19 =	vmovc v21;
	v21 =	vmovc v22;
	v29 =	vperm.xlane v34, v5  }
0x204: {  	s1 =	sadd.s32 $0xFFFFFFF0, s1;
	v32 =	vadd.s32 v21, v32;
	v22 =	vmovc v34;
	v33 =	vnsel vm4, $0x0, v27;
	v27 =	vperm.xlane v37, v31  }
0x205: {  	v34 =	vperm.xlane v32, v7;
	vm6 =	veq.s32 v3, $0xF  }
0x206: {  	v29 =	vsel vm6, $0x0, v29  }
0x207: {  	v34 =	vnsel vm2, $0x0, v34;
	v29 =	vadd.s32 v22, v29  }
0x208: {  	v43 =	vadd.s32 v34, v32;
	v44 =	vperm.xlane v29, v7  }
0x209: {  	v45 =	vperm.xlane v43, v10  }
0x20a: {  	v30 =	vadd.s32 v33, v30;
	v31 =	vadd.s32 s31, v31;
	v34 =	vnsel vm2, $0x0, v44  }
0x20b: {  	v35 =	vperm.xlane v30, v0;
	v33 =	vnsel vm3, $0x0, v45;
	v29 =	vadd.s32 v34, v29  }
0x20c: {  	v30 =	vadd.s32 v26, v30;
	v32 =	vadd.s32 v33, v43;
	v47 =	vperm.xlane v29, v10  }
0x20d: {  	v24 =	vsel vm5, v31, v24;
	vm6 =	vge.s32 v30, v20;
	v48 =	vperm.xlane v32, v11  }
0x20e: {  	v46 =	vmpcnt.ones.xlane vm6;
	v49 =	vadd.s32 v26, v35;
	v33 =	vnsel vm3, $0x0, v47  }
0x20f: {  	vm6 =	vlt.s32 v28, v20;
	v50 =	vnsel vm4, $0x0, v48;
	v29 =	vadd.s32 v33, v29  }
0x210: {  	vm8 =	vge.s32 v49, v20;
	v28 =	vadd.s32 v50, v32;
	v51 =	vperm.xlane v29, v11  }
0x211: {  	vm12 =	vlt.s32 v49, v20;
	v34 =	vadd.s32 $0xFFFFFFFF, v46;
	v53 =	vperm.xlane v28, v0  }
0x212: {  	vm6 =	vmand vm6, vm8;
	vm7 =	vgt.s32 v34, $0x0;
	v31 =	vnsel vm4, $0x0, v51  }
0x213: {  	v28 =	vadd.s32 v49, v28;
	v33 =	vadd.s32 v49, v53;
	v29 =	vadd.s32 v31, v29  }
0x214: {  	v52 =	vnsel vm7, $0x0, v34;
	vm7 =	vge.s32 v28, v20;
	v56 =	vadd.s32 v33, v29  }
0x215: {  	v54 =	vadd.s32 s30, v52;
	v55 =	vmpcnt.ones.xlane vm7;
	vm7 =	vge.s32 v56, v20  }
0x216: {  	v24 =	vsel vm6, v54, v24;
	v29 =	vperm.xlane v29, v0;
	v58 =	vmpcnt.ones.xlane vm7  }
0x217: {  	vm13 =	vlt.s32 v33, v20;
	v57 =	vadd.s32 $0xFFFFFFFF, v55;
	vm7 =	vge.s32 v33, v20  }
0x218: {  	vm9 =	vgt.s32 v57, $0x0;
	v29 =	vadd.s32 v33, v29;
	v26 =	vadd.s32 $0xFFFFFFFF, v58  }
0x219: {  	v31 =	vnsel vm9, $0x0, v57;
	vm7 =	vmand vm12, vm7;
	vm14 =	vgt.s32 v26, $0x0  }
0x21a: {  	vm15 =	vge.s32 v29, v20;
	v59 =	vadd.s32 s28, v31;
	v26 =	vnsel vm14, $0x0, v26  }
0x21b: {  	vm8 =	vmand vm13, vm15;
	v24 =	vsel vm7, v59, v24;
	v60 =	vadd.s32 s29, v26  }
0x21c: {  	v18 =	vshll.u32 @!p0 v18, $0xA;
	v24 =	vsel vm8, v60, v24  }
0x21d: {  	v18 =	vor.u32 @!p0 v18, v24  }
0x21e: {  	s0 =	simm.s32 @!p0 $0x1A000;
	[tilespmem:$0x1A000] =	vst @!p0 v18  }
0x21f: {  	[spmem:s11] =	stream.linear.scatter @!p0 [tilespmem:s0], [sflag:$0x3], $0x10, $0x38;
	[tilespmem:$0x1A838] =	vst v63  }
0x220: {  	s0 =	simm.s32 @!p0 $0x3  }
0x221: {  	_ =	swait.ge @!p0 [sflag:s0], $0x10  }
0x222: {  	[sflag:s0] =	ssyncset.done @!p0 $0x0  }
0x223: {  	[sflag:s0] =	ssyncadd.s32 @!p0 $0xFFFFFFF0  }
0x224: {  	[bflag:$0x0] =	sbarrier.arrive $0xFFFF  }
0x225: {  	[tilespmem:s25], [sflag:$0x3] =	stream.linear.gather [spmem:s11], $0x10, $0x38;
	[tilespmem:$0x1A838] =	vst v63  }
0x226: {  	_ =	swait.ge [sflag:s20], $0x10  }
0x227: {  	[sflag:s20] =	ssyncset.done $0x0  }
0x228: {  	[sflag:s20] =	ssyncadd.s32 $0xFFFFFFF0  }
0x229: {  	v19 =	vperm.xlane v19, v52;
	v61 =	vperm.xlane v30, v52;
	v18 =	vsub.s32 v27, v25;
	v62 =	vld [tilespmem:$0x1A000]  }
0x22a: {  	v21 =	vperm.xlane v21, v31;
	v18 =	vsel vm5, v18, v23;
	v23 =	vperm.xlane v28, v31  }
0x22b: {  	v19 =	vsub.s32 v61, v19;
	v22 =	vperm.xlane v22, v26;
	v63 =	vperm.xlane v56, v26  }
0x22c: {  	v18 =	vsel vm6, v19, v18;
	v19 =	vsub.s32 v23, v21  }
0x22d: {  	v18 =	vsel vm7, v19, v18;
	v19 =	vsub.s32 v63, v22  }
0x22e: {  	s1 =	simm.s32 $0x200;
	s0 =	simm.s32 $0x0;
	v18 =	vsel vm8, v19, v18;
	v22 =	vperm.xlane v62, v0  }
.LBB2_22:
0x22f: {  	p1 =	sne.s32 s1, $0xFE00;
	[tilespmem:s0+$0x70] =	vst v0  }
0x230: {  	[tilespmem:s0+$0x0] =	vst v0  }
0x231: {  	[tilespmem:s0+$0x10] =	vst v0  }
.Ltmp12:
0x232: {  	[tilespmem:s0+$0x20] =	vst v0;
	(pc) =	sbr.rel @p1 .LBB2_22-.Ltmp12, $4  }
0x233: {  	[tilespmem:s0+$0x30] =	vst v0  }
0x234: {  	[tilespmem:s0+$0x40] =	vst v0  }
0x235: {  	[tilespmem:s0+$0x50] =	vst v0  }
0x236: {  	[tilespmem:s0+$0x60] =	vst v0;
	s0 =	sshra.s32 s1, $0x2;
	s1 =	sadd.s32 $0x200, s1  }
0x237: {  	[tilespmem:s0+$0x70] =	vst v0  }
0x238: {  	[tilespmem:s0+$0x0] =	vst v0  }
0x239: {  	[tilespmem:s0+$0x10] =	vst v0  }
0x23a: {  	[tilespmem:s0+$0x20] =	vst v0  }
0x23b: {  	[tilespmem:s0+$0x30] =	vst v0  }
0x23c: {  	[tilespmem:s0+$0x40] =	vst v0  }
0x23d: {  	[tilespmem:s0+$0x50] =	vst v0  }
0x23e: {  	[tilespmem:s0+$0x60] =	vst v0;
	s28 =	simm.s32 $0x0  }
0x23f: {  	[tilespmem:s21], [sflag:$0x1] =	stream.linear.gather [hbm4b:s4+s28], $0x8000, $0x38;
	[tilespmem:$0x1A838] =	vst v63  }
0x240: {  	_ = 	snop  }
0x241: {  	[tilespmem:s22], [sflag:$0x2] =	stream.linear.gather [hbm4b:s5+s28], $0x8000, $0x38;
	[tilespmem:$0x1A838] =	vst v63  }
0x242: {  	_ =	swait.ge [sflag:s23], $0x8000  }
0x243: {  	v19 =	vshll.u32 v22, $0xA;
	[sflag:s23] =	ssyncset.done $0x0  }
0x244: {  	v21 =	vimm.f32 $0.0e+00;
	v23 =	vadd.s32 $0x400, v19;
	[sflag:s23] =	ssyncadd.s32 $0xFFFF8000  }
.LBB2_24:
0x245: {  	s0 =	sshra.s32 s28, $0x2  }
0x246: {  	v24 =	vld [tilespmem:s0+$0x8000];
	_ =	sdelay $0x4  }
0x247: {  	v25 =	vshra.s32 v24, $0xA  }
0x248: {  	v48 =	vand.u32 $0x3FF, v24;
	vm5 =	veq.s32 v25, v22  }
0x249: {  	v25 =	vor.u32 v12, v48;
	_ =	sdelay $0x4  }
0x24a: {  	[tilespmem:v25+s2+$0x0] =	vst.idx.add.s32.msk vm5, v1  }
0x24b: {  	v25 =	vld [tilespmem:s0+$0x8010];
	_ =	sdelay $0x4  }
0x24c: {  	v26 =	vshra.s32 v25, $0xA  }
0x24d: {  	v49 =	vand.u32 $0x3FF, v25;
	vm5 =	veq.s32 v26, v22  }
0x24e: {  	v26 =	vor.u32 v12, v49;
	_ =	sdelay $0x4  }
0x24f: {  	[tilespmem:v26+s2+$0x0] =	vst.idx.add.s32.msk vm5, v1  }
0x250: {  	v26 =	vld [tilespmem:s0+$0x8020];
	_ =	sdelay $0x4  }
0x251: {  	v27 =	vshra.s32 v26, $0xA  }
0x252: {  	v50 =	vand.u32 $0x3FF, v26;
	vm5 =	veq.s32 v27, v22  }
0x253: {  	v27 =	vor.u32 v12, v50;
	_ =	sdelay $0x4  }
0x254: {  	[tilespmem:v27+s2+$0x0] =	vst.idx.add.s32.msk vm5, v1  }
0x255: {  	v27 =	vld [tilespmem:s0+$0x8030];
	_ =	sdelay $0x4  }
0x256: {  	v28 =	vshra.s32 v27, $0xA  }
0x257: {  	v51 =	vand.u32 $0x3FF, v27;
	vm5 =	veq.s32 v28, v22  }
0x258: {  	v28 =	vor.u32 v12, v51;
	_ =	sdelay $0x4  }
0x259: {  	[tilespmem:v28+s2+$0x0] =	vst.idx.add.s32.msk vm5, v1  }
0x25a: {  	v28 =	vld [tilespmem:s0+$0x8040];
	_ =	sdelay $0x4  }
0x25b: {  	v29 =	vshra.s32 v28, $0xA  }
0x25c: {  	v52 =	vand.u32 $0x3FF, v28;
	vm5 =	veq.s32 v29, v22  }
0x25d: {  	v29 =	vor.u32 v12, v52;
	_ =	sdelay $0x4  }
0x25e: {  	[tilespmem:v29+s2+$0x0] =	vst.idx.add.s32.msk vm5, v1  }
0x25f: {  	v29 =	vld [tilespmem:s0+$0x8050];
	_ =	sdelay $0x4  }
0x260: {  	v30 =	vshra.s32 v29, $0xA  }
0x261: {  	v53 =	vand.u32 $0x3FF, v29;
	vm5 =	veq.s32 v30, v22  }
0x262: {  	v30 =	vor.u32 v12, v53;
	_ =	sdelay $0x4  }
0x263: {  	[tilespmem:v30+s2+$0x0] =	vst.idx.add.s32.msk vm5, v1  }
0x264: {  	v30 =	vld [tilespmem:s0+$0x8060];
	_ =	sdelay $0x4  }
0x265: {  	v31 =	vshra.s32 v30, $0xA  }
0x266: {  	v54 =	vand.u32 $0x3FF, v30;
	vm5 =	veq.s32 v31, v22  }
0x267: {  	v31 =	vor.u32 v12, v54;
	_ =	sdelay $0x1  }
0x268: {  	vm6 =	vlt.s32 v24, v23  }
0x269: {  	v24 =	vsel vm6, $0x0, v24  }
0x26a: {  	v21 =	vadd.f32 v24, v21;
	vm6 =	vlt.s32 v25, v23  }
0x26b: {  	v55 =	vsel vm6, $0x0, v25;
	[tilespmem:v31+s2+$0x0] =	vst.idx.add.s32.msk vm5, v1  }
0x26c: {  	v21 =	vadd.f32 v55, v21;
	vm5 =	vlt.s32 v26, v23;
	v57 =	vld [tilespmem:s0+$0x8070]  }
0x26d: {  	v56 =	vsel vm5, $0x0, v26  }
0x26e: {  	vm5 =	vlt.s32 v27, v23;
	v21 =	vadd.f32 v56, v21  }
0x26f: {  	v58 =	vsel vm5, $0x0, v27  }
0x270: {  	vm5 =	vlt.s32 v28, v23;
	v21 =	vadd.f32 v58, v21  }
0x271: {  	v59 =	vsel vm5, $0x0, v28;
	vm5 =	vlt.s32 v29, v23;
	v60 =	vshra.s32 v57, $0xA  }
0x272: {  	v21 =	vadd.f32 v59, v21;
	v61 =	vand.u32 $0x3FF, v57;
	vm6 =	veq.s32 v60, v22  }
0x273: {  	p1 =	sne.s32 s28, $0x1FE00;
	v62 =	vsel vm5, $0x0, v29;
	v24 =	vor.u32 v12, v61  }
.Ltmp13:
0x274: {  	vm5 =	vlt.s32 v30, v23;
	v21 =	vadd.f32 v62, v21;
	(pc) =	sbr.rel @p1 .LBB2_24-.Ltmp13, $4  }
0x275: {  	v63 =	vsel vm5, $0x0, v30  }
0x276: {  	vm5 =	vlt.s32 v57, v23;
	v21 =	vadd.f32 v63, v21  }
0x277: {  	v25 =	vsel vm5, $0x0, v57  }
0x278: {  	s28 =	sadd.s32 $0x200, s28;
	v21 =	vadd.f32 v25, v21;
	[tilespmem:v24+s2+$0x0] =	vst.idx.add.s32.msk vm6, v1  }
0x279: {  	_ =	swait.ge [sflag:s24], $0x8000  }
0x27a: {  	[sflag:s24] =	ssyncset.done $0x0  }
0x27b: {  	s28 =	simm.s32 $0x0;
	[sflag:s24] =	ssyncadd.s32 $0xFFFF8000  }
.LBB2_26:
0x27c: {  	s0 =	sshra.s32 s28, $0x2  }
0x27d: {  	v24 =	vld [tilespmem:s0+$0x10000];
	_ =	sdelay $0x4  }
0x27e: {  	v25 =	vshra.s32 v24, $0xA  }
0x27f: {  	v48 =	vand.u32 $0x3FF, v24;
	vm5 =	veq.s32 v25, v22  }
0x280: {  	v25 =	vor.u32 v12, v48;
	_ =	sdelay $0x4  }
0x281: {  	[tilespmem:v25+s2+$0x0] =	vst.idx.add.s32.msk vm5, v1  }
0x282: {  	v25 =	vld [tilespmem:s0+$0x10010];
	_ =	sdelay $0x4  }
0x283: {  	v26 =	vshra.s32 v25, $0xA  }
0x284: {  	v49 =	vand.u32 $0x3FF, v25;
	vm5 =	veq.s32 v26, v22  }
0x285: {  	v26 =	vor.u32 v12, v49;
	_ =	sdelay $0x4  }
0x286: {  	[tilespmem:v26+s2+$0x0] =	vst.idx.add.s32.msk vm5, v1  }
0x287: {  	v26 =	vld [tilespmem:s0+$0x10020];
	_ =	sdelay $0x4  }
0x288: {  	v27 =	vshra.s32 v26, $0xA  }
0x289: {  	v50 =	vand.u32 $0x3FF, v26;
	vm5 =	veq.s32 v27, v22  }
0x28a: {  	v27 =	vor.u32 v12, v50;
	_ =	sdelay $0x4  }
0x28b: {  	[tilespmem:v27+s2+$0x0] =	vst.idx.add.s32.msk vm5, v1  }
0x28c: {  	v27 =	vld [tilespmem:s0+$0x10030];
	_ =	sdelay $0x4  }
0x28d: {  	v28 =	vshra.s32 v27, $0xA  }
0x28e: {  	v51 =	vand.u32 $0x3FF, v27;
	vm5 =	veq.s32 v28, v22  }
0x28f: {  	v28 =	vor.u32 v12, v51;
	_ =	sdelay $0x4  }
0x290: {  	[tilespmem:v28+s2+$0x0] =	vst.idx.add.s32.msk vm5, v1  }
0x291: {  	v28 =	vld [tilespmem:s0+$0x10040];
	_ =	sdelay $0x4  }
0x292: {  	v29 =	vshra.s32 v28, $0xA  }
0x293: {  	v52 =	vand.u32 $0x3FF, v28;
	vm5 =	veq.s32 v29, v22  }
0x294: {  	v29 =	vor.u32 v12, v52;
	_ =	sdelay $0x4  }
0x295: {  	[tilespmem:v29+s2+$0x0] =	vst.idx.add.s32.msk vm5, v1  }
0x296: {  	v29 =	vld [tilespmem:s0+$0x10050];
	_ =	sdelay $0x4  }
0x297: {  	v30 =	vshra.s32 v29, $0xA  }
0x298: {  	v53 =	vand.u32 $0x3FF, v29;
	vm5 =	veq.s32 v30, v22  }
0x299: {  	v30 =	vor.u32 v12, v53;
	_ =	sdelay $0x4  }
0x29a: {  	[tilespmem:v30+s2+$0x0] =	vst.idx.add.s32.msk vm5, v1  }
0x29b: {  	v30 =	vld [tilespmem:s0+$0x10060];
	_ =	sdelay $0x4  }
0x29c: {  	v31 =	vshra.s32 v30, $0xA  }
0x29d: {  	v54 =	vand.u32 $0x3FF, v30;
	vm5 =	veq.s32 v31, v22  }
0x29e: {  	v31 =	vor.u32 v12, v54;
	_ =	sdelay $0x1  }
0x29f: {  	vm6 =	vlt.s32 v24, v23  }
0x2a0: {  	v24 =	vsel vm6, $0x0, v24  }
0x2a1: {  	v21 =	vadd.f32 v24, v21;
	vm6 =	vlt.s32 v25, v23  }
0x2a2: {  	v55 =	vsel vm6, $0x0, v25;
	[tilespmem:v31+s2+$0x0] =	vst.idx.add.s32.msk vm5, v1  }
0x2a3: {  	v21 =	vadd.f32 v55, v21;
	vm5 =	vlt.s32 v26, v23;
	v57 =	vld [tilespmem:s0+$0x10070]  }
0x2a4: {  	v56 =	vsel vm5, $0x0, v26  }
0x2a5: {  	vm5 =	vlt.s32 v27, v23;
	v21 =	vadd.f32 v56, v21  }
0x2a6: {  	v58 =	vsel vm5, $0x0, v27  }
0x2a7: {  	vm5 =	vlt.s32 v28, v23;
	v21 =	vadd.f32 v58, v21  }
0x2a8: {  	v59 =	vsel vm5, $0x0, v28;
	vm5 =	vlt.s32 v29, v23;
	v60 =	vshra.s32 v57, $0xA  }
0x2a9: {  	v21 =	vadd.f32 v59, v21;
	v61 =	vand.u32 $0x3FF, v57;
	vm6 =	veq.s32 v60, v22  }
0x2aa: {  	p1 =	sne.s32 s28, $0x1FE00;
	v62 =	vsel vm5, $0x0, v29;
	v24 =	vor.u32 v12, v61  }
.Ltmp14:
0x2ab: {  	vm5 =	vlt.s32 v30, v23;
	v21 =	vadd.f32 v62, v21;
	(pc) =	sbr.rel @p1 .LBB2_26-.Ltmp14, $4  }
0x2ac: {  	v63 =	vsel vm5, $0x0, v30  }
0x2ad: {  	vm5 =	vlt.s32 v57, v23;
	v21 =	vadd.f32 v63, v21  }
0x2ae: {  	v25 =	vsel vm5, $0x0, v57  }
0x2af: {  	s28 =	sadd.s32 $0x200, s28;
	v21 =	vadd.f32 v25, v21;
	[tilespmem:v24+s2+$0x0] =	vst.idx.add.s32.msk vm6, v1  }
0x2b0: {  	s28 =	simm.s32 $0xFFFFFC00  }
0x2b1: {  	s0 =	simm.s32 $0xFFFFF040;
	v22 =	vld [tilespmem:s28+$0x800]  }
.LBB2_28:
0x2b2: {  	p1 =	sne.s32 s0, $0xFFFFFFC0;
	v23 =	vld [tilespmem:s28+$0x400]  }
0x2b3: {  	v24 =	vld [tilespmem:s28+$0xC00]  }
0x2b4: {  	v25 =	vld [tilespmem:s28+$0x1000]  }
0x2b5: {  	v26 =	vld [tilespmem:s28+$0x1400]  }
0x2b6: {  	v27 =	vld [tilespmem:s28+$0x1800]  }
0x2b7: {  	v22 =	vadd.s32 v23, v22;
	v23 =	vld [tilespmem:s28+$0x1C00]  }
0x2b8: {  	v22 =	vadd.s32 v24, v22;
	v24 =	vld [tilespmem:s28+$0x2000]  }
0x2b9: {  	v22 =	vadd.s32 v25, v22;
	v25 =	vld [tilespmem:s28+$0x2400]  }
0x2ba: {  	v22 =	vadd.s32 v26, v22;
	v26 =	vld [tilespmem:s28+$0x2800]  }
0x2bb: {  	v22 =	vadd.s32 v27, v22;
	v27 =	vld [tilespmem:s28+$0x2C00]  }
0x2bc: {  	v22 =	vadd.s32 v23, v22;
	v23 =	vld [tilespmem:s28+$0x3000]  }
0x2bd: {  	v22 =	vadd.s32 v24, v22;
	v24 =	vld [tilespmem:s28+$0x3400]  }
0x2be: {  	v22 =	vadd.s32 v25, v22;
	v25 =	vld [tilespmem:s28+$0x3800]  }
0x2bf: {  	v22 =	vadd.s32 v26, v22;
	v26 =	vld [tilespmem:s28+$0x3C00]  }
0x2c0: {  	v22 =	vadd.s32 v27, v22;
	v27 =	vld [tilespmem:s28+$0x4000]  }
0x2c1: {  	v22 =	vadd.s32 v23, v22  }
.Ltmp15:
0x2c2: {  	v22 =	vadd.s32 v24, v22;
	(pc) =	sbr.rel @p1 .LBB2_28-.Ltmp15, $4  }
0x2c3: {  	v22 =	vadd.s32 v25, v22  }
0x2c4: {  	v22 =	vadd.s32 v26, v22  }
0x2c5: {  	s1 =	sshra.s32 s0, $0x2;
	v23 =	vadd.s32 v27, v22  }
0x2c6: {  	s0 =	sadd.s32 $0x40, s0;
	v22 =	vld [tilespmem:s1+$0x800];
	[tilespmem:s28+$0x400] =	vst v23;
	s28 =	smov.u32 s1  }
0x2c7: {  	v23 =	vld [tilespmem:s28+$0x400]  }
0x2c8: {  	v24 =	vld [tilespmem:s28+$0xC00]  }
0x2c9: {  	v25 =	vld [tilespmem:s28+$0x1000]  }
0x2ca: {  	v26 =	vld [tilespmem:s28+$0x1400]  }
0x2cb: {  	v27 =	vld [tilespmem:s28+$0x1800]  }
0x2cc: {  	v22 =	vadd.s32 v23, v22;
	v23 =	vld [tilespmem:s28+$0x1C00]  }
0x2cd: {  	v22 =	vadd.s32 v24, v22;
	v24 =	vld [tilespmem:s28+$0x2000]  }
0x2ce: {  	v22 =	vadd.s32 v25, v22;
	v25 =	vld [tilespmem:s28+$0x2400]  }
0x2cf: {  	v22 =	vadd.s32 v26, v22;
	v26 =	vld [tilespmem:s28+$0x2800]  }
0x2d0: {  	v22 =	vadd.s32 v27, v22;
	v27 =	vld [tilespmem:s28+$0x2C00]  }
0x2d1: {  	v22 =	vadd.s32 v23, v22;
	v23 =	vld [tilespmem:s28+$0x3000]  }
0x2d2: {  	v22 =	vadd.s32 v24, v22;
	v24 =	vld [tilespmem:s28+$0x3400]  }
0x2d3: {  	v22 =	vadd.s32 v25, v22;
	v25 =	vld [tilespmem:s28+$0x3800]  }
0x2d4: {  	v22 =	vadd.s32 v26, v22;
	v26 =	vld [tilespmem:s28+$0x3C00]  }
0x2d5: {  	v22 =	vadd.s32 v27, v22;
	v27 =	vld [tilespmem:s28+$0x4000]  }
0x2d6: {  	v22 =	vadd.s32 v23, v22  }
0x2d7: {  	v22 =	vadd.s32 v24, v22  }
0x2d8: {  	v22 =	vadd.s32 v25, v22  }
0x2d9: {  	v22 =	vadd.s32 v26, v22  }
0x2da: {  	v22 =	vadd.s32 v27, v22  }
0x2db: {  	[tilespmem:s28+$0x400] =	vst v22  }
0x2dc: {  	[spmem:s7] =	stream.linear.scatter [tilespmem:s2], [sflag:$0x3], $0x400, $0x38;
	[tilespmem:$0x1A838] =	vst v63  }
0x2dd: {  	_ =	swait.ge [sflag:s20], $0x400  }
0x2de: {  	[sflag:s20] =	ssyncset.done $0x0  }
0x2df: {  	[sflag:s20] =	ssyncadd.s32 $0xFFFFFC00  }
0x2e0: {  	[tilespmem:$0x1A010] =	vst v21  }
0x2e1: {  	[spmem:s13] =	stream.linear.scatter [tilespmem:s19], [sflag:$0x3], $0x10, $0x38;
	[tilespmem:$0x1A838] =	vst v63  }
0x2e2: {  	_ =	swait.ge [sflag:s20], $0x10  }
0x2e3: {  	[sflag:s20] =	ssyncset.done $0x0  }
0x2e4: {  	[sflag:s20] =	ssyncadd.s32 $0xFFFFFFF0  }
0x2e5: {  	s0 =	simm.s32 @!p0 $0x18000;
	[bflag:$0x0] =	sbarrier.arrive $0xFFFF  }
0x2e6: {  	[tilespmem:s0], [sflag:$0x3] =	stream.linear.gather @!p0 [spmem:s6], $0x400, $0x38;
	[tilespmem:$0x1A838] =	vst v63  }
0x2e7: {  	s0 =	simm.s32 @!p0 $0x3  }
0x2e8: {  	_ =	swait.ge @!p0 [sflag:s0], $0x400  }
0x2e9: {  	[sflag:s0] =	ssyncset.done @!p0 $0x0  }
0x2ea: {  	s1 =	simm.s32 @!p0 $0x18400;
	[sflag:s0] =	ssyncadd.s32 @!p0 $0xFFFFFC00  }
0x2eb: {  	[tilespmem:s1], [sflag:$0x3] =	stream.linear.gather @!p0 [spmem:s8], $0x400, $0x38;
	[tilespmem:$0x1A838] =	vst v63  }
0x2ec: {  	_ =	swait.ge @!p0 [sflag:s0], $0x400  }
0x2ed: {  	[sflag:s0] =	ssyncset.done @!p0 $0x0  }
0x2ee: {  	s1 =	simm.s32 @!p0 $0x18800;
	[sflag:s0] =	ssyncadd.s32 @!p0 $0xFFFFFC00  }
0x2ef: {  	[tilespmem:s1], [sflag:$0x3] =	stream.linear.gather @!p0 [spmem:s9], $0x400, $0x38;
	[tilespmem:$0x1A838] =	vst v63  }
0x2f0: {  	_ =	swait.ge @!p0 [sflag:s0], $0x400  }
0x2f1: {  	[sflag:s0] =	ssyncset.done @!p0 $0x0  }
0x2f2: {  	s1 =	simm.s32 @!p0 $0x18C00;
	[sflag:s0] =	ssyncadd.s32 @!p0 $0xFFFFFC00  }
0x2f3: {  	[tilespmem:s1], [sflag:$0x3] =	stream.linear.gather @!p0 [spmem:s10], $0x400, $0x38;
	[tilespmem:$0x1A838] =	vst v63  }
0x2f4: {  	_ =	swait.ge @!p0 [sflag:s0], $0x400  }
0x2f5: {  	[sflag:s0] =	ssyncset.done @!p0 $0x0  }
0x2f6: {  	s1 =	simm.s32 $0x18BF0;
	[sflag:s0] =	ssyncadd.s32 @!p0 $0xFFFFFC00  }
0x2f7: {  	v21 =	vld [tilespmem:s1+$0xFFFFF800]  }
0x2f8: {  	v22 =	vld [tilespmem:s1+$0xFFFFFC00]  }
0x2f9: {  	v23 =	vld [tilespmem:s1+$0x0]  }
0x2fa: {  	v24 =	vld [tilespmem:s1+$0x400];
	_ =	sdelay $0x2  }
0x2fb: {  	v21 =	vadd.s32 v21, v22  }
0x2fc: {  	v21 =	vadd.s32 v23, v21  }
0x2fd: {  	v31 =	vadd.s32 v24, v21  }
0x2fe: {  	s29 =	simm.s32 $0x3F0;
	v26 =	vand.u32 $0xF, v5;
	v27 =	vor.u32 v3, v19;
	v21 =	vcvt.s32.f32 v31  }
0x2ff: {  	v23 =	vor.u32 s29, v27;
	v22 =	vperm.xlane v31, v26  }
0x300: {  	vm5 =	veq.s32 v3, $0xF;
	v29 =	vmul.f32 v21, v23  }
0x301: {  	v21 =	vsel vm5, $0x0, v22  }
0x302: {  	v25 =	vand.u32 $0xF, v7;
	v21 =	vadd.s32 v31, v21;
	v22 =	vperm.xlane v29, v26  }
0x303: {  	v23 =	vperm.xlane v21, v25  }
0x304: {  	v24 =	vand.u32 $0xF, v6;
	v22 =	vsel vm5, $0x0, v22  }
0x305: {  	s1 =	simm.s32 $0x18BE0;
	v24 =	vnsel vm0, $0xF, v24;
	v23 =	vnsel vm2, $0x0, v23;
	v28 =	vadd.f32 v22, v29  }
0x306: {  	v32 =	vld [tilespmem:s1+$0xFFFFFC00];
	v21 =	vadd.s32 v23, v21;
	v22 =	vsel vm1, v8, v24  }
0x307: {  	v23 =	vld [tilespmem:s1+$0xFFFFF800];
	v24 =	vperm.xlane v21, v22;
	v30 =	vperm.xlane v28, v25  }
0x308: {  	v33 =	vld [tilespmem:s1+$0x0]  }
0x309: {  	v34 =	vand.u32 $0xF, v9;
	v35 =	vld [tilespmem:s1+$0x400];
	v24 =	vnsel vm3, $0x0, v24;
	v30 =	vnsel vm2, $0x0, v30  }
0x30a: {  	v36 =	vadd.s32 v24, v21;
	v21 =	vnsel vm0, $0xF, v34;
	v28 =	vadd.f32 v30, v28  }
0x30b: {  	v20 =	vsub.s32 v20, v18;
	s28 =	simm.s32 $0x3E0;
	v30 =	vperm.xlane v36, v21  }
0x30c: {  	v37 =	vor.u32 s28, v27;
	v23 =	vadd.s32 v23, v32;
	v54 =	vperm.xlane v28, v22  }
0x30d: {  	v24 =	vimm.s32 $0x0;
	v23 =	vadd.s32 v33, v23;
	v30 =	vnsel vm4, $0x0, v30  }
0x30e: {  	v23 =	vadd.s32 v35, v23;
	v55 =	vadd.s32 v30, v36;
	v30 =	vnsel vm3, $0x0, v54  }
0x30f: {  	v59 =	vperm.xlane v23, v26;
	v56 =	vadd.s32 v24, v55;
	v30 =	vadd.f32 v30, v28  }
0x310: {  	v33 =	vperm.xlane v55, v0;
	v28 =	vcvt.s32.f32 v23;
	vm6 =	vge.s32 v56, v20  }
0x311: {  	v62 =	vsel vm5, $0x0, v59;
	v57 =	vmpcnt.ones.xlane vm6;
	v58 =	vperm.xlane v30, v21  }
0x312: {  	v35 =	vadd.s32 v23, v62;
	v33 =	vadd.s32 v24, v33;
	v28 =	vmul.f32 v28, v37  }
0x313: {  	v39 =	vperm.xlane v35, v25;
	v60 =	vadd.s32 $0xFFFFFFFF, v57;
	v61 =	vnsel vm4, $0x0, v58  }
0x314: {  	vm6 =	vgt.s32 v60, $0x0;
	v63 =	vperm.xlane v28, v26;
	v32 =	vadd.f32 v61, v30  }
0x315: {  	vm7 =	vge.s32 v33, v20;
	v37 =	vnsel vm6, $0x0, v60  }
0x316: {  	v39 =	vnsel vm2, $0x0, v39;
	v36 =	vsel vm5, $0x0, v63;
	v38 =	vperm.xlane v32, v37  }
0x317: {  	v30 =	vimm.f32 $0.0e+00;
	v35 =	vadd.s32 v39, v35;
	v41 =	vadd.f32 v36, v28  }
0x318: {  	s30 =	simm.s32 $0x18BD0;
	v29 =	vperm.xlane v29, v37;
	v39 =	vperm.xlane v35, v22;
	v38 =	vadd.f32 v38, v30  }
0x319: {  	vm6 =	vlt.s32 v24, v20;
	v34 =	vperm.xlane v56, v37;
	v36 =	vld [tilespmem:s30+$0xFFFFF800];
	v40 =	vperm.xlane v41, v25  }
0x31a: {  	vm6 =	vmand vm6, vm7;
	v31 =	vperm.xlane v31, v37;
	v29 =	vsub.f32 v38, v29;
	v38 =	vld [tilespmem:s30+$0xFFFFFC00]  }
0x31b: {  	v43 =	vadd.s32 s29, v37;
	v39 =	vnsel vm3, $0x0, v39;
	v42 =	vnsel vm2, $0x0, v40;
	v40 =	vld [tilespmem:s30+$0x0]  }
0x31c: {  	v39 =	vadd.s32 v39, v35;
	v35 =	vsub.s32 v34, v31;
	v37 =	vadd.f32 v42, v41;
	v41 =	vld [tilespmem:s30+$0x400]  }
0x31d: {  	s31 =	simm.s32 $0x3C0;
	s29 =	simm.s32 $0x3D0;
	v31 =	vsel vm6, v43, v24;
	v34 =	vmovc v33;
	v42 =	vperm.xlane v39, v21;
	v29 =	vsel vm6, v29, v30  }
.LBB2_30:
0x31e: {  	p1 =	sne.s32 s31, $0x0;
	v43 =	vperm.xlane v37, v22;
	v24 =	vsel vm6, v35, v24  }
0x31f: {  	v35 =	vadd.s32 v36, v38;
	v36 =	vnsel vm4, $0x0, v42  }
0x320: {  	v35 =	vadd.s32 v40, v35;
	v36 =	vadd.s32 v36, v39;
	v38 =	vnsel vm3, $0x0, v43  }
0x321: {  	v35 =	vadd.s32 v41, v35;
	v39 =	vadd.s32 v33, v36;
	v37 =	vadd.f32 v38, v37  }
0x322: {  	v38 =	vperm.xlane v35, v26;
	v40 =	vcvt.s32.f32 v35;
	vm6 =	vge.s32 v39, v20  }
0x323: {  	v41 =	vmpcnt.ones.xlane vm6;
	v42 =	vperm.xlane v37, v21  }
0x324: {  	v43 =	vor.u32 s29, v27;
	v38 =	vsel vm5, $0x0, v38  }
0x325: {  	v40 =	vmul.f32 v40, v43;
	v41 =	vadd.s32 $0xFFFFFFFF, v41;
	v42 =	vnsel vm4, $0x0, v42  }
0x326: {  	v43 =	vperm.xlane v32, v0;
	vm6 =	vgt.s32 v41, $0x0;
	v32 =	vadd.f32 v42, v37  }
0x327: {  	v37 =	vadd.s32 v35, v38;
	v41 =	vnsel vm6, $0x0, v41  }
0x328: {  	v38 =	vperm.xlane v40, v26;
	v30 =	vadd.f32 v43, v30;
	v42 =	vperm.xlane v32, v41  }
0x329: {  	v36 =	vperm.xlane v36, v0;
	v43 =	vperm.xlane v37, v25  }
0x32a: {  	v38 =	vsel vm5, $0x0, v38;
	v44 =	vperm.xlane v28, v41;
	v28 =	vmovc v40;
	v42 =	vadd.f32 v42, v30  }
0x32b: {  	v33 =	vadd.s32 v33, v36;
	v40 =	vnsel vm2, $0x0, v43;
	v43 =	vadd.f32 v38, v28  }
0x32c: {  	vm7 =	vge.s32 v33, v20;
	vm6 =	vlt.s32 v34, v20;
	v34 =	vmovc v33;
	v38 =	vsub.f32 v42, v44  }
0x32d: {  	s30 =	sadd.s32 $0xFFFFFFF0, s30;
	vm6 =	vmand vm6, vm7;
	v37 =	vadd.s32 v40, v37  }
.Ltmp16:
0x32e: {  	v42 =	vperm.xlane v37, v22;
	v44 =	vperm.xlane v43, v25;
	v36 =	vld [tilespmem:s30+$0xFFFFF800];
	v29 =	vsel vm6, v38, v29;
	(pc) =	sbr.rel @p1 .LBB2_30-.Ltmp16, $4  }
0x32f: {  	v45 =	vperm.xlane v39, v41;
	v46 =	vperm.xlane v23, v41;
	v47 =	vadd.s32 s28, v41;
	v23 =	vmovc v35;
	s28 =	smov.u32 s29;
	s29 =	smov.u32 s31;
	v38 =	vld [tilespmem:s30+$0xFFFFFC00]  }
0x330: {  	v35 =	vnsel vm3, $0x0, v42;
	v42 =	vnsel vm2, $0x0, v44;
	v40 =	vld [tilespmem:s30+$0x0]  }
0x331: {  	v39 =	vadd.s32 v35, v37;
	v37 =	vadd.f32 v42, v43;
	v41 =	vld [tilespmem:s30+$0x400]  }
0x332: {  	s31 =	sadd.s32 $0xFFFFFFF0, s31;
	v31 =	vsel vm6, v47, v31;
	v35 =	vsub.s32 v45, v46;
	v42 =	vperm.xlane v39, v21  }
0x333: {  	_ = 	snop  }
0x334: {  	v36 =	vadd.s32 v36, v38  }
0x335: {  	v36 =	vadd.s32 v40, v36  }
0x336: {  	v36 =	vadd.s32 v41, v36  }
0x337: {  	v60 =	vcvt.s32.f32 v36  }
0x338: {  	v27 =	vor.u32 s29, v27;
	v59 =	vperm.xlane v36, v26  }
0x339: {  	vm5 =	veq.s32 v3, $0xF;
	v27 =	vmul.f32 v60, v27  }
0x33a: {  	v38 =	vsel vm5, $0x0, v59  }
0x33b: {  	v38 =	vadd.s32 v36, v38;
	v45 =	vperm.xlane v27, v26  }
0x33c: {  	v61 =	vperm.xlane v37, v22;
	v63 =	vperm.xlane v38, v25  }
0x33d: {  	v32 =	vperm.xlane v32, v0;
	v62 =	vnsel vm4, $0x0, v42;
	v26 =	vsel vm5, $0x0, v45  }
0x33e: {  	v39 =	vadd.s32 v62, v39;
	v48 =	vnsel vm2, $0x0, v63;
	v26 =	vadd.f32 v26, v27  }
0x33f: {  	v44 =	vnsel vm3, $0x0, v61;
	v46 =	vadd.s32 v33, v39;
	v38 =	vadd.s32 v48, v38  }
0x340: {  	v47 =	vadd.f32 v44, v37;
	v50 =	vperm.xlane v38, v22;
	v51 =	vperm.xlane v26, v25  }
0x341: {  	vm8 =	vlt.s32 v34, v20;
	v39 =	vperm.xlane v39, v0;
	vm7 =	vge.s32 v46, v20  }
0x342: {  	v49 =	vperm.xlane v47, v21;
	v42 =	vnsel vm3, $0x0, v50;
	v25 =	vnsel vm2, $0x0, v51  }
0x343: {  	v43 =	vmpcnt.ones.xlane vm7;
	v38 =	vadd.s32 v42, v38;
	v25 =	vadd.f32 v25, v26  }
0x344: {  	v30 =	vadd.f32 v32, v30;
	v55 =	vadd.s32 v33, v39;
	v53 =	vperm.xlane v38, v21  }
0x345: {  	v40 =	vnsel vm4, $0x0, v49;
	v52 =	vadd.s32 $0xFFFFFFFF, v43;
	v22 =	vperm.xlane v25, v22  }
0x346: {  	v37 =	vadd.f32 v40, v47;
	vm7 =	vgt.s32 v52, $0x0;
	v26 =	vnsel vm4, $0x0, v53  }
0x347: {  	v40 =	vnsel vm7, $0x0, v52;
	v26 =	vadd.s32 v26, v38;
	v22 =	vnsel vm3, $0x0, v22  }
0x348: {  	v54 =	vperm.xlane v37, v40;
	v38 =	vadd.s32 v55, v26;
	v22 =	vadd.f32 v22, v25  }
0x349: {  	v28 =	vperm.xlane v28, v40;
	v58 =	vperm.xlane v46, v40;
	vm7 =	vge.s32 v38, v20  }
0x34a: {  	v24 =	vsel vm6, v35, v24;
	v57 =	vmpcnt.ones.xlane vm7;
	v21 =	vperm.xlane v22, v21  }
0x34b: {  	v23 =	vperm.xlane v23, v40;
	v56 =	vadd.f32 v54, v30;
	vm7 =	vge.s32 v55, v20  }
0x34c: {  	vm6 =	vmand vm8, vm7;
	v25 =	vadd.s32 $0xFFFFFFFF, v57;
	v21 =	vnsel vm4, $0x0, v21  }
0x34d: {  	vm7 =	vgt.s32 v25, $0x0;
	v21 =	vadd.f32 v21, v22;
	v22 =	vperm.xlane v37, v0  }
0x34e: {  	v28 =	vsub.f32 v56, v28;
	v26 =	vperm.xlane v26, v0;
	v25 =	vnsel vm7, $0x0, v25  }
0x34f: {  	v59 =	vadd.s32 s28, v40;
	v21 =	vperm.xlane v21, v25;
	v22 =	vadd.f32 v22, v30  }
0x350: {  	v23 =	vsub.s32 v58, v23;
	v61 =	vadd.s32 v55, v26;
	v28 =	vsel vm6, v28, v29  }
.Ltmp17:
0x351: {  	v60 =	vsel vm6, v59, v31;
	v21 =	vadd.f32 v21, v22;
	v22 =	vperm.xlane v27, v25;
	(pc) =	sbr.rel @p0 .LBB2_33-.Ltmp17, $4  }
0x352: {  	v23 =	vsel vm6, v23, v24;
	v62 =	vperm.xlane v38, v25;
	v63 =	vperm.xlane v36, v25  }
0x353: {  	vm6 =	vlt.s32 v55, v20;
	vm7 =	vge.s32 v61, v20;
	v20 =	vsub.f32 v21, v22  }
0x354: {  	vm6 =	vmand vm6, vm7;
	v21 =	vadd.s32 s29, v25;
	v22 =	vsub.s32 v62, v63  }
0x355: {  	v21 =	vsel vm6, v21, v60;
	v22 =	vsel vm6, v22, v23;
	v20 =	vsel vm6, v20, v28  }
0x356: {  	[tilespmem:s19], [sflag:$0x3] =	stream.linear.gather [spmem:s12], $0x10, $0x38;
	[tilespmem:$0x1A838] =	vst v63  }
0x357: {  	_ =	swait.ge [sflag:s20], $0x10  }
0x358: {  	[sflag:s20] =	ssyncset.done $0x0  }
0x359: {  	[sflag:s20] =	ssyncadd.s32 $0xFFFFFFF0  }
0x35a: {  	v23 =	vld [tilespmem:$0x1A010];
	[tilespmem:s19], [sflag:$0x3] =	stream.linear.gather [spmem:s14], $0x10, $0x38  }
0x35b: {  	_ =	swait.ge [sflag:s20], $0x10  }
0x35c: {  	[sflag:s20] =	ssyncset.done $0x0  }
0x35d: {  	[sflag:s20] =	ssyncadd.s32 $0xFFFFFFF0  }
0x35e: {  	v24 =	vld [tilespmem:$0x1A010];
	[tilespmem:s19], [sflag:$0x3] =	stream.linear.gather [spmem:s15], $0x10, $0x38  }
0x35f: {  	_ =	swait.ge [sflag:s20], $0x10  }
0x360: {  	[sflag:s20] =	ssyncset.done $0x0  }
0x361: {  	[sflag:s20] =	ssyncadd.s32 $0xFFFFFFF0  }
0x362: {  	v25 =	vld [tilespmem:$0x1A010];
	[tilespmem:s19], [sflag:$0x3] =	stream.linear.gather [spmem:s16], $0x10, $0x38  }
0x363: {  	_ =	swait.ge [sflag:s20], $0x10  }
0x364: {  	[sflag:s20] =	ssyncset.done $0x0  }
0x365: {  	v23 =	vadd.f32 $0.0e+00, v23;
	[sflag:s20] =	ssyncadd.s32 $0xFFFFFFF0  }
0x366: {  	v26 =	vld [tilespmem:$0x1A010]  }
0x367: {  	v23 =	vadd.f32 v24, v23;
	_ =	sdelay $0x1  }
0x368: {  	v23 =	vadd.f32 v25, v23;
	_ =	sdelay $0x1  }
0x369: {  	v23 =	vadd.f32 v26, v23;
	_ =	sdelay $0x1  }
0x36a: {  	v60 =	vperm.xlane v23, v5;
	_ =	sdelay $0x1  }
0x36b: {  	v24 =	vsel vm5, $0x0, v60  }
0x36c: {  	v23 =	vadd.f32 v24, v23;
	_ =	sdelay $0x1  }
0x36d: {  	v24 =	vperm.xlane v23, v7;
	_ =	sdelay $0x1  }
0x36e: {  	v24 =	vnsel vm2, $0x0, v24  }
0x36f: {  	v23 =	vadd.f32 v24, v23;
	_ =	sdelay $0x1  }
0x370: {  	v24 =	vperm.xlane v23, v10;
	_ =	sdelay $0x1  }
0x371: {  	v24 =	vnsel vm3, $0x0, v24  }
0x372: {  	v23 =	vadd.f32 v24, v23;
	_ =	sdelay $0x1  }
0x373: {  	v24 =	vperm.xlane v23, v11  }
0x374: {  	v17 =	vadd.s32 v17, v18  }
0x375: {  	v14 =	vadd.f32 v15, v14;
	v17 =	vadd.s32 v22, v17;
	v61 =	vnsel vm4, $0x0, v24  }
0x376: {  	v17 =	vcvt.s32.f32 v17;
	v18 =	vadd.f32 v61, v23  }
0x377: {  	v62 =	vmax.f32 v14, $1.000000000e+00  }
0x378: {  	v15 =	vsub.f32 v15, v17;
	(erf) = vrcp.f32 v62;
	v18 =	vperm.xlane v18, v0  }
0x379: {  	v63 =	vor.u32 v19, v21  }
0x37a: {  	v15 =	vmul.f32 v63, v15;
	v18 =	vadd.f32 v18, v20;
	_ =	sdelay $0x1  }
0x37b: {  	v15 =	vadd.f32 v18, v15  }
0x37c: {  	vm5 =	vgt.s32 v16, $0x0  }
0x37d: {  	v15 =	vnsel vm5, $0x0, v15;
	_ =	sdelay $0x1  }
0x37e: {  	v13 =	vadd.f32 v15, v13  }
0x37f: {  	v15 =	vpop (erf)  }
0x380: {  	v13 =	vmul.f32 v13, v15  }
0x381: {  	vm5 =	vgt.f32 v14, $0.0e+00  }
0x382: {  	v13 =	vnsel vm5, $0x0, v13  }
.Ltmp18:
0x383: {  	[tilespmem:$0x1A010] =	vst v13;
	(pc) =	sbr.rel .LBB2_33-.Ltmp18, $4  }
0x384: {  	[hbm4b:s17+s2] =	stream.linear.scatter [tilespmem:s19], [sflag:$0x3], $0x10, $0x38;
	[tilespmem:$0x1A838] =	vst v63  }
0x385: {  	_ =	swait.ge [sflag:s20], $0x10  }
0x386: {  	[sflag:s20] =	ssyncset.done $0x0  }
0x387: {  	[sflag:s20] =	ssyncadd.s32 $0xFFFFFFF0  }
.LBB2_34:
0x388: {  	_ =	sfence.sel $0x180000  }
0x389: {  	[bflag:$0x0] =	sbarrier.arrive $0xFFFF  }
0x38a: {  	_ =	strace $0x90000047  }
0x38b: {  	s0 =	stileid.u32;
	[bflag:$0x2] =	sbarrier.arrive $0xFFFF  }
0x38c: {  	p0 =	sne.s32 s0, $0x0;
	s0 =	rddreg [dreg:$0x5]  }
0x38d: {  	s0 =	sadd.s32 @!p0 $0x100000, s0  }
0x38e: {  	[sflag:s0] =	ssyncadd.tile.s32 @!p0 $0x1;
	_ =	shalt  }
.Lfunc_end2:
_tile_overlayer_lowered:
.L_overlay_start_2:
0x38f: {  	(tag) =	ssettag $0x2  }
0x390: {  	s0 =	rddreg [dreg:$0x0];
	s2 =	stileid.u32  }
0x391: {  	s1 =	rddreg [dreg:$0x1];
	p0 =	sne.s32 s2, $0x0  }
0x392: {  	s3 =	rddreg [dreg:$0x2];
	[bflag:$0x3] =	sbarrier.arrive $0xFFFF;
	s2 =	simm.s32 @!p0 $0x1C03  }
0x393: {  	[timem:s3], [sflag:s2] =	dma.local @!p0 [hbm:s0], s1  }
0x394: {  	s0 =	simm.s32 @!p0 $0x3  }
0x395: {  	_ =	swait.ge @!p0 [sflag:s0], s1  }
0x396: {  	s1 =	ssub.s32 @!p0 $0x0, s1;
	[sflag:s0] =	ssyncset.done @!p0 $0x0  }
0x397: {  	[sflag:s0] =	ssyncadd.s32 @!p0 s1  }
0x398: {  	[bflag:$0x3] =	sbarrier.arrive $0xFFFF  }
0x399: {  	_ =	shalt  }

</sc_bundles>
